<compile_context>
chip_gen: v7x
topology: tpu7x:2x2x1
jax: 0.10.2.dev20260603
libtpu: 0.0.44.dev20260713+nightly
codegen_flags: <defaults>
</compile_context>

<pallas_src>
import functools

import jax
import jax.numpy as jnp
from jax import lax
from jax.experimental import pallas as pl
from jax.experimental.pallas import tpu as pltpu
from jax.experimental.pallas import tpu_sc as plsc

N = 10000
D = 128
E = 320000

NC, NS = 2, 16
HALF = 5120
HALF_PAD = HALF + 8
TRASH = HALF
EPT = E // NS
K = 96
CMAX = 210
NBUF = 3
LEAD = 2
SEG = 2
EPS = EPT // SEG
ZR = HALF // NS
PKCAP = EPT + K
SHIFT = 13
MASK = (1 << SHIFT) - 1

_SC_PARAMS = pltpu.CompilerParams(needs_layout_passes=False)


def _make_agg(with_counts):
  mesh = plsc.VectorSubcoreMesh(core_axis_name="c", subcore_axis_name="s")

  out_type = [jax.ShapeDtypeStruct((NC, HALF, D), jnp.float32)]
  scratch = [
      pltpu.VMEM((EPS,), jnp.int32),
      pltpu.VMEM((EPS,), jnp.int32),
      pltpu.VMEM((PKCAP,), jnp.int32),
      pltpu.VMEM((NBUF, K), jnp.int32),
      pltpu.VMEM((NBUF, K), jnp.int32),
      pltpu.VMEM((NBUF, K, D), jnp.float32),
      pltpu.VMEM_SHARED((HALF_PAD, D), jnp.float32),
      pltpu.SemaphoreType.DMA,
      pltpu.SemaphoreType.DMA,
  ]
  if with_counts:
    out_type.append(jax.ShapeDtypeStruct((NC, 1, HALF), jnp.float32))
    scratch += [
        pltpu.VMEM((K,), jnp.float32),
        pltpu.VMEM_SHARED((HALF_PAD,), jnp.float32),
    ]

  def body(args):
    if with_counts:
      (table, src_h, dst_h, zeros, zeros1, out, out_cnt,
       sflat, dflat, packed, sidx, didx, rows, acc, gsem, ssem,
       ones_v, cnt1) = args
    else:
      (table, src_h, dst_h, zeros, out,
       sflat, dflat, packed, sidx, didx, rows, acc, gsem, ssem) = args
    cid = lax.axis_index("c")
    sid = lax.axis_index("s")

    pltpu.sync_copy(zeros, acc.at[pl.ds(sid * ZR, ZR)])
    if with_counts:
      @pl.when(sid == 0)
      def _():
        pltpu.sync_copy(zeros1, cnt1.at[pl.ds(0, HALF)])
      ov = jnp.ones((16,), jnp.float32)
      for r in range(K // 16):
        ones_v[pl.ds(r * 16, 16)] = ov

    lo = cid * HALF

    def compact(i, off):
      s16 = sflat[pl.ds(i * 16, 16)]
      d16 = dflat[pl.ds(i * 16, 16)]
      vl = d16 - lo
      m = jnp.logical_and(vl >= 0, vl < HALF)
      pk = jnp.bitwise_or(lax.shift_left(s16, SHIFT),
                          jnp.bitwise_and(vl, MASK))
      plsc.store_compressed(packed.at[pl.ds(off, 16)], pk, mask=m)
      return off + plsc.all_reduce_population_count(m)[0]

    count = jnp.int32(0)
    for seg in range(SEG):
      pltpu.sync_copy(src_h.at[sid, seg, 0], sflat)
      pltpu.sync_copy(dst_h.at[sid, seg, 0], dflat)
      count = pl.loop(0, EPS // 16, init_carry=count, unroll=4)(compact)
    dummy = jnp.full((16,), TRASH, jnp.int32)
    for j in range(K // 16):
      packed[pl.ds(count + j * 16, 16)] = dummy
    nch = (count + (K - 1)) // K

    plsc.subcore_barrier()

    def unpack(c, b):
      base = c * K
      for j in range(K // 16):
        p = packed[pl.ds(base + j * 16, 16)]
        sidx[b, pl.ds(j * 16, 16)] = lax.shift_right_logical(p, SHIFT)
        didx[b, pl.ds(j * 16, 16)] = jnp.bitwise_and(p, MASK)

    def wait_gather(b):
      pltpu.make_async_copy(table.at[sidx.at[b]], rows.at[b], gsem).wait()

    def wait_scatter(b):
      pltpu.make_async_copy(rows.at[b], acc.at[didx.at[b]], ssem).wait()

    for b in range(LEAD):
      @pl.when(b < nch)
      def _():
        unpack(b, b)
        pltpu.async_copy(table.at[sidx.at[b]], rows.at[b], gsem)

    @pl.loop(0, CMAX, step=NBUF)
    def _main(c0):
      for b in range(NBUF):
        c = c0 + b

        @pl.when(c < nch)
        def _():
          wait_gather(b)
          pltpu.async_copy(rows.at[b], acc.at[didx.at[b]], ssem, add=True)
          if with_counts:
            pltpu.sync_copy(ones_v, cnt1.at[didx.at[b]], add=True)

        bf = (b + LEAD) % NBUF

        @pl.when(c + LEAD < nch)
        def _():
          @pl.when(c + LEAD >= NBUF)
          def _():
            wait_scatter(bf)
          unpack(c + LEAD, bf)
          pltpu.async_copy(table.at[sidx.at[bf]], rows.at[bf], gsem)

    for b in range(NBUF):
      cond = jnp.bool_(False)
      for t in range(1, NBUF + 1):
        cond = jnp.logical_or(
            cond, jnp.logical_and(nch >= t, (nch - t) % NBUF == b))

      @pl.when(cond)
      def _():
        wait_scatter(b)

    plsc.subcore_barrier()
    pltpu.sync_copy(acc.at[pl.ds(sid * ZR, ZR)],
                    out.at[cid, pl.ds(sid * ZR, ZR)])
    if with_counts:
      @pl.when(sid == 0)
      def _():
        pltpu.sync_copy(cnt1.at[pl.ds(0, HALF)], out_cnt.at[cid, 0])

  if with_counts:
    def agg(table, src_h, dst_h, zeros, zeros1, out, out_cnt, *scr):
      body((table, src_h, dst_h, zeros, zeros1, out, out_cnt) + scr)
  else:
    def agg(table, src_h, dst_h, zeros, out, *scr):
      body((table, src_h, dst_h, zeros, out) + scr)
    out_type = out_type[0]

  return pl.kernel(agg, out_type=out_type, mesh=mesh, scratch_types=scratch,
                   compiler_params=_SC_PARAMS)


_agg_cnt = _make_agg(True)
_agg = _make_agg(False)

R = 1000
GRID = N // R


def _dense1_body(acc, cnt, x, wl, wr, b, h_out, inv_out):
  inv = 1.0 / jnp.maximum(cnt[...], 1.0)
  agg = acc[...] * inv
  dn = (((1,), (1,)), ((), ()))
  y = (lax.dot_general(agg, wl[...], dn, preferred_element_type=jnp.float32)
       + lax.dot_general(x[...], wr[...], dn, preferred_element_type=jnp.float32)
       + b[...])
  h_out[...] = jnp.maximum(y, 0.0)
  inv_out[...] = jnp.broadcast_to(inv, (R, 8))


def _dense2_body(acc, h, inv8, wl, wr, b, out):
  agg = acc[...] * inv8[:, :1]
  dn = (((1,), (1,)), ((), ()))
  out[...] = (lax.dot_general(agg, wl[...], dn, preferred_element_type=jnp.float32)
              + lax.dot_general(h[...], wr[...], dn, preferred_element_type=jnp.float32)
              + b[...])


_dense1 = pl.pallas_call(
    _dense1_body,
    grid=(GRID,),
    in_specs=[
        pl.BlockSpec((R, D), lambda i: (i, 0)),
        pl.BlockSpec((R, 1), lambda i: (i, 0)),
        pl.BlockSpec((R, D), lambda i: (i, 0)),
        pl.BlockSpec((D, D), lambda i: (0, 0)),
        pl.BlockSpec((D, D), lambda i: (0, 0)),
        pl.BlockSpec((1, D), lambda i: (0, 0)),
    ],
    out_specs=[
        pl.BlockSpec((R, D), lambda i: (i, 0)),
        pl.BlockSpec((R, 8), lambda i: (i, 0)),
    ],
    out_shape=[
        jax.ShapeDtypeStruct((N, D), jnp.float32),
        jax.ShapeDtypeStruct((N, 8), jnp.float32),
    ],
)

_dense2 = pl.pallas_call(
    _dense2_body,
    grid=(GRID,),
    in_specs=[
        pl.BlockSpec((R, D), lambda i: (i, 0)),
        pl.BlockSpec((R, D), lambda i: (i, 0)),
        pl.BlockSpec((R, 8), lambda i: (i, 0)),
        pl.BlockSpec((D, D), lambda i: (0, 0)),
        pl.BlockSpec((D, D), lambda i: (0, 0)),
        pl.BlockSpec((1, D), lambda i: (0, 0)),
    ],
    out_specs=pl.BlockSpec((R, D), lambda i: (i, 0)),
    out_shape=jax.ShapeDtypeStruct((N, D), jnp.float32),
)


def kernel(x, edge_index, W1l, b1l, W1r, b1r, W2l, b2l, W2r, b2r):
  src_h = edge_index[0].astype(jnp.int32).reshape(NS, SEG, 1, EPS)
  dst_h = edge_index[1].astype(jnp.int32).reshape(NS, SEG, 1, EPS)
  zeros = jnp.zeros((ZR, D), jnp.float32)
  zeros1 = jnp.zeros((HALF,), jnp.float32)

  accp1, cntp = _agg_cnt(x, src_h, dst_h, zeros, zeros1)
  acc1 = accp1.reshape(NC * HALF, D)
  cnt = cntp.reshape(NC * HALF, 1)
  h, inv8 = _dense1(acc1, cnt, x, W1l, W1r, (b1l + b1r)[None, :])
  accp2 = _agg(h, src_h, dst_h, zeros)
  acc2 = accp2.reshape(NC * HALF, D)
  out = _dense2(acc2, h, inv8, W2l, W2r, (b2l + b2r)[None, :])
  return out

# --- scband reference (transcript-rebuilt; emitter-appended) ---
"""Pipeline reference for scband-bi-gnn-73400991088662 (READ-ONLY COPY).

The authoritative reference and input builder live on the scoring server;
editing this copy changes nothing except your own understanding.
"""

import jax, jax.numpy as jnp
import numpy as np

N = 10000
E = 320000
D = 128


def setup_inputs(seed: int = 0) -> dict:
    key = jax.random.key(seed)
    ks = jax.random.split(key, 12)
    x = jax.random.normal(ks[0], (N, D), dtype=jnp.float32)
    edge_index = jax.random.randint(ks[1], (2, E), 0, N)
    s = 1.0 / np.sqrt(D)
    W1l = jax.random.uniform(ks[2], (D, D), jnp.float32, -s, s)
    b1l = jax.random.uniform(ks[3], (D,), jnp.float32, -s, s)
    W1r = jax.random.uniform(ks[4], (D, D), jnp.float32, -s, s)
    b1r = jax.random.uniform(ks[5], (D,), jnp.float32, -s, s)
    W2l = jax.random.uniform(ks[6], (D, D), jnp.float32, -s, s)
    b2l = jax.random.uniform(ks[7], (D,), jnp.float32, -s, s)
    W2r = jax.random.uniform(ks[8], (D, D), jnp.float32, -s, s)
    b2r = jax.random.uniform(ks[9], (D,), jnp.float32, -s, s)
    return {"x": x, "edge_index": edge_index,
            "W1l": W1l, "b1l": b1l, "W1r": W1r, "b1r": b1r,
            "W2l": W2l, "b2l": b2l, "W2r": W2r, "b2r": b2r}


def _sage_conv(x, edge_index, Wl, bl, Wr, br):
    # PyG SAGEConv: mean-aggregate neighbor (source) features at destination,
    # then out = lin_l(aggr) + lin_r(x_dst)
    src = edge_index[0]
    dst = edge_index[1]
    msgs = jnp.take(x, src, axis=0)                      # gather  [E, D]
    agg = jax.ops.segment_sum(msgs, dst, num_segments=N) # scatter-add
    cnt = jax.ops.segment_sum(jnp.ones((edge_index.shape[1],), x.dtype), dst, num_segments=N)
    agg = agg / jnp.maximum(cnt, 1.0)[:, None]           # mean aggregation
    return agg @ Wl.T + bl + x @ Wr.T + br


def reference(x, edge_index, W1l, b1l, W1r, b1r, W2l, b2l, W2r, b2r):
    h = jax.nn.relu(_sage_conv(x, edge_index, W1l, b1l, W1r, b1r))
    out = _sage_conv(h, edge_index, W2l, b2l, W2r, b2r)
    return out

if __name__ == "__main__":
    import jax
    _d = setup_inputs()
    print(jax.jit(kernel)(*tuple(_d.values())))

</pallas_src>

<mosaic_0001>
#map = affine_map<(d0, d1) -> (0, 0)>
#map1 = affine_map<(d0, d1) -> (0, 0, 0, 0)>
#map2 = affine_map<(d0, d1) -> (0)>
#map3 = affine_map<(d0, d1) -> (0, 0, 0)>
module attributes {stable_mosaic.version = 14 : i64} {
  func.func @agg(%arg0: i32, %arg1: i32, %arg2: memref<10000x128xf32, #tpu.memory_space<hbm>>, %arg3: memref<16x2x1x10000xi32, #tpu.memory_space<hbm>>, %arg4: memref<16x2x1x10000xi32, #tpu.memory_space<hbm>>, %arg5: memref<320x128xf32, #tpu.memory_space<hbm>>, %arg6: memref<5120xf32, #tpu.memory_space<hbm>>, %arg7: memref<2x5120x128xf32, #tpu.memory_space<hbm>>, %arg8: memref<2x1x5120xf32, #tpu.memory_space<hbm>>, %arg9: memref<10000xi32, #tpu.memory_space<vmem>>, %arg10: memref<10000xi32, #tpu.memory_space<vmem>>, %arg11: memref<20096xi32, #tpu.memory_space<vmem>>, %arg12: memref<3x96xi32, #tpu.memory_space<vmem>>, %arg13: memref<3x96xi32, #tpu.memory_space<vmem>>, %arg14: memref<3x96x128xf32, #tpu.memory_space<vmem>>, %arg15: memref<5128x128xf32, #tpu.memory_space<vmem_shared>>, %arg16: memref<!tpu.dma_semaphore, #tpu.memory_space<semaphore_mem>>, %arg17: memref<!tpu.dma_semaphore, #tpu.memory_space<semaphore_mem>>, %arg18: memref<96xf32, #tpu.memory_space<vmem>>, %arg19: memref<5128xf32, #tpu.memory_space<vmem_shared>>) attributes {dimension_semantics = [#tpu.dimension_semantics<core_parallel>, #tpu.dimension_semantics<subcore_parallel>], iteration_bounds = array<i64: 2, 16>, scalar_prefetch = 0 : i64, scratch_operands = 11 : i64, tpu.core_type = #tpu.core_type<sc_vector_subcore>, window_params = [{transform_indices = #map}, {transform_indices = #map1}, {transform_indices = #map1}, {transform_indices = #map}, {transform_indices = #map2}, {transform_indices = #map3}, {transform_indices = #map3}]} {
    %mul3A = arith.constant 320 : i32
    %mul3A_0 = arith.muli %arg1, %mul3A : i32
    "tpu.region"() ({
      %run_scoped3A_395 = tpu.sem_alloc : memref<!tpu.dma_semaphore, #tpu.memory_space<semaphore_mem>>
      %dma_start3A = arith.constant 0 : i32
      %dma_start3A_396 = tpu.memref_slice %arg15[%mul3A_0, %dma_start3A] : memref<5128x128xf32, #tpu.memory_space<vmem_shared>> -> memref<320x128xf32, #tpu.memory_space<vmem_shared>>
      tpu.enqueue_dma source(%arg5 : memref<320x128xf32, #tpu.memory_space<hbm>>) target(%dma_start3A_396 : memref<320x128xf32, #tpu.memory_space<vmem_shared>>) target_semaphore(%run_scoped3A_395 : memref<!tpu.dma_semaphore, #tpu.memory_space<semaphore_mem>>)
      %dma_wait3A = arith.constant 0 : i32
      %dma_wait3A_397 = tpu.memref_slice %arg15[%mul3A_0, %dma_wait3A] : memref<5128x128xf32, #tpu.memory_space<vmem_shared>> -> memref<320x128xf32, #tpu.memory_space<vmem_shared>>
      tpu.wait_dma2 semaphore(%run_scoped3A_395 : memref<!tpu.dma_semaphore, #tpu.memory_space<semaphore_mem>>) src(%arg5 : memref<320x128xf32, #tpu.memory_space<hbm>>) dst(%dma_wait3A_397 : memref<320x128xf32, #tpu.memory_space<vmem_shared>>)
      tpu.yield
    }) : () -> ()
    %eq3A = arith.constant 0 : i32
    %eq3A_1 = arith.cmpi eq, %arg1, %eq3A : i32
    %convert_element_type3A = arith.extui %eq3A_1 : i1 to i32
    %cond3A = arith.constant 0 : i32
    %cond3A_2 = arith.cmpi ne, %convert_element_type3A, %cond3A : i32
    scf.if %cond3A_2 {
      "tpu.region"() ({
        %run_scoped3A_395 = tpu.sem_alloc : memref<!tpu.dma_semaphore, #tpu.memory_space<semaphore_mem>>
        %dma_start3A = arith.constant 0 : i32
        %dma_start3A_396 = tpu.memref_slice %arg19[%dma_start3A] : memref<5128xf32, #tpu.memory_space<vmem_shared>> -> memref<5120xf32, #tpu.memory_space<vmem_shared>>
        tpu.enqueue_dma source(%arg6 : memref<5120xf32, #tpu.memory_space<hbm>>) target(%dma_start3A_396 : memref<5120xf32, #tpu.memory_space<vmem_shared>>) target_semaphore(%run_scoped3A_395 : memref<!tpu.dma_semaphore, #tpu.memory_space<semaphore_mem>>)
        %dma_wait3A = arith.constant 0 : i32
        %dma_wait3A_397 = tpu.memref_slice %arg19[%dma_wait3A] : memref<5128xf32, #tpu.memory_space<vmem_shared>> -> memref<5120xf32, #tpu.memory_space<vmem_shared>>
        tpu.wait_dma2 semaphore(%run_scoped3A_395 : memref<!tpu.dma_semaphore, #tpu.memory_space<semaphore_mem>>) src(%arg6 : memref<5120xf32, #tpu.memory_space<hbm>>) dst(%dma_wait3A_397 : memref<5120xf32, #tpu.memory_space<vmem_shared>>)
        tpu.yield
      }) : () -> ()
    } else {
    }
    %broadcast_in_dim3A = arith.constant 1.000000e+00 : f32
    %broadcast_in_dim3A_3 = vector.broadcast %broadcast_in_dim3A : f32 to vector<16xf32>
    %swap3A = arith.constant 0 : index
    %swap3A_4 = tpu.vector_load %arg18[%swap3A] {strides = array<i32>} : memref<96xf32, #tpu.memory_space<vmem>>, vector<16xf32>,
    tpu.vector_store %arg18[%swap3A], %broadcast_in_dim3A_3 {strides = array<i32>} : memref<96xf32, #tpu.memory_space<vmem>>, vector<16xf32>,
    %swap3A_5 = arith.constant 16 : index
    %swap3A_6 = tpu.vector_load %arg18[%swap3A_5] {strides = array<i32>} : memref<96xf32, #tpu.memory_space<vmem>>, vector<16xf32>,
    tpu.vector_store %arg18[%swap3A_5], %broadcast_in_dim3A_3 {strides = array<i32>} : memref<96xf32, #tpu.memory_space<vmem>>, vector<16xf32>,
    %swap3A_7 = arith.constant 32 : index
    %swap3A_8 = tpu.vector_load %arg18[%swap3A_7] {strides = array<i32>} : memref<96xf32, #tpu.memory_space<vmem>>, vector<16xf32>,
    tpu.vector_store %arg18[%swap3A_7], %broadcast_in_dim3A_3 {strides = array<i32>} : memref<96xf32, #tpu.memory_space<vmem>>, vector<16xf32>,
    %swap3A_9 = arith.constant 48 : index
    %swap3A_10 = tpu.vector_load %arg18[%swap3A_9] {strides = array<i32>} : memref<96xf32, #tpu.memory_space<vmem>>, vector<16xf32>,
    tpu.vector_store %arg18[%swap3A_9], %broadcast_in_dim3A_3 {strides = array<i32>} : memref<96xf32, #tpu.memory_space<vmem>>, vector<16xf32>,
    %swap3A_11 = arith.constant 64 : index
    %swap3A_12 = tpu.vector_load %arg18[%swap3A_11] {strides = array<i32>} : memref<96xf32, #tpu.memory_space<vmem>>, vector<16xf32>,
    tpu.vector_store %arg18[%swap3A_11], %broadcast_in_dim3A_3 {strides = array<i32>} : memref<96xf32, #tpu.memory_space<vmem>>, vector<16xf32>,
    %swap3A_13 = arith.constant 80 : index
    %swap3A_14 = tpu.vector_load %arg18[%swap3A_13] {strides = array<i32>} : memref<96xf32, #tpu.memory_space<vmem>>, vector<16xf32>,
    tpu.vector_store %arg18[%swap3A_13], %broadcast_in_dim3A_3 {strides = array<i32>} : memref<96xf32, #tpu.memory_space<vmem>>, vector<16xf32>,
    %mul3A_15 = arith.constant 5120 : i32
    %mul3A_16 = arith.muli %arg0, %mul3A_15 : i32
    %run_scoped3A = arith.constant 0 : i32
    %run_scoped3A_17 = arith.constant 0 : i32
    "tpu.region"() ({
      %run_scoped3A_395 = tpu.sem_alloc : memref<!tpu.dma_semaphore, #tpu.memory_space<semaphore_mem>>
      %dma_start3A = arith.constant 0 : i32
      %dma_start3A_396 = tpu.memref_slice %arg3[%arg1, %run_scoped3A, %run_scoped3A_17, %dma_start3A] : memref<16x2x1x10000xi32, #tpu.memory_space<hbm>> -> memref<1x1x1x10000xi32, #tpu.memory_space<hbm>>
      %dma_start3A_397 = tpu.memref_squeeze %dma_start3A_396 : memref<1x1x1x10000xi32, #tpu.memory_space<hbm>> -> memref<10000xi32, #tpu.memory_space<hbm>>
      %dma_start3A_398 = arith.constant 0 : i32
      %dma_start3A_399 = tpu.memref_slice %arg3[%arg1, %run_scoped3A, %run_scoped3A_17, %dma_start3A_398] : memref<16x2x1x10000xi32, #tpu.memory_space<hbm>> -> memref<1x1x1x10000xi32, #tpu.memory_space<hbm>>
      %dma_start3A_400 = tpu.memref_squeeze %dma_start3A_399 : memref<1x1x1x10000xi32, #tpu.memory_space<hbm>> -> memref<10000xi32, #tpu.memory_space<hbm>>
      tpu.enqueue_dma source(%dma_start3A_400 : memref<10000xi32, #tpu.memory_space<hbm>>) target(%arg9 : memref<10000xi32, #tpu.memory_space<vmem>>) target_semaphore(%run_scoped3A_395 : memref<!tpu.dma_semaphore, #tpu.memory_space<semaphore_mem>>)
      %dma_wait3A = arith.constant 0 : i32
      %dma_wait3A_401 = tpu.memref_slice %arg3[%arg1, %run_scoped3A, %run_scoped3A_17, %dma_wait3A] : memref<16x2x1x10000xi32, #tpu.memory_space<hbm>> -> memref<1x1x1x10000xi32, #tpu.memory_space<hbm>>
      %dma_wait3A_402 = tpu.memref_squeeze %dma_wait3A_401 : memref<1x1x1x10000xi32, #tpu.memory_space<hbm>> -> memref<10000xi32, #tpu.memory_space<hbm>>
      %dma_wait3A_403 = arith.constant 0 : i32
      %dma_wait3A_404 = tpu.memref_slice %arg3[%arg1, %run_scoped3A, %run_scoped3A_17, %dma_wait3A_403] : memref<16x2x1x10000xi32, #tpu.memory_space<hbm>> -> memref<1x1x1x10000xi32, #tpu.memory_space<hbm>>
      %dma_wait3A_405 = tpu.memref_squeeze %dma_wait3A_404 : memref<1x1x1x10000xi32, #tpu.memory_space<hbm>> -> memref<10000xi32, #tpu.memory_space<hbm>>
      tpu.wait_dma2 semaphore(%run_scoped3A_395 : memref<!tpu.dma_semaphore, #tpu.memory_space<semaphore_mem>>) src(%dma_wait3A_405 : memref<10000xi32, #tpu.memory_space<hbm>>) dst(%arg9 : memref<10000xi32, #tpu.memory_space<vmem>>)
      tpu.yield
    }) : () -> ()
    %run_scoped3A_18 = arith.constant 0 : i32
    %run_scoped3A_19 = arith.constant 0 : i32
    "tpu.region"() ({
      %run_scoped3A_395 = tpu.sem_alloc : memref<!tpu.dma_semaphore, #tpu.memory_space<semaphore_mem>>
      %dma_start3A = arith.constant 0 : i32
      %dma_start3A_396 = tpu.memref_slice %arg4[%arg1, %run_scoped3A_18, %run_scoped3A_19, %dma_start3A] : memref<16x2x1x10000xi32, #tpu.memory_space<hbm>> -> memref<1x1x1x10000xi32, #tpu.memory_space<hbm>>
      %dma_start3A_397 = tpu.memref_squeeze %dma_start3A_396 : memref<1x1x1x10000xi32, #tpu.memory_space<hbm>> -> memref<10000xi32, #tpu.memory_space<hbm>>
      %dma_start3A_398 = arith.constant 0 : i32
      %dma_start3A_399 = tpu.memref_slice %arg4[%arg1, %run_scoped3A_18, %run_scoped3A_19, %dma_start3A_398] : memref<16x2x1x10000xi32, #tpu.memory_space<hbm>> -> memref<1x1x1x10000xi32, #tpu.memory_space<hbm>>
      %dma_start3A_400 = tpu.memref_squeeze %dma_start3A_399 : memref<1x1x1x10000xi32, #tpu.memory_space<hbm>> -> memref<10000xi32, #tpu.memory_space<hbm>>
      tpu.enqueue_dma source(%dma_start3A_400 : memref<10000xi32, #tpu.memory_space<hbm>>) target(%arg10 : memref<10000xi32, #tpu.memory_space<vmem>>) target_semaphore(%run_scoped3A_395 : memref<!tpu.dma_semaphore, #tpu.memory_space<semaphore_mem>>)
      %dma_wait3A = arith.constant 0 : i32
      %dma_wait3A_401 = tpu.memref_slice %arg4[%arg1, %run_scoped3A_18, %run_scoped3A_19, %dma_wait3A] : memref<16x2x1x10000xi32, #tpu.memory_space<hbm>> -> memref<1x1x1x10000xi32, #tpu.memory_space<hbm>>
      %dma_wait3A_402 = tpu.memref_squeeze %dma_wait3A_401 : memref<1x1x1x10000xi32, #tpu.memory_space<hbm>> -> memref<10000xi32, #tpu.memory_space<hbm>>
      %dma_wait3A_403 = arith.constant 0 : i32
      %dma_wait3A_404 = tpu.memref_slice %arg4[%arg1, %run_scoped3A_18, %run_scoped3A_19, %dma_wait3A_403] : memref<16x2x1x10000xi32, #tpu.memory_space<hbm>> -> memref<1x1x1x10000xi32, #tpu.memory_space<hbm>>
      %dma_wait3A_405 = tpu.memref_squeeze %dma_wait3A_404 : memref<1x1x1x10000xi32, #tpu.memory_space<hbm>> -> memref<10000xi32, #tpu.memory_space<hbm>>
      tpu.wait_dma2 semaphore(%run_scoped3A_395 : memref<!tpu.dma_semaphore, #tpu.memory_space<semaphore_mem>>) src(%dma_wait3A_405 : memref<10000xi32, #tpu.memory_space<hbm>>) dst(%arg10 : memref<10000xi32, #tpu.memory_space<vmem>>)
      tpu.yield
    }) : () -> ()
    %scan3A = arith.constant 0 : i32
    %scan3A_20 = arith.constant 0 : i32
    %scan3A_21 = arith.constant 624 : i32
    %scan3A_22 = arith.addi %scan3A_20, %scan3A_21 : i32
    %scan3A_23 = arith.constant 4 : i32
    %scan3A_24 = scf.for %scan3A_395 = %scan3A_20 to %scan3A_22 step %scan3A_23 iter_args(%scan3A_396 = %scan3A) -> (i32)  : i32 {
      %mul3A_397 = arith.constant 1 : i32
      %mul3A_398 = arith.muli %scan3A_395, %mul3A_397 : i32
      %add3A_399 = arith.constant 0 : i32
      %add3A_400 = arith.addi %add3A_399, %mul3A_398 : i32
      %mul3A_401 = arith.constant 16 : i32
      %mul3A_402 = arith.muli %add3A_400, %mul3A_401 : i32
      %get3A_403 = arith.index_cast %mul3A_402 : i32 to index
      %get3A_404 = tpu.vector_load %arg9[%get3A_403] {strides = array<i32>} : memref<10000xi32, #tpu.memory_space<vmem>>, vector<16xi32>,
      %mul3A_405 = arith.constant 16 : i32
      %mul3A_406 = arith.muli %add3A_400, %mul3A_405 : i32
      %get3A_407 = arith.index_cast %mul3A_406 : i32 to index
      %get3A_408 = tpu.vector_load %arg10[%get3A_407] {strides = array<i32>} : memref<10000xi32, #tpu.memory_space<vmem>>, vector<16xi32>,
      %sub3A_409 = vector.broadcast %mul3A_16 : i32 to vector<16xi32>
      %sub3A_410 = arith.subi %get3A_408, %sub3A_409 : vector<16xi32>
      %ge3A_411 = arith.constant 0 : i32
      %ge3A_412 = vector.broadcast %ge3A_411 : i32 to vector<16xi32>
      %ge3A_413 = arith.cmpi sge, %sub3A_410, %ge3A_412 : vector<16xi32>
      %lt3A_414 = arith.constant 5120 : i32
      %lt3A_415 = vector.broadcast %lt3A_414 : i32 to vector<16xi32>
      %lt3A_416 = arith.cmpi slt, %sub3A_410, %lt3A_415 : vector<16xi32>
      %and3A_417 = arith.andi %ge3A_413, %lt3A_416 : vector<16xi1>
      %shift_left3A_418 = arith.constant 13 : i32
      %shift_left3A_419 = vector.broadcast %shift_left3A_418 : i32 to vector<16xi32>
      %shift_left3A_420 = arith.shli %get3A_404, %shift_left3A_419 : vector<16xi32>
      %and3A_421 = arith.constant 8191 : i32
      %and3A_422 = vector.broadcast %and3A_421 : i32 to vector<16xi32>
      %and3A_423 = arith.andi %sub3A_410, %and3A_422 : vector<16xi32>
      %or3A_424 = arith.ori %shift_left3A_420, %and3A_423 : vector<16xi32>
      %swap3A_425 = arith.index_cast %scan3A_396 : i32 to index
      %swap3A_426 = tpu.vector_load %arg11[%swap3A_425] masked %and3A_417 {strides = array<i32>} : memref<20096xi32, #tpu.memory_space<vmem>>, vector<16xi32>, vector<16xi1>
      tpu.vector_store %arg11[%swap3A_425], %or3A_424 masked %and3A_417 {strides = array<i32>} : memref<20096xi32, #tpu.memory_space<vmem>>, vector<16xi32>, vector<16xi1>
      %all_reduce_population_count3A_427 = tpu.all_reduce %and3A_417 {dim = 0 : i64, kind = #tpu.reduction_kind<sum>} : vector<16xi1> -> vector<16xi32>
      %slice3A_428 = vector.extract_strided_slice %all_reduce_population_count3A_427 {offsets = [0], sizes = [1], strides = [1]} : vector<16xi32> to vector<1xi32>
      %squeeze3A_429 = vector.extract %slice3A_428[0] : i32 from vector<1xi32>
      %add3A_430 = arith.addi %scan3A_396, %squeeze3A_429 : i32
      %scan3A_431 = arith.constant 1 : i32
      %scan3A_432 = arith.addi %scan3A_395, %scan3A_431 : i32
      %mul3A_433 = arith.constant 1 : i32
      %mul3A_434 = arith.muli %scan3A_432, %mul3A_433 : i32
      %add3A_435 = arith.constant 0 : i32
      %add3A_436 = arith.addi %add3A_435, %mul3A_434 : i32
      %mul3A_437 = arith.constant 16 : i32
      %mul3A_438 = arith.muli %add3A_436, %mul3A_437 : i32
      %get3A_439 = arith.index_cast %mul3A_438 : i32 to index
      %get3A_440 = tpu.vector_load %arg9[%get3A_439] {strides = array<i32>} : memref<10000xi32, #tpu.memory_space<vmem>>, vector<16xi32>,
      %mul3A_441 = arith.constant 16 : i32
      %mul3A_442 = arith.muli %add3A_436, %mul3A_441 : i32
      %get3A_443 = arith.index_cast %mul3A_442 : i32 to index
      %get3A_444 = tpu.vector_load %arg10[%get3A_443] {strides = array<i32>} : memref<10000xi32, #tpu.memory_space<vmem>>, vector<16xi32>,
      %sub3A_445 = vector.broadcast %mul3A_16 : i32 to vector<16xi32>
      %sub3A_446 = arith.subi %get3A_444, %sub3A_445 : vector<16xi32>
      %ge3A_447 = arith.constant 0 : i32
      %ge3A_448 = vector.broadcast %ge3A_447 : i32 to vector<16xi32>
      %ge3A_449 = arith.cmpi sge, %sub3A_446, %ge3A_448 : vector<16xi32>
      %lt3A_450 = arith.constant 5120 : i32
      %lt3A_451 = vector.broadcast %lt3A_450 : i32 to vector<16xi32>
      %lt3A_452 = arith.cmpi slt, %sub3A_446, %lt3A_451 : vector<16xi32>
      %and3A_453 = arith.andi %ge3A_449, %lt3A_452 : vector<16xi1>
      %shift_left3A_454 = arith.constant 13 : i32
      %shift_left3A_455 = vector.broadcast %shift_left3A_454 : i32 to vector<16xi32>
      %shift_left3A_456 = arith.shli %get3A_440, %shift_left3A_455 : vector<16xi32>
      %and3A_457 = arith.constant 8191 : i32
      %and3A_458 = vector.broadcast %and3A_457 : i32 to vector<16xi32>
      %and3A_459 = arith.andi %sub3A_446, %and3A_458 : vector<16xi32>
      %or3A_460 = arith.ori %shift_left3A_456, %and3A_459 : vector<16xi32>
      %swap3A_461 = arith.index_cast %add3A_430 : i32 to index
      %swap3A_462 = tpu.vector_load %arg11[%swap3A_461] masked %and3A_453 {strides = array<i32>} : memref<20096xi32, #tpu.memory_space<vmem>>, vector<16xi32>, vector<16xi1>
      tpu.vector_store %arg11[%swap3A_461], %or3A_460 masked %and3A_453 {strides = array<i32>} : memref<20096xi32, #tpu.memory_space<vmem>>, vector<16xi32>, vector<16xi1>
      %all_reduce_population_count3A_463 = tpu.all_reduce %and3A_453 {dim = 0 : i64, kind = #tpu.reduction_kind<sum>} : vector<16xi1> -> vector<16xi32>
      %slice3A_464 = vector.extract_strided_slice %all_reduce_population_count3A_463 {offsets = [0], sizes = [1], strides = [1]} : vector<16xi32> to vector<1xi32>
      %squeeze3A_465 = vector.extract %slice3A_464[0] : i32 from vector<1xi32>
      %add3A_466 = arith.addi %add3A_430, %squeeze3A_465 : i32
      %scan3A_467 = arith.constant 2 : i32
      %scan3A_468 = arith.addi %scan3A_395, %scan3A_467 : i32
      %mul3A_469 = arith.constant 1 : i32
      %mul3A_470 = arith.muli %scan3A_468, %mul3A_469 : i32
      %add3A_471 = arith.constant 0 : i32
      %add3A_472 = arith.addi %add3A_471, %mul3A_470 : i32
      %mul3A_473 = arith.constant 16 : i32
      %mul3A_474 = arith.muli %add3A_472, %mul3A_473 : i32
      %get3A_475 = arith.index_cast %mul3A_474 : i32 to index
      %get3A_476 = tpu.vector_load %arg9[%get3A_475] {strides = array<i32>} : memref<10000xi32, #tpu.memory_space<vmem>>, vector<16xi32>,
      %mul3A_477 = arith.constant 16 : i32
      %mul3A_478 = arith.muli %add3A_472, %mul3A_477 : i32
      %get3A_479 = arith.index_cast %mul3A_478 : i32 to index
      %get3A_480 = tpu.vector_load %arg10[%get3A_479] {strides = array<i32>} : memref<10000xi32, #tpu.memory_space<vmem>>, vector<16xi32>,
      %sub3A_481 = vector.broadcast %mul3A_16 : i32 to vector<16xi32>
      %sub3A_482 = arith.subi %get3A_480, %sub3A_481 : vector<16xi32>
      %ge3A_483 = arith.constant 0 : i32
      %ge3A_484 = vector.broadcast %ge3A_483 : i32 to vector<16xi32>
      %ge3A_485 = arith.cmpi sge, %sub3A_482, %ge3A_484 : vector<16xi32>
      %lt3A_486 = arith.constant 5120 : i32
      %lt3A_487 = vector.broadcast %lt3A_486 : i32 to vector<16xi32>
      %lt3A_488 = arith.cmpi slt, %sub3A_482, %lt3A_487 : vector<16xi32>
      %and3A_489 = arith.andi %ge3A_485, %lt3A_488 : vector<16xi1>
      %shift_left3A_490 = arith.constant 13 : i32
      %shift_left3A_491 = vector.broadcast %shift_left3A_490 : i32 to vector<16xi32>
      %shift_left3A_492 = arith.shli %get3A_476, %shift_left3A_491 : vector<16xi32>
      %and3A_493 = arith.constant 8191 : i32
      %and3A_494 = vector.broadcast %and3A_493 : i32 to vector<16xi32>
      %and3A_495 = arith.andi %sub3A_482, %and3A_494 : vector<16xi32>
      %or3A_496 = arith.ori %shift_left3A_492, %and3A_495 : vector<16xi32>
      %swap3A_497 = arith.index_cast %add3A_466 : i32 to index
      %swap3A_498 = tpu.vector_load %arg11[%swap3A_497] masked %and3A_489 {strides = array<i32>} : memref<20096xi32, #tpu.memory_space<vmem>>, vector<16xi32>, vector<16xi1>
      tpu.vector_store %arg11[%swap3A_497], %or3A_496 masked %and3A_489 {strides = array<i32>} : memref<20096xi32, #tpu.memory_space<vmem>>, vector<16xi32>, vector<16xi1>
      %all_reduce_population_count3A_499 = tpu.all_reduce %and3A_489 {dim = 0 : i64, kind = #tpu.reduction_kind<sum>} : vector<16xi1> -> vector<16xi32>
      %slice3A_500 = vector.extract_strided_slice %all_reduce_population_count3A_499 {offsets = [0], sizes = [1], strides = [1]} : vector<16xi32> to vector<1xi32>
      %squeeze3A_501 = vector.extract %slice3A_500[0] : i32 from vector<1xi32>
      %add3A_502 = arith.addi %add3A_466, %squeeze3A_501 : i32
      %scan3A_503 = arith.constant 3 : i32
      %scan3A_504 = arith.addi %scan3A_395, %scan3A_503 : i32
      %mul3A_505 = arith.constant 1 : i32
      %mul3A_506 = arith.muli %scan3A_504, %mul3A_505 : i32
      %add3A_507 = arith.constant 0 : i32
      %add3A_508 = arith.addi %add3A_507, %mul3A_506 : i32
      %mul3A_509 = arith.constant 16 : i32
      %mul3A_510 = arith.muli %add3A_508, %mul3A_509 : i32
      %get3A_511 = arith.index_cast %mul3A_510 : i32 to index
      %get3A_512 = tpu.vector_load %arg9[%get3A_511] {strides = array<i32>} : memref<10000xi32, #tpu.memory_space<vmem>>, vector<16xi32>,
      %mul3A_513 = arith.constant 16 : i32
      %mul3A_514 = arith.muli %add3A_508, %mul3A_513 : i32
      %get3A_515 = arith.index_cast %mul3A_514 : i32 to index
      %get3A_516 = tpu.vector_load %arg10[%get3A_515] {strides = array<i32>} : memref<10000xi32, #tpu.memory_space<vmem>>, vector<16xi32>,
      %sub3A_517 = vector.broadcast %mul3A_16 : i32 to vector<16xi32>
      %sub3A_518 = arith.subi %get3A_516, %sub3A_517 : vector<16xi32>
      %ge3A_519 = arith.constant 0 : i32
      %ge3A_520 = vector.broadcast %ge3A_519 : i32 to vector<16xi32>
      %ge3A_521 = arith.cmpi sge, %sub3A_518, %ge3A_520 : vector<16xi32>
      %lt3A_522 = arith.constant 5120 : i32
      %lt3A_523 = vector.broadcast %lt3A_522 : i32 to vector<16xi32>
      %lt3A_524 = arith.cmpi slt, %sub3A_518, %lt3A_523 : vector<16xi32>
      %and3A_525 = arith.andi %ge3A_521, %lt3A_524 : vector<16xi1>
      %shift_left3A_526 = arith.constant 13 : i32
      %shift_left3A_527 = vector.broadcast %shift_left3A_526 : i32 to vector<16xi32>
      %shift_left3A_528 = arith.shli %get3A_512, %shift_left3A_527 : vector<16xi32>
      %and3A_529 = arith.constant 8191 : i32
      %and3A_530 = vector.broadcast %and3A_529 : i32 to vector<16xi32>
      %and3A_531 = arith.andi %sub3A_518, %and3A_530 : vector<16xi32>
      %or3A_532 = arith.ori %shift_left3A_528, %and3A_531 : vector<16xi32>
      %swap3A_533 = arith.index_cast %add3A_502 : i32 to index
      %swap3A_534 = tpu.vector_load %arg11[%swap3A_533] masked %and3A_525 {strides = array<i32>} : memref<20096xi32, #tpu.memory_space<vmem>>, vector<16xi32>, vector<16xi1>
      tpu.vector_store %arg11[%swap3A_533], %or3A_532 masked %and3A_525 {strides = array<i32>} : memref<20096xi32, #tpu.memory_space<vmem>>, vector<16xi32>, vector<16xi1>
      %all_reduce_population_count3A_535 = tpu.all_reduce %and3A_525 {dim = 0 : i64, kind = #tpu.reduction_kind<sum>} : vector<16xi1> -> vector<16xi32>
      %slice3A_536 = vector.extract_strided_slice %all_reduce_population_count3A_535 {offsets = [0], sizes = [1], strides = [1]} : vector<16xi32> to vector<1xi32>
      %squeeze3A_537 = vector.extract %slice3A_536[0] : i32 from vector<1xi32>
      %add3A_538 = arith.addi %add3A_502, %squeeze3A_537 : i32
      scf.yield %add3A_538 : i32
    }
    %scan3A_25 = arith.constant 624 : i32
    %scan3A_26 = arith.addi %scan3A_20, %scan3A_25 : i32
    %mul3A_27 = arith.constant 1 : i32
    %mul3A_28 = arith.muli %scan3A_26, %mul3A_27 : i32
    %add3A = arith.constant 0 : i32
    %add3A_29 = arith.addi %add3A, %mul3A_28 : i32
    %mul3A_30 = arith.constant 16 : i32
    %mul3A_31 = arith.muli %add3A_29, %mul3A_30 : i32
    %get3A = arith.index_cast %mul3A_31 : i32 to index
    %get3A_32 = tpu.vector_load %arg9[%get3A] {strides = array<i32>} : memref<10000xi32, #tpu.memory_space<vmem>>, vector<16xi32>,
    %mul3A_33 = arith.constant 16 : i32
    %mul3A_34 = arith.muli %add3A_29, %mul3A_33 : i32
    %get3A_35 = arith.index_cast %mul3A_34 : i32 to index
    %get3A_36 = tpu.vector_load %arg10[%get3A_35] {strides = array<i32>} : memref<10000xi32, #tpu.memory_space<vmem>>, vector<16xi32>,
    %sub3A = vector.broadcast %mul3A_16 : i32 to vector<16xi32>
    %sub3A_37 = arith.subi %get3A_36, %sub3A : vector<16xi32>
    %ge3A = arith.constant 0 : i32
    %ge3A_38 = vector.broadcast %ge3A : i32 to vector<16xi32>
    %ge3A_39 = arith.cmpi sge, %sub3A_37, %ge3A_38 : vector<16xi32>
    %lt3A = arith.constant 5120 : i32
    %lt3A_40 = vector.broadcast %lt3A : i32 to vector<16xi32>
    %lt3A_41 = arith.cmpi slt, %sub3A_37, %lt3A_40 : vector<16xi32>
    %and3A = arith.andi %ge3A_39, %lt3A_41 : vector<16xi1>
    %shift_left3A = arith.constant 13 : i32
    %shift_left3A_42 = vector.broadcast %shift_left3A : i32 to vector<16xi32>
    %shift_left3A_43 = arith.shli %get3A_32, %shift_left3A_42 : vector<16xi32>
    %and3A_44 = arith.constant 8191 : i32
    %and3A_45 = vector.broadcast %and3A_44 : i32 to vector<16xi32>
    %and3A_46 = arith.andi %sub3A_37, %and3A_45 : vector<16xi32>
    %or3A = arith.ori %shift_left3A_43, %and3A_46 : vector<16xi32>
    %swap3A_47 = arith.index_cast %scan3A_24 : i32 to index
    %swap3A_48 = tpu.vector_load %arg11[%swap3A_47] masked %and3A {strides = array<i32>} : memref<20096xi32, #tpu.memory_space<vmem>>, vector<16xi32>, vector<16xi1>
    tpu.vector_store %arg11[%swap3A_47], %or3A masked %and3A {strides = array<i32>} : memref<20096xi32, #tpu.memory_space<vmem>>, vector<16xi32>, vector<16xi1>
    %all_reduce_population_count3A = tpu.all_reduce %and3A {dim = 0 : i64, kind = #tpu.reduction_kind<sum>} : vector<16xi1> -> vector<16xi32>
    %slice3A = vector.extract_strided_slice %all_reduce_population_count3A {offsets = [0], sizes = [1], strides = [1]} : vector<16xi32> to vector<1xi32>
    %squeeze3A = vector.extract %slice3A[0] : i32 from vector<1xi32>
    %add3A_49 = arith.addi %scan3A_24, %squeeze3A : i32
    %scan3A_50 = arith.constant 625 : i32
    %run_scoped3A_51 = arith.constant 1 : i32
    %run_scoped3A_52 = arith.constant 0 : i32
    "tpu.region"() ({
      %run_scoped3A_395 = tpu.sem_alloc : memref<!tpu.dma_semaphore, #tpu.memory_space<semaphore_mem>>
      %dma_start3A = arith.constant 0 : i32
      %dma_start3A_396 = tpu.memref_slice %arg3[%arg1, %run_scoped3A_51, %run_scoped3A_52, %dma_start3A] : memref<16x2x1x10000xi32, #tpu.memory_space<hbm>> -> memref<1x1x1x10000xi32, #tpu.memory_space<hbm>>
      %dma_start3A_397 = tpu.memref_squeeze %dma_start3A_396 : memref<1x1x1x10000xi32, #tpu.memory_space<hbm>> -> memref<10000xi32, #tpu.memory_space<hbm>>
      %dma_start3A_398 = arith.constant 0 : i32
      %dma_start3A_399 = tpu.memref_slice %arg3[%arg1, %run_scoped3A_51, %run_scoped3A_52, %dma_start3A_398] : memref<16x2x1x10000xi32, #tpu.memory_space<hbm>> -> memref<1x1x1x10000xi32, #tpu.memory_space<hbm>>
      %dma_start3A_400 = tpu.memref_squeeze %dma_start3A_399 : memref<1x1x1x10000xi32, #tpu.memory_space<hbm>> -> memref<10000xi32, #tpu.memory_space<hbm>>
      tpu.enqueue_dma source(%dma_start3A_400 : memref<10000xi32, #tpu.memory_space<hbm>>) target(%arg9 : memref<10000xi32, #tpu.memory_space<vmem>>) target_semaphore(%run_scoped3A_395 : memref<!tpu.dma_semaphore, #tpu.memory_space<semaphore_mem>>)
      %dma_wait3A = arith.constant 0 : i32
      %dma_wait3A_401 = tpu.memref_slice %arg3[%arg1, %run_scoped3A_51, %run_scoped3A_52, %dma_wait3A] : memref<16x2x1x10000xi32, #tpu.memory_space<hbm>> -> memref<1x1x1x10000xi32, #tpu.memory_space<hbm>>
      %dma_wait3A_402 = tpu.memref_squeeze %dma_wait3A_401 : memref<1x1x1x10000xi32, #tpu.memory_space<hbm>> -> memref<10000xi32, #tpu.memory_space<hbm>>
      %dma_wait3A_403 = arith.constant 0 : i32
      %dma_wait3A_404 = tpu.memref_slice %arg3[%arg1, %run_scoped3A_51, %run_scoped3A_52, %dma_wait3A_403] : memref<16x2x1x10000xi32, #tpu.memory_space<hbm>> -> memref<1x1x1x10000xi32, #tpu.memory_space<hbm>>
      %dma_wait3A_405 = tpu.memref_squeeze %dma_wait3A_404 : memref<1x1x1x10000xi32, #tpu.memory_space<hbm>> -> memref<10000xi32, #tpu.memory_space<hbm>>
      tpu.wait_dma2 semaphore(%run_scoped3A_395 : memref<!tpu.dma_semaphore, #tpu.memory_space<semaphore_mem>>) src(%dma_wait3A_405 : memref<10000xi32, #tpu.memory_space<hbm>>) dst(%arg9 : memref<10000xi32, #tpu.memory_space<vmem>>)
      tpu.yield
    }) : () -> ()
    %run_scoped3A_53 = arith.constant 1 : i32
    %run_scoped3A_54 = arith.constant 0 : i32
    "tpu.region"() ({
      %run_scoped3A_395 = tpu.sem_alloc : memref<!tpu.dma_semaphore, #tpu.memory_space<semaphore_mem>>
      %dma_start3A = arith.constant 0 : i32
      %dma_start3A_396 = tpu.memref_slice %arg4[%arg1, %run_scoped3A_53, %run_scoped3A_54, %dma_start3A] : memref<16x2x1x10000xi32, #tpu.memory_space<hbm>> -> memref<1x1x1x10000xi32, #tpu.memory_space<hbm>>
      %dma_start3A_397 = tpu.memref_squeeze %dma_start3A_396 : memref<1x1x1x10000xi32, #tpu.memory_space<hbm>> -> memref<10000xi32, #tpu.memory_space<hbm>>
      %dma_start3A_398 = arith.constant 0 : i32
      %dma_start3A_399 = tpu.memref_slice %arg4[%arg1, %run_scoped3A_53, %run_scoped3A_54, %dma_start3A_398] : memref<16x2x1x10000xi32, #tpu.memory_space<hbm>> -> memref<1x1x1x10000xi32, #tpu.memory_space<hbm>>
      %dma_start3A_400 = tpu.memref_squeeze %dma_start3A_399 : memref<1x1x1x10000xi32, #tpu.memory_space<hbm>> -> memref<10000xi32, #tpu.memory_space<hbm>>
      tpu.enqueue_dma source(%dma_start3A_400 : memref<10000xi32, #tpu.memory_space<hbm>>) target(%arg10 : memref<10000xi32, #tpu.memory_space<vmem>>) target_semaphore(%run_scoped3A_395 : memref<!tpu.dma_semaphore, #tpu.memory_space<semaphore_mem>>)
      %dma_wait3A = arith.constant 0 : i32
      %dma_wait3A_401 = tpu.memref_slice %arg4[%arg1, %run_scoped3A_53, %run_scoped3A_54, %dma_wait3A] : memref<16x2x1x10000xi32, #tpu.memory_space<hbm>> -> memref<1x1x1x10000xi32, #tpu.memory_space<hbm>>
      %dma_wait3A_402 = tpu.memref_squeeze %dma_wait3A_401 : memref<1x1x1x10000xi32, #tpu.memory_space<hbm>> -> memref<10000xi32, #tpu.memory_space<hbm>>
      %dma_wait3A_403 = arith.constant 0 : i32
      %dma_wait3A_404 = tpu.memref_slice %arg4[%arg1, %run_scoped3A_53, %run_scoped3A_54, %dma_wait3A_403] : memref<16x2x1x10000xi32, #tpu.memory_space<hbm>> -> memref<1x1x1x10000xi32, #tpu.memory_space<hbm>>
      %dma_wait3A_405 = tpu.memref_squeeze %dma_wait3A_404 : memref<1x1x1x10000xi32, #tpu.memory_space<hbm>> -> memref<10000xi32, #tpu.memory_space<hbm>>
      tpu.wait_dma2 semaphore(%run_scoped3A_395 : memref<!tpu.dma_semaphore, #tpu.memory_space<semaphore_mem>>) src(%dma_wait3A_405 : memref<10000xi32, #tpu.memory_space<hbm>>) dst(%arg10 : memref<10000xi32, #tpu.memory_space<vmem>>)
      tpu.yield
    }) : () -> ()
    %scan3A_55 = arith.constant 0 : i32
    %scan3A_56 = arith.constant 624 : i32
    %scan3A_57 = arith.addi %scan3A_55, %scan3A_56 : i32
    %scan3A_58 = arith.constant 4 : i32
    %scan3A_59 = scf.for %scan3A_395 = %scan3A_55 to %scan3A_57 step %scan3A_58 iter_args(%scan3A_396 = %add3A_49) -> (i32)  : i32 {
      %mul3A_397 = arith.constant 1 : i32
      %mul3A_398 = arith.muli %scan3A_395, %mul3A_397 : i32
      %add3A_399 = arith.constant 0 : i32
      %add3A_400 = arith.addi %add3A_399, %mul3A_398 : i32
      %mul3A_401 = arith.constant 16 : i32
      %mul3A_402 = arith.muli %add3A_400, %mul3A_401 : i32
      %get3A_403 = arith.index_cast %mul3A_402 : i32 to index
      %get3A_404 = tpu.vector_load %arg9[%get3A_403] {strides = array<i32>} : memref<10000xi32, #tpu.memory_space<vmem>>, vector<16xi32>,
      %mul3A_405 = arith.constant 16 : i32
      %mul3A_406 = arith.muli %add3A_400, %mul3A_405 : i32
      %get3A_407 = arith.index_cast %mul3A_406 : i32 to index
      %get3A_408 = tpu.vector_load %arg10[%get3A_407] {strides = array<i32>} : memref<10000xi32, #tpu.memory_space<vmem>>, vector<16xi32>,
      %sub3A_409 = vector.broadcast %mul3A_16 : i32 to vector<16xi32>
      %sub3A_410 = arith.subi %get3A_408, %sub3A_409 : vector<16xi32>
      %ge3A_411 = arith.constant 0 : i32
      %ge3A_412 = vector.broadcast %ge3A_411 : i32 to vector<16xi32>
      %ge3A_413 = arith.cmpi sge, %sub3A_410, %ge3A_412 : vector<16xi32>
      %lt3A_414 = arith.constant 5120 : i32
      %lt3A_415 = vector.broadcast %lt3A_414 : i32 to vector<16xi32>
      %lt3A_416 = arith.cmpi slt, %sub3A_410, %lt3A_415 : vector<16xi32>
      %and3A_417 = arith.andi %ge3A_413, %lt3A_416 : vector<16xi1>
      %shift_left3A_418 = arith.constant 13 : i32
      %shift_left3A_419 = vector.broadcast %shift_left3A_418 : i32 to vector<16xi32>
      %shift_left3A_420 = arith.shli %get3A_404, %shift_left3A_419 : vector<16xi32>
      %and3A_421 = arith.constant 8191 : i32
      %and3A_422 = vector.broadcast %and3A_421 : i32 to vector<16xi32>
      %and3A_423 = arith.andi %sub3A_410, %and3A_422 : vector<16xi32>
      %or3A_424 = arith.ori %shift_left3A_420, %and3A_423 : vector<16xi32>
      %swap3A_425 = arith.index_cast %scan3A_396 : i32 to index
      %swap3A_426 = tpu.vector_load %arg11[%swap3A_425] masked %and3A_417 {strides = array<i32>} : memref<20096xi32, #tpu.memory_space<vmem>>, vector<16xi32>, vector<16xi1>
      tpu.vector_store %arg11[%swap3A_425], %or3A_424 masked %and3A_417 {strides = array<i32>} : memref<20096xi32, #tpu.memory_space<vmem>>, vector<16xi32>, vector<16xi1>
      %all_reduce_population_count3A_427 = tpu.all_reduce %and3A_417 {dim = 0 : i64, kind = #tpu.reduction_kind<sum>} : vector<16xi1> -> vector<16xi32>
      %slice3A_428 = vector.extract_strided_slice %all_reduce_population_count3A_427 {offsets = [0], sizes = [1], strides = [1]} : vector<16xi32> to vector<1xi32>
      %squeeze3A_429 = vector.extract %slice3A_428[0] : i32 from vector<1xi32>
      %add3A_430 = arith.addi %scan3A_396, %squeeze3A_429 : i32
      %scan3A_431 = arith.constant 1 : i32
      %scan3A_432 = arith.addi %scan3A_395, %scan3A_431 : i32
      %mul3A_433 = arith.constant 1 : i32
      %mul3A_434 = arith.muli %scan3A_432, %mul3A_433 : i32
      %add3A_435 = arith.constant 0 : i32
      %add3A_436 = arith.addi %add3A_435, %mul3A_434 : i32
      %mul3A_437 = arith.constant 16 : i32
      %mul3A_438 = arith.muli %add3A_436, %mul3A_437 : i32
      %get3A_439 = arith.index_cast %mul3A_438 : i32 to index
      %get3A_440 = tpu.vector_load %arg9[%get3A_439] {strides = array<i32>} : memref<10000xi32, #tpu.memory_space<vmem>>, vector<16xi32>,
      %mul3A_441 = arith.constant 16 : i32
      %mul3A_442 = arith.muli %add3A_436, %mul3A_441 : i32
      %get3A_443 = arith.index_cast %mul3A_442 : i32 to index
      %get3A_444 = tpu.vector_load %arg10[%get3A_443] {strides = array<i32>} : memref<10000xi32, #tpu.memory_space<vmem>>, vector<16xi32>,
      %sub3A_445 = vector.broadcast %mul3A_16 : i32 to vector<16xi32>
      %sub3A_446 = arith.subi %get3A_444, %sub3A_445 : vector<16xi32>
      %ge3A_447 = arith.constant 0 : i32
      %ge3A_448 = vector.broadcast %ge3A_447 : i32 to vector<16xi32>
      %ge3A_449 = arith.cmpi sge, %sub3A_446, %ge3A_448 : vector<16xi32>
      %lt3A_450 = arith.constant 5120 : i32
      %lt3A_451 = vector.broadcast %lt3A_450 : i32 to vector<16xi32>
      %lt3A_452 = arith.cmpi slt, %sub3A_446, %lt3A_451 : vector<16xi32>
      %and3A_453 = arith.andi %ge3A_449, %lt3A_452 : vector<16xi1>
      %shift_left3A_454 = arith.constant 13 : i32
      %shift_left3A_455 = vector.broadcast %shift_left3A_454 : i32 to vector<16xi32>
      %shift_left3A_456 = arith.shli %get3A_440, %shift_left3A_455 : vector<16xi32>
      %and3A_457 = arith.constant 8191 : i32
      %and3A_458 = vector.broadcast %and3A_457 : i32 to vector<16xi32>
      %and3A_459 = arith.andi %sub3A_446, %and3A_458 : vector<16xi32>
      %or3A_460 = arith.ori %shift_left3A_456, %and3A_459 : vector<16xi32>
      %swap3A_461 = arith.index_cast %add3A_430 : i32 to index
      %swap3A_462 = tpu.vector_load %arg11[%swap3A_461] masked %and3A_453 {strides = array<i32>} : memref<20096xi32, #tpu.memory_space<vmem>>, vector<16xi32>, vector<16xi1>
      tpu.vector_store %arg11[%swap3A_461], %or3A_460 masked %and3A_453 {strides = array<i32>} : memref<20096xi32, #tpu.memory_space<vmem>>, vector<16xi32>, vector<16xi1>
      %all_reduce_population_count3A_463 = tpu.all_reduce %and3A_453 {dim = 0 : i64, kind = #tpu.reduction_kind<sum>} : vector<16xi1> -> vector<16xi32>
      %slice3A_464 = vector.extract_strided_slice %all_reduce_population_count3A_463 {offsets = [0], sizes = [1], strides = [1]} : vector<16xi32> to vector<1xi32>
      %squeeze3A_465 = vector.extract %slice3A_464[0] : i32 from vector<1xi32>
      %add3A_466 = arith.addi %add3A_430, %squeeze3A_465 : i32
      %scan3A_467 = arith.constant 2 : i32
      %scan3A_468 = arith.addi %scan3A_395, %scan3A_467 : i32
      %mul3A_469 = arith.constant 1 : i32
      %mul3A_470 = arith.muli %scan3A_468, %mul3A_469 : i32
      %add3A_471 = arith.constant 0 : i32
      %add3A_472 = arith.addi %add3A_471, %mul3A_470 : i32
      %mul3A_473 = arith.constant 16 : i32
      %mul3A_474 = arith.muli %add3A_472, %mul3A_473 : i32
      %get3A_475 = arith.index_cast %mul3A_474 : i32 to index
      %get3A_476 = tpu.vector_load %arg9[%get3A_475] {strides = array<i32>} : memref<10000xi32, #tpu.memory_space<vmem>>, vector<16xi32>,
      %mul3A_477 = arith.constant 16 : i32
      %mul3A_478 = arith.muli %add3A_472, %mul3A_477 : i32
      %get3A_479 = arith.index_cast %mul3A_478 : i32 to index
      %get3A_480 = tpu.vector_load %arg10[%get3A_479] {strides = array<i32>} : memref<10000xi32, #tpu.memory_space<vmem>>, vector<16xi32>,
      %sub3A_481 = vector.broadcast %mul3A_16 : i32 to vector<16xi32>
      %sub3A_482 = arith.subi %get3A_480, %sub3A_481 : vector<16xi32>
      %ge3A_483 = arith.constant 0 : i32
      %ge3A_484 = vector.broadcast %ge3A_483 : i32 to vector<16xi32>
      %ge3A_485 = arith.cmpi sge, %sub3A_482, %ge3A_484 : vector<16xi32>
      %lt3A_486 = arith.constant 5120 : i32
      %lt3A_487 = vector.broadcast %lt3A_486 : i32 to vector<16xi32>
      %lt3A_488 = arith.cmpi slt, %sub3A_482, %lt3A_487 : vector<16xi32>
      %and3A_489 = arith.andi %ge3A_485, %lt3A_488 : vector<16xi1>
      %shift_left3A_490 = arith.constant 13 : i32
      %shift_left3A_491 = vector.broadcast %shift_left3A_490 : i32 to vector<16xi32>
      %shift_left3A_492 = arith.shli %get3A_476, %shift_left3A_491 : vector<16xi32>
      %and3A_493 = arith.constant 8191 : i32
      %and3A_494 = vector.broadcast %and3A_493 : i32 to vector<16xi32>
      %and3A_495 = arith.andi %sub3A_482, %and3A_494 : vector<16xi32>
      %or3A_496 = arith.ori %shift_left3A_492, %and3A_495 : vector<16xi32>
      %swap3A_497 = arith.index_cast %add3A_466 : i32 to index
      %swap3A_498 = tpu.vector_load %arg11[%swap3A_497] masked %and3A_489 {strides = array<i32>} : memref<20096xi32, #tpu.memory_space<vmem>>, vector<16xi32>, vector<16xi1>
      tpu.vector_store %arg11[%swap3A_497], %or3A_496 masked %and3A_489 {strides = array<i32>} : memref<20096xi32, #tpu.memory_space<vmem>>, vector<16xi32>, vector<16xi1>
      %all_reduce_population_count3A_499 = tpu.all_reduce %and3A_489 {dim = 0 : i64, kind = #tpu.reduction_kind<sum>} : vector<16xi1> -> vector<16xi32>
      %slice3A_500 = vector.extract_strided_slice %all_reduce_population_count3A_499 {offsets = [0], sizes = [1], strides = [1]} : vector<16xi32> to vector<1xi32>
      %squeeze3A_501 = vector.extract %slice3A_500[0] : i32 from vector<1xi32>
      %add3A_502 = arith.addi %add3A_466, %squeeze3A_501 : i32
      %scan3A_503 = arith.constant 3 : i32
      %scan3A_504 = arith.addi %scan3A_395, %scan3A_503 : i32
      %mul3A_505 = arith.constant 1 : i32
      %mul3A_506 = arith.muli %scan3A_504, %mul3A_505 : i32
      %add3A_507 = arith.constant 0 : i32
      %add3A_508 = arith.addi %add3A_507, %mul3A_506 : i32
      %mul3A_509 = arith.constant 16 : i32
      %mul3A_510 = arith.muli %add3A_508, %mul3A_509 : i32
      %get3A_511 = arith.index_cast %mul3A_510 : i32 to index
      %get3A_512 = tpu.vector_load %arg9[%get3A_511] {strides = array<i32>} : memref<10000xi32, #tpu.memory_space<vmem>>, vector<16xi32>,
      %mul3A_513 = arith.constant 16 : i32
      %mul3A_514 = arith.muli %add3A_508, %mul3A_513 : i32
      %get3A_515 = arith.index_cast %mul3A_514 : i32 to index
      %get3A_516 = tpu.vector_load %arg10[%get3A_515] {strides = array<i32>} : memref<10000xi32, #tpu.memory_space<vmem>>, vector<16xi32>,
      %sub3A_517 = vector.broadcast %mul3A_16 : i32 to vector<16xi32>
      %sub3A_518 = arith.subi %get3A_516, %sub3A_517 : vector<16xi32>
      %ge3A_519 = arith.constant 0 : i32
      %ge3A_520 = vector.broadcast %ge3A_519 : i32 to vector<16xi32>
      %ge3A_521 = arith.cmpi sge, %sub3A_518, %ge3A_520 : vector<16xi32>
      %lt3A_522 = arith.constant 5120 : i32
      %lt3A_523 = vector.broadcast %lt3A_522 : i32 to vector<16xi32>
      %lt3A_524 = arith.cmpi slt, %sub3A_518, %lt3A_523 : vector<16xi32>
      %and3A_525 = arith.andi %ge3A_521, %lt3A_524 : vector<16xi1>
      %shift_left3A_526 = arith.constant 13 : i32
      %shift_left3A_527 = vector.broadcast %shift_left3A_526 : i32 to vector<16xi32>
      %shift_left3A_528 = arith.shli %get3A_512, %shift_left3A_527 : vector<16xi32>
      %and3A_529 = arith.constant 8191 : i32
      %and3A_530 = vector.broadcast %and3A_529 : i32 to vector<16xi32>
      %and3A_531 = arith.andi %sub3A_518, %and3A_530 : vector<16xi32>
      %or3A_532 = arith.ori %shift_left3A_528, %and3A_531 : vector<16xi32>
      %swap3A_533 = arith.index_cast %add3A_502 : i32 to index
      %swap3A_534 = tpu.vector_load %arg11[%swap3A_533] masked %and3A_525 {strides = array<i32>} : memref<20096xi32, #tpu.memory_space<vmem>>, vector<16xi32>, vector<16xi1>
      tpu.vector_store %arg11[%swap3A_533], %or3A_532 masked %and3A_525 {strides = array<i32>} : memref<20096xi32, #tpu.memory_space<vmem>>, vector<16xi32>, vector<16xi1>
      %all_reduce_population_count3A_535 = tpu.all_reduce %and3A_525 {dim = 0 : i64, kind = #tpu.reduction_kind<sum>} : vector<16xi1> -> vector<16xi32>
      %slice3A_536 = vector.extract_strided_slice %all_reduce_population_count3A_535 {offsets = [0], sizes = [1], strides = [1]} : vector<16xi32> to vector<1xi32>
      %squeeze3A_537 = vector.extract %slice3A_536[0] : i32 from vector<1xi32>
      %add3A_538 = arith.addi %add3A_502, %squeeze3A_537 : i32
      scf.yield %add3A_538 : i32
    }
    %scan3A_60 = arith.constant 624 : i32
    %scan3A_61 = arith.addi %scan3A_55, %scan3A_60 : i32
    %mul3A_62 = arith.constant 1 : i32
    %mul3A_63 = arith.muli %scan3A_61, %mul3A_62 : i32
    %add3A_64 = arith.constant 0 : i32
    %add3A_65 = arith.addi %add3A_64, %mul3A_63 : i32
    %mul3A_66 = arith.constant 16 : i32
    %mul3A_67 = arith.muli %add3A_65, %mul3A_66 : i32
    %get3A_68 = arith.index_cast %mul3A_67 : i32 to index
    %get3A_69 = tpu.vector_load %arg9[%get3A_68] {strides = array<i32>} : memref<10000xi32, #tpu.memory_space<vmem>>, vector<16xi32>,
    %mul3A_70 = arith.constant 16 : i32
    %mul3A_71 = arith.muli %add3A_65, %mul3A_70 : i32
    %get3A_72 = arith.index_cast %mul3A_71 : i32 to index
    %get3A_73 = tpu.vector_load %arg10[%get3A_72] {strides = array<i32>} : memref<10000xi32, #tpu.memory_space<vmem>>, vector<16xi32>,
    %sub3A_74 = vector.broadcast %mul3A_16 : i32 to vector<16xi32>
    %sub3A_75 = arith.subi %get3A_73, %sub3A_74 : vector<16xi32>
    %ge3A_76 = arith.constant 0 : i32
    %ge3A_77 = vector.broadcast %ge3A_76 : i32 to vector<16xi32>
    %ge3A_78 = arith.cmpi sge, %sub3A_75, %ge3A_77 : vector<16xi32>
    %lt3A_79 = arith.constant 5120 : i32
    %lt3A_80 = vector.broadcast %lt3A_79 : i32 to vector<16xi32>
    %lt3A_81 = arith.cmpi slt, %sub3A_75, %lt3A_80 : vector<16xi32>
    %and3A_82 = arith.andi %ge3A_78, %lt3A_81 : vector<16xi1>
    %shift_left3A_83 = arith.constant 13 : i32
    %shift_left3A_84 = vector.broadcast %shift_left3A_83 : i32 to vector<16xi32>
    %shift_left3A_85 = arith.shli %get3A_69, %shift_left3A_84 : vector<16xi32>
    %and3A_86 = arith.constant 8191 : i32
    %and3A_87 = vector.broadcast %and3A_86 : i32 to vector<16xi32>
    %and3A_88 = arith.andi %sub3A_75, %and3A_87 : vector<16xi32>
    %or3A_89 = arith.ori %shift_left3A_85, %and3A_88 : vector<16xi32>
    %swap3A_90 = arith.index_cast %scan3A_59 : i32 to index
    %swap3A_91 = tpu.vector_load %arg11[%swap3A_90] masked %and3A_82 {strides = array<i32>} : memref<20096xi32, #tpu.memory_space<vmem>>, vector<16xi32>, vector<16xi1>
    tpu.vector_store %arg11[%swap3A_90], %or3A_89 masked %and3A_82 {strides = array<i32>} : memref<20096xi32, #tpu.memory_space<vmem>>, vector<16xi32>, vector<16xi1>
    %all_reduce_population_count3A_92 = tpu.all_reduce %and3A_82 {dim = 0 : i64, kind = #tpu.reduction_kind<sum>} : vector<16xi1> -> vector<16xi32>
    %slice3A_93 = vector.extract_strided_slice %all_reduce_population_count3A_92 {offsets = [0], sizes = [1], strides = [1]} : vector<16xi32> to vector<1xi32>
    %squeeze3A_94 = vector.extract %slice3A_93[0] : i32 from vector<1xi32>
    %add3A_95 = arith.addi %scan3A_59, %squeeze3A_94 : i32
    %scan3A_96 = arith.constant 625 : i32
    %broadcast_in_dim3A_97 = arith.constant 5120 : i32
    %broadcast_in_dim3A_98 = vector.broadcast %broadcast_in_dim3A_97 : i32 to vector<16xi32>
    %add3A_99 = arith.constant 0 : i32
    %add3A_100 = arith.addi %add3A_95, %add3A_99 : i32
    %swap3A_101 = arith.index_cast %add3A_100 : i32 to index
    %swap3A_102 = tpu.vector_load %arg11[%swap3A_101] {strides = array<i32>} : memref<20096xi32, #tpu.memory_space<vmem>>, vector<16xi32>,
    tpu.vector_store %arg11[%swap3A_101], %broadcast_in_dim3A_98 {strides = array<i32>} : memref<20096xi32, #tpu.memory_space<vmem>>, vector<16xi32>,
    %add3A_103 = arith.constant 16 : i32
    %add3A_104 = arith.addi %add3A_95, %add3A_103 : i32
    %swap3A_105 = arith.index_cast %add3A_104 : i32 to index
    %swap3A_106 = tpu.vector_load %arg11[%swap3A_105] {strides = array<i32>} : memref<20096xi32, #tpu.memory_space<vmem>>, vector<16xi32>,
    tpu.vector_store %arg11[%swap3A_105], %broadcast_in_dim3A_98 {strides = array<i32>} : memref<20096xi32, #tpu.memory_space<vmem>>, vector<16xi32>,
    %add3A_107 = arith.constant 32 : i32
    %add3A_108 = arith.addi %add3A_95, %add3A_107 : i32
    %swap3A_109 = arith.index_cast %add3A_108 : i32 to index
    %swap3A_110 = tpu.vector_load %arg11[%swap3A_109] {strides = array<i32>} : memref<20096xi32, #tpu.memory_space<vmem>>, vector<16xi32>,
    tpu.vector_store %arg11[%swap3A_109], %broadcast_in_dim3A_98 {strides = array<i32>} : memref<20096xi32, #tpu.memory_space<vmem>>, vector<16xi32>,
    %add3A_111 = arith.constant 48 : i32
    %add3A_112 = arith.addi %add3A_95, %add3A_111 : i32
    %swap3A_113 = arith.index_cast %add3A_112 : i32 to index
    %swap3A_114 = tpu.vector_load %arg11[%swap3A_113] {strides = array<i32>} : memref<20096xi32, #tpu.memory_space<vmem>>, vector<16xi32>,
    tpu.vector_store %arg11[%swap3A_113], %broadcast_in_dim3A_98 {strides = array<i32>} : memref<20096xi32, #tpu.memory_space<vmem>>, vector<16xi32>,
    %add3A_115 = arith.constant 64 : i32
    %add3A_116 = arith.addi %add3A_95, %add3A_115 : i32
    %swap3A_117 = arith.index_cast %add3A_116 : i32 to index
    %swap3A_118 = tpu.vector_load %arg11[%swap3A_117] {strides = array<i32>} : memref<20096xi32, #tpu.memory_space<vmem>>, vector<16xi32>,
    tpu.vector_store %arg11[%swap3A_117], %broadcast_in_dim3A_98 {strides = array<i32>} : memref<20096xi32, #tpu.memory_space<vmem>>, vector<16xi32>,
    %add3A_119 = arith.constant 80 : i32
    %add3A_120 = arith.addi %add3A_95, %add3A_119 : i32
    %swap3A_121 = arith.index_cast %add3A_120 : i32 to index
    %swap3A_122 = tpu.vector_load %arg11[%swap3A_121] {strides = array<i32>} : memref<20096xi32, #tpu.memory_space<vmem>>, vector<16xi32>,
    tpu.vector_store %arg11[%swap3A_121], %broadcast_in_dim3A_98 {strides = array<i32>} : memref<20096xi32, #tpu.memory_space<vmem>>, vector<16xi32>,
    %add3A_123 = arith.constant 95 : i32
    %add3A_124 = arith.addi %add3A_95, %add3A_123 : i32
    %jit3A = arith.constant 96 : i32
    %div3A = arith.divsi %add3A_124, %jit3A : i32
    %sign3A = arith.constant 0 : i32
    %sign3A_125 = arith.cmpi sgt, %add3A_124, %sign3A : i32
    %sign3A_126 = arith.extui %sign3A_125 : i1 to i32
    %sign3A_127 = arith.constant 0 : i32
    %sign3A_128 = arith.cmpi slt, %add3A_124, %sign3A_127 : i32
    %sign3A_129 = arith.extui %sign3A_128 : i1 to i32
    %sign3A_130 = arith.subi %sign3A_126, %sign3A_129 : i32
    %sign3A_131 = arith.constant 0 : i32
    %sign3A_132 = arith.cmpi sgt, %jit3A, %sign3A_131 : i32
    %sign3A_133 = arith.extui %sign3A_132 : i1 to i32
    %sign3A_134 = arith.constant 0 : i32
    %sign3A_135 = arith.cmpi slt, %jit3A, %sign3A_134 : i32
    %sign3A_136 = arith.extui %sign3A_135 : i1 to i32
    %sign3A_137 = arith.subi %sign3A_133, %sign3A_136 : i32
    %ne3A = arith.cmpi ne, %sign3A_130, %sign3A_137 : i32
    %rem3A = arith.remsi %add3A_124, %jit3A : i32
    %ne3A_138 = arith.constant 0 : i32
    %ne3A_139 = arith.cmpi ne, %rem3A, %ne3A_138 : i32
    %and3A_140 = arith.andi %ne3A, %ne3A_139 : i1
    %sub3A_141 = arith.constant 1 : i32
    %sub3A_142 = arith.subi %div3A, %sub3A_141 : i32
    %select_n3A = arith.select %and3A_140, %sub3A_142, %div3A : i32
    %barrier3A = arith.constant 0 : index
    tpu.barrier barrier_id(%barrier3A)
    %gt3A = arith.constant 0 : i32
    %gt3A_143 = arith.cmpi sgt, %select_n3A, %gt3A : i32
    %convert_element_type3A_144 = arith.extui %gt3A_143 : i1 to i32
    %cond3A_145 = arith.constant 0 : i32
    %cond3A_146 = arith.cmpi ne, %convert_element_type3A_144, %cond3A_145 : i32
    scf.if %cond3A_146 {
      %get3A_395 = arith.constant 0 : index
      %get3A_396 = tpu.vector_load %arg11[%get3A_395] {strides = array<i32>} : memref<20096xi32, #tpu.memory_space<vmem>>, vector<16xi32>,
      %shift_right_logical3A = arith.constant 13 : i32
      %shift_right_logical3A_397 = vector.broadcast %shift_right_logical3A : i32 to vector<16xi32>
      %shift_right_logical3A_398 = arith.shrui %get3A_396, %shift_right_logical3A_397 : vector<16xi32>
      %swap3A_399 = arith.constant 0 : i32
      %swap3A_400 = arith.index_cast %swap3A_399 : i32 to index
      %swap3A_401 = arith.constant 0 : index
      %swap3A_402 = tpu.vector_load %arg12[%swap3A_400, %swap3A_401] {strides = array<i32>} : memref<3x96xi32, #tpu.memory_space<vmem>>, vector<16xi32>,
      tpu.vector_store %arg12[%swap3A_400, %swap3A_401], %shift_right_logical3A_398 {strides = array<i32>} : memref<3x96xi32, #tpu.memory_space<vmem>>, vector<16xi32>,
      %and3A_403 = arith.constant 8191 : i32
      %and3A_404 = vector.broadcast %and3A_403 : i32 to vector<16xi32>
      %and3A_405 = arith.andi %get3A_396, %and3A_404 : vector<16xi32>
      %swap3A_406 = arith.constant 0 : i32
      %swap3A_407 = arith.index_cast %swap3A_406 : i32 to index
      %swap3A_408 = arith.constant 0 : index
      %swap3A_409 = tpu.vector_load %arg13[%swap3A_407, %swap3A_408] {strides = array<i32>} : memref<3x96xi32, #tpu.memory_space<vmem>>, vector<16xi32>,
      tpu.vector_store %arg13[%swap3A_407, %swap3A_408], %and3A_405 {strides = array<i32>} : memref<3x96xi32, #tpu.memory_space<vmem>>, vector<16xi32>,
      %get3A_410 = arith.constant 16 : index
      %get3A_411 = tpu.vector_load %arg11[%get3A_410] {strides = array<i32>} : memref<20096xi32, #tpu.memory_space<vmem>>, vector<16xi32>,
      %shift_right_logical3A_412 = arith.constant 13 : i32
      %shift_right_logical3A_413 = vector.broadcast %shift_right_logical3A_412 : i32 to vector<16xi32>
      %shift_right_logical3A_414 = arith.shrui %get3A_411, %shift_right_logical3A_413 : vector<16xi32>
      %swap3A_415 = arith.constant 0 : i32
      %swap3A_416 = arith.index_cast %swap3A_415 : i32 to index
      %swap3A_417 = arith.constant 16 : index
      %swap3A_418 = tpu.vector_load %arg12[%swap3A_416, %swap3A_417] {strides = array<i32>} : memref<3x96xi32, #tpu.memory_space<vmem>>, vector<16xi32>,
      tpu.vector_store %arg12[%swap3A_416, %swap3A_417], %shift_right_logical3A_414 {strides = array<i32>} : memref<3x96xi32, #tpu.memory_space<vmem>>, vector<16xi32>,
      %and3A_419 = arith.constant 8191 : i32
      %and3A_420 = vector.broadcast %and3A_419 : i32 to vector<16xi32>
      %and3A_421 = arith.andi %get3A_411, %and3A_420 : vector<16xi32>
      %swap3A_422 = arith.constant 0 : i32
      %swap3A_423 = arith.index_cast %swap3A_422 : i32 to index
      %swap3A_424 = arith.constant 16 : index
      %swap3A_425 = tpu.vector_load %arg13[%swap3A_423, %swap3A_424] {strides = array<i32>} : memref<3x96xi32, #tpu.memory_space<vmem>>, vector<16xi32>,
      tpu.vector_store %arg13[%swap3A_423, %swap3A_424], %and3A_421 {strides = array<i32>} : memref<3x96xi32, #tpu.memory_space<vmem>>, vector<16xi32>,
      %get3A_426 = arith.constant 32 : index
      %get3A_427 = tpu.vector_load %arg11[%get3A_426] {strides = array<i32>} : memref<20096xi32, #tpu.memory_space<vmem>>, vector<16xi32>,
      %shift_right_logical3A_428 = arith.constant 13 : i32
      %shift_right_logical3A_429 = vector.broadcast %shift_right_logical3A_428 : i32 to vector<16xi32>
      %shift_right_logical3A_430 = arith.shrui %get3A_427, %shift_right_logical3A_429 : vector<16xi32>
      %swap3A_431 = arith.constant 0 : i32
      %swap3A_432 = arith.index_cast %swap3A_431 : i32 to index
      %swap3A_433 = arith.constant 32 : index
      %swap3A_434 = tpu.vector_load %arg12[%swap3A_432, %swap3A_433] {strides = array<i32>} : memref<3x96xi32, #tpu.memory_space<vmem>>, vector<16xi32>,
      tpu.vector_store %arg12[%swap3A_432, %swap3A_433], %shift_right_logical3A_430 {strides = array<i32>} : memref<3x96xi32, #tpu.memory_space<vmem>>, vector<16xi32>,
      %and3A_435 = arith.constant 8191 : i32
      %and3A_436 = vector.broadcast %and3A_435 : i32 to vector<16xi32>
      %and3A_437 = arith.andi %get3A_427, %and3A_436 : vector<16xi32>
      %swap3A_438 = arith.constant 0 : i32
      %swap3A_439 = arith.index_cast %swap3A_438 : i32 to index
      %swap3A_440 = arith.constant 32 : index
      %swap3A_441 = tpu.vector_load %arg13[%swap3A_439, %swap3A_440] {strides = array<i32>} : memref<3x96xi32, #tpu.memory_space<vmem>>, vector<16xi32>,
      tpu.vector_store %arg13[%swap3A_439, %swap3A_440], %and3A_437 {strides = array<i32>} : memref<3x96xi32, #tpu.memory_space<vmem>>, vector<16xi32>,
      %get3A_442 = arith.constant 48 : index
      %get3A_443 = tpu.vector_load %arg11[%get3A_442] {strides = array<i32>} : memref<20096xi32, #tpu.memory_space<vmem>>, vector<16xi32>,
      %shift_right_logical3A_444 = arith.constant 13 : i32
      %shift_right_logical3A_445 = vector.broadcast %shift_right_logical3A_444 : i32 to vector<16xi32>
      %shift_right_logical3A_446 = arith.shrui %get3A_443, %shift_right_logical3A_445 : vector<16xi32>
      %swap3A_447 = arith.constant 0 : i32
      %swap3A_448 = arith.index_cast %swap3A_447 : i32 to index
      %swap3A_449 = arith.constant 48 : index
      %swap3A_450 = tpu.vector_load %arg12[%swap3A_448, %swap3A_449] {strides = array<i32>} : memref<3x96xi32, #tpu.memory_space<vmem>>, vector<16xi32>,
      tpu.vector_store %arg12[%swap3A_448, %swap3A_449], %shift_right_logical3A_446 {strides = array<i32>} : memref<3x96xi32, #tpu.memory_space<vmem>>, vector<16xi32>,
      %and3A_451 = arith.constant 8191 : i32
      %and3A_452 = vector.broadcast %and3A_451 : i32 to vector<16xi32>
      %and3A_453 = arith.andi %get3A_443, %and3A_452 : vector<16xi32>
      %swap3A_454 = arith.constant 0 : i32
      %swap3A_455 = arith.index_cast %swap3A_454 : i32 to index
      %swap3A_456 = arith.constant 48 : index
      %swap3A_457 = tpu.vector_load %arg13[%swap3A_455, %swap3A_456] {strides = array<i32>} : memref<3x96xi32, #tpu.memory_space<vmem>>, vector<16xi32>,
      tpu.vector_store %arg13[%swap3A_455, %swap3A_456], %and3A_453 {strides = array<i32>} : memref<3x96xi32, #tpu.memory_space<vmem>>, vector<16xi32>,
      %get3A_458 = arith.constant 64 : index
      %get3A_459 = tpu.vector_load %arg11[%get3A_458] {strides = array<i32>} : memref<20096xi32, #tpu.memory_space<vmem>>, vector<16xi32>,
      %shift_right_logical3A_460 = arith.constant 13 : i32
      %shift_right_logical3A_461 = vector.broadcast %shift_right_logical3A_460 : i32 to vector<16xi32>
      %shift_right_logical3A_462 = arith.shrui %get3A_459, %shift_right_logical3A_461 : vector<16xi32>
      %swap3A_463 = arith.constant 0 : i32
      %swap3A_464 = arith.index_cast %swap3A_463 : i32 to index
      %swap3A_465 = arith.constant 64 : index
      %swap3A_466 = tpu.vector_load %arg12[%swap3A_464, %swap3A_465] {strides = array<i32>} : memref<3x96xi32, #tpu.memory_space<vmem>>, vector<16xi32>,
      tpu.vector_store %arg12[%swap3A_464, %swap3A_465], %shift_right_logical3A_462 {strides = array<i32>} : memref<3x96xi32, #tpu.memory_space<vmem>>, vector<16xi32>,
      %and3A_467 = arith.constant 8191 : i32
      %and3A_468 = vector.broadcast %and3A_467 : i32 to vector<16xi32>
      %and3A_469 = arith.andi %get3A_459, %and3A_468 : vector<16xi32>
      %swap3A_470 = arith.constant 0 : i32
      %swap3A_471 = arith.index_cast %swap3A_470 : i32 to index
      %swap3A_472 = arith.constant 64 : index
      %swap3A_473 = tpu.vector_load %arg13[%swap3A_471, %swap3A_472] {strides = array<i32>} : memref<3x96xi32, #tpu.memory_space<vmem>>, vector<16xi32>,
      tpu.vector_store %arg13[%swap3A_471, %swap3A_472], %and3A_469 {strides = array<i32>} : memref<3x96xi32, #tpu.memory_space<vmem>>, vector<16xi32>,
      %get3A_474 = arith.constant 80 : index
      %get3A_475 = tpu.vector_load %arg11[%get3A_474] {strides = array<i32>} : memref<20096xi32, #tpu.memory_space<vmem>>, vector<16xi32>,
      %shift_right_logical3A_476 = arith.constant 13 : i32
      %shift_right_logical3A_477 = vector.broadcast %shift_right_logical3A_476 : i32 to vector<16xi32>
      %shift_right_logical3A_478 = arith.shrui %get3A_475, %shift_right_logical3A_477 : vector<16xi32>
      %swap3A_479 = arith.constant 0 : i32
      %swap3A_480 = arith.index_cast %swap3A_479 : i32 to index
      %swap3A_481 = arith.constant 80 : index
      %swap3A_482 = tpu.vector_load %arg12[%swap3A_480, %swap3A_481] {strides = array<i32>} : memref<3x96xi32, #tpu.memory_space<vmem>>, vector<16xi32>,
      tpu.vector_store %arg12[%swap3A_480, %swap3A_481], %shift_right_logical3A_478 {strides = array<i32>} : memref<3x96xi32, #tpu.memory_space<vmem>>, vector<16xi32>,
      %and3A_483 = arith.constant 8191 : i32
      %and3A_484 = vector.broadcast %and3A_483 : i32 to vector<16xi32>
      %and3A_485 = arith.andi %get3A_475, %and3A_484 : vector<16xi32>
      %swap3A_486 = arith.constant 0 : i32
      %swap3A_487 = arith.index_cast %swap3A_486 : i32 to index
      %swap3A_488 = arith.constant 80 : index
      %swap3A_489 = tpu.vector_load %arg13[%swap3A_487, %swap3A_488] {strides = array<i32>} : memref<3x96xi32, #tpu.memory_space<vmem>>, vector<16xi32>,
      tpu.vector_store %arg13[%swap3A_487, %swap3A_488], %and3A_485 {strides = array<i32>} : memref<3x96xi32, #tpu.memory_space<vmem>>, vector<16xi32>,
      %dma_start3A = arith.constant 0 : i32
      %dma_start3A_490 = arith.constant 0 : i32
      %dma_start3A_491 = arith.constant 0 : i32
      %dma_start3A_492 = arith.constant 0 : i32
      %dma_start3A_493 = tpu.memref_slice %arg14[%dma_start3A_490, %dma_start3A_491, %dma_start3A_492] : memref<3x96x128xf32, #tpu.memory_space<vmem>> -> memref<1x96x128xf32, #tpu.memory_space<vmem>>
      %dma_start3A_494 = tpu.memref_squeeze %dma_start3A_493 : memref<1x96x128xf32, #tpu.memory_space<vmem>> -> memref<96x128xf32, #tpu.memory_space<vmem>>
      %dma_start3A_495 = arith.constant 0 : i32
      %dma_start3A_496 = tpu.memref_slice %arg12[%dma_start3A, %dma_start3A_495] : memref<3x96xi32, #tpu.memory_space<vmem>> -> memref<1x96xi32, #tpu.memory_space<vmem>>
      %dma_start3A_497 = tpu.memref_squeeze %dma_start3A_496 : memref<1x96xi32, #tpu.memory_space<vmem>> -> memref<96xi32, #tpu.memory_space<vmem>>
      %dma_start3A_498 = arith.constant 0 : i32
      %dma_start3A_499 = arith.constant 0 : i32
      %dma_start3A_500 = tpu.memref_slice %arg2[%dma_start3A_498, %dma_start3A_499] : memref<10000x128xf32, #tpu.memory_space<hbm>> -> memref<10000x128xf32, #tpu.memory_space<hbm>>
      tpu.enqueue_indirect_dma source(%dma_start3A_500 : memref<10000x128xf32, #tpu.memory_space<hbm>>) target(%dma_start3A_494 : memref<96x128xf32, #tpu.memory_space<vmem>>) offsets(%dma_start3A_497 : memref<96xi32, #tpu.memory_space<vmem>>) semaphore(%arg16 : memref<!tpu.dma_semaphore, #tpu.memory_space<semaphore_mem>>)
    } else {
    }
    %gt3A_147 = arith.constant 1 : i32
    %gt3A_148 = arith.cmpi sgt, %select_n3A, %gt3A_147 : i32
    %convert_element_type3A_149 = arith.extui %gt3A_148 : i1 to i32
    %cond3A_150 = arith.constant 0 : i32
    %cond3A_151 = arith.cmpi ne, %convert_element_type3A_149, %cond3A_150 : i32
    scf.if %cond3A_151 {
      %get3A_395 = arith.constant 96 : index
      %get3A_396 = tpu.vector_load %arg11[%get3A_395] {strides = array<i32>} : memref<20096xi32, #tpu.memory_space<vmem>>, vector<16xi32>,
      %shift_right_logical3A = arith.constant 13 : i32
      %shift_right_logical3A_397 = vector.broadcast %shift_right_logical3A : i32 to vector<16xi32>
      %shift_right_logical3A_398 = arith.shrui %get3A_396, %shift_right_logical3A_397 : vector<16xi32>
      %swap3A_399 = arith.constant 1 : i32
      %swap3A_400 = arith.index_cast %swap3A_399 : i32 to index
      %swap3A_401 = arith.constant 0 : index
      %swap3A_402 = tpu.vector_load %arg12[%swap3A_400, %swap3A_401] {strides = array<i32>} : memref<3x96xi32, #tpu.memory_space<vmem>>, vector<16xi32>,
      tpu.vector_store %arg12[%swap3A_400, %swap3A_401], %shift_right_logical3A_398 {strides = array<i32>} : memref<3x96xi32, #tpu.memory_space<vmem>>, vector<16xi32>,
      %and3A_403 = arith.constant 8191 : i32
      %and3A_404 = vector.broadcast %and3A_403 : i32 to vector<16xi32>
      %and3A_405 = arith.andi %get3A_396, %and3A_404 : vector<16xi32>
      %swap3A_406 = arith.constant 1 : i32
      %swap3A_407 = arith.index_cast %swap3A_406 : i32 to index
      %swap3A_408 = arith.constant 0 : index
      %swap3A_409 = tpu.vector_load %arg13[%swap3A_407, %swap3A_408] {strides = array<i32>} : memref<3x96xi32, #tpu.memory_space<vmem>>, vector<16xi32>,
      tpu.vector_store %arg13[%swap3A_407, %swap3A_408], %and3A_405 {strides = array<i32>} : memref<3x96xi32, #tpu.memory_space<vmem>>, vector<16xi32>,
      %get3A_410 = arith.constant 112 : index
      %get3A_411 = tpu.vector_load %arg11[%get3A_410] {strides = array<i32>} : memref<20096xi32, #tpu.memory_space<vmem>>, vector<16xi32>,
      %shift_right_logical3A_412 = arith.constant 13 : i32
      %shift_right_logical3A_413 = vector.broadcast %shift_right_logical3A_412 : i32 to vector<16xi32>
      %shift_right_logical3A_414 = arith.shrui %get3A_411, %shift_right_logical3A_413 : vector<16xi32>
      %swap3A_415 = arith.constant 1 : i32
      %swap3A_416 = arith.index_cast %swap3A_415 : i32 to index
      %swap3A_417 = arith.constant 16 : index
      %swap3A_418 = tpu.vector_load %arg12[%swap3A_416, %swap3A_417] {strides = array<i32>} : memref<3x96xi32, #tpu.memory_space<vmem>>, vector<16xi32>,
      tpu.vector_store %arg12[%swap3A_416, %swap3A_417], %shift_right_logical3A_414 {strides = array<i32>} : memref<3x96xi32, #tpu.memory_space<vmem>>, vector<16xi32>,
      %and3A_419 = arith.constant 8191 : i32
      %and3A_420 = vector.broadcast %and3A_419 : i32 to vector<16xi32>
      %and3A_421 = arith.andi %get3A_411, %and3A_420 : vector<16xi32>
      %swap3A_422 = arith.constant 1 : i32
      %swap3A_423 = arith.index_cast %swap3A_422 : i32 to index
      %swap3A_424 = arith.constant 16 : index
      %swap3A_425 = tpu.vector_load %arg13[%swap3A_423, %swap3A_424] {strides = array<i32>} : memref<3x96xi32, #tpu.memory_space<vmem>>, vector<16xi32>,
      tpu.vector_store %arg13[%swap3A_423, %swap3A_424], %and3A_421 {strides = array<i32>} : memref<3x96xi32, #tpu.memory_space<vmem>>, vector<16xi32>,
      %get3A_426 = arith.constant 128 : index
      %get3A_427 = tpu.vector_load %arg11[%get3A_426] {strides = array<i32>} : memref<20096xi32, #tpu.memory_space<vmem>>, vector<16xi32>,
      %shift_right_logical3A_428 = arith.constant 13 : i32
      %shift_right_logical3A_429 = vector.broadcast %shift_right_logical3A_428 : i32 to vector<16xi32>
      %shift_right_logical3A_430 = arith.shrui %get3A_427, %shift_right_logical3A_429 : vector<16xi32>
      %swap3A_431 = arith.constant 1 : i32
      %swap3A_432 = arith.index_cast %swap3A_431 : i32 to index
      %swap3A_433 = arith.constant 32 : index
      %swap3A_434 = tpu.vector_load %arg12[%swap3A_432, %swap3A_433] {strides = array<i32>} : memref<3x96xi32, #tpu.memory_space<vmem>>, vector<16xi32>,
      tpu.vector_store %arg12[%swap3A_432, %swap3A_433], %shift_right_logical3A_430 {strides = array<i32>} : memref<3x96xi32, #tpu.memory_space<vmem>>, vector<16xi32>,
      %and3A_435 = arith.constant 8191 : i32
      %and3A_436 = vector.broadcast %and3A_435 : i32 to vector<16xi32>
      %and3A_437 = arith.andi %get3A_427, %and3A_436 : vector<16xi32>
      %swap3A_438 = arith.constant 1 : i32
      %swap3A_439 = arith.index_cast %swap3A_438 : i32 to index
      %swap3A_440 = arith.constant 32 : index
      %swap3A_441 = tpu.vector_load %arg13[%swap3A_439, %swap3A_440] {strides = array<i32>} : memref<3x96xi32, #tpu.memory_space<vmem>>, vector<16xi32>,
      tpu.vector_store %arg13[%swap3A_439, %swap3A_440], %and3A_437 {strides = array<i32>} : memref<3x96xi32, #tpu.memory_space<vmem>>, vector<16xi32>,
      %get3A_442 = arith.constant 144 : index
      %get3A_443 = tpu.vector_load %arg11[%get3A_442] {strides = array<i32>} : memref<20096xi32, #tpu.memory_space<vmem>>, vector<16xi32>,
      %shift_right_logical3A_444 = arith.constant 13 : i32
      %shift_right_logical3A_445 = vector.broadcast %shift_right_logical3A_444 : i32 to vector<16xi32>
      %shift_right_logical3A_446 = arith.shrui %get3A_443, %shift_right_logical3A_445 : vector<16xi32>
      %swap3A_447 = arith.constant 1 : i32
      %swap3A_448 = arith.index_cast %swap3A_447 : i32 to index
      %swap3A_449 = arith.constant 48 : index
      %swap3A_450 = tpu.vector_load %arg12[%swap3A_448, %swap3A_449] {strides = array<i32>} : memref<3x96xi32, #tpu.memory_space<vmem>>, vector<16xi32>,
      tpu.vector_store %arg12[%swap3A_448, %swap3A_449], %shift_right_logical3A_446 {strides = array<i32>} : memref<3x96xi32, #tpu.memory_space<vmem>>, vector<16xi32>,
      %and3A_451 = arith.constant 8191 : i32
      %and3A_452 = vector.broadcast %and3A_451 : i32 to vector<16xi32>
      %and3A_453 = arith.andi %get3A_443, %and3A_452 : vector<16xi32>
      %swap3A_454 = arith.constant 1 : i32
      %swap3A_455 = arith.index_cast %swap3A_454 : i32 to index
      %swap3A_456 = arith.constant 48 : index
      %swap3A_457 = tpu.vector_load %arg13[%swap3A_455, %swap3A_456] {strides = array<i32>} : memref<3x96xi32, #tpu.memory_space<vmem>>, vector<16xi32>,
      tpu.vector_store %arg13[%swap3A_455, %swap3A_456], %and3A_453 {strides = array<i32>} : memref<3x96xi32, #tpu.memory_space<vmem>>, vector<16xi32>,
      %get3A_458 = arith.constant 160 : index
      %get3A_459 = tpu.vector_load %arg11[%get3A_458] {strides = array<i32>} : memref<20096xi32, #tpu.memory_space<vmem>>, vector<16xi32>,
      %shift_right_logical3A_460 = arith.constant 13 : i32
      %shift_right_logical3A_461 = vector.broadcast %shift_right_logical3A_460 : i32 to vector<16xi32>
      %shift_right_logical3A_462 = arith.shrui %get3A_459, %shift_right_logical3A_461 : vector<16xi32>
      %swap3A_463 = arith.constant 1 : i32
      %swap3A_464 = arith.index_cast %swap3A_463 : i32 to index
      %swap3A_465 = arith.constant 64 : index
      %swap3A_466 = tpu.vector_load %arg12[%swap3A_464, %swap3A_465] {strides = array<i32>} : memref<3x96xi32, #tpu.memory_space<vmem>>, vector<16xi32>,
      tpu.vector_store %arg12[%swap3A_464, %swap3A_465], %shift_right_logical3A_462 {strides = array<i32>} : memref<3x96xi32, #tpu.memory_space<vmem>>, vector<16xi32>,
      %and3A_467 = arith.constant 8191 : i32
      %and3A_468 = vector.broadcast %and3A_467 : i32 to vector<16xi32>
      %and3A_469 = arith.andi %get3A_459, %and3A_468 : vector<16xi32>
      %swap3A_470 = arith.constant 1 : i32
      %swap3A_471 = arith.index_cast %swap3A_470 : i32 to index
      %swap3A_472 = arith.constant 64 : index
      %swap3A_473 = tpu.vector_load %arg13[%swap3A_471, %swap3A_472] {strides = array<i32>} : memref<3x96xi32, #tpu.memory_space<vmem>>, vector<16xi32>,
      tpu.vector_store %arg13[%swap3A_471, %swap3A_472], %and3A_469 {strides = array<i32>} : memref<3x96xi32, #tpu.memory_space<vmem>>, vector<16xi32>,
      %get3A_474 = arith.constant 176 : index
      %get3A_475 = tpu.vector_load %arg11[%get3A_474] {strides = array<i32>} : memref<20096xi32, #tpu.memory_space<vmem>>, vector<16xi32>,
      %shift_right_logical3A_476 = arith.constant 13 : i32
      %shift_right_logical3A_477 = vector.broadcast %shift_right_logical3A_476 : i32 to vector<16xi32>
      %shift_right_logical3A_478 = arith.shrui %get3A_475, %shift_right_logical3A_477 : vector<16xi32>
      %swap3A_479 = arith.constant 1 : i32
      %swap3A_480 = arith.index_cast %swap3A_479 : i32 to index
      %swap3A_481 = arith.constant 80 : index
      %swap3A_482 = tpu.vector_load %arg12[%swap3A_480, %swap3A_481] {strides = array<i32>} : memref<3x96xi32, #tpu.memory_space<vmem>>, vector<16xi32>,
      tpu.vector_store %arg12[%swap3A_480, %swap3A_481], %shift_right_logical3A_478 {strides = array<i32>} : memref<3x96xi32, #tpu.memory_space<vmem>>, vector<16xi32>,
      %and3A_483 = arith.constant 8191 : i32
      %and3A_484 = vector.broadcast %and3A_483 : i32 to vector<16xi32>
      %and3A_485 = arith.andi %get3A_475, %and3A_484 : vector<16xi32>
      %swap3A_486 = arith.constant 1 : i32
      %swap3A_487 = arith.index_cast %swap3A_486 : i32 to index
      %swap3A_488 = arith.constant 80 : index
      %swap3A_489 = tpu.vector_load %arg13[%swap3A_487, %swap3A_488] {strides = array<i32>} : memref<3x96xi32, #tpu.memory_space<vmem>>, vector<16xi32>,
      tpu.vector_store %arg13[%swap3A_487, %swap3A_488], %and3A_485 {strides = array<i32>} : memref<3x96xi32, #tpu.memory_space<vmem>>, vector<16xi32>,
      %dma_start3A = arith.constant 1 : i32
      %dma_start3A_490 = arith.constant 1 : i32
      %dma_start3A_491 = arith.constant 0 : i32
      %dma_start3A_492 = arith.constant 0 : i32
      %dma_start3A_493 = tpu.memref_slice %arg14[%dma_start3A_490, %dma_start3A_491, %dma_start3A_492] : memref<3x96x128xf32, #tpu.memory_space<vmem>> -> memref<1x96x128xf32, #tpu.memory_space<vmem>>
      %dma_start3A_494 = tpu.memref_squeeze %dma_start3A_493 : memref<1x96x128xf32, #tpu.memory_space<vmem>> -> memref<96x128xf32, #tpu.memory_space<vmem>>
      %dma_start3A_495 = arith.constant 0 : i32
      %dma_start3A_496 = tpu.memref_slice %arg12[%dma_start3A, %dma_start3A_495] : memref<3x96xi32, #tpu.memory_space<vmem>> -> memref<1x96xi32, #tpu.memory_space<vmem>>
      %dma_start3A_497 = tpu.memref_squeeze %dma_start3A_496 : memref<1x96xi32, #tpu.memory_space<vmem>> -> memref<96xi32, #tpu.memory_space<vmem>>
      %dma_start3A_498 = arith.constant 0 : i32
      %dma_start3A_499 = arith.constant 0 : i32
      %dma_start3A_500 = tpu.memref_slice %arg2[%dma_start3A_498, %dma_start3A_499] : memref<10000x128xf32, #tpu.memory_space<hbm>> -> memref<10000x128xf32, #tpu.memory_space<hbm>>
      tpu.enqueue_indirect_dma source(%dma_start3A_500 : memref<10000x128xf32, #tpu.memory_space<hbm>>) target(%dma_start3A_494 : memref<96x128xf32, #tpu.memory_space<vmem>>) offsets(%dma_start3A_497 : memref<96xi32, #tpu.memory_space<vmem>>) semaphore(%arg16 : memref<!tpu.dma_semaphore, #tpu.memory_space<semaphore_mem>>)
    } else {
    }
    %scan3A_152 = arith.constant 0 : i32
    %scan3A_153 = arith.constant 70 : i32
    %scan3A_154 = arith.addi %scan3A_152, %scan3A_153 : i32
    %scan3A_155 = arith.constant 1 : i32
    scf.for %scan3A_395 = %scan3A_152 to %scan3A_154 step %scan3A_155  : i32 {
      %mul3A_396 = arith.constant 3 : i32
      %mul3A_397 = arith.muli %scan3A_395, %mul3A_396 : i32
      %add3A_398 = arith.constant 0 : i32
      %add3A_399 = arith.addi %add3A_398, %mul3A_397 : i32
      %add3A_400 = arith.constant 0 : i32
      %add3A_401 = arith.addi %add3A_399, %add3A_400 : i32
      %lt3A_402 = arith.cmpi slt, %add3A_401, %select_n3A : i32
      %convert_element_type3A_403 = arith.extui %lt3A_402 : i1 to i32
      %cond3A_404 = arith.constant 0 : i32
      %cond3A_405 = arith.cmpi ne, %convert_element_type3A_403, %cond3A_404 : i32
      scf.if %cond3A_405 {
        %dma_wait3A = arith.constant 0 : i32
        %dma_wait3A_436 = arith.constant 0 : i32
        %dma_wait3A_437 = arith.constant 0 : i32
        %dma_wait3A_438 = arith.constant 0 : i32
        %dma_wait3A_439 = tpu.memref_slice %arg14[%dma_wait3A_436, %dma_wait3A_437, %dma_wait3A_438] : memref<3x96x128xf32, #tpu.memory_space<vmem>> -> memref<1x96x128xf32, #tpu.memory_space<vmem>>
        %dma_wait3A_440 = tpu.memref_squeeze %dma_wait3A_439 : memref<1x96x128xf32, #tpu.memory_space<vmem>> -> memref<96x128xf32, #tpu.memory_space<vmem>>
        %dma_wait3A_441 = arith.constant 0 : i32
        %dma_wait3A_442 = tpu.memref_slice %arg12[%dma_wait3A, %dma_wait3A_441] : memref<3x96xi32, #tpu.memory_space<vmem>> -> memref<1x96xi32, #tpu.memory_space<vmem>>
        %dma_wait3A_443 = tpu.memref_squeeze %dma_wait3A_442 : memref<1x96xi32, #tpu.memory_space<vmem>> -> memref<96xi32, #tpu.memory_space<vmem>>
        %dma_wait3A_444 = arith.constant 0 : i32
        %dma_wait3A_445 = arith.constant 0 : i32
        %dma_wait3A_446 = tpu.memref_slice %arg2[%dma_wait3A_444, %dma_wait3A_445] : memref<10000x128xf32, #tpu.memory_space<hbm>> -> memref<10000x128xf32, #tpu.memory_space<hbm>>
        tpu.wait_indirect_dma semaphore(%arg16 : memref<!tpu.dma_semaphore, #tpu.memory_space<semaphore_mem>>) src(%dma_wait3A_446 : memref<10000x128xf32, #tpu.memory_space<hbm>>) dst(%dma_wait3A_440 : memref<96x128xf32, #tpu.memory_space<vmem>>)
        %dma_start3A = arith.constant 0 : i32
        %dma_start3A_447 = arith.constant 0 : i32
        %dma_start3A_448 = arith.constant 0 : i32
        %dma_start3A_449 = arith.constant 0 : i32
        %dma_start3A_450 = tpu.memref_slice %arg14[%dma_start3A, %dma_start3A_448, %dma_start3A_449] : memref<3x96x128xf32, #tpu.memory_space<vmem>> -> memref<1x96x128xf32, #tpu.memory_space<vmem>>
        %dma_start3A_451 = tpu.memref_squeeze %dma_start3A_450 : memref<1x96x128xf32, #tpu.memory_space<vmem>> -> memref<96x128xf32, #tpu.memory_space<vmem>>
        %dma_start3A_452 = arith.constant 0 : i32
        %dma_start3A_453 = tpu.memref_slice %arg13[%dma_start3A_447, %dma_start3A_452] : memref<3x96xi32, #tpu.memory_space<vmem>> -> memref<1x96xi32, #tpu.memory_space<vmem>>
        %dma_start3A_454 = tpu.memref_squeeze %dma_start3A_453 : memref<1x96xi32, #tpu.memory_space<vmem>> -> memref<96xi32, #tpu.memory_space<vmem>>
        %dma_start3A_455 = arith.constant 0 : i32
        %dma_start3A_456 = arith.constant 0 : i32
        %dma_start3A_457 = tpu.memref_slice %arg15[%dma_start3A_455, %dma_start3A_456] : memref<5128x128xf32, #tpu.memory_space<vmem_shared>> -> memref<5128x128xf32, #tpu.memory_space<vmem_shared>>
        tpu.enqueue_indirect_dma source(%dma_start3A_451 : memref<96x128xf32, #tpu.memory_space<vmem>>) target(%dma_start3A_457 : memref<5128x128xf32, #tpu.memory_space<vmem_shared>>) offsets(%dma_start3A_454 : memref<96xi32, #tpu.memory_space<vmem>>) semaphore(%arg17 : memref<!tpu.dma_semaphore, #tpu.memory_space<semaphore_mem>>) {add = true}
        %run_scoped3A_458 = arith.constant 0 : i32
        "tpu.region"() ({
          %run_scoped3A_459 = tpu.sem_alloc : memref<!tpu.dma_semaphore, #tpu.memory_space<semaphore_mem>>
          %dma_start3A_460 = arith.constant 0 : i32
          %dma_start3A_461 = tpu.memref_slice %arg13[%run_scoped3A_458, %dma_start3A_460] : memref<3x96xi32, #tpu.memory_space<vmem>> -> memref<1x96xi32, #tpu.memory_space<vmem>>
          %dma_start3A_462 = tpu.memref_squeeze %dma_start3A_461 : memref<1x96xi32, #tpu.memory_space<vmem>> -> memref<96xi32, #tpu.memory_space<vmem>>
          %dma_start3A_463 = arith.constant 0 : i32
          %dma_start3A_464 = tpu.memref_slice %arg19[%dma_start3A_463] : memref<5128xf32, #tpu.memory_space<vmem_shared>> -> memref<5128xf32, #tpu.memory_space<vmem_shared>>
          tpu.enqueue_indirect_dma source(%arg18 : memref<96xf32, #tpu.memory_space<vmem>>) target(%dma_start3A_464 : memref<5128xf32, #tpu.memory_space<vmem_shared>>) offsets(%dma_start3A_462 : memref<96xi32, #tpu.memory_space<vmem>>) semaphore(%run_scoped3A_459 : memref<!tpu.dma_semaphore, #tpu.memory_space<semaphore_mem>>) {add = true}
          %dma_wait3A_465 = arith.constant 0 : i32
          %dma_wait3A_466 = tpu.memref_slice %arg13[%run_scoped3A_458, %dma_wait3A_465] : memref<3x96xi32, #tpu.memory_space<vmem>> -> memref<1x96xi32, #tpu.memory_space<vmem>>
          %dma_wait3A_467 = tpu.memref_squeeze %dma_wait3A_466 : memref<1x96xi32, #tpu.memory_space<vmem>> -> memref<96xi32, #tpu.memory_space<vmem>>
          %dma_wait3A_468 = arith.constant 0 : i32
          %dma_wait3A_469 = tpu.memref_slice %arg19[%dma_wait3A_468] : memref<5128xf32, #tpu.memory_space<vmem_shared>> -> memref<5128xf32, #tpu.memory_space<vmem_shared>>
          tpu.wait_indirect_dma semaphore(%run_scoped3A_459 : memref<!tpu.dma_semaphore, #tpu.memory_space<semaphore_mem>>) src(%arg18 : memref<96xf32, #tpu.memory_space<vmem>>) dst(%dma_wait3A_469 : memref<5128xf32, #tpu.memory_space<vmem_shared>>)
          tpu.yield
        }) : () -> ()
      } else {
      }
      %add3A_406 = arith.constant 2 : i32
      %add3A_407 = arith.addi %add3A_401, %add3A_406 : i32
      %lt3A_408 = arith.cmpi slt, %add3A_407, %select_n3A : i32
      %convert_element_type3A_409 = arith.extui %lt3A_408 : i1 to i32
      %cond3A_410 = arith.constant 0 : i32
      %cond3A_411 = arith.cmpi ne, %convert_element_type3A_409, %cond3A_410 : i32
      scf.if %cond3A_411 {
        %add3A_436 = arith.constant 2 : i32
        %add3A_437 = arith.addi %add3A_401, %add3A_436 : i32
        %ge3A_438 = arith.constant 3 : i32
        %ge3A_439 = arith.cmpi sge, %add3A_437, %ge3A_438 : i32
        %convert_element_type3A_440 = arith.extui %ge3A_439 : i1 to i32
        %cond3A_441 = arith.constant 0 : i32
        %cond3A_442 = arith.cmpi ne, %convert_element_type3A_440, %cond3A_441 : i32
        scf.if %cond3A_442 {
          %dma_wait3A = arith.constant 2 : i32
          %dma_wait3A_565 = arith.constant 2 : i32
          %dma_wait3A_566 = arith.constant 0 : i32
          %dma_wait3A_567 = arith.constant 0 : i32
          %dma_wait3A_568 = tpu.memref_slice %arg14[%dma_wait3A, %dma_wait3A_566, %dma_wait3A_567] : memref<3x96x128xf32, #tpu.memory_space<vmem>> -> memref<1x96x128xf32, #tpu.memory_space<vmem>>
          %dma_wait3A_569 = tpu.memref_squeeze %dma_wait3A_568 : memref<1x96x128xf32, #tpu.memory_space<vmem>> -> memref<96x128xf32, #tpu.memory_space<vmem>>
          %dma_wait3A_570 = arith.constant 0 : i32
          %dma_wait3A_571 = tpu.memref_slice %arg13[%dma_wait3A_565, %dma_wait3A_570] : memref<3x96xi32, #tpu.memory_space<vmem>> -> memref<1x96xi32, #tpu.memory_space<vmem>>
          %dma_wait3A_572 = tpu.memref_squeeze %dma_wait3A_571 : memref<1x96xi32, #tpu.memory_space<vmem>> -> memref<96xi32, #tpu.memory_space<vmem>>
          %dma_wait3A_573 = arith.constant 0 : i32
          %dma_wait3A_574 = arith.constant 0 : i32
          %dma_wait3A_575 = tpu.memref_slice %arg15[%dma_wait3A_573, %dma_wait3A_574] : memref<5128x128xf32, #tpu.memory_space<vmem_shared>> -> memref<5128x128xf32, #tpu.memory_space<vmem_shared>>
          tpu.wait_indirect_dma semaphore(%arg17 : memref<!tpu.dma_semaphore, #tpu.memory_space<semaphore_mem>>) src(%dma_wait3A_569 : memref<96x128xf32, #tpu.memory_space<vmem>>) dst(%dma_wait3A_575 : memref<5128x128xf32, #tpu.memory_space<vmem_shared>>)
        } else {
        }
        %add3A_443 = arith.constant 2 : i32
        %add3A_444 = arith.addi %add3A_401, %add3A_443 : i32
        %mul3A_445 = arith.constant 96 : i32
        %mul3A_446 = arith.muli %add3A_444, %mul3A_445 : i32
        %add3A_447 = arith.constant 0 : i32
        %add3A_448 = arith.addi %mul3A_446, %add3A_447 : i32
        %get3A_449 = arith.index_cast %add3A_448 : i32 to index
        %get3A_450 = tpu.vector_load %arg11[%get3A_449] {strides = array<i32>} : memref<20096xi32, #tpu.memory_space<vmem>>, vector<16xi32>,
        %shift_right_logical3A = arith.constant 13 : i32
        %shift_right_logical3A_451 = vector.broadcast %shift_right_logical3A : i32 to vector<16xi32>
        %shift_right_logical3A_452 = arith.shrui %get3A_450, %shift_right_logical3A_451 : vector<16xi32>
        %swap3A_453 = arith.constant 2 : i32
        %swap3A_454 = arith.index_cast %swap3A_453 : i32 to index
        %swap3A_455 = arith.constant 0 : index
        %swap3A_456 = tpu.vector_load %arg12[%swap3A_454, %swap3A_455] {strides = array<i32>} : memref<3x96xi32, #tpu.memory_space<vmem>>, vector<16xi32>,
        tpu.vector_store %arg12[%swap3A_454, %swap3A_455], %shift_right_logical3A_452 {strides = array<i32>} : memref<3x96xi32, #tpu.memory_space<vmem>>, vector<16xi32>,
        %and3A_457 = arith.constant 8191 : i32
        %and3A_458 = vector.broadcast %and3A_457 : i32 to vector<16xi32>
        %and3A_459 = arith.andi %get3A_450, %and3A_458 : vector<16xi32>
        %swap3A_460 = arith.constant 2 : i32
        %swap3A_461 = arith.index_cast %swap3A_460 : i32 to index
        %swap3A_462 = arith.constant 0 : index
        %swap3A_463 = tpu.vector_load %arg13[%swap3A_461, %swap3A_462] {strides = array<i32>} : memref<3x96xi32, #tpu.memory_space<vmem>>, vector<16xi32>,
        tpu.vector_store %arg13[%swap3A_461, %swap3A_462], %and3A_459 {strides = array<i32>} : memref<3x96xi32, #tpu.memory_space<vmem>>, vector<16xi32>,
        %add3A_464 = arith.constant 16 : i32
        %add3A_465 = arith.addi %mul3A_446, %add3A_464 : i32
        %get3A_466 = arith.index_cast %add3A_465 : i32 to index
        %get3A_467 = tpu.vector_load %arg11[%get3A_466] {strides = array<i32>} : memref<20096xi32, #tpu.memory_space<vmem>>, vector<16xi32>,
        %shift_right_logical3A_468 = arith.constant 13 : i32
        %shift_right_logical3A_469 = vector.broadcast %shift_right_logical3A_468 : i32 to vector<16xi32>
        %shift_right_logical3A_470 = arith.shrui %get3A_467, %shift_right_logical3A_469 : vector<16xi32>
        %swap3A_471 = arith.constant 2 : i32
        %swap3A_472 = arith.index_cast %swap3A_471 : i32 to index
        %swap3A_473 = arith.constant 16 : index
        %swap3A_474 = tpu.vector_load %arg12[%swap3A_472, %swap3A_473] {strides = array<i32>} : memref<3x96xi32, #tpu.memory_space<vmem>>, vector<16xi32>,
        tpu.vector_store %arg12[%swap3A_472, %swap3A_473], %shift_right_logical3A_470 {strides = array<i32>} : memref<3x96xi32, #tpu.memory_space<vmem>>, vector<16xi32>,
        %and3A_475 = arith.constant 8191 : i32
        %and3A_476 = vector.broadcast %and3A_475 : i32 to vector<16xi32>
        %and3A_477 = arith.andi %get3A_467, %and3A_476 : vector<16xi32>
        %swap3A_478 = arith.constant 2 : i32
        %swap3A_479 = arith.index_cast %swap3A_478 : i32 to index
        %swap3A_480 = arith.constant 16 : index
        %swap3A_481 = tpu.vector_load %arg13[%swap3A_479, %swap3A_480] {strides = array<i32>} : memref<3x96xi32, #tpu.memory_space<vmem>>, vector<16xi32>,
        tpu.vector_store %arg13[%swap3A_479, %swap3A_480], %and3A_477 {strides = array<i32>} : memref<3x96xi32, #tpu.memory_space<vmem>>, vector<16xi32>,
        %add3A_482 = arith.constant 32 : i32
        %add3A_483 = arith.addi %mul3A_446, %add3A_482 : i32
        %get3A_484 = arith.index_cast %add3A_483 : i32 to index
        %get3A_485 = tpu.vector_load %arg11[%get3A_484] {strides = array<i32>} : memref<20096xi32, #tpu.memory_space<vmem>>, vector<16xi32>,
        %shift_right_logical3A_486 = arith.constant 13 : i32
        %shift_right_logical3A_487 = vector.broadcast %shift_right_logical3A_486 : i32 to vector<16xi32>
        %shift_right_logical3A_488 = arith.shrui %get3A_485, %shift_right_logical3A_487 : vector<16xi32>
        %swap3A_489 = arith.constant 2 : i32
        %swap3A_490 = arith.index_cast %swap3A_489 : i32 to index
        %swap3A_491 = arith.constant 32 : index
        %swap3A_492 = tpu.vector_load %arg12[%swap3A_490, %swap3A_491] {strides = array<i32>} : memref<3x96xi32, #tpu.memory_space<vmem>>, vector<16xi32>,
        tpu.vector_store %arg12[%swap3A_490, %swap3A_491], %shift_right_logical3A_488 {strides = array<i32>} : memref<3x96xi32, #tpu.memory_space<vmem>>, vector<16xi32>,
        %and3A_493 = arith.constant 8191 : i32
        %and3A_494 = vector.broadcast %and3A_493 : i32 to vector<16xi32>
        %and3A_495 = arith.andi %get3A_485, %and3A_494 : vector<16xi32>
        %swap3A_496 = arith.constant 2 : i32
        %swap3A_497 = arith.index_cast %swap3A_496 : i32 to index
        %swap3A_498 = arith.constant 32 : index
        %swap3A_499 = tpu.vector_load %arg13[%swap3A_497, %swap3A_498] {strides = array<i32>} : memref<3x96xi32, #tpu.memory_space<vmem>>, vector<16xi32>,
        tpu.vector_store %arg13[%swap3A_497, %swap3A_498], %and3A_495 {strides = array<i32>} : memref<3x96xi32, #tpu.memory_space<vmem>>, vector<16xi32>,
        %add3A_500 = arith.constant 48 : i32
        %add3A_501 = arith.addi %mul3A_446, %add3A_500 : i32
        %get3A_502 = arith.index_cast %add3A_501 : i32 to index
        %get3A_503 = tpu.vector_load %arg11[%get3A_502] {strides = array<i32>} : memref<20096xi32, #tpu.memory_space<vmem>>, vector<16xi32>,
        %shift_right_logical3A_504 = arith.constant 13 : i32
        %shift_right_logical3A_505 = vector.broadcast %shift_right_logical3A_504 : i32 to vector<16xi32>
        %shift_right_logical3A_506 = arith.shrui %get3A_503, %shift_right_logical3A_505 : vector<16xi32>
        %swap3A_507 = arith.constant 2 : i32
        %swap3A_508 = arith.index_cast %swap3A_507 : i32 to index
        %swap3A_509 = arith.constant 48 : index
        %swap3A_510 = tpu.vector_load %arg12[%swap3A_508, %swap3A_509] {strides = array<i32>} : memref<3x96xi32, #tpu.memory_space<vmem>>, vector<16xi32>,
        tpu.vector_store %arg12[%swap3A_508, %swap3A_509], %shift_right_logical3A_506 {strides = array<i32>} : memref<3x96xi32, #tpu.memory_space<vmem>>, vector<16xi32>,
        %and3A_511 = arith.constant 8191 : i32
        %and3A_512 = vector.broadcast %and3A_511 : i32 to vector<16xi32>
        %and3A_513 = arith.andi %get3A_503, %and3A_512 : vector<16xi32>
        %swap3A_514 = arith.constant 2 : i32
        %swap3A_515 = arith.index_cast %swap3A_514 : i32 to index
        %swap3A_516 = arith.constant 48 : index
        %swap3A_517 = tpu.vector_load %arg13[%swap3A_515, %swap3A_516] {strides = array<i32>} : memref<3x96xi32, #tpu.memory_space<vmem>>, vector<16xi32>,
        tpu.vector_store %arg13[%swap3A_515, %swap3A_516], %and3A_513 {strides = array<i32>} : memref<3x96xi32, #tpu.memory_space<vmem>>, vector<16xi32>,
        %add3A_518 = arith.constant 64 : i32
        %add3A_519 = arith.addi %mul3A_446, %add3A_518 : i32
        %get3A_520 = arith.index_cast %add3A_519 : i32 to index
        %get3A_521 = tpu.vector_load %arg11[%get3A_520] {strides = array<i32>} : memref<20096xi32, #tpu.memory_space<vmem>>, vector<16xi32>,
        %shift_right_logical3A_522 = arith.constant 13 : i32
        %shift_right_logical3A_523 = vector.broadcast %shift_right_logical3A_522 : i32 to vector<16xi32>
        %shift_right_logical3A_524 = arith.shrui %get3A_521, %shift_right_logical3A_523 : vector<16xi32>
        %swap3A_525 = arith.constant 2 : i32
        %swap3A_526 = arith.index_cast %swap3A_525 : i32 to index
        %swap3A_527 = arith.constant 64 : index
        %swap3A_528 = tpu.vector_load %arg12[%swap3A_526, %swap3A_527] {strides = array<i32>} : memref<3x96xi32, #tpu.memory_space<vmem>>, vector<16xi32>,
        tpu.vector_store %arg12[%swap3A_526, %swap3A_527], %shift_right_logical3A_524 {strides = array<i32>} : memref<3x96xi32, #tpu.memory_space<vmem>>, vector<16xi32>,
        %and3A_529 = arith.constant 8191 : i32
        %and3A_530 = vector.broadcast %and3A_529 : i32 to vector<16xi32>
        %and3A_531 = arith.andi %get3A_521, %and3A_530 : vector<16xi32>
        %swap3A_532 = arith.constant 2 : i32
        %swap3A_533 = arith.index_cast %swap3A_532 : i32 to index
        %swap3A_534 = arith.constant 64 : index
        %swap3A_535 = tpu.vector_load %arg13[%swap3A_533, %swap3A_534] {strides = array<i32>} : memref<3x96xi32, #tpu.memory_space<vmem>>, vector<16xi32>,
        tpu.vector_store %arg13[%swap3A_533, %swap3A_534], %and3A_531 {strides = array<i32>} : memref<3x96xi32, #tpu.memory_space<vmem>>, vector<16xi32>,
        %add3A_536 = arith.constant 80 : i32
        %add3A_537 = arith.addi %mul3A_446, %add3A_536 : i32
        %get3A_538 = arith.index_cast %add3A_537 : i32 to index
        %get3A_539 = tpu.vector_load %arg11[%get3A_538] {strides = array<i32>} : memref<20096xi32, #tpu.memory_space<vmem>>, vector<16xi32>,
        %shift_right_logical3A_540 = arith.constant 13 : i32
        %shift_right_logical3A_541 = vector.broadcast %shift_right_logical3A_540 : i32 to vector<16xi32>
        %shift_right_logical3A_542 = arith.shrui %get3A_539, %shift_right_logical3A_541 : vector<16xi32>
        %swap3A_543 = arith.constant 2 : i32
        %swap3A_544 = arith.index_cast %swap3A_543 : i32 to index
        %swap3A_545 = arith.constant 80 : index
        %swap3A_546 = tpu.vector_load %arg12[%swap3A_544, %swap3A_545] {strides = array<i32>} : memref<3x96xi32, #tpu.memory_space<vmem>>, vector<16xi32>,
        tpu.vector_store %arg12[%swap3A_544, %swap3A_545], %shift_right_logical3A_542 {strides = array<i32>} : memref<3x96xi32, #tpu.memory_space<vmem>>, vector<16xi32>,
        %and3A_547 = arith.constant 8191 : i32
        %and3A_548 = vector.broadcast %and3A_547 : i32 to vector<16xi32>
        %and3A_549 = arith.andi %get3A_539, %and3A_548 : vector<16xi32>
        %swap3A_550 = arith.constant 2 : i32
        %swap3A_551 = arith.index_cast %swap3A_550 : i32 to index
        %swap3A_552 = arith.constant 80 : index
        %swap3A_553 = tpu.vector_load %arg13[%swap3A_551, %swap3A_552] {strides = array<i32>} : memref<3x96xi32, #tpu.memory_space<vmem>>, vector<16xi32>,
        tpu.vector_store %arg13[%swap3A_551, %swap3A_552], %and3A_549 {strides = array<i32>} : memref<3x96xi32, #tpu.memory_space<vmem>>, vector<16xi32>,
        %dma_start3A = arith.constant 2 : i32
        %dma_start3A_554 = arith.constant 2 : i32
        %dma_start3A_555 = arith.constant 0 : i32
        %dma_start3A_556 = arith.constant 0 : i32
        %dma_start3A_557 = tpu.memref_slice %arg14[%dma_start3A_554, %dma_start3A_555, %dma_start3A_556] : memref<3x96x128xf32, #tpu.memory_space<vmem>> -> memref<1x96x128xf32, #tpu.memory_space<vmem>>
        %dma_start3A_558 = tpu.memref_squeeze %dma_start3A_557 : memref<1x96x128xf32, #tpu.memory_space<vmem>> -> memref<96x128xf32, #tpu.memory_space<vmem>>
        %dma_start3A_559 = arith.constant 0 : i32
        %dma_start3A_560 = tpu.memref_slice %arg12[%dma_start3A, %dma_start3A_559] : memref<3x96xi32, #tpu.memory_space<vmem>> -> memref<1x96xi32, #tpu.memory_space<vmem>>
        %dma_start3A_561 = tpu.memref_squeeze %dma_start3A_560 : memref<1x96xi32, #tpu.memory_space<vmem>> -> memref<96xi32, #tpu.memory_space<vmem>>
        %dma_start3A_562 = arith.constant 0 : i32
        %dma_start3A_563 = arith.constant 0 : i32
        %dma_start3A_564 = tpu.memref_slice %arg2[%dma_start3A_562, %dma_start3A_563] : memref<10000x128xf32, #tpu.memory_space<hbm>> -> memref<10000x128xf32, #tpu.memory_space<hbm>>
        tpu.enqueue_indirect_dma source(%dma_start3A_564 : memref<10000x128xf32, #tpu.memory_space<hbm>>) target(%dma_start3A_558 : memref<96x128xf32, #tpu.memory_space<vmem>>) offsets(%dma_start3A_561 : memref<96xi32, #tpu.memory_space<vmem>>) semaphore(%arg16 : memref<!tpu.dma_semaphore, #tpu.memory_space<semaphore_mem>>)
      } else {
      }
      %add3A_412 = arith.constant 1 : i32
      %add3A_413 = arith.addi %add3A_399, %add3A_412 : i32
      %lt3A_414 = arith.cmpi slt, %add3A_413, %select_n3A : i32
      %convert_element_type3A_415 = arith.extui %lt3A_414 : i1 to i32
      %cond3A_416 = arith.constant 0 : i32
      %cond3A_417 = arith.cmpi ne, %convert_element_type3A_415, %cond3A_416 : i32
      scf.if %cond3A_417 {
        %dma_wait3A = arith.constant 1 : i32
        %dma_wait3A_436 = arith.constant 1 : i32
        %dma_wait3A_437 = arith.constant 0 : i32
        %dma_wait3A_438 = arith.constant 0 : i32
        %dma_wait3A_439 = tpu.memref_slice %arg14[%dma_wait3A_436, %dma_wait3A_437, %dma_wait3A_438] : memref<3x96x128xf32, #tpu.memory_space<vmem>> -> memref<1x96x128xf32, #tpu.memory_space<vmem>>
        %dma_wait3A_440 = tpu.memref_squeeze %dma_wait3A_439 : memref<1x96x128xf32, #tpu.memory_space<vmem>> -> memref<96x128xf32, #tpu.memory_space<vmem>>
        %dma_wait3A_441 = arith.constant 0 : i32
        %dma_wait3A_442 = tpu.memref_slice %arg12[%dma_wait3A, %dma_wait3A_441] : memref<3x96xi32, #tpu.memory_space<vmem>> -> memref<1x96xi32, #tpu.memory_space<vmem>>
        %dma_wait3A_443 = tpu.memref_squeeze %dma_wait3A_442 : memref<1x96xi32, #tpu.memory_space<vmem>> -> memref<96xi32, #tpu.memory_space<vmem>>
        %dma_wait3A_444 = arith.constant 0 : i32
        %dma_wait3A_445 = arith.constant 0 : i32
        %dma_wait3A_446 = tpu.memref_slice %arg2[%dma_wait3A_444, %dma_wait3A_445] : memref<10000x128xf32, #tpu.memory_space<hbm>> -> memref<10000x128xf32, #tpu.memory_space<hbm>>
        tpu.wait_indirect_dma semaphore(%arg16 : memref<!tpu.dma_semaphore, #tpu.memory_space<semaphore_mem>>) src(%dma_wait3A_446 : memref<10000x128xf32, #tpu.memory_space<hbm>>) dst(%dma_wait3A_440 : memref<96x128xf32, #tpu.memory_space<vmem>>)
        %dma_start3A = arith.constant 1 : i32
        %dma_start3A_447 = arith.constant 1 : i32
        %dma_start3A_448 = arith.constant 0 : i32
        %dma_start3A_449 = arith.constant 0 : i32
        %dma_start3A_450 = tpu.memref_slice %arg14[%dma_start3A, %dma_start3A_448, %dma_start3A_449] : memref<3x96x128xf32, #tpu.memory_space<vmem>> -> memref<1x96x128xf32, #tpu.memory_space<vmem>>
        %dma_start3A_451 = tpu.memref_squeeze %dma_start3A_450 : memref<1x96x128xf32, #tpu.memory_space<vmem>> -> memref<96x128xf32, #tpu.memory_space<vmem>>
        %dma_start3A_452 = arith.constant 0 : i32
        %dma_start3A_453 = tpu.memref_slice %arg13[%dma_start3A_447, %dma_start3A_452] : memref<3x96xi32, #tpu.memory_space<vmem>> -> memref<1x96xi32, #tpu.memory_space<vmem>>
        %dma_start3A_454 = tpu.memref_squeeze %dma_start3A_453 : memref<1x96xi32, #tpu.memory_space<vmem>> -> memref<96xi32, #tpu.memory_space<vmem>>
        %dma_start3A_455 = arith.constant 0 : i32
        %dma_start3A_456 = arith.constant 0 : i32
        %dma_start3A_457 = tpu.memref_slice %arg15[%dma_start3A_455, %dma_start3A_456] : memref<5128x128xf32, #tpu.memory_space<vmem_shared>> -> memref<5128x128xf32, #tpu.memory_space<vmem_shared>>
        tpu.enqueue_indirect_dma source(%dma_start3A_451 : memref<96x128xf32, #tpu.memory_space<vmem>>) target(%dma_start3A_457 : memref<5128x128xf32, #tpu.memory_space<vmem_shared>>) offsets(%dma_start3A_454 : memref<96xi32, #tpu.memory_space<vmem>>) semaphore(%arg17 : memref<!tpu.dma_semaphore, #tpu.memory_space<semaphore_mem>>) {add = true}
        %run_scoped3A_458 = arith.constant 1 : i32
        "tpu.region"() ({
          %run_scoped3A_459 = tpu.sem_alloc : memref<!tpu.dma_semaphore, #tpu.memory_space<semaphore_mem>>
          %dma_start3A_460 = arith.constant 0 : i32
          %dma_start3A_461 = tpu.memref_slice %arg13[%run_scoped3A_458, %dma_start3A_460] : memref<3x96xi32, #tpu.memory_space<vmem>> -> memref<1x96xi32, #tpu.memory_space<vmem>>
          %dma_start3A_462 = tpu.memref_squeeze %dma_start3A_461 : memref<1x96xi32, #tpu.memory_space<vmem>> -> memref<96xi32, #tpu.memory_space<vmem>>
          %dma_start3A_463 = arith.constant 0 : i32
          %dma_start3A_464 = tpu.memref_slice %arg19[%dma_start3A_463] : memref<5128xf32, #tpu.memory_space<vmem_shared>> -> memref<5128xf32, #tpu.memory_space<vmem_shared>>
          tpu.enqueue_indirect_dma source(%arg18 : memref<96xf32, #tpu.memory_space<vmem>>) target(%dma_start3A_464 : memref<5128xf32, #tpu.memory_space<vmem_shared>>) offsets(%dma_start3A_462 : memref<96xi32, #tpu.memory_space<vmem>>) semaphore(%run_scoped3A_459 : memref<!tpu.dma_semaphore, #tpu.memory_space<semaphore_mem>>) {add = true}
          %dma_wait3A_465 = arith.constant 0 : i32
          %dma_wait3A_466 = tpu.memref_slice %arg13[%run_scoped3A_458, %dma_wait3A_465] : memref<3x96xi32, #tpu.memory_space<vmem>> -> memref<1x96xi32, #tpu.memory_space<vmem>>
          %dma_wait3A_467 = tpu.memref_squeeze %dma_wait3A_466 : memref<1x96xi32, #tpu.memory_space<vmem>> -> memref<96xi32, #tpu.memory_space<vmem>>
          %dma_wait3A_468 = arith.constant 0 : i32
          %dma_wait3A_469 = tpu.memref_slice %arg19[%dma_wait3A_468] : memref<5128xf32, #tpu.memory_space<vmem_shared>> -> memref<5128xf32, #tpu.memory_space<vmem_shared>>
          tpu.wait_indirect_dma semaphore(%run_scoped3A_459 : memref<!tpu.dma_semaphore, #tpu.memory_space<semaphore_mem>>) src(%arg18 : memref<96xf32, #tpu.memory_space<vmem>>) dst(%dma_wait3A_469 : memref<5128xf32, #tpu.memory_space<vmem_shared>>)
          tpu.yield
        }) : () -> ()
      } else {
      }
      %add3A_418 = arith.constant 2 : i32
      %add3A_419 = arith.addi %add3A_413, %add3A_418 : i32
      %lt3A_420 = arith.cmpi slt, %add3A_419, %select_n3A : i32
      %convert_element_type3A_421 = arith.extui %lt3A_420 : i1 to i32
      %cond3A_422 = arith.constant 0 : i32
      %cond3A_423 = arith.cmpi ne, %convert_element_type3A_421, %cond3A_422 : i32
      scf.if %cond3A_423 {
        %add3A_436 = arith.constant 2 : i32
        %add3A_437 = arith.addi %add3A_413, %add3A_436 : i32
        %ge3A_438 = arith.constant 3 : i32
        %ge3A_439 = arith.cmpi sge, %add3A_437, %ge3A_438 : i32
        %convert_element_type3A_440 = arith.extui %ge3A_439 : i1 to i32
        %cond3A_441 = arith.constant 0 : i32
        %cond3A_442 = arith.cmpi ne, %convert_element_type3A_440, %cond3A_441 : i32
        scf.if %cond3A_442 {
          %dma_wait3A = arith.constant 0 : i32
          %dma_wait3A_565 = arith.constant 0 : i32
          %dma_wait3A_566 = arith.constant 0 : i32
          %dma_wait3A_567 = arith.constant 0 : i32
          %dma_wait3A_568 = tpu.memref_slice %arg14[%dma_wait3A, %dma_wait3A_566, %dma_wait3A_567] : memref<3x96x128xf32, #tpu.memory_space<vmem>> -> memref<1x96x128xf32, #tpu.memory_space<vmem>>
          %dma_wait3A_569 = tpu.memref_squeeze %dma_wait3A_568 : memref<1x96x128xf32, #tpu.memory_space<vmem>> -> memref<96x128xf32, #tpu.memory_space<vmem>>
          %dma_wait3A_570 = arith.constant 0 : i32
          %dma_wait3A_571 = tpu.memref_slice %arg13[%dma_wait3A_565, %dma_wait3A_570] : memref<3x96xi32, #tpu.memory_space<vmem>> -> memref<1x96xi32, #tpu.memory_space<vmem>>
          %dma_wait3A_572 = tpu.memref_squeeze %dma_wait3A_571 : memref<1x96xi32, #tpu.memory_space<vmem>> -> memref<96xi32, #tpu.memory_space<vmem>>
          %dma_wait3A_573 = arith.constant 0 : i32
          %dma_wait3A_574 = arith.constant 0 : i32
          %dma_wait3A_575 = tpu.memref_slice %arg15[%dma_wait3A_573, %dma_wait3A_574] : memref<5128x128xf32, #tpu.memory_space<vmem_shared>> -> memref<5128x128xf32, #tpu.memory_space<vmem_shared>>
          tpu.wait_indirect_dma semaphore(%arg17 : memref<!tpu.dma_semaphore, #tpu.memory_space<semaphore_mem>>) src(%dma_wait3A_569 : memref<96x128xf32, #tpu.memory_space<vmem>>) dst(%dma_wait3A_575 : memref<5128x128xf32, #tpu.memory_space<vmem_shared>>)
        } else {
        }
        %add3A_443 = arith.constant 2 : i32
        %add3A_444 = arith.addi %add3A_413, %add3A_443 : i32
        %mul3A_445 = arith.constant 96 : i32
        %mul3A_446 = arith.muli %add3A_444, %mul3A_445 : i32
        %add3A_447 = arith.constant 0 : i32
        %add3A_448 = arith.addi %mul3A_446, %add3A_447 : i32
        %get3A_449 = arith.index_cast %add3A_448 : i32 to index
        %get3A_450 = tpu.vector_load %arg11[%get3A_449] {strides = array<i32>} : memref<20096xi32, #tpu.memory_space<vmem>>, vector<16xi32>,
        %shift_right_logical3A = arith.constant 13 : i32
        %shift_right_logical3A_451 = vector.broadcast %shift_right_logical3A : i32 to vector<16xi32>
        %shift_right_logical3A_452 = arith.shrui %get3A_450, %shift_right_logical3A_451 : vector<16xi32>
        %swap3A_453 = arith.constant 0 : i32
        %swap3A_454 = arith.index_cast %swap3A_453 : i32 to index
        %swap3A_455 = arith.constant 0 : index
        %swap3A_456 = tpu.vector_load %arg12[%swap3A_454, %swap3A_455] {strides = array<i32>} : memref<3x96xi32, #tpu.memory_space<vmem>>, vector<16xi32>,
        tpu.vector_store %arg12[%swap3A_454, %swap3A_455], %shift_right_logical3A_452 {strides = array<i32>} : memref<3x96xi32, #tpu.memory_space<vmem>>, vector<16xi32>,
        %and3A_457 = arith.constant 8191 : i32
        %and3A_458 = vector.broadcast %and3A_457 : i32 to vector<16xi32>
        %and3A_459 = arith.andi %get3A_450, %and3A_458 : vector<16xi32>
        %swap3A_460 = arith.constant 0 : i32
        %swap3A_461 = arith.index_cast %swap3A_460 : i32 to index
        %swap3A_462 = arith.constant 0 : index
        %swap3A_463 = tpu.vector_load %arg13[%swap3A_461, %swap3A_462] {strides = array<i32>} : memref<3x96xi32, #tpu.memory_space<vmem>>, vector<16xi32>,
        tpu.vector_store %arg13[%swap3A_461, %swap3A_462], %and3A_459 {strides = array<i32>} : memref<3x96xi32, #tpu.memory_space<vmem>>, vector<16xi32>,
        %add3A_464 = arith.constant 16 : i32
        %add3A_465 = arith.addi %mul3A_446, %add3A_464 : i32
        %get3A_466 = arith.index_cast %add3A_465 : i32 to index
        %get3A_467 = tpu.vector_load %arg11[%get3A_466] {strides = array<i32>} : memref<20096xi32, #tpu.memory_space<vmem>>, vector<16xi32>,
        %shift_right_logical3A_468 = arith.constant 13 : i32
        %shift_right_logical3A_469 = vector.broadcast %shift_right_logical3A_468 : i32 to vector<16xi32>
        %shift_right_logical3A_470 = arith.shrui %get3A_467, %shift_right_logical3A_469 : vector<16xi32>
        %swap3A_471 = arith.constant 0 : i32
        %swap3A_472 = arith.index_cast %swap3A_471 : i32 to index
        %swap3A_473 = arith.constant 16 : index
        %swap3A_474 = tpu.vector_load %arg12[%swap3A_472, %swap3A_473] {strides = array<i32>} : memref<3x96xi32, #tpu.memory_space<vmem>>, vector<16xi32>,
        tpu.vector_store %arg12[%swap3A_472, %swap3A_473], %shift_right_logical3A_470 {strides = array<i32>} : memref<3x96xi32, #tpu.memory_space<vmem>>, vector<16xi32>,
        %and3A_475 = arith.constant 8191 : i32
        %and3A_476 = vector.broadcast %and3A_475 : i32 to vector<16xi32>
        %and3A_477 = arith.andi %get3A_467, %and3A_476 : vector<16xi32>
        %swap3A_478 = arith.constant 0 : i32
        %swap3A_479 = arith.index_cast %swap3A_478 : i32 to index
        %swap3A_480 = arith.constant 16 : index
        %swap3A_481 = tpu.vector_load %arg13[%swap3A_479, %swap3A_480] {strides = array<i32>} : memref<3x96xi32, #tpu.memory_space<vmem>>, vector<16xi32>,
        tpu.vector_store %arg13[%swap3A_479, %swap3A_480], %and3A_477 {strides = array<i32>} : memref<3x96xi32, #tpu.memory_space<vmem>>, vector<16xi32>,
        %add3A_482 = arith.constant 32 : i32
        %add3A_483 = arith.addi %mul3A_446, %add3A_482 : i32
        %get3A_484 = arith.index_cast %add3A_483 : i32 to index
        %get3A_485 = tpu.vector_load %arg11[%get3A_484] {strides = array<i32>} : memref<20096xi32, #tpu.memory_space<vmem>>, vector<16xi32>,
        %shift_right_logical3A_486 = arith.constant 13 : i32
        %shift_right_logical3A_487 = vector.broadcast %shift_right_logical3A_486 : i32 to vector<16xi32>
        %shift_right_logical3A_488 = arith.shrui %get3A_485, %shift_right_logical3A_487 : vector<16xi32>
        %swap3A_489 = arith.constant 0 : i32
        %swap3A_490 = arith.index_cast %swap3A_489 : i32 to index
        %swap3A_491 = arith.constant 32 : index
        %swap3A_492 = tpu.vector_load %arg12[%swap3A_490, %swap3A_491] {strides = array<i32>} : memref<3x96xi32, #tpu.memory_space<vmem>>, vector<16xi32>,
        tpu.vector_store %arg12[%swap3A_490, %swap3A_491], %shift_right_logical3A_488 {strides = array<i32>} : memref<3x96xi32, #tpu.memory_space<vmem>>, vector<16xi32>,
        %and3A_493 = arith.constant 8191 : i32
        %and3A_494 = vector.broadcast %and3A_493 : i32 to vector<16xi32>
        %and3A_495 = arith.andi %get3A_485, %and3A_494 : vector<16xi32>
        %swap3A_496 = arith.constant 0 : i32
        %swap3A_497 = arith.index_cast %swap3A_496 : i32 to index
        %swap3A_498 = arith.constant 32 : index
        %swap3A_499 = tpu.vector_load %arg13[%swap3A_497, %swap3A_498] {strides = array<i32>} : memref<3x96xi32, #tpu.memory_space<vmem>>, vector<16xi32>,
        tpu.vector_store %arg13[%swap3A_497, %swap3A_498], %and3A_495 {strides = array<i32>} : memref<3x96xi32, #tpu.memory_space<vmem>>, vector<16xi32>,
        %add3A_500 = arith.constant 48 : i32
        %add3A_501 = arith.addi %mul3A_446, %add3A_500 : i32
        %get3A_502 = arith.index_cast %add3A_501 : i32 to index
        %get3A_503 = tpu.vector_load %arg11[%get3A_502] {strides = array<i32>} : memref<20096xi32, #tpu.memory_space<vmem>>, vector<16xi32>,
        %shift_right_logical3A_504 = arith.constant 13 : i32
        %shift_right_logical3A_505 = vector.broadcast %shift_right_logical3A_504 : i32 to vector<16xi32>
        %shift_right_logical3A_506 = arith.shrui %get3A_503, %shift_right_logical3A_505 : vector<16xi32>
        %swap3A_507 = arith.constant 0 : i32
        %swap3A_508 = arith.index_cast %swap3A_507 : i32 to index
        %swap3A_509 = arith.constant 48 : index
        %swap3A_510 = tpu.vector_load %arg12[%swap3A_508, %swap3A_509] {strides = array<i32>} : memref<3x96xi32, #tpu.memory_space<vmem>>, vector<16xi32>,
        tpu.vector_store %arg12[%swap3A_508, %swap3A_509], %shift_right_logical3A_506 {strides = array<i32>} : memref<3x96xi32, #tpu.memory_space<vmem>>, vector<16xi32>,
        %and3A_511 = arith.constant 8191 : i32
        %and3A_512 = vector.broadcast %and3A_511 : i32 to vector<16xi32>
        %and3A_513 = arith.andi %get3A_503, %and3A_512 : vector<16xi32>
        %swap3A_514 = arith.constant 0 : i32
        %swap3A_515 = arith.index_cast %swap3A_514 : i32 to index
        %swap3A_516 = arith.constant 48 : index
        %swap3A_517 = tpu.vector_load %arg13[%swap3A_515, %swap3A_516] {strides = array<i32>} : memref<3x96xi32, #tpu.memory_space<vmem>>, vector<16xi32>,
        tpu.vector_store %arg13[%swap3A_515, %swap3A_516], %and3A_513 {strides = array<i32>} : memref<3x96xi32, #tpu.memory_space<vmem>>, vector<16xi32>,
        %add3A_518 = arith.constant 64 : i32
        %add3A_519 = arith.addi %mul3A_446, %add3A_518 : i32
        %get3A_520 = arith.index_cast %add3A_519 : i32 to index
        %get3A_521 = tpu.vector_load %arg11[%get3A_520] {strides = array<i32>} : memref<20096xi32, #tpu.memory_space<vmem>>, vector<16xi32>,
        %shift_right_logical3A_522 = arith.constant 13 : i32
        %shift_right_logical3A_523 = vector.broadcast %shift_right_logical3A_522 : i32 to vector<16xi32>
        %shift_right_logical3A_524 = arith.shrui %get3A_521, %shift_right_logical3A_523 : vector<16xi32>
        %swap3A_525 = arith.constant 0 : i32
        %swap3A_526 = arith.index_cast %swap3A_525 : i32 to index
        %swap3A_527 = arith.constant 64 : index
        %swap3A_528 = tpu.vector_load %arg12[%swap3A_526, %swap3A_527] {strides = array<i32>} : memref<3x96xi32, #tpu.memory_space<vmem>>, vector<16xi32>,
        tpu.vector_store %arg12[%swap3A_526, %swap3A_527], %shift_right_logical3A_524 {strides = array<i32>} : memref<3x96xi32, #tpu.memory_space<vmem>>, vector<16xi32>,
        %and3A_529 = arith.constant 8191 : i32
        %and3A_530 = vector.broadcast %and3A_529 : i32 to vector<16xi32>
        %and3A_531 = arith.andi %get3A_521, %and3A_530 : vector<16xi32>
        %swap3A_532 = arith.constant 0 : i32
        %swap3A_533 = arith.index_cast %swap3A_532 : i32 to index
        %swap3A_534 = arith.constant 64 : index
        %swap3A_535 = tpu.vector_load %arg13[%swap3A_533, %swap3A_534] {strides = array<i32>} : memref<3x96xi32, #tpu.memory_space<vmem>>, vector<16xi32>,
        tpu.vector_store %arg13[%swap3A_533, %swap3A_534], %and3A_531 {strides = array<i32>} : memref<3x96xi32, #tpu.memory_space<vmem>>, vector<16xi32>,
        %add3A_536 = arith.constant 80 : i32
        %add3A_537 = arith.addi %mul3A_446, %add3A_536 : i32
        %get3A_538 = arith.index_cast %add3A_537 : i32 to index
        %get3A_539 = tpu.vector_load %arg11[%get3A_538] {strides = array<i32>} : memref<20096xi32, #tpu.memory_space<vmem>>, vector<16xi32>,
        %shift_right_logical3A_540 = arith.constant 13 : i32
        %shift_right_logical3A_541 = vector.broadcast %shift_right_logical3A_540 : i32 to vector<16xi32>
        %shift_right_logical3A_542 = arith.shrui %get3A_539, %shift_right_logical3A_541 : vector<16xi32>
        %swap3A_543 = arith.constant 0 : i32
        %swap3A_544 = arith.index_cast %swap3A_543 : i32 to index
        %swap3A_545 = arith.constant 80 : index
        %swap3A_546 = tpu.vector_load %arg12[%swap3A_544, %swap3A_545] {strides = array<i32>} : memref<3x96xi32, #tpu.memory_space<vmem>>, vector<16xi32>,
        tpu.vector_store %arg12[%swap3A_544, %swap3A_545], %shift_right_logical3A_542 {strides = array<i32>} : memref<3x96xi32, #tpu.memory_space<vmem>>, vector<16xi32>,
        %and3A_547 = arith.constant 8191 : i32
        %and3A_548 = vector.broadcast %and3A_547 : i32 to vector<16xi32>
        %and3A_549 = arith.andi %get3A_539, %and3A_548 : vector<16xi32>
        %swap3A_550 = arith.constant 0 : i32
        %swap3A_551 = arith.index_cast %swap3A_550 : i32 to index
        %swap3A_552 = arith.constant 80 : index
        %swap3A_553 = tpu.vector_load %arg13[%swap3A_551, %swap3A_552] {strides = array<i32>} : memref<3x96xi32, #tpu.memory_space<vmem>>, vector<16xi32>,
        tpu.vector_store %arg13[%swap3A_551, %swap3A_552], %and3A_549 {strides = array<i32>} : memref<3x96xi32, #tpu.memory_space<vmem>>, vector<16xi32>,
        %dma_start3A = arith.constant 0 : i32
        %dma_start3A_554 = arith.constant 0 : i32
        %dma_start3A_555 = arith.constant 0 : i32
        %dma_start3A_556 = arith.constant 0 : i32
        %dma_start3A_557 = tpu.memref_slice %arg14[%dma_start3A_554, %dma_start3A_555, %dma_start3A_556] : memref<3x96x128xf32, #tpu.memory_space<vmem>> -> memref<1x96x128xf32, #tpu.memory_space<vmem>>
        %dma_start3A_558 = tpu.memref_squeeze %dma_start3A_557 : memref<1x96x128xf32, #tpu.memory_space<vmem>> -> memref<96x128xf32, #tpu.memory_space<vmem>>
        %dma_start3A_559 = arith.constant 0 : i32
        %dma_start3A_560 = tpu.memref_slice %arg12[%dma_start3A, %dma_start3A_559] : memref<3x96xi32, #tpu.memory_space<vmem>> -> memref<1x96xi32, #tpu.memory_space<vmem>>
        %dma_start3A_561 = tpu.memref_squeeze %dma_start3A_560 : memref<1x96xi32, #tpu.memory_space<vmem>> -> memref<96xi32, #tpu.memory_space<vmem>>
        %dma_start3A_562 = arith.constant 0 : i32
        %dma_start3A_563 = arith.constant 0 : i32
        %dma_start3A_564 = tpu.memref_slice %arg2[%dma_start3A_562, %dma_start3A_563] : memref<10000x128xf32, #tpu.memory_space<hbm>> -> memref<10000x128xf32, #tpu.memory_space<hbm>>
        tpu.enqueue_indirect_dma source(%dma_start3A_564 : memref<10000x128xf32, #tpu.memory_space<hbm>>) target(%dma_start3A_558 : memref<96x128xf32, #tpu.memory_space<vmem>>) offsets(%dma_start3A_561 : memref<96xi32, #tpu.memory_space<vmem>>) semaphore(%arg16 : memref<!tpu.dma_semaphore, #tpu.memory_space<semaphore_mem>>)
      } else {
      }
      %add3A_424 = arith.constant 2 : i32
      %add3A_425 = arith.addi %add3A_399, %add3A_424 : i32
      %lt3A_426 = arith.cmpi slt, %add3A_425, %select_n3A : i32
      %convert_element_type3A_427 = arith.extui %lt3A_426 : i1 to i32
      %cond3A_428 = arith.constant 0 : i32
      %cond3A_429 = arith.cmpi ne, %convert_element_type3A_427, %cond3A_428 : i32
      scf.if %cond3A_429 {
        %dma_wait3A = arith.constant 2 : i32
        %dma_wait3A_436 = arith.constant 2 : i32
        %dma_wait3A_437 = arith.constant 0 : i32
        %dma_wait3A_438 = arith.constant 0 : i32
        %dma_wait3A_439 = tpu.memref_slice %arg14[%dma_wait3A_436, %dma_wait3A_437, %dma_wait3A_438] : memref<3x96x128xf32, #tpu.memory_space<vmem>> -> memref<1x96x128xf32, #tpu.memory_space<vmem>>
        %dma_wait3A_440 = tpu.memref_squeeze %dma_wait3A_439 : memref<1x96x128xf32, #tpu.memory_space<vmem>> -> memref<96x128xf32, #tpu.memory_space<vmem>>
        %dma_wait3A_441 = arith.constant 0 : i32
        %dma_wait3A_442 = tpu.memref_slice %arg12[%dma_wait3A, %dma_wait3A_441] : memref<3x96xi32, #tpu.memory_space<vmem>> -> memref<1x96xi32, #tpu.memory_space<vmem>>
        %dma_wait3A_443 = tpu.memref_squeeze %dma_wait3A_442 : memref<1x96xi32, #tpu.memory_space<vmem>> -> memref<96xi32, #tpu.memory_space<vmem>>
        %dma_wait3A_444 = arith.constant 0 : i32
        %dma_wait3A_445 = arith.constant 0 : i32
        %dma_wait3A_446 = tpu.memref_slice %arg2[%dma_wait3A_444, %dma_wait3A_445] : memref<10000x128xf32, #tpu.memory_space<hbm>> -> memref<10000x128xf32, #tpu.memory_space<hbm>>
        tpu.wait_indirect_dma semaphore(%arg16 : memref<!tpu.dma_semaphore, #tpu.memory_space<semaphore_mem>>) src(%dma_wait3A_446 : memref<10000x128xf32, #tpu.memory_space<hbm>>) dst(%dma_wait3A_440 : memref<96x128xf32, #tpu.memory_space<vmem>>)
        %dma_start3A = arith.constant 2 : i32
        %dma_start3A_447 = arith.constant 2 : i32
        %dma_start3A_448 = arith.constant 0 : i32
        %dma_start3A_449 = arith.constant 0 : i32
        %dma_start3A_450 = tpu.memref_slice %arg14[%dma_start3A, %dma_start3A_448, %dma_start3A_449] : memref<3x96x128xf32, #tpu.memory_space<vmem>> -> memref<1x96x128xf32, #tpu.memory_space<vmem>>
        %dma_start3A_451 = tpu.memref_squeeze %dma_start3A_450 : memref<1x96x128xf32, #tpu.memory_space<vmem>> -> memref<96x128xf32, #tpu.memory_space<vmem>>
        %dma_start3A_452 = arith.constant 0 : i32
        %dma_start3A_453 = tpu.memref_slice %arg13[%dma_start3A_447, %dma_start3A_452] : memref<3x96xi32, #tpu.memory_space<vmem>> -> memref<1x96xi32, #tpu.memory_space<vmem>>
        %dma_start3A_454 = tpu.memref_squeeze %dma_start3A_453 : memref<1x96xi32, #tpu.memory_space<vmem>> -> memref<96xi32, #tpu.memory_space<vmem>>
        %dma_start3A_455 = arith.constant 0 : i32
        %dma_start3A_456 = arith.constant 0 : i32
        %dma_start3A_457 = tpu.memref_slice %arg15[%dma_start3A_455, %dma_start3A_456] : memref<5128x128xf32, #tpu.memory_space<vmem_shared>> -> memref<5128x128xf32, #tpu.memory_space<vmem_shared>>
        tpu.enqueue_indirect_dma source(%dma_start3A_451 : memref<96x128xf32, #tpu.memory_space<vmem>>) target(%dma_start3A_457 : memref<5128x128xf32, #tpu.memory_space<vmem_shared>>) offsets(%dma_start3A_454 : memref<96xi32, #tpu.memory_space<vmem>>) semaphore(%arg17 : memref<!tpu.dma_semaphore, #tpu.memory_space<semaphore_mem>>) {add = true}
        %run_scoped3A_458 = arith.constant 2 : i32
        "tpu.region"() ({
          %run_scoped3A_459 = tpu.sem_alloc : memref<!tpu.dma_semaphore, #tpu.memory_space<semaphore_mem>>
          %dma_start3A_460 = arith.constant 0 : i32
          %dma_start3A_461 = tpu.memref_slice %arg13[%run_scoped3A_458, %dma_start3A_460] : memref<3x96xi32, #tpu.memory_space<vmem>> -> memref<1x96xi32, #tpu.memory_space<vmem>>
          %dma_start3A_462 = tpu.memref_squeeze %dma_start3A_461 : memref<1x96xi32, #tpu.memory_space<vmem>> -> memref<96xi32, #tpu.memory_space<vmem>>
          %dma_start3A_463 = arith.constant 0 : i32
          %dma_start3A_464 = tpu.memref_slice %arg19[%dma_start3A_463] : memref<5128xf32, #tpu.memory_space<vmem_shared>> -> memref<5128xf32, #tpu.memory_space<vmem_shared>>
          tpu.enqueue_indirect_dma source(%arg18 : memref<96xf32, #tpu.memory_space<vmem>>) target(%dma_start3A_464 : memref<5128xf32, #tpu.memory_space<vmem_shared>>) offsets(%dma_start3A_462 : memref<96xi32, #tpu.memory_space<vmem>>) semaphore(%run_scoped3A_459 : memref<!tpu.dma_semaphore, #tpu.memory_space<semaphore_mem>>) {add = true}
          %dma_wait3A_465 = arith.constant 0 : i32
          %dma_wait3A_466 = tpu.memref_slice %arg13[%run_scoped3A_458, %dma_wait3A_465] : memref<3x96xi32, #tpu.memory_space<vmem>> -> memref<1x96xi32, #tpu.memory_space<vmem>>
          %dma_wait3A_467 = tpu.memref_squeeze %dma_wait3A_466 : memref<1x96xi32, #tpu.memory_space<vmem>> -> memref<96xi32, #tpu.memory_space<vmem>>
          %dma_wait3A_468 = arith.constant 0 : i32
          %dma_wait3A_469 = tpu.memref_slice %arg19[%dma_wait3A_468] : memref<5128xf32, #tpu.memory_space<vmem_shared>> -> memref<5128xf32, #tpu.memory_space<vmem_shared>>
          tpu.wait_indirect_dma semaphore(%run_scoped3A_459 : memref<!tpu.dma_semaphore, #tpu.memory_space<semaphore_mem>>) src(%arg18 : memref<96xf32, #tpu.memory_space<vmem>>) dst(%dma_wait3A_469 : memref<5128xf32, #tpu.memory_space<vmem_shared>>)
          tpu.yield
        }) : () -> ()
      } else {
      }
      %add3A_430 = arith.constant 2 : i32
      %add3A_431 = arith.addi %add3A_425, %add3A_430 : i32
      %lt3A_432 = arith.cmpi slt, %add3A_431, %select_n3A : i32
      %convert_element_type3A_433 = arith.extui %lt3A_432 : i1 to i32
      %cond3A_434 = arith.constant 0 : i32
      %cond3A_435 = arith.cmpi ne, %convert_element_type3A_433, %cond3A_434 : i32
      scf.if %cond3A_435 {
        %add3A_436 = arith.constant 2 : i32
        %add3A_437 = arith.addi %add3A_425, %add3A_436 : i32
        %ge3A_438 = arith.constant 3 : i32
        %ge3A_439 = arith.cmpi sge, %add3A_437, %ge3A_438 : i32
        %convert_element_type3A_440 = arith.extui %ge3A_439 : i1 to i32
        %cond3A_441 = arith.constant 0 : i32
        %cond3A_442 = arith.cmpi ne, %convert_element_type3A_440, %cond3A_441 : i32
        scf.if %cond3A_442 {
          %dma_wait3A = arith.constant 1 : i32
          %dma_wait3A_565 = arith.constant 1 : i32
          %dma_wait3A_566 = arith.constant 0 : i32
          %dma_wait3A_567 = arith.constant 0 : i32
          %dma_wait3A_568 = tpu.memref_slice %arg14[%dma_wait3A, %dma_wait3A_566, %dma_wait3A_567] : memref<3x96x128xf32, #tpu.memory_space<vmem>> -> memref<1x96x128xf32, #tpu.memory_space<vmem>>
          %dma_wait3A_569 = tpu.memref_squeeze %dma_wait3A_568 : memref<1x96x128xf32, #tpu.memory_space<vmem>> -> memref<96x128xf32, #tpu.memory_space<vmem>>
          %dma_wait3A_570 = arith.constant 0 : i32
          %dma_wait3A_571 = tpu.memref_slice %arg13[%dma_wait3A_565, %dma_wait3A_570] : memref<3x96xi32, #tpu.memory_space<vmem>> -> memref<1x96xi32, #tpu.memory_space<vmem>>
          %dma_wait3A_572 = tpu.memref_squeeze %dma_wait3A_571 : memref<1x96xi32, #tpu.memory_space<vmem>> -> memref<96xi32, #tpu.memory_space<vmem>>
          %dma_wait3A_573 = arith.constant 0 : i32
          %dma_wait3A_574 = arith.constant 0 : i32
          %dma_wait3A_575 = tpu.memref_slice %arg15[%dma_wait3A_573, %dma_wait3A_574] : memref<5128x128xf32, #tpu.memory_space<vmem_shared>> -> memref<5128x128xf32, #tpu.memory_space<vmem_shared>>
          tpu.wait_indirect_dma semaphore(%arg17 : memref<!tpu.dma_semaphore, #tpu.memory_space<semaphore_mem>>) src(%dma_wait3A_569 : memref<96x128xf32, #tpu.memory_space<vmem>>) dst(%dma_wait3A_575 : memref<5128x128xf32, #tpu.memory_space<vmem_shared>>)
        } else {
        }
        %add3A_443 = arith.constant 2 : i32
        %add3A_444 = arith.addi %add3A_425, %add3A_443 : i32
        %mul3A_445 = arith.constant 96 : i32
        %mul3A_446 = arith.muli %add3A_444, %mul3A_445 : i32
        %add3A_447 = arith.constant 0 : i32
        %add3A_448 = arith.addi %mul3A_446, %add3A_447 : i32
        %get3A_449 = arith.index_cast %add3A_448 : i32 to index
        %get3A_450 = tpu.vector_load %arg11[%get3A_449] {strides = array<i32>} : memref<20096xi32, #tpu.memory_space<vmem>>, vector<16xi32>,
        %shift_right_logical3A = arith.constant 13 : i32
        %shift_right_logical3A_451 = vector.broadcast %shift_right_logical3A : i32 to vector<16xi32>
        %shift_right_logical3A_452 = arith.shrui %get3A_450, %shift_right_logical3A_451 : vector<16xi32>
        %swap3A_453 = arith.constant 1 : i32
        %swap3A_454 = arith.index_cast %swap3A_453 : i32 to index
        %swap3A_455 = arith.constant 0 : index
        %swap3A_456 = tpu.vector_load %arg12[%swap3A_454, %swap3A_455] {strides = array<i32>} : memref<3x96xi32, #tpu.memory_space<vmem>>, vector<16xi32>,
        tpu.vector_store %arg12[%swap3A_454, %swap3A_455], %shift_right_logical3A_452 {strides = array<i32>} : memref<3x96xi32, #tpu.memory_space<vmem>>, vector<16xi32>,
        %and3A_457 = arith.constant 8191 : i32
        %and3A_458 = vector.broadcast %and3A_457 : i32 to vector<16xi32>
        %and3A_459 = arith.andi %get3A_450, %and3A_458 : vector<16xi32>
        %swap3A_460 = arith.constant 1 : i32
        %swap3A_461 = arith.index_cast %swap3A_460 : i32 to index
        %swap3A_462 = arith.constant 0 : index
        %swap3A_463 = tpu.vector_load %arg13[%swap3A_461, %swap3A_462] {strides = array<i32>} : memref<3x96xi32, #tpu.memory_space<vmem>>, vector<16xi32>,
        tpu.vector_store %arg13[%swap3A_461, %swap3A_462], %and3A_459 {strides = array<i32>} : memref<3x96xi32, #tpu.memory_space<vmem>>, vector<16xi32>,
        %add3A_464 = arith.constant 16 : i32
        %add3A_465 = arith.addi %mul3A_446, %add3A_464 : i32
        %get3A_466 = arith.index_cast %add3A_465 : i32 to index
        %get3A_467 = tpu.vector_load %arg11[%get3A_466] {strides = array<i32>} : memref<20096xi32, #tpu.memory_space<vmem>>, vector<16xi32>,
        %shift_right_logical3A_468 = arith.constant 13 : i32
        %shift_right_logical3A_469 = vector.broadcast %shift_right_logical3A_468 : i32 to vector<16xi32>
        %shift_right_logical3A_470 = arith.shrui %get3A_467, %shift_right_logical3A_469 : vector<16xi32>
        %swap3A_471 = arith.constant 1 : i32
        %swap3A_472 = arith.index_cast %swap3A_471 : i32 to index
        %swap3A_473 = arith.constant 16 : index
        %swap3A_474 = tpu.vector_load %arg12[%swap3A_472, %swap3A_473] {strides = array<i32>} : memref<3x96xi32, #tpu.memory_space<vmem>>, vector<16xi32>,
        tpu.vector_store %arg12[%swap3A_472, %swap3A_473], %shift_right_logical3A_470 {strides = array<i32>} : memref<3x96xi32, #tpu.memory_space<vmem>>, vector<16xi32>,
        %and3A_475 = arith.constant 8191 : i32
        %and3A_476 = vector.broadcast %and3A_475 : i32 to vector<16xi32>
        %and3A_477 = arith.andi %get3A_467, %and3A_476 : vector<16xi32>
        %swap3A_478 = arith.constant 1 : i32
        %swap3A_479 = arith.index_cast %swap3A_478 : i32 to index
        %swap3A_480 = arith.constant 16 : index
        %swap3A_481 = tpu.vector_load %arg13[%swap3A_479, %swap3A_480] {strides = array<i32>} : memref<3x96xi32, #tpu.memory_space<vmem>>, vector<16xi32>,
        tpu.vector_store %arg13[%swap3A_479, %swap3A_480], %and3A_477 {strides = array<i32>} : memref<3x96xi32, #tpu.memory_space<vmem>>, vector<16xi32>,
        %add3A_482 = arith.constant 32 : i32
        %add3A_483 = arith.addi %mul3A_446, %add3A_482 : i32
        %get3A_484 = arith.index_cast %add3A_483 : i32 to index
        %get3A_485 = tpu.vector_load %arg11[%get3A_484] {strides = array<i32>} : memref<20096xi32, #tpu.memory_space<vmem>>, vector<16xi32>,
        %shift_right_logical3A_486 = arith.constant 13 : i32
        %shift_right_logical3A_487 = vector.broadcast %shift_right_logical3A_486 : i32 to vector<16xi32>
        %shift_right_logical3A_488 = arith.shrui %get3A_485, %shift_right_logical3A_487 : vector<16xi32>
        %swap3A_489 = arith.constant 1 : i32
        %swap3A_490 = arith.index_cast %swap3A_489 : i32 to index
        %swap3A_491 = arith.constant 32 : index
        %swap3A_492 = tpu.vector_load %arg12[%swap3A_490, %swap3A_491] {strides = array<i32>} : memref<3x96xi32, #tpu.memory_space<vmem>>, vector<16xi32>,
        tpu.vector_store %arg12[%swap3A_490, %swap3A_491], %shift_right_logical3A_488 {strides = array<i32>} : memref<3x96xi32, #tpu.memory_space<vmem>>, vector<16xi32>,
        %and3A_493 = arith.constant 8191 : i32
        %and3A_494 = vector.broadcast %and3A_493 : i32 to vector<16xi32>
        %and3A_495 = arith.andi %get3A_485, %and3A_494 : vector<16xi32>
        %swap3A_496 = arith.constant 1 : i32
        %swap3A_497 = arith.index_cast %swap3A_496 : i32 to index
        %swap3A_498 = arith.constant 32 : index
        %swap3A_499 = tpu.vector_load %arg13[%swap3A_497, %swap3A_498] {strides = array<i32>} : memref<3x96xi32, #tpu.memory_space<vmem>>, vector<16xi32>,
        tpu.vector_store %arg13[%swap3A_497, %swap3A_498], %and3A_495 {strides = array<i32>} : memref<3x96xi32, #tpu.memory_space<vmem>>, vector<16xi32>,
        %add3A_500 = arith.constant 48 : i32
        %add3A_501 = arith.addi %mul3A_446, %add3A_500 : i32
        %get3A_502 = arith.index_cast %add3A_501 : i32 to index
        %get3A_503 = tpu.vector_load %arg11[%get3A_502] {strides = array<i32>} : memref<20096xi32, #tpu.memory_space<vmem>>, vector<16xi32>,
        %shift_right_logical3A_504 = arith.constant 13 : i32
        %shift_right_logical3A_505 = vector.broadcast %shift_right_logical3A_504 : i32 to vector<16xi32>
        %shift_right_logical3A_506 = arith.shrui %get3A_503, %shift_right_logical3A_505 : vector<16xi32>
        %swap3A_507 = arith.constant 1 : i32
        %swap3A_508 = arith.index_cast %swap3A_507 : i32 to index
        %swap3A_509 = arith.constant 48 : index
        %swap3A_510 = tpu.vector_load %arg12[%swap3A_508, %swap3A_509] {strides = array<i32>} : memref<3x96xi32, #tpu.memory_space<vmem>>, vector<16xi32>,
        tpu.vector_store %arg12[%swap3A_508, %swap3A_509], %shift_right_logical3A_506 {strides = array<i32>} : memref<3x96xi32, #tpu.memory_space<vmem>>, vector<16xi32>,
        %and3A_511 = arith.constant 8191 : i32
        %and3A_512 = vector.broadcast %and3A_511 : i32 to vector<16xi32>
        %and3A_513 = arith.andi %get3A_503, %and3A_512 : vector<16xi32>
        %swap3A_514 = arith.constant 1 : i32
        %swap3A_515 = arith.index_cast %swap3A_514 : i32 to index
        %swap3A_516 = arith.constant 48 : index
        %swap3A_517 = tpu.vector_load %arg13[%swap3A_515, %swap3A_516] {strides = array<i32>} : memref<3x96xi32, #tpu.memory_space<vmem>>, vector<16xi32>,
        tpu.vector_store %arg13[%swap3A_515, %swap3A_516], %and3A_513 {strides = array<i32>} : memref<3x96xi32, #tpu.memory_space<vmem>>, vector<16xi32>,
        %add3A_518 = arith.constant 64 : i32
        %add3A_519 = arith.addi %mul3A_446, %add3A_518 : i32
        %get3A_520 = arith.index_cast %add3A_519 : i32 to index
        %get3A_521 = tpu.vector_load %arg11[%get3A_520] {strides = array<i32>} : memref<20096xi32, #tpu.memory_space<vmem>>, vector<16xi32>,
        %shift_right_logical3A_522 = arith.constant 13 : i32
        %shift_right_logical3A_523 = vector.broadcast %shift_right_logical3A_522 : i32 to vector<16xi32>
        %shift_right_logical3A_524 = arith.shrui %get3A_521, %shift_right_logical3A_523 : vector<16xi32>
        %swap3A_525 = arith.constant 1 : i32
        %swap3A_526 = arith.index_cast %swap3A_525 : i32 to index
        %swap3A_527 = arith.constant 64 : index
        %swap3A_528 = tpu.vector_load %arg12[%swap3A_526, %swap3A_527] {strides = array<i32>} : memref<3x96xi32, #tpu.memory_space<vmem>>, vector<16xi32>,
        tpu.vector_store %arg12[%swap3A_526, %swap3A_527], %shift_right_logical3A_524 {strides = array<i32>} : memref<3x96xi32, #tpu.memory_space<vmem>>, vector<16xi32>,
        %and3A_529 = arith.constant 8191 : i32
        %and3A_530 = vector.broadcast %and3A_529 : i32 to vector<16xi32>
        %and3A_531 = arith.andi %get3A_521, %and3A_530 : vector<16xi32>
        %swap3A_532 = arith.constant 1 : i32
        %swap3A_533 = arith.index_cast %swap3A_532 : i32 to index
        %swap3A_534 = arith.constant 64 : index
        %swap3A_535 = tpu.vector_load %arg13[%swap3A_533, %swap3A_534] {strides = array<i32>} : memref<3x96xi32, #tpu.memory_space<vmem>>, vector<16xi32>,
        tpu.vector_store %arg13[%swap3A_533, %swap3A_534], %and3A_531 {strides = array<i32>} : memref<3x96xi32, #tpu.memory_space<vmem>>, vector<16xi32>,
        %add3A_536 = arith.constant 80 : i32
        %add3A_537 = arith.addi %mul3A_446, %add3A_536 : i32
        %get3A_538 = arith.index_cast %add3A_537 : i32 to index
        %get3A_539 = tpu.vector_load %arg11[%get3A_538] {strides = array<i32>} : memref<20096xi32, #tpu.memory_space<vmem>>, vector<16xi32>,
        %shift_right_logical3A_540 = arith.constant 13 : i32
        %shift_right_logical3A_541 = vector.broadcast %shift_right_logical3A_540 : i32 to vector<16xi32>
        %shift_right_logical3A_542 = arith.shrui %get3A_539, %shift_right_logical3A_541 : vector<16xi32>
        %swap3A_543 = arith.constant 1 : i32
        %swap3A_544 = arith.index_cast %swap3A_543 : i32 to index
        %swap3A_545 = arith.constant 80 : index
        %swap3A_546 = tpu.vector_load %arg12[%swap3A_544, %swap3A_545] {strides = array<i32>} : memref<3x96xi32, #tpu.memory_space<vmem>>, vector<16xi32>,
        tpu.vector_store %arg12[%swap3A_544, %swap3A_545], %shift_right_logical3A_542 {strides = array<i32>} : memref<3x96xi32, #tpu.memory_space<vmem>>, vector<16xi32>,
        %and3A_547 = arith.constant 8191 : i32
        %and3A_548 = vector.broadcast %and3A_547 : i32 to vector<16xi32>
        %and3A_549 = arith.andi %get3A_539, %and3A_548 : vector<16xi32>
        %swap3A_550 = arith.constant 1 : i32
        %swap3A_551 = arith.index_cast %swap3A_550 : i32 to index
        %swap3A_552 = arith.constant 80 : index
        %swap3A_553 = tpu.vector_load %arg13[%swap3A_551, %swap3A_552] {strides = array<i32>} : memref<3x96xi32, #tpu.memory_space<vmem>>, vector<16xi32>,
        tpu.vector_store %arg13[%swap3A_551, %swap3A_552], %and3A_549 {strides = array<i32>} : memref<3x96xi32, #tpu.memory_space<vmem>>, vector<16xi32>,
        %dma_start3A = arith.constant 1 : i32
        %dma_start3A_554 = arith.constant 1 : i32
        %dma_start3A_555 = arith.constant 0 : i32
        %dma_start3A_556 = arith.constant 0 : i32
        %dma_start3A_557 = tpu.memref_slice %arg14[%dma_start3A_554, %dma_start3A_555, %dma_start3A_556] : memref<3x96x128xf32, #tpu.memory_space<vmem>> -> memref<1x96x128xf32, #tpu.memory_space<vmem>>
        %dma_start3A_558 = tpu.memref_squeeze %dma_start3A_557 : memref<1x96x128xf32, #tpu.memory_space<vmem>> -> memref<96x128xf32, #tpu.memory_space<vmem>>
        %dma_start3A_559 = arith.constant 0 : i32
        %dma_start3A_560 = tpu.memref_slice %arg12[%dma_start3A, %dma_start3A_559] : memref<3x96xi32, #tpu.memory_space<vmem>> -> memref<1x96xi32, #tpu.memory_space<vmem>>
        %dma_start3A_561 = tpu.memref_squeeze %dma_start3A_560 : memref<1x96xi32, #tpu.memory_space<vmem>> -> memref<96xi32, #tpu.memory_space<vmem>>
        %dma_start3A_562 = arith.constant 0 : i32
        %dma_start3A_563 = arith.constant 0 : i32
        %dma_start3A_564 = tpu.memref_slice %arg2[%dma_start3A_562, %dma_start3A_563] : memref<10000x128xf32, #tpu.memory_space<hbm>> -> memref<10000x128xf32, #tpu.memory_space<hbm>>
        tpu.enqueue_indirect_dma source(%dma_start3A_564 : memref<10000x128xf32, #tpu.memory_space<hbm>>) target(%dma_start3A_558 : memref<96x128xf32, #tpu.memory_space<vmem>>) offsets(%dma_start3A_561 : memref<96xi32, #tpu.memory_space<vmem>>) semaphore(%arg16 : memref<!tpu.dma_semaphore, #tpu.memory_space<semaphore_mem>>)
      } else {
      }
    }
    %scan3A_156 = arith.constant 70 : i32
    %ge3A_157 = arith.constant 1 : i32
    %ge3A_158 = arith.cmpi sge, %select_n3A, %ge3A_157 : i32
    %sub3A_159 = arith.constant 1 : i32
    %sub3A_160 = arith.subi %select_n3A, %sub3A_159 : i32
    %jit3A_161 = arith.constant 3 : i32
    %eq3A_162 = arith.constant 0 : i32
    %eq3A_163 = arith.cmpi eq, %jit3A_161, %eq3A_162 : i32
    %jit3A_164 = arith.constant 1 : i32
    %select_n3A_165 = arith.select %eq3A_163, %jit3A_164, %jit3A_161 : i32
    %rem3A_166 = arith.remsi %sub3A_160, %select_n3A_165 : i32
    %ne3A_167 = arith.constant 0 : i32
    %ne3A_168 = arith.cmpi ne, %rem3A_166, %ne3A_167 : i32
    %lt3A_169 = arith.constant 0 : i32
    %lt3A_170 = arith.cmpi slt, %rem3A_166, %lt3A_169 : i32
    %lt3A_171 = arith.constant 0 : i32
    %lt3A_172 = arith.cmpi slt, %select_n3A_165, %lt3A_171 : i32
    %ne3A_173 = arith.xori %lt3A_170, %lt3A_172 : i1
    %and3A_174 = arith.andi %ne3A_173, %ne3A_168 : i1
    %add3A_175 = arith.addi %rem3A_166, %select_n3A_165 : i32
    %select_n3A_176 = arith.select %and3A_174, %add3A_175, %rem3A_166 : i32
    %eq3A_177 = arith.constant 0 : i32
    %eq3A_178 = arith.cmpi eq, %select_n3A_176, %eq3A_177 : i32
    %and3A_179 = arith.andi %ge3A_158, %eq3A_178 : i1
    %or3A_180 = arith.constant false
    %or3A_181 = arith.ori %or3A_180, %and3A_179 : i1
    %ge3A_182 = arith.constant 2 : i32
    %ge3A_183 = arith.cmpi sge, %select_n3A, %ge3A_182 : i32
    %sub3A_184 = arith.constant 2 : i32
    %sub3A_185 = arith.subi %select_n3A, %sub3A_184 : i32
    %jit3A_186 = arith.constant 3 : i32
    %eq3A_187 = arith.constant 0 : i32
    %eq3A_188 = arith.cmpi eq, %jit3A_186, %eq3A_187 : i32
    %jit3A_189 = arith.constant 1 : i32
    %select_n3A_190 = arith.select %eq3A_188, %jit3A_189, %jit3A_186 : i32
    %rem3A_191 = arith.remsi %sub3A_185, %select_n3A_190 : i32
    %ne3A_192 = arith.constant 0 : i32
    %ne3A_193 = arith.cmpi ne, %rem3A_191, %ne3A_192 : i32
    %lt3A_194 = arith.constant 0 : i32
    %lt3A_195 = arith.cmpi slt, %rem3A_191, %lt3A_194 : i32
    %lt3A_196 = arith.constant 0 : i32
    %lt3A_197 = arith.cmpi slt, %select_n3A_190, %lt3A_196 : i32
    %ne3A_198 = arith.xori %lt3A_195, %lt3A_197 : i1
    %and3A_199 = arith.andi %ne3A_198, %ne3A_193 : i1
    %add3A_200 = arith.addi %rem3A_191, %select_n3A_190 : i32
    %select_n3A_201 = arith.select %and3A_199, %add3A_200, %rem3A_191 : i32
    %eq3A_202 = arith.constant 0 : i32
    %eq3A_203 = arith.cmpi eq, %select_n3A_201, %eq3A_202 : i32
    %and3A_204 = arith.andi %ge3A_183, %eq3A_203 : i1
    %or3A_205 = arith.ori %or3A_181, %and3A_204 : i1
    %ge3A_206 = arith.constant 3 : i32
    %ge3A_207 = arith.cmpi sge, %select_n3A, %ge3A_206 : i32
    %sub3A_208 = arith.constant 3 : i32
    %sub3A_209 = arith.subi %select_n3A, %sub3A_208 : i32
    %jit3A_210 = arith.constant 3 : i32
    %eq3A_211 = arith.constant 0 : i32
    %eq3A_212 = arith.cmpi eq, %jit3A_210, %eq3A_211 : i32
    %jit3A_213 = arith.constant 1 : i32
    %select_n3A_214 = arith.select %eq3A_212, %jit3A_213, %jit3A_210 : i32
    %rem3A_215 = arith.remsi %sub3A_209, %select_n3A_214 : i32
    %ne3A_216 = arith.constant 0 : i32
    %ne3A_217 = arith.cmpi ne, %rem3A_215, %ne3A_216 : i32
    %lt3A_218 = arith.constant 0 : i32
    %lt3A_219 = arith.cmpi slt, %rem3A_215, %lt3A_218 : i32
    %lt3A_220 = arith.constant 0 : i32
    %lt3A_221 = arith.cmpi slt, %select_n3A_214, %lt3A_220 : i32
    %ne3A_222 = arith.xori %lt3A_219, %lt3A_221 : i1
    %and3A_223 = arith.andi %ne3A_222, %ne3A_217 : i1
    %add3A_224 = arith.addi %rem3A_215, %select_n3A_214 : i32
    %select_n3A_225 = arith.select %and3A_223, %add3A_224, %rem3A_215 : i32
    %eq3A_226 = arith.constant 0 : i32
    %eq3A_227 = arith.cmpi eq, %select_n3A_225, %eq3A_226 : i32
    %and3A_228 = arith.andi %ge3A_207, %eq3A_227 : i1
    %or3A_229 = arith.ori %or3A_205, %and3A_228 : i1
    %convert_element_type3A_230 = arith.extui %or3A_229 : i1 to i32
    %cond3A_231 = arith.constant 0 : i32
    %cond3A_232 = arith.cmpi ne, %convert_element_type3A_230, %cond3A_231 : i32
    scf.if %cond3A_232 {
      %dma_wait3A = arith.constant 0 : i32
      %dma_wait3A_395 = arith.constant 0 : i32
      %dma_wait3A_396 = arith.constant 0 : i32
      %dma_wait3A_397 = arith.constant 0 : i32
      %dma_wait3A_398 = tpu.memref_slice %arg14[%dma_wait3A, %dma_wait3A_396, %dma_wait3A_397] : memref<3x96x128xf32, #tpu.memory_space<vmem>> -> memref<1x96x128xf32, #tpu.memory_space<vmem>>
      %dma_wait3A_399 = tpu.memref_squeeze %dma_wait3A_398 : memref<1x96x128xf32, #tpu.memory_space<vmem>> -> memref<96x128xf32, #tpu.memory_space<vmem>>
      %dma_wait3A_400 = arith.constant 0 : i32
      %dma_wait3A_401 = tpu.memref_slice %arg13[%dma_wait3A_395, %dma_wait3A_400] : memref<3x96xi32, #tpu.memory_space<vmem>> -> memref<1x96xi32, #tpu.memory_space<vmem>>
      %dma_wait3A_402 = tpu.memref_squeeze %dma_wait3A_401 : memref<1x96xi32, #tpu.memory_space<vmem>> -> memref<96xi32, #tpu.memory_space<vmem>>
      %dma_wait3A_403 = arith.constant 0 : i32
      %dma_wait3A_404 = arith.constant 0 : i32
      %dma_wait3A_405 = tpu.memref_slice %arg15[%dma_wait3A_403, %dma_wait3A_404] : memref<5128x128xf32, #tpu.memory_space<vmem_shared>> -> memref<5128x128xf32, #tpu.memory_space<vmem_shared>>
      tpu.wait_indirect_dma semaphore(%arg17 : memref<!tpu.dma_semaphore, #tpu.memory_space<semaphore_mem>>) src(%dma_wait3A_399 : memref<96x128xf32, #tpu.memory_space<vmem>>) dst(%dma_wait3A_405 : memref<5128x128xf32, #tpu.memory_space<vmem_shared>>)
    } else {
    }
    %ge3A_233 = arith.constant 1 : i32
    %ge3A_234 = arith.cmpi sge, %select_n3A, %ge3A_233 : i32
    %sub3A_235 = arith.constant 1 : i32
    %sub3A_236 = arith.subi %select_n3A, %sub3A_235 : i32
    %jit3A_237 = arith.constant 3 : i32
    %eq3A_238 = arith.constant 0 : i32
    %eq3A_239 = arith.cmpi eq, %jit3A_237, %eq3A_238 : i32
    %jit3A_240 = arith.constant 1 : i32
    %select_n3A_241 = arith.select %eq3A_239, %jit3A_240, %jit3A_237 : i32
    %rem3A_242 = arith.remsi %sub3A_236, %select_n3A_241 : i32
    %ne3A_243 = arith.constant 0 : i32
    %ne3A_244 = arith.cmpi ne, %rem3A_242, %ne3A_243 : i32
    %lt3A_245 = arith.constant 0 : i32
    %lt3A_246 = arith.cmpi slt, %rem3A_242, %lt3A_245 : i32
    %lt3A_247 = arith.constant 0 : i32
    %lt3A_248 = arith.cmpi slt, %select_n3A_241, %lt3A_247 : i32
    %ne3A_249 = arith.xori %lt3A_246, %lt3A_248 : i1
    %and3A_250 = arith.andi %ne3A_249, %ne3A_244 : i1
    %add3A_251 = arith.addi %rem3A_242, %select_n3A_241 : i32
    %select_n3A_252 = arith.select %and3A_250, %add3A_251, %rem3A_242 : i32
    %eq3A_253 = arith.constant 1 : i32
    %eq3A_254 = arith.cmpi eq, %select_n3A_252, %eq3A_253 : i32
    %and3A_255 = arith.andi %ge3A_234, %eq3A_254 : i1
    %or3A_256 = arith.constant false
    %or3A_257 = arith.ori %or3A_256, %and3A_255 : i1
    %ge3A_258 = arith.constant 2 : i32
    %ge3A_259 = arith.cmpi sge, %select_n3A, %ge3A_258 : i32
    %sub3A_260 = arith.constant 2 : i32
    %sub3A_261 = arith.subi %select_n3A, %sub3A_260 : i32
    %jit3A_262 = arith.constant 3 : i32
    %eq3A_263 = arith.constant 0 : i32
    %eq3A_264 = arith.cmpi eq, %jit3A_262, %eq3A_263 : i32
    %jit3A_265 = arith.constant 1 : i32
    %select_n3A_266 = arith.select %eq3A_264, %jit3A_265, %jit3A_262 : i32
    %rem3A_267 = arith.remsi %sub3A_261, %select_n3A_266 : i32
    %ne3A_268 = arith.constant 0 : i32
    %ne3A_269 = arith.cmpi ne, %rem3A_267, %ne3A_268 : i32
    %lt3A_270 = arith.constant 0 : i32
    %lt3A_271 = arith.cmpi slt, %rem3A_267, %lt3A_270 : i32
    %lt3A_272 = arith.constant 0 : i32
    %lt3A_273 = arith.cmpi slt, %select_n3A_266, %lt3A_272 : i32
    %ne3A_274 = arith.xori %lt3A_271, %lt3A_273 : i1
    %and3A_275 = arith.andi %ne3A_274, %ne3A_269 : i1
    %add3A_276 = arith.addi %rem3A_267, %select_n3A_266 : i32
    %select_n3A_277 = arith.select %and3A_275, %add3A_276, %rem3A_267 : i32
    %eq3A_278 = arith.constant 1 : i32
    %eq3A_279 = arith.cmpi eq, %select_n3A_277, %eq3A_278 : i32
    %and3A_280 = arith.andi %ge3A_259, %eq3A_279 : i1
    %or3A_281 = arith.ori %or3A_257, %and3A_280 : i1
    %ge3A_282 = arith.constant 3 : i32
    %ge3A_283 = arith.cmpi sge, %select_n3A, %ge3A_282 : i32
    %sub3A_284 = arith.constant 3 : i32
    %sub3A_285 = arith.subi %select_n3A, %sub3A_284 : i32
    %jit3A_286 = arith.constant 3 : i32
    %eq3A_287 = arith.constant 0 : i32
    %eq3A_288 = arith.cmpi eq, %jit3A_286, %eq3A_287 : i32
    %jit3A_289 = arith.constant 1 : i32
    %select_n3A_290 = arith.select %eq3A_288, %jit3A_289, %jit3A_286 : i32
    %rem3A_291 = arith.remsi %sub3A_285, %select_n3A_290 : i32
    %ne3A_292 = arith.constant 0 : i32
    %ne3A_293 = arith.cmpi ne, %rem3A_291, %ne3A_292 : i32
    %lt3A_294 = arith.constant 0 : i32
    %lt3A_295 = arith.cmpi slt, %rem3A_291, %lt3A_294 : i32
    %lt3A_296 = arith.constant 0 : i32
    %lt3A_297 = arith.cmpi slt, %select_n3A_290, %lt3A_296 : i32
    %ne3A_298 = arith.xori %lt3A_295, %lt3A_297 : i1
    %and3A_299 = arith.andi %ne3A_298, %ne3A_293 : i1
    %add3A_300 = arith.addi %rem3A_291, %select_n3A_290 : i32
    %select_n3A_301 = arith.select %and3A_299, %add3A_300, %rem3A_291 : i32
    %eq3A_302 = arith.constant 1 : i32
    %eq3A_303 = arith.cmpi eq, %select_n3A_301, %eq3A_302 : i32
    %and3A_304 = arith.andi %ge3A_283, %eq3A_303 : i1
    %or3A_305 = arith.ori %or3A_281, %and3A_304 : i1
    %convert_element_type3A_306 = arith.extui %or3A_305 : i1 to i32
    %cond3A_307 = arith.constant 0 : i32
    %cond3A_308 = arith.cmpi ne, %convert_element_type3A_306, %cond3A_307 : i32
    scf.if %cond3A_308 {
      %dma_wait3A = arith.constant 1 : i32
      %dma_wait3A_395 = arith.constant 1 : i32
      %dma_wait3A_396 = arith.constant 0 : i32
      %dma_wait3A_397 = arith.constant 0 : i32
      %dma_wait3A_398 = tpu.memref_slice %arg14[%dma_wait3A, %dma_wait3A_396, %dma_wait3A_397] : memref<3x96x128xf32, #tpu.memory_space<vmem>> -> memref<1x96x128xf32, #tpu.memory_space<vmem>>
      %dma_wait3A_399 = tpu.memref_squeeze %dma_wait3A_398 : memref<1x96x128xf32, #tpu.memory_space<vmem>> -> memref<96x128xf32, #tpu.memory_space<vmem>>
      %dma_wait3A_400 = arith.constant 0 : i32
      %dma_wait3A_401 = tpu.memref_slice %arg13[%dma_wait3A_395, %dma_wait3A_400] : memref<3x96xi32, #tpu.memory_space<vmem>> -> memref<1x96xi32, #tpu.memory_space<vmem>>
      %dma_wait3A_402 = tpu.memref_squeeze %dma_wait3A_401 : memref<1x96xi32, #tpu.memory_space<vmem>> -> memref<96xi32, #tpu.memory_space<vmem>>
      %dma_wait3A_403 = arith.constant 0 : i32
      %dma_wait3A_404 = arith.constant 0 : i32
      %dma_wait3A_405 = tpu.memref_slice %arg15[%dma_wait3A_403, %dma_wait3A_404] : memref<5128x128xf32, #tpu.memory_space<vmem_shared>> -> memref<5128x128xf32, #tpu.memory_space<vmem_shared>>
      tpu.wait_indirect_dma semaphore(%arg17 : memref<!tpu.dma_semaphore, #tpu.memory_space<semaphore_mem>>) src(%dma_wait3A_399 : memref<96x128xf32, #tpu.memory_space<vmem>>) dst(%dma_wait3A_405 : memref<5128x128xf32, #tpu.memory_space<vmem_shared>>)
    } else {
    }
    %ge3A_309 = arith.constant 1 : i32
    %ge3A_310 = arith.cmpi sge, %select_n3A, %ge3A_309 : i32
    %sub3A_311 = arith.constant 1 : i32
    %sub3A_312 = arith.subi %select_n3A, %sub3A_311 : i32
    %jit3A_313 = arith.constant 3 : i32
    %eq3A_314 = arith.constant 0 : i32
    %eq3A_315 = arith.cmpi eq, %jit3A_313, %eq3A_314 : i32
    %jit3A_316 = arith.constant 1 : i32
    %select_n3A_317 = arith.select %eq3A_315, %jit3A_316, %jit3A_313 : i32
    %rem3A_318 = arith.remsi %sub3A_312, %select_n3A_317 : i32
    %ne3A_319 = arith.constant 0 : i32
    %ne3A_320 = arith.cmpi ne, %rem3A_318, %ne3A_319 : i32
    %lt3A_321 = arith.constant 0 : i32
    %lt3A_322 = arith.cmpi slt, %rem3A_318, %lt3A_321 : i32
    %lt3A_323 = arith.constant 0 : i32
    %lt3A_324 = arith.cmpi slt, %select_n3A_317, %lt3A_323 : i32
    %ne3A_325 = arith.xori %lt3A_322, %lt3A_324 : i1
    %and3A_326 = arith.andi %ne3A_325, %ne3A_320 : i1
    %add3A_327 = arith.addi %rem3A_318, %select_n3A_317 : i32
    %select_n3A_328 = arith.select %and3A_326, %add3A_327, %rem3A_318 : i32
    %eq3A_329 = arith.constant 2 : i32
    %eq3A_330 = arith.cmpi eq, %select_n3A_328, %eq3A_329 : i32
    %and3A_331 = arith.andi %ge3A_310, %eq3A_330 : i1
    %or3A_332 = arith.constant false
    %or3A_333 = arith.ori %or3A_332, %and3A_331 : i1
    %ge3A_334 = arith.constant 2 : i32
    %ge3A_335 = arith.cmpi sge, %select_n3A, %ge3A_334 : i32
    %sub3A_336 = arith.constant 2 : i32
    %sub3A_337 = arith.subi %select_n3A, %sub3A_336 : i32
    %jit3A_338 = arith.constant 3 : i32
    %eq3A_339 = arith.constant 0 : i32
    %eq3A_340 = arith.cmpi eq, %jit3A_338, %eq3A_339 : i32
    %jit3A_341 = arith.constant 1 : i32
    %select_n3A_342 = arith.select %eq3A_340, %jit3A_341, %jit3A_338 : i32
    %rem3A_343 = arith.remsi %sub3A_337, %select_n3A_342 : i32
    %ne3A_344 = arith.constant 0 : i32
    %ne3A_345 = arith.cmpi ne, %rem3A_343, %ne3A_344 : i32
    %lt3A_346 = arith.constant 0 : i32
    %lt3A_347 = arith.cmpi slt, %rem3A_343, %lt3A_346 : i32
    %lt3A_348 = arith.constant 0 : i32
    %lt3A_349 = arith.cmpi slt, %select_n3A_342, %lt3A_348 : i32
    %ne3A_350 = arith.xori %lt3A_347, %lt3A_349 : i1
    %and3A_351 = arith.andi %ne3A_350, %ne3A_345 : i1
    %add3A_352 = arith.addi %rem3A_343, %select_n3A_342 : i32
    %select_n3A_353 = arith.select %and3A_351, %add3A_352, %rem3A_343 : i32
    %eq3A_354 = arith.constant 2 : i32
    %eq3A_355 = arith.cmpi eq, %select_n3A_353, %eq3A_354 : i32
    %and3A_356 = arith.andi %ge3A_335, %eq3A_355 : i1
    %or3A_357 = arith.ori %or3A_333, %and3A_356 : i1
    %ge3A_358 = arith.constant 3 : i32
    %ge3A_359 = arith.cmpi sge, %select_n3A, %ge3A_358 : i32
    %sub3A_360 = arith.constant 3 : i32
    %sub3A_361 = arith.subi %select_n3A, %sub3A_360 : i32
    %jit3A_362 = arith.constant 3 : i32
    %eq3A_363 = arith.constant 0 : i32
    %eq3A_364 = arith.cmpi eq, %jit3A_362, %eq3A_363 : i32
    %jit3A_365 = arith.constant 1 : i32
    %select_n3A_366 = arith.select %eq3A_364, %jit3A_365, %jit3A_362 : i32
    %rem3A_367 = arith.remsi %sub3A_361, %select_n3A_366 : i32
    %ne3A_368 = arith.constant 0 : i32
    %ne3A_369 = arith.cmpi ne, %rem3A_367, %ne3A_368 : i32
    %lt3A_370 = arith.constant 0 : i32
    %lt3A_371 = arith.cmpi slt, %rem3A_367, %lt3A_370 : i32
    %lt3A_372 = arith.constant 0 : i32
    %lt3A_373 = arith.cmpi slt, %select_n3A_366, %lt3A_372 : i32
    %ne3A_374 = arith.xori %lt3A_371, %lt3A_373 : i1
    %and3A_375 = arith.andi %ne3A_374, %ne3A_369 : i1
    %add3A_376 = arith.addi %rem3A_367, %select_n3A_366 : i32
    %select_n3A_377 = arith.select %and3A_375, %add3A_376, %rem3A_367 : i32
    %eq3A_378 = arith.constant 2 : i32
    %eq3A_379 = arith.cmpi eq, %select_n3A_377, %eq3A_378 : i32
    %and3A_380 = arith.andi %ge3A_359, %eq3A_379 : i1
    %or3A_381 = arith.ori %or3A_357, %and3A_380 : i1
    %convert_element_type3A_382 = arith.extui %or3A_381 : i1 to i32
    %cond3A_383 = arith.constant 0 : i32
    %cond3A_384 = arith.cmpi ne, %convert_element_type3A_382, %cond3A_383 : i32
    scf.if %cond3A_384 {
      %dma_wait3A = arith.constant 2 : i32
      %dma_wait3A_395 = arith.constant 2 : i32
      %dma_wait3A_396 = arith.constant 0 : i32
      %dma_wait3A_397 = arith.constant 0 : i32
      %dma_wait3A_398 = tpu.memref_slice %arg14[%dma_wait3A, %dma_wait3A_396, %dma_wait3A_397] : memref<3x96x128xf32, #tpu.memory_space<vmem>> -> memref<1x96x128xf32, #tpu.memory_space<vmem>>
      %dma_wait3A_399 = tpu.memref_squeeze %dma_wait3A_398 : memref<1x96x128xf32, #tpu.memory_space<vmem>> -> memref<96x128xf32, #tpu.memory_space<vmem>>
      %dma_wait3A_400 = arith.constant 0 : i32
      %dma_wait3A_401 = tpu.memref_slice %arg13[%dma_wait3A_395, %dma_wait3A_400] : memref<3x96xi32, #tpu.memory_space<vmem>> -> memref<1x96xi32, #tpu.memory_space<vmem>>
      %dma_wait3A_402 = tpu.memref_squeeze %dma_wait3A_401 : memref<1x96xi32, #tpu.memory_space<vmem>> -> memref<96xi32, #tpu.memory_space<vmem>>
      %dma_wait3A_403 = arith.constant 0 : i32
      %dma_wait3A_404 = arith.constant 0 : i32
      %dma_wait3A_405 = tpu.memref_slice %arg15[%dma_wait3A_403, %dma_wait3A_404] : memref<5128x128xf32, #tpu.memory_space<vmem_shared>> -> memref<5128x128xf32, #tpu.memory_space<vmem_shared>>
      tpu.wait_indirect_dma semaphore(%arg17 : memref<!tpu.dma_semaphore, #tpu.memory_space<semaphore_mem>>) src(%dma_wait3A_399 : memref<96x128xf32, #tpu.memory_space<vmem>>) dst(%dma_wait3A_405 : memref<5128x128xf32, #tpu.memory_space<vmem_shared>>)
    } else {
    }
    %barrier3A_385 = arith.constant 0 : index
    tpu.barrier barrier_id(%barrier3A_385)
    %mul3A_386 = arith.constant 320 : i32
    %mul3A_387 = arith.muli %arg1, %mul3A_386 : i32
    %mul3A_388 = arith.constant 320 : i32
    %mul3A_389 = arith.muli %arg1, %mul3A_388 : i32
    "tpu.region"() ({
      %run_scoped3A_395 = tpu.sem_alloc : memref<!tpu.dma_semaphore, #tpu.memory_space<semaphore_mem>>
      %dma_start3A = arith.constant 0 : i32
      %dma_start3A_396 = tpu.memref_slice %arg7[%arg0, %mul3A_389, %dma_start3A] : memref<2x5120x128xf32, #tpu.memory_space<hbm>> -> memref<1x320x128xf32, #tpu.memory_space<hbm>>
      %dma_start3A_397 = tpu.memref_squeeze %dma_start3A_396 : memref<1x320x128xf32, #tpu.memory_space<hbm>> -> memref<320x128xf32, #tpu.memory_space<hbm>>
      %dma_start3A_398 = arith.constant 0 : i32
      %dma_start3A_399 = tpu.memref_slice %arg15[%mul3A_387, %dma_start3A_398] : memref<5128x128xf32, #tpu.memory_space<vmem_shared>> -> memref<320x128xf32, #tpu.memory_space<vmem_shared>>
      tpu.enqueue_dma source(%dma_start3A_399 : memref<320x128xf32, #tpu.memory_space<vmem_shared>>) target(%dma_start3A_397 : memref<320x128xf32, #tpu.memory_space<hbm>>) target_semaphore(%run_scoped3A_395 : memref<!tpu.dma_semaphore, #tpu.memory_space<semaphore_mem>>)
      %dma_wait3A = arith.constant 0 : i32
      %dma_wait3A_400 = tpu.memref_slice %arg7[%arg0, %mul3A_389, %dma_wait3A] : memref<2x5120x128xf32, #tpu.memory_space<hbm>> -> memref<1x320x128xf32, #tpu.memory_space<hbm>>
      %dma_wait3A_401 = tpu.memref_squeeze %dma_wait3A_400 : memref<1x320x128xf32, #tpu.memory_space<hbm>> -> memref<320x128xf32, #tpu.memory_space<hbm>>
      %dma_wait3A_402 = arith.constant 0 : i32
      %dma_wait3A_403 = tpu.memref_slice %arg15[%mul3A_387, %dma_wait3A_402] : memref<5128x128xf32, #tpu.memory_space<vmem_shared>> -> memref<320x128xf32, #tpu.memory_space<vmem_shared>>
      tpu.wait_dma2 semaphore(%run_scoped3A_395 : memref<!tpu.dma_semaphore, #tpu.memory_space<semaphore_mem>>) src(%dma_wait3A_403 : memref<320x128xf32, #tpu.memory_space<vmem_shared>>) dst(%dma_wait3A_401 : memref<320x128xf32, #tpu.memory_space<hbm>>)
      tpu.yield
    }) : () -> ()
    %eq3A_390 = arith.constant 0 : i32
    %eq3A_391 = arith.cmpi eq, %arg1, %eq3A_390 : i32
    %convert_element_type3A_392 = arith.extui %eq3A_391 : i1 to i32
    %cond3A_393 = arith.constant 0 : i32
    %cond3A_394 = arith.cmpi ne, %convert_element_type3A_392, %cond3A_393 : i32
    scf.if %cond3A_394 {
      %run_scoped3A_395 = arith.constant 0 : i32
      "tpu.region"() ({
        %run_scoped3A_396 = tpu.sem_alloc : memref<!tpu.dma_semaphore, #tpu.memory_space<semaphore_mem>>
        %dma_start3A = arith.constant 0 : i32
        %dma_start3A_397 = tpu.memref_slice %arg8[%arg0, %run_scoped3A_395, %dma_start3A] : memref<2x1x5120xf32, #tpu.memory_space<hbm>> -> memref<1x1x5120xf32, #tpu.memory_space<hbm>>
        %dma_start3A_398 = tpu.memref_squeeze %dma_start3A_397 : memref<1x1x5120xf32, #tpu.memory_space<hbm>> -> memref<5120xf32, #tpu.memory_space<hbm>>
        %dma_start3A_399 = arith.constant 0 : i32
        %dma_start3A_400 = tpu.memref_slice %arg19[%dma_start3A_399] : memref<5128xf32, #tpu.memory_space<vmem_shared>> -> memref<5120xf32, #tpu.memory_space<vmem_shared>>
        tpu.enqueue_dma source(%dma_start3A_400 : memref<5120xf32, #tpu.memory_space<vmem_shared>>) target(%dma_start3A_398 : memref<5120xf32, #tpu.memory_space<hbm>>) target_semaphore(%run_scoped3A_396 : memref<!tpu.dma_semaphore, #tpu.memory_space<semaphore_mem>>)
        %dma_wait3A = arith.constant 0 : i32
        %dma_wait3A_401 = tpu.memref_slice %arg8[%arg0, %run_scoped3A_395, %dma_wait3A] : memref<2x1x5120xf32, #tpu.memory_space<hbm>> -> memref<1x1x5120xf32, #tpu.memory_space<hbm>>
        %dma_wait3A_402 = tpu.memref_squeeze %dma_wait3A_401 : memref<1x1x5120xf32, #tpu.memory_space<hbm>> -> memref<5120xf32, #tpu.memory_space<hbm>>
        %dma_wait3A_403 = arith.constant 0 : i32
        %dma_wait3A_404 = tpu.memref_slice %arg19[%dma_wait3A_403] : memref<5128xf32, #tpu.memory_space<vmem_shared>> -> memref<5120xf32, #tpu.memory_space<vmem_shared>>
        tpu.wait_dma2 semaphore(%run_scoped3A_396 : memref<!tpu.dma_semaphore, #tpu.memory_space<semaphore_mem>>) src(%dma_wait3A_404 : memref<5120xf32, #tpu.memory_space<vmem_shared>>) dst(%dma_wait3A_402 : memref<5120xf32, #tpu.memory_space<hbm>>)
        tpu.yield
      }) : () -> ()
    } else {
    }
    return
  }
}

#map = affine_map<(d0, d1) -> (0, 0)>
#map1 = affine_map<(d0, d1) -> (0, 0, 0, 0)>
#map2 = affine_map<(d0, d1) -> (0, 0, 0)>
module attributes {stable_mosaic.version = 14 : i64} {
  func.func @agg(%arg0: i32, %arg1: i32, %arg2: memref<10000x128xf32, #tpu.memory_space<hbm>>, %arg3: memref<16x2x1x10000xi32, #tpu.memory_space<hbm>>, %arg4: memref<16x2x1x10000xi32, #tpu.memory_space<hbm>>, %arg5: memref<320x128xf32, #tpu.memory_space<hbm>>, %arg6: memref<2x5120x128xf32, #tpu.memory_space<hbm>>, %arg7: memref<10000xi32, #tpu.memory_space<vmem>>, %arg8: memref<10000xi32, #tpu.memory_space<vmem>>, %arg9: memref<20096xi32, #tpu.memory_space<vmem>>, %arg10: memref<3x96xi32, #tpu.memory_space<vmem>>, %arg11: memref<3x96xi32, #tpu.memory_space<vmem>>, %arg12: memref<3x96x128xf32, #tpu.memory_space<vmem>>, %arg13: memref<5128x128xf32, #tpu.memory_space<vmem_shared>>, %arg14: memref<!tpu.dma_semaphore, #tpu.memory_space<semaphore_mem>>, %arg15: memref<!tpu.dma_semaphore, #tpu.memory_space<semaphore_mem>>) attributes {dimension_semantics = [#tpu.dimension_semantics<core_parallel>, #tpu.dimension_semantics<subcore_parallel>], iteration_bounds = array<i64: 2, 16>, scalar_prefetch = 0 : i64, scratch_operands = 9 : i64, tpu.core_type = #tpu.core_type<sc_vector_subcore>, window_params = [{transform_indices = #map}, {transform_indices = #map1}, {transform_indices = #map1}, {transform_indices = #map}, {transform_indices = #map2}]} {
    %mul3A = arith.constant 320 : i32
    %mul3A_0 = arith.muli %arg1, %mul3A : i32
    "tpu.region"() ({
      %run_scoped3A_371 = tpu.sem_alloc : memref<!tpu.dma_semaphore, #tpu.memory_space<semaphore_mem>>
      %dma_start3A = arith.constant 0 : i32
      %dma_start3A_372 = tpu.memref_slice %arg13[%mul3A_0, %dma_start3A] : memref<5128x128xf32, #tpu.memory_space<vmem_shared>> -> memref<320x128xf32, #tpu.memory_space<vmem_shared>>
      tpu.enqueue_dma source(%arg5 : memref<320x128xf32, #tpu.memory_space<hbm>>) target(%dma_start3A_372 : memref<320x128xf32, #tpu.memory_space<vmem_shared>>) target_semaphore(%run_scoped3A_371 : memref<!tpu.dma_semaphore, #tpu.memory_space<semaphore_mem>>)
      %dma_wait3A = arith.constant 0 : i32
      %dma_wait3A_373 = tpu.memref_slice %arg13[%mul3A_0, %dma_wait3A] : memref<5128x128xf32, #tpu.memory_space<vmem_shared>> -> memref<320x128xf32, #tpu.memory_space<vmem_shared>>
      tpu.wait_dma2 semaphore(%run_scoped3A_371 : memref<!tpu.dma_semaphore, #tpu.memory_space<semaphore_mem>>) src(%arg5 : memref<320x128xf32, #tpu.memory_space<hbm>>) dst(%dma_wait3A_373 : memref<320x128xf32, #tpu.memory_space<vmem_shared>>)
      tpu.yield
    }) : () -> ()
    %mul3A_1 = arith.constant 5120 : i32
    %mul3A_2 = arith.muli %arg0, %mul3A_1 : i32
    %run_scoped3A = arith.constant 0 : i32
    %run_scoped3A_3 = arith.constant 0 : i32
    "tpu.region"() ({
      %run_scoped3A_371 = tpu.sem_alloc : memref<!tpu.dma_semaphore, #tpu.memory_space<semaphore_mem>>
      %dma_start3A = arith.constant 0 : i32
      %dma_start3A_372 = tpu.memref_slice %arg3[%arg1, %run_scoped3A, %run_scoped3A_3, %dma_start3A] : memref<16x2x1x10000xi32, #tpu.memory_space<hbm>> -> memref<1x1x1x10000xi32, #tpu.memory_space<hbm>>
      %dma_start3A_373 = tpu.memref_squeeze %dma_start3A_372 : memref<1x1x1x10000xi32, #tpu.memory_space<hbm>> -> memref<10000xi32, #tpu.memory_space<hbm>>
      %dma_start3A_374 = arith.constant 0 : i32
      %dma_start3A_375 = tpu.memref_slice %arg3[%arg1, %run_scoped3A, %run_scoped3A_3, %dma_start3A_374] : memref<16x2x1x10000xi32, #tpu.memory_space<hbm>> -> memref<1x1x1x10000xi32, #tpu.memory_space<hbm>>
      %dma_start3A_376 = tpu.memref_squeeze %dma_start3A_375 : memref<1x1x1x10000xi32, #tpu.memory_space<hbm>> -> memref<10000xi32, #tpu.memory_space<hbm>>
      tpu.enqueue_dma source(%dma_start3A_376 : memref<10000xi32, #tpu.memory_space<hbm>>) target(%arg7 : memref<10000xi32, #tpu.memory_space<vmem>>) target_semaphore(%run_scoped3A_371 : memref<!tpu.dma_semaphore, #tpu.memory_space<semaphore_mem>>)
      %dma_wait3A = arith.constant 0 : i32
      %dma_wait3A_377 = tpu.memref_slice %arg3[%arg1, %run_scoped3A, %run_scoped3A_3, %dma_wait3A] : memref<16x2x1x10000xi32, #tpu.memory_space<hbm>> -> memref<1x1x1x10000xi32, #tpu.memory_space<hbm>>
      %dma_wait3A_378 = tpu.memref_squeeze %dma_wait3A_377 : memref<1x1x1x10000xi32, #tpu.memory_space<hbm>> -> memref<10000xi32, #tpu.memory_space<hbm>>
      %dma_wait3A_379 = arith.constant 0 : i32
      %dma_wait3A_380 = tpu.memref_slice %arg3[%arg1, %run_scoped3A, %run_scoped3A_3, %dma_wait3A_379] : memref<16x2x1x10000xi32, #tpu.memory_space<hbm>> -> memref<1x1x1x10000xi32, #tpu.memory_space<hbm>>
      %dma_wait3A_381 = tpu.memref_squeeze %dma_wait3A_380 : memref<1x1x1x10000xi32, #tpu.memory_space<hbm>> -> memref<10000xi32, #tpu.memory_space<hbm>>
      tpu.wait_dma2 semaphore(%run_scoped3A_371 : memref<!tpu.dma_semaphore, #tpu.memory_space<semaphore_mem>>) src(%dma_wait3A_381 : memref<10000xi32, #tpu.memory_space<hbm>>) dst(%arg7 : memref<10000xi32, #tpu.memory_space<vmem>>)
      tpu.yield
    }) : () -> ()
    %run_scoped3A_4 = arith.constant 0 : i32
    %run_scoped3A_5 = arith.constant 0 : i32
    "tpu.region"() ({
      %run_scoped3A_371 = tpu.sem_alloc : memref<!tpu.dma_semaphore, #tpu.memory_space<semaphore_mem>>
      %dma_start3A = arith.constant 0 : i32
      %dma_start3A_372 = tpu.memref_slice %arg4[%arg1, %run_scoped3A_4, %run_scoped3A_5, %dma_start3A] : memref<16x2x1x10000xi32, #tpu.memory_space<hbm>> -> memref<1x1x1x10000xi32, #tpu.memory_space<hbm>>
      %dma_start3A_373 = tpu.memref_squeeze %dma_start3A_372 : memref<1x1x1x10000xi32, #tpu.memory_space<hbm>> -> memref<10000xi32, #tpu.memory_space<hbm>>
      %dma_start3A_374 = arith.constant 0 : i32
      %dma_start3A_375 = tpu.memref_slice %arg4[%arg1, %run_scoped3A_4, %run_scoped3A_5, %dma_start3A_374] : memref<16x2x1x10000xi32, #tpu.memory_space<hbm>> -> memref<1x1x1x10000xi32, #tpu.memory_space<hbm>>
      %dma_start3A_376 = tpu.memref_squeeze %dma_start3A_375 : memref<1x1x1x10000xi32, #tpu.memory_space<hbm>> -> memref<10000xi32, #tpu.memory_space<hbm>>
      tpu.enqueue_dma source(%dma_start3A_376 : memref<10000xi32, #tpu.memory_space<hbm>>) target(%arg8 : memref<10000xi32, #tpu.memory_space<vmem>>) target_semaphore(%run_scoped3A_371 : memref<!tpu.dma_semaphore, #tpu.memory_space<semaphore_mem>>)
      %dma_wait3A = arith.constant 0 : i32
      %dma_wait3A_377 = tpu.memref_slice %arg4[%arg1, %run_scoped3A_4, %run_scoped3A_5, %dma_wait3A] : memref<16x2x1x10000xi32, #tpu.memory_space<hbm>> -> memref<1x1x1x10000xi32, #tpu.memory_space<hbm>>
      %dma_wait3A_378 = tpu.memref_squeeze %dma_wait3A_377 : memref<1x1x1x10000xi32, #tpu.memory_space<hbm>> -> memref<10000xi32, #tpu.memory_space<hbm>>
      %dma_wait3A_379 = arith.constant 0 : i32
      %dma_wait3A_380 = tpu.memref_slice %arg4[%arg1, %run_scoped3A_4, %run_scoped3A_5, %dma_wait3A_379] : memref<16x2x1x10000xi32, #tpu.memory_space<hbm>> -> memref<1x1x1x10000xi32, #tpu.memory_space<hbm>>
      %dma_wait3A_381 = tpu.memref_squeeze %dma_wait3A_380 : memref<1x1x1x10000xi32, #tpu.memory_space<hbm>> -> memref<10000xi32, #tpu.memory_space<hbm>>
      tpu.wait_dma2 semaphore(%run_scoped3A_371 : memref<!tpu.dma_semaphore, #tpu.memory_space<semaphore_mem>>) src(%dma_wait3A_381 : memref<10000xi32, #tpu.memory_space<hbm>>) dst(%arg8 : memref<10000xi32, #tpu.memory_space<vmem>>)
      tpu.yield
    }) : () -> ()
    %scan3A = arith.constant 0 : i32
    %scan3A_6 = arith.constant 0 : i32
    %scan3A_7 = arith.constant 624 : i32
    %scan3A_8 = arith.addi %scan3A_6, %scan3A_7 : i32
    %scan3A_9 = arith.constant 4 : i32
    %scan3A_10 = scf.for %scan3A_371 = %scan3A_6 to %scan3A_8 step %scan3A_9 iter_args(%scan3A_372 = %scan3A) -> (i32)  : i32 {
      %mul3A_373 = arith.constant 1 : i32
      %mul3A_374 = arith.muli %scan3A_371, %mul3A_373 : i32
      %add3A_375 = arith.constant 0 : i32
      %add3A_376 = arith.addi %add3A_375, %mul3A_374 : i32
      %mul3A_377 = arith.constant 16 : i32
      %mul3A_378 = arith.muli %add3A_376, %mul3A_377 : i32
      %get3A_379 = arith.index_cast %mul3A_378 : i32 to index
      %get3A_380 = tpu.vector_load %arg7[%get3A_379] {strides = array<i32>} : memref<10000xi32, #tpu.memory_space<vmem>>, vector<16xi32>,
      %mul3A_381 = arith.constant 16 : i32
      %mul3A_382 = arith.muli %add3A_376, %mul3A_381 : i32
      %get3A_383 = arith.index_cast %mul3A_382 : i32 to index
      %get3A_384 = tpu.vector_load %arg8[%get3A_383] {strides = array<i32>} : memref<10000xi32, #tpu.memory_space<vmem>>, vector<16xi32>,
      %sub3A_385 = vector.broadcast %mul3A_2 : i32 to vector<16xi32>
      %sub3A_386 = arith.subi %get3A_384, %sub3A_385 : vector<16xi32>
      %ge3A_387 = arith.constant 0 : i32
      %ge3A_388 = vector.broadcast %ge3A_387 : i32 to vector<16xi32>
      %ge3A_389 = arith.cmpi sge, %sub3A_386, %ge3A_388 : vector<16xi32>
      %lt3A_390 = arith.constant 5120 : i32
      %lt3A_391 = vector.broadcast %lt3A_390 : i32 to vector<16xi32>
      %lt3A_392 = arith.cmpi slt, %sub3A_386, %lt3A_391 : vector<16xi32>
      %and3A_393 = arith.andi %ge3A_389, %lt3A_392 : vector<16xi1>
      %shift_left3A_394 = arith.constant 13 : i32
      %shift_left3A_395 = vector.broadcast %shift_left3A_394 : i32 to vector<16xi32>
      %shift_left3A_396 = arith.shli %get3A_380, %shift_left3A_395 : vector<16xi32>
      %and3A_397 = arith.constant 8191 : i32
      %and3A_398 = vector.broadcast %and3A_397 : i32 to vector<16xi32>
      %and3A_399 = arith.andi %sub3A_386, %and3A_398 : vector<16xi32>
      %or3A_400 = arith.ori %shift_left3A_396, %and3A_399 : vector<16xi32>
      %swap3A_401 = arith.index_cast %scan3A_372 : i32 to index
      %swap3A_402 = tpu.vector_load %arg9[%swap3A_401] masked %and3A_393 {strides = array<i32>} : memref<20096xi32, #tpu.memory_space<vmem>>, vector<16xi32>, vector<16xi1>
      tpu.vector_store %arg9[%swap3A_401], %or3A_400 masked %and3A_393 {strides = array<i32>} : memref<20096xi32, #tpu.memory_space<vmem>>, vector<16xi32>, vector<16xi1>
      %all_reduce_population_count3A_403 = tpu.all_reduce %and3A_393 {dim = 0 : i64, kind = #tpu.reduction_kind<sum>} : vector<16xi1> -> vector<16xi32>
      %slice3A_404 = vector.extract_strided_slice %all_reduce_population_count3A_403 {offsets = [0], sizes = [1], strides = [1]} : vector<16xi32> to vector<1xi32>
      %squeeze3A_405 = vector.extract %slice3A_404[0] : i32 from vector<1xi32>
      %add3A_406 = arith.addi %scan3A_372, %squeeze3A_405 : i32
      %scan3A_407 = arith.constant 1 : i32
      %scan3A_408 = arith.addi %scan3A_371, %scan3A_407 : i32
      %mul3A_409 = arith.constant 1 : i32
      %mul3A_410 = arith.muli %scan3A_408, %mul3A_409 : i32
      %add3A_411 = arith.constant 0 : i32
      %add3A_412 = arith.addi %add3A_411, %mul3A_410 : i32
      %mul3A_413 = arith.constant 16 : i32
      %mul3A_414 = arith.muli %add3A_412, %mul3A_413 : i32
      %get3A_415 = arith.index_cast %mul3A_414 : i32 to index
      %get3A_416 = tpu.vector_load %arg7[%get3A_415] {strides = array<i32>} : memref<10000xi32, #tpu.memory_space<vmem>>, vector<16xi32>,
      %mul3A_417 = arith.constant 16 : i32
      %mul3A_418 = arith.muli %add3A_412, %mul3A_417 : i32
      %get3A_419 = arith.index_cast %mul3A_418 : i32 to index
      %get3A_420 = tpu.vector_load %arg8[%get3A_419] {strides = array<i32>} : memref<10000xi32, #tpu.memory_space<vmem>>, vector<16xi32>,
      %sub3A_421 = vector.broadcast %mul3A_2 : i32 to vector<16xi32>
      %sub3A_422 = arith.subi %get3A_420, %sub3A_421 : vector<16xi32>
      %ge3A_423 = arith.constant 0 : i32
      %ge3A_424 = vector.broadcast %ge3A_423 : i32 to vector<16xi32>
      %ge3A_425 = arith.cmpi sge, %sub3A_422, %ge3A_424 : vector<16xi32>
      %lt3A_426 = arith.constant 5120 : i32
      %lt3A_427 = vector.broadcast %lt3A_426 : i32 to vector<16xi32>
      %lt3A_428 = arith.cmpi slt, %sub3A_422, %lt3A_427 : vector<16xi32>
      %and3A_429 = arith.andi %ge3A_425, %lt3A_428 : vector<16xi1>
      %shift_left3A_430 = arith.constant 13 : i32
      %shift_left3A_431 = vector.broadcast %shift_left3A_430 : i32 to vector<16xi32>
      %shift_left3A_432 = arith.shli %get3A_416, %shift_left3A_431 : vector<16xi32>
      %and3A_433 = arith.constant 8191 : i32
      %and3A_434 = vector.broadcast %and3A_433 : i32 to vector<16xi32>
      %and3A_435 = arith.andi %sub3A_422, %and3A_434 : vector<16xi32>
      %or3A_436 = arith.ori %shift_left3A_432, %and3A_435 : vector<16xi32>
      %swap3A_437 = arith.index_cast %add3A_406 : i32 to index
      %swap3A_438 = tpu.vector_load %arg9[%swap3A_437] masked %and3A_429 {strides = array<i32>} : memref<20096xi32, #tpu.memory_space<vmem>>, vector<16xi32>, vector<16xi1>
      tpu.vector_store %arg9[%swap3A_437], %or3A_436 masked %and3A_429 {strides = array<i32>} : memref<20096xi32, #tpu.memory_space<vmem>>, vector<16xi32>, vector<16xi1>
      %all_reduce_population_count3A_439 = tpu.all_reduce %and3A_429 {dim = 0 : i64, kind = #tpu.reduction_kind<sum>} : vector<16xi1> -> vector<16xi32>
      %slice3A_440 = vector.extract_strided_slice %all_reduce_population_count3A_439 {offsets = [0], sizes = [1], strides = [1]} : vector<16xi32> to vector<1xi32>
      %squeeze3A_441 = vector.extract %slice3A_440[0] : i32 from vector<1xi32>
      %add3A_442 = arith.addi %add3A_406, %squeeze3A_441 : i32
      %scan3A_443 = arith.constant 2 : i32
      %scan3A_444 = arith.addi %scan3A_371, %scan3A_443 : i32
      %mul3A_445 = arith.constant 1 : i32
      %mul3A_446 = arith.muli %scan3A_444, %mul3A_445 : i32
      %add3A_447 = arith.constant 0 : i32
      %add3A_448 = arith.addi %add3A_447, %mul3A_446 : i32
      %mul3A_449 = arith.constant 16 : i32
      %mul3A_450 = arith.muli %add3A_448, %mul3A_449 : i32
      %get3A_451 = arith.index_cast %mul3A_450 : i32 to index
      %get3A_452 = tpu.vector_load %arg7[%get3A_451] {strides = array<i32>} : memref<10000xi32, #tpu.memory_space<vmem>>, vector<16xi32>,
      %mul3A_453 = arith.constant 16 : i32
      %mul3A_454 = arith.muli %add3A_448, %mul3A_453 : i32
      %get3A_455 = arith.index_cast %mul3A_454 : i32 to index
      %get3A_456 = tpu.vector_load %arg8[%get3A_455] {strides = array<i32>} : memref<10000xi32, #tpu.memory_space<vmem>>, vector<16xi32>,
      %sub3A_457 = vector.broadcast %mul3A_2 : i32 to vector<16xi32>
      %sub3A_458 = arith.subi %get3A_456, %sub3A_457 : vector<16xi32>
      %ge3A_459 = arith.constant 0 : i32
      %ge3A_460 = vector.broadcast %ge3A_459 : i32 to vector<16xi32>
      %ge3A_461 = arith.cmpi sge, %sub3A_458, %ge3A_460 : vector<16xi32>
      %lt3A_462 = arith.constant 5120 : i32
      %lt3A_463 = vector.broadcast %lt3A_462 : i32 to vector<16xi32>
      %lt3A_464 = arith.cmpi slt, %sub3A_458, %lt3A_463 : vector<16xi32>
      %and3A_465 = arith.andi %ge3A_461, %lt3A_464 : vector<16xi1>
      %shift_left3A_466 = arith.constant 13 : i32
      %shift_left3A_467 = vector.broadcast %shift_left3A_466 : i32 to vector<16xi32>
      %shift_left3A_468 = arith.shli %get3A_452, %shift_left3A_467 : vector<16xi32>
      %and3A_469 = arith.constant 8191 : i32
      %and3A_470 = vector.broadcast %and3A_469 : i32 to vector<16xi32>
      %and3A_471 = arith.andi %sub3A_458, %and3A_470 : vector<16xi32>
      %or3A_472 = arith.ori %shift_left3A_468, %and3A_471 : vector<16xi32>
      %swap3A_473 = arith.index_cast %add3A_442 : i32 to index
      %swap3A_474 = tpu.vector_load %arg9[%swap3A_473] masked %and3A_465 {strides = array<i32>} : memref<20096xi32, #tpu.memory_space<vmem>>, vector<16xi32>, vector<16xi1>
      tpu.vector_store %arg9[%swap3A_473], %or3A_472 masked %and3A_465 {strides = array<i32>} : memref<20096xi32, #tpu.memory_space<vmem>>, vector<16xi32>, vector<16xi1>
      %all_reduce_population_count3A_475 = tpu.all_reduce %and3A_465 {dim = 0 : i64, kind = #tpu.reduction_kind<sum>} : vector<16xi1> -> vector<16xi32>
      %slice3A_476 = vector.extract_strided_slice %all_reduce_population_count3A_475 {offsets = [0], sizes = [1], strides = [1]} : vector<16xi32> to vector<1xi32>
      %squeeze3A_477 = vector.extract %slice3A_476[0] : i32 from vector<1xi32>
      %add3A_478 = arith.addi %add3A_442, %squeeze3A_477 : i32
      %scan3A_479 = arith.constant 3 : i32
      %scan3A_480 = arith.addi %scan3A_371, %scan3A_479 : i32
      %mul3A_481 = arith.constant 1 : i32
      %mul3A_482 = arith.muli %scan3A_480, %mul3A_481 : i32
      %add3A_483 = arith.constant 0 : i32
      %add3A_484 = arith.addi %add3A_483, %mul3A_482 : i32
      %mul3A_485 = arith.constant 16 : i32
      %mul3A_486 = arith.muli %add3A_484, %mul3A_485 : i32
      %get3A_487 = arith.index_cast %mul3A_486 : i32 to index
      %get3A_488 = tpu.vector_load %arg7[%get3A_487] {strides = array<i32>} : memref<10000xi32, #tpu.memory_space<vmem>>, vector<16xi32>,
      %mul3A_489 = arith.constant 16 : i32
      %mul3A_490 = arith.muli %add3A_484, %mul3A_489 : i32
      %get3A_491 = arith.index_cast %mul3A_490 : i32 to index
      %get3A_492 = tpu.vector_load %arg8[%get3A_491] {strides = array<i32>} : memref<10000xi32, #tpu.memory_space<vmem>>, vector<16xi32>,
      %sub3A_493 = vector.broadcast %mul3A_2 : i32 to vector<16xi32>
      %sub3A_494 = arith.subi %get3A_492, %sub3A_493 : vector<16xi32>
      %ge3A_495 = arith.constant 0 : i32
      %ge3A_496 = vector.broadcast %ge3A_495 : i32 to vector<16xi32>
      %ge3A_497 = arith.cmpi sge, %sub3A_494, %ge3A_496 : vector<16xi32>
      %lt3A_498 = arith.constant 5120 : i32
      %lt3A_499 = vector.broadcast %lt3A_498 : i32 to vector<16xi32>
      %lt3A_500 = arith.cmpi slt, %sub3A_494, %lt3A_499 : vector<16xi32>
      %and3A_501 = arith.andi %ge3A_497, %lt3A_500 : vector<16xi1>
      %shift_left3A_502 = arith.constant 13 : i32
      %shift_left3A_503 = vector.broadcast %shift_left3A_502 : i32 to vector<16xi32>
      %shift_left3A_504 = arith.shli %get3A_488, %shift_left3A_503 : vector<16xi32>
      %and3A_505 = arith.constant 8191 : i32
      %and3A_506 = vector.broadcast %and3A_505 : i32 to vector<16xi32>
      %and3A_507 = arith.andi %sub3A_494, %and3A_506 : vector<16xi32>
      %or3A_508 = arith.ori %shift_left3A_504, %and3A_507 : vector<16xi32>
      %swap3A_509 = arith.index_cast %add3A_478 : i32 to index
      %swap3A_510 = tpu.vector_load %arg9[%swap3A_509] masked %and3A_501 {strides = array<i32>} : memref<20096xi32, #tpu.memory_space<vmem>>, vector<16xi32>, vector<16xi1>
      tpu.vector_store %arg9[%swap3A_509], %or3A_508 masked %and3A_501 {strides = array<i32>} : memref<20096xi32, #tpu.memory_space<vmem>>, vector<16xi32>, vector<16xi1>
      %all_reduce_population_count3A_511 = tpu.all_reduce %and3A_501 {dim = 0 : i64, kind = #tpu.reduction_kind<sum>} : vector<16xi1> -> vector<16xi32>
      %slice3A_512 = vector.extract_strided_slice %all_reduce_population_count3A_511 {offsets = [0], sizes = [1], strides = [1]} : vector<16xi32> to vector<1xi32>
      %squeeze3A_513 = vector.extract %slice3A_512[0] : i32 from vector<1xi32>
      %add3A_514 = arith.addi %add3A_478, %squeeze3A_513 : i32
      scf.yield %add3A_514 : i32
    }
    %scan3A_11 = arith.constant 624 : i32
    %scan3A_12 = arith.addi %scan3A_6, %scan3A_11 : i32
    %mul3A_13 = arith.constant 1 : i32
    %mul3A_14 = arith.muli %scan3A_12, %mul3A_13 : i32
    %add3A = arith.constant 0 : i32
    %add3A_15 = arith.addi %add3A, %mul3A_14 : i32
    %mul3A_16 = arith.constant 16 : i32
    %mul3A_17 = arith.muli %add3A_15, %mul3A_16 : i32
    %get3A = arith.index_cast %mul3A_17 : i32 to index
    %get3A_18 = tpu.vector_load %arg7[%get3A] {strides = array<i32>} : memref<10000xi32, #tpu.memory_space<vmem>>, vector<16xi32>,
    %mul3A_19 = arith.constant 16 : i32
    %mul3A_20 = arith.muli %add3A_15, %mul3A_19 : i32
    %get3A_21 = arith.index_cast %mul3A_20 : i32 to index
    %get3A_22 = tpu.vector_load %arg8[%get3A_21] {strides = array<i32>} : memref<10000xi32, #tpu.memory_space<vmem>>, vector<16xi32>,
    %sub3A = vector.broadcast %mul3A_2 : i32 to vector<16xi32>
    %sub3A_23 = arith.subi %get3A_22, %sub3A : vector<16xi32>
    %ge3A = arith.constant 0 : i32
    %ge3A_24 = vector.broadcast %ge3A : i32 to vector<16xi32>
    %ge3A_25 = arith.cmpi sge, %sub3A_23, %ge3A_24 : vector<16xi32>
    %lt3A = arith.constant 5120 : i32
    %lt3A_26 = vector.broadcast %lt3A : i32 to vector<16xi32>
    %lt3A_27 = arith.cmpi slt, %sub3A_23, %lt3A_26 : vector<16xi32>
    %and3A = arith.andi %ge3A_25, %lt3A_27 : vector<16xi1>
    %shift_left3A = arith.constant 13 : i32
    %shift_left3A_28 = vector.broadcast %shift_left3A : i32 to vector<16xi32>
    %shift_left3A_29 = arith.shli %get3A_18, %shift_left3A_28 : vector<16xi32>
    %and3A_30 = arith.constant 8191 : i32
    %and3A_31 = vector.broadcast %and3A_30 : i32 to vector<16xi32>
    %and3A_32 = arith.andi %sub3A_23, %and3A_31 : vector<16xi32>
    %or3A = arith.ori %shift_left3A_29, %and3A_32 : vector<16xi32>
    %swap3A = arith.index_cast %scan3A_10 : i32 to index
    %swap3A_33 = tpu.vector_load %arg9[%swap3A] masked %and3A {strides = array<i32>} : memref<20096xi32, #tpu.memory_space<vmem>>, vector<16xi32>, vector<16xi1>
    tpu.vector_store %arg9[%swap3A], %or3A masked %and3A {strides = array<i32>} : memref<20096xi32, #tpu.memory_space<vmem>>, vector<16xi32>, vector<16xi1>
    %all_reduce_population_count3A = tpu.all_reduce %and3A {dim = 0 : i64, kind = #tpu.reduction_kind<sum>} : vector<16xi1> -> vector<16xi32>
    %slice3A = vector.extract_strided_slice %all_reduce_population_count3A {offsets = [0], sizes = [1], strides = [1]} : vector<16xi32> to vector<1xi32>
    %squeeze3A = vector.extract %slice3A[0] : i32 from vector<1xi32>
    %add3A_34 = arith.addi %scan3A_10, %squeeze3A : i32
    %scan3A_35 = arith.constant 625 : i32
    %run_scoped3A_36 = arith.constant 1 : i32
    %run_scoped3A_37 = arith.constant 0 : i32
    "tpu.region"() ({
      %run_scoped3A_371 = tpu.sem_alloc : memref<!tpu.dma_semaphore, #tpu.memory_space<semaphore_mem>>
      %dma_start3A = arith.constant 0 : i32
      %dma_start3A_372 = tpu.memref_slice %arg3[%arg1, %run_scoped3A_36, %run_scoped3A_37, %dma_start3A] : memref<16x2x1x10000xi32, #tpu.memory_space<hbm>> -> memref<1x1x1x10000xi32, #tpu.memory_space<hbm>>
      %dma_start3A_373 = tpu.memref_squeeze %dma_start3A_372 : memref<1x1x1x10000xi32, #tpu.memory_space<hbm>> -> memref<10000xi32, #tpu.memory_space<hbm>>
      %dma_start3A_374 = arith.constant 0 : i32
      %dma_start3A_375 = tpu.memref_slice %arg3[%arg1, %run_scoped3A_36, %run_scoped3A_37, %dma_start3A_374] : memref<16x2x1x10000xi32, #tpu.memory_space<hbm>> -> memref<1x1x1x10000xi32, #tpu.memory_space<hbm>>
      %dma_start3A_376 = tpu.memref_squeeze %dma_start3A_375 : memref<1x1x1x10000xi32, #tpu.memory_space<hbm>> -> memref<10000xi32, #tpu.memory_space<hbm>>
      tpu.enqueue_dma source(%dma_start3A_376 : memref<10000xi32, #tpu.memory_space<hbm>>) target(%arg7 : memref<10000xi32, #tpu.memory_space<vmem>>) target_semaphore(%run_scoped3A_371 : memref<!tpu.dma_semaphore, #tpu.memory_space<semaphore_mem>>)
      %dma_wait3A = arith.constant 0 : i32
      %dma_wait3A_377 = tpu.memref_slice %arg3[%arg1, %run_scoped3A_36, %run_scoped3A_37, %dma_wait3A] : memref<16x2x1x10000xi32, #tpu.memory_space<hbm>> -> memref<1x1x1x10000xi32, #tpu.memory_space<hbm>>
      %dma_wait3A_378 = tpu.memref_squeeze %dma_wait3A_377 : memref<1x1x1x10000xi32, #tpu.memory_space<hbm>> -> memref<10000xi32, #tpu.memory_space<hbm>>
      %dma_wait3A_379 = arith.constant 0 : i32
      %dma_wait3A_380 = tpu.memref_slice %arg3[%arg1, %run_scoped3A_36, %run_scoped3A_37, %dma_wait3A_379] : memref<16x2x1x10000xi32, #tpu.memory_space<hbm>> -> memref<1x1x1x10000xi32, #tpu.memory_space<hbm>>
      %dma_wait3A_381 = tpu.memref_squeeze %dma_wait3A_380 : memref<1x1x1x10000xi32, #tpu.memory_space<hbm>> -> memref<10000xi32, #tpu.memory_space<hbm>>
      tpu.wait_dma2 semaphore(%run_scoped3A_371 : memref<!tpu.dma_semaphore, #tpu.memory_space<semaphore_mem>>) src(%dma_wait3A_381 : memref<10000xi32, #tpu.memory_space<hbm>>) dst(%arg7 : memref<10000xi32, #tpu.memory_space<vmem>>)
      tpu.yield
    }) : () -> ()
    %run_scoped3A_38 = arith.constant 1 : i32
    %run_scoped3A_39 = arith.constant 0 : i32
    "tpu.region"() ({
      %run_scoped3A_371 = tpu.sem_alloc : memref<!tpu.dma_semaphore, #tpu.memory_space<semaphore_mem>>
      %dma_start3A = arith.constant 0 : i32
      %dma_start3A_372 = tpu.memref_slice %arg4[%arg1, %run_scoped3A_38, %run_scoped3A_39, %dma_start3A] : memref<16x2x1x10000xi32, #tpu.memory_space<hbm>> -> memref<1x1x1x10000xi32, #tpu.memory_space<hbm>>
      %dma_start3A_373 = tpu.memref_squeeze %dma_start3A_372 : memref<1x1x1x10000xi32, #tpu.memory_space<hbm>> -> memref<10000xi32, #tpu.memory_space<hbm>>
      %dma_start3A_374 = arith.constant 0 : i32
      %dma_start3A_375 = tpu.memref_slice %arg4[%arg1, %run_scoped3A_38, %run_scoped3A_39, %dma_start3A_374] : memref<16x2x1x10000xi32, #tpu.memory_space<hbm>> -> memref<1x1x1x10000xi32, #tpu.memory_space<hbm>>
      %dma_start3A_376 = tpu.memref_squeeze %dma_start3A_375 : memref<1x1x1x10000xi32, #tpu.memory_space<hbm>> -> memref<10000xi32, #tpu.memory_space<hbm>>
      tpu.enqueue_dma source(%dma_start3A_376 : memref<10000xi32, #tpu.memory_space<hbm>>) target(%arg8 : memref<10000xi32, #tpu.memory_space<vmem>>) target_semaphore(%run_scoped3A_371 : memref<!tpu.dma_semaphore, #tpu.memory_space<semaphore_mem>>)
      %dma_wait3A = arith.constant 0 : i32
      %dma_wait3A_377 = tpu.memref_slice %arg4[%arg1, %run_scoped3A_38, %run_scoped3A_39, %dma_wait3A] : memref<16x2x1x10000xi32, #tpu.memory_space<hbm>> -> memref<1x1x1x10000xi32, #tpu.memory_space<hbm>>
      %dma_wait3A_378 = tpu.memref_squeeze %dma_wait3A_377 : memref<1x1x1x10000xi32, #tpu.memory_space<hbm>> -> memref<10000xi32, #tpu.memory_space<hbm>>
      %dma_wait3A_379 = arith.constant 0 : i32
      %dma_wait3A_380 = tpu.memref_slice %arg4[%arg1, %run_scoped3A_38, %run_scoped3A_39, %dma_wait3A_379] : memref<16x2x1x10000xi32, #tpu.memory_space<hbm>> -> memref<1x1x1x10000xi32, #tpu.memory_space<hbm>>
      %dma_wait3A_381 = tpu.memref_squeeze %dma_wait3A_380 : memref<1x1x1x10000xi32, #tpu.memory_space<hbm>> -> memref<10000xi32, #tpu.memory_space<hbm>>
      tpu.wait_dma2 semaphore(%run_scoped3A_371 : memref<!tpu.dma_semaphore, #tpu.memory_space<semaphore_mem>>) src(%dma_wait3A_381 : memref<10000xi32, #tpu.memory_space<hbm>>) dst(%arg8 : memref<10000xi32, #tpu.memory_space<vmem>>)
      tpu.yield
    }) : () -> ()
    %scan3A_40 = arith.constant 0 : i32
    %scan3A_41 = arith.constant 624 : i32
    %scan3A_42 = arith.addi %scan3A_40, %scan3A_41 : i32
    %scan3A_43 = arith.constant 4 : i32
    %scan3A_44 = scf.for %scan3A_371 = %scan3A_40 to %scan3A_42 step %scan3A_43 iter_args(%scan3A_372 = %add3A_34) -> (i32)  : i32 {
      %mul3A_373 = arith.constant 1 : i32
      %mul3A_374 = arith.muli %scan3A_371, %mul3A_373 : i32
      %add3A_375 = arith.constant 0 : i32
      %add3A_376 = arith.addi %add3A_375, %mul3A_374 : i32
      %mul3A_377 = arith.constant 16 : i32
      %mul3A_378 = arith.muli %add3A_376, %mul3A_377 : i32
      %get3A_379 = arith.index_cast %mul3A_378 : i32 to index
      %get3A_380 = tpu.vector_load %arg7[%get3A_379] {strides = array<i32>} : memref<10000xi32, #tpu.memory_space<vmem>>, vector<16xi32>,
      %mul3A_381 = arith.constant 16 : i32
      %mul3A_382 = arith.muli %add3A_376, %mul3A_381 : i32
      %get3A_383 = arith.index_cast %mul3A_382 : i32 to index
      %get3A_384 = tpu.vector_load %arg8[%get3A_383] {strides = array<i32>} : memref<10000xi32, #tpu.memory_space<vmem>>, vector<16xi32>,
      %sub3A_385 = vector.broadcast %mul3A_2 : i32 to vector<16xi32>
      %sub3A_386 = arith.subi %get3A_384, %sub3A_385 : vector<16xi32>
      %ge3A_387 = arith.constant 0 : i32
      %ge3A_388 = vector.broadcast %ge3A_387 : i32 to vector<16xi32>
      %ge3A_389 = arith.cmpi sge, %sub3A_386, %ge3A_388 : vector<16xi32>
      %lt3A_390 = arith.constant 5120 : i32
      %lt3A_391 = vector.broadcast %lt3A_390 : i32 to vector<16xi32>
      %lt3A_392 = arith.cmpi slt, %sub3A_386, %lt3A_391 : vector<16xi32>
      %and3A_393 = arith.andi %ge3A_389, %lt3A_392 : vector<16xi1>
      %shift_left3A_394 = arith.constant 13 : i32
      %shift_left3A_395 = vector.broadcast %shift_left3A_394 : i32 to vector<16xi32>
      %shift_left3A_396 = arith.shli %get3A_380, %shift_left3A_395 : vector<16xi32>
      %and3A_397 = arith.constant 8191 : i32
      %and3A_398 = vector.broadcast %and3A_397 : i32 to vector<16xi32>
      %and3A_399 = arith.andi %sub3A_386, %and3A_398 : vector<16xi32>
      %or3A_400 = arith.ori %shift_left3A_396, %and3A_399 : vector<16xi32>
      %swap3A_401 = arith.index_cast %scan3A_372 : i32 to index
      %swap3A_402 = tpu.vector_load %arg9[%swap3A_401] masked %and3A_393 {strides = array<i32>} : memref<20096xi32, #tpu.memory_space<vmem>>, vector<16xi32>, vector<16xi1>
      tpu.vector_store %arg9[%swap3A_401], %or3A_400 masked %and3A_393 {strides = array<i32>} : memref<20096xi32, #tpu.memory_space<vmem>>, vector<16xi32>, vector<16xi1>
      %all_reduce_population_count3A_403 = tpu.all_reduce %and3A_393 {dim = 0 : i64, kind = #tpu.reduction_kind<sum>} : vector<16xi1> -> vector<16xi32>
      %slice3A_404 = vector.extract_strided_slice %all_reduce_population_count3A_403 {offsets = [0], sizes = [1], strides = [1]} : vector<16xi32> to vector<1xi32>
      %squeeze3A_405 = vector.extract %slice3A_404[0] : i32 from vector<1xi32>
      %add3A_406 = arith.addi %scan3A_372, %squeeze3A_405 : i32
      %scan3A_407 = arith.constant 1 : i32
      %scan3A_408 = arith.addi %scan3A_371, %scan3A_407 : i32
      %mul3A_409 = arith.constant 1 : i32
      %mul3A_410 = arith.muli %scan3A_408, %mul3A_409 : i32
      %add3A_411 = arith.constant 0 : i32
      %add3A_412 = arith.addi %add3A_411, %mul3A_410 : i32
      %mul3A_413 = arith.constant 16 : i32
      %mul3A_414 = arith.muli %add3A_412, %mul3A_413 : i32
      %get3A_415 = arith.index_cast %mul3A_414 : i32 to index
      %get3A_416 = tpu.vector_load %arg7[%get3A_415] {strides = array<i32>} : memref<10000xi32, #tpu.memory_space<vmem>>, vector<16xi32>,
      %mul3A_417 = arith.constant 16 : i32
      %mul3A_418 = arith.muli %add3A_412, %mul3A_417 : i32
      %get3A_419 = arith.index_cast %mul3A_418 : i32 to index
      %get3A_420 = tpu.vector_load %arg8[%get3A_419] {strides = array<i32>} : memref<10000xi32, #tpu.memory_space<vmem>>, vector<16xi32>,
      %sub3A_421 = vector.broadcast %mul3A_2 : i32 to vector<16xi32>
      %sub3A_422 = arith.subi %get3A_420, %sub3A_421 : vector<16xi32>
      %ge3A_423 = arith.constant 0 : i32
      %ge3A_424 = vector.broadcast %ge3A_423 : i32 to vector<16xi32>
      %ge3A_425 = arith.cmpi sge, %sub3A_422, %ge3A_424 : vector<16xi32>
      %lt3A_426 = arith.constant 5120 : i32
      %lt3A_427 = vector.broadcast %lt3A_426 : i32 to vector<16xi32>
      %lt3A_428 = arith.cmpi slt, %sub3A_422, %lt3A_427 : vector<16xi32>
      %and3A_429 = arith.andi %ge3A_425, %lt3A_428 : vector<16xi1>
      %shift_left3A_430 = arith.constant 13 : i32
      %shift_left3A_431 = vector.broadcast %shift_left3A_430 : i32 to vector<16xi32>
      %shift_left3A_432 = arith.shli %get3A_416, %shift_left3A_431 : vector<16xi32>
      %and3A_433 = arith.constant 8191 : i32
      %and3A_434 = vector.broadcast %and3A_433 : i32 to vector<16xi32>
      %and3A_435 = arith.andi %sub3A_422, %and3A_434 : vector<16xi32>
      %or3A_436 = arith.ori %shift_left3A_432, %and3A_435 : vector<16xi32>
      %swap3A_437 = arith.index_cast %add3A_406 : i32 to index
      %swap3A_438 = tpu.vector_load %arg9[%swap3A_437] masked %and3A_429 {strides = array<i32>} : memref<20096xi32, #tpu.memory_space<vmem>>, vector<16xi32>, vector<16xi1>
      tpu.vector_store %arg9[%swap3A_437], %or3A_436 masked %and3A_429 {strides = array<i32>} : memref<20096xi32, #tpu.memory_space<vmem>>, vector<16xi32>, vector<16xi1>
      %all_reduce_population_count3A_439 = tpu.all_reduce %and3A_429 {dim = 0 : i64, kind = #tpu.reduction_kind<sum>} : vector<16xi1> -> vector<16xi32>
      %slice3A_440 = vector.extract_strided_slice %all_reduce_population_count3A_439 {offsets = [0], sizes = [1], strides = [1]} : vector<16xi32> to vector<1xi32>
      %squeeze3A_441 = vector.extract %slice3A_440[0] : i32 from vector<1xi32>
      %add3A_442 = arith.addi %add3A_406, %squeeze3A_441 : i32
      %scan3A_443 = arith.constant 2 : i32
      %scan3A_444 = arith.addi %scan3A_371, %scan3A_443 : i32
      %mul3A_445 = arith.constant 1 : i32
      %mul3A_446 = arith.muli %scan3A_444, %mul3A_445 : i32
      %add3A_447 = arith.constant 0 : i32
      %add3A_448 = arith.addi %add3A_447, %mul3A_446 : i32
      %mul3A_449 = arith.constant 16 : i32
      %mul3A_450 = arith.muli %add3A_448, %mul3A_449 : i32
      %get3A_451 = arith.index_cast %mul3A_450 : i32 to index
      %get3A_452 = tpu.vector_load %arg7[%get3A_451] {strides = array<i32>} : memref<10000xi32, #tpu.memory_space<vmem>>, vector<16xi32>,
      %mul3A_453 = arith.constant 16 : i32
      %mul3A_454 = arith.muli %add3A_448, %mul3A_453 : i32
      %get3A_455 = arith.index_cast %mul3A_454 : i32 to index
      %get3A_456 = tpu.vector_load %arg8[%get3A_455] {strides = array<i32>} : memref<10000xi32, #tpu.memory_space<vmem>>, vector<16xi32>,
      %sub3A_457 = vector.broadcast %mul3A_2 : i32 to vector<16xi32>
      %sub3A_458 = arith.subi %get3A_456, %sub3A_457 : vector<16xi32>
      %ge3A_459 = arith.constant 0 : i32
      %ge3A_460 = vector.broadcast %ge3A_459 : i32 to vector<16xi32>
      %ge3A_461 = arith.cmpi sge, %sub3A_458, %ge3A_460 : vector<16xi32>
      %lt3A_462 = arith.constant 5120 : i32
      %lt3A_463 = vector.broadcast %lt3A_462 : i32 to vector<16xi32>
      %lt3A_464 = arith.cmpi slt, %sub3A_458, %lt3A_463 : vector<16xi32>
      %and3A_465 = arith.andi %ge3A_461, %lt3A_464 : vector<16xi1>
      %shift_left3A_466 = arith.constant 13 : i32
      %shift_left3A_467 = vector.broadcast %shift_left3A_466 : i32 to vector<16xi32>
      %shift_left3A_468 = arith.shli %get3A_452, %shift_left3A_467 : vector<16xi32>
      %and3A_469 = arith.constant 8191 : i32
      %and3A_470 = vector.broadcast %and3A_469 : i32 to vector<16xi32>
      %and3A_471 = arith.andi %sub3A_458, %and3A_470 : vector<16xi32>
      %or3A_472 = arith.ori %shift_left3A_468, %and3A_471 : vector<16xi32>
      %swap3A_473 = arith.index_cast %add3A_442 : i32 to index
      %swap3A_474 = tpu.vector_load %arg9[%swap3A_473] masked %and3A_465 {strides = array<i32>} : memref<20096xi32, #tpu.memory_space<vmem>>, vector<16xi32>, vector<16xi1>
      tpu.vector_store %arg9[%swap3A_473], %or3A_472 masked %and3A_465 {strides = array<i32>} : memref<20096xi32, #tpu.memory_space<vmem>>, vector<16xi32>, vector<16xi1>
      %all_reduce_population_count3A_475 = tpu.all_reduce %and3A_465 {dim = 0 : i64, kind = #tpu.reduction_kind<sum>} : vector<16xi1> -> vector<16xi32>
      %slice3A_476 = vector.extract_strided_slice %all_reduce_population_count3A_475 {offsets = [0], sizes = [1], strides = [1]} : vector<16xi32> to vector<1xi32>
      %squeeze3A_477 = vector.extract %slice3A_476[0] : i32 from vector<1xi32>
      %add3A_478 = arith.addi %add3A_442, %squeeze3A_477 : i32
      %scan3A_479 = arith.constant 3 : i32
      %scan3A_480 = arith.addi %scan3A_371, %scan3A_479 : i32
      %mul3A_481 = arith.constant 1 : i32
      %mul3A_482 = arith.muli %scan3A_480, %mul3A_481 : i32
      %add3A_483 = arith.constant 0 : i32
      %add3A_484 = arith.addi %add3A_483, %mul3A_482 : i32
      %mul3A_485 = arith.constant 16 : i32
      %mul3A_486 = arith.muli %add3A_484, %mul3A_485 : i32
      %get3A_487 = arith.index_cast %mul3A_486 : i32 to index
      %get3A_488 = tpu.vector_load %arg7[%get3A_487] {strides = array<i32>} : memref<10000xi32, #tpu.memory_space<vmem>>, vector<16xi32>,
      %mul3A_489 = arith.constant 16 : i32
      %mul3A_490 = arith.muli %add3A_484, %mul3A_489 : i32
      %get3A_491 = arith.index_cast %mul3A_490 : i32 to index
      %get3A_492 = tpu.vector_load %arg8[%get3A_491] {strides = array<i32>} : memref<10000xi32, #tpu.memory_space<vmem>>, vector<16xi32>,
      %sub3A_493 = vector.broadcast %mul3A_2 : i32 to vector<16xi32>
      %sub3A_494 = arith.subi %get3A_492, %sub3A_493 : vector<16xi32>
      %ge3A_495 = arith.constant 0 : i32
      %ge3A_496 = vector.broadcast %ge3A_495 : i32 to vector<16xi32>
      %ge3A_497 = arith.cmpi sge, %sub3A_494, %ge3A_496 : vector<16xi32>
      %lt3A_498 = arith.constant 5120 : i32
      %lt3A_499 = vector.broadcast %lt3A_498 : i32 to vector<16xi32>
      %lt3A_500 = arith.cmpi slt, %sub3A_494, %lt3A_499 : vector<16xi32>
      %and3A_501 = arith.andi %ge3A_497, %lt3A_500 : vector<16xi1>
      %shift_left3A_502 = arith.constant 13 : i32
      %shift_left3A_503 = vector.broadcast %shift_left3A_502 : i32 to vector<16xi32>
      %shift_left3A_504 = arith.shli %get3A_488, %shift_left3A_503 : vector<16xi32>
      %and3A_505 = arith.constant 8191 : i32
      %and3A_506 = vector.broadcast %and3A_505 : i32 to vector<16xi32>
      %and3A_507 = arith.andi %sub3A_494, %and3A_506 : vector<16xi32>
      %or3A_508 = arith.ori %shift_left3A_504, %and3A_507 : vector<16xi32>
      %swap3A_509 = arith.index_cast %add3A_478 : i32 to index
      %swap3A_510 = tpu.vector_load %arg9[%swap3A_509] masked %and3A_501 {strides = array<i32>} : memref<20096xi32, #tpu.memory_space<vmem>>, vector<16xi32>, vector<16xi1>
      tpu.vector_store %arg9[%swap3A_509], %or3A_508 masked %and3A_501 {strides = array<i32>} : memref<20096xi32, #tpu.memory_space<vmem>>, vector<16xi32>, vector<16xi1>
      %all_reduce_population_count3A_511 = tpu.all_reduce %and3A_501 {dim = 0 : i64, kind = #tpu.reduction_kind<sum>} : vector<16xi1> -> vector<16xi32>
      %slice3A_512 = vector.extract_strided_slice %all_reduce_population_count3A_511 {offsets = [0], sizes = [1], strides = [1]} : vector<16xi32> to vector<1xi32>
      %squeeze3A_513 = vector.extract %slice3A_512[0] : i32 from vector<1xi32>
      %add3A_514 = arith.addi %add3A_478, %squeeze3A_513 : i32
      scf.yield %add3A_514 : i32
    }
    %scan3A_45 = arith.constant 624 : i32
    %scan3A_46 = arith.addi %scan3A_40, %scan3A_45 : i32
    %mul3A_47 = arith.constant 1 : i32
    %mul3A_48 = arith.muli %scan3A_46, %mul3A_47 : i32
    %add3A_49 = arith.constant 0 : i32
    %add3A_50 = arith.addi %add3A_49, %mul3A_48 : i32
    %mul3A_51 = arith.constant 16 : i32
    %mul3A_52 = arith.muli %add3A_50, %mul3A_51 : i32
    %get3A_53 = arith.index_cast %mul3A_52 : i32 to index
    %get3A_54 = tpu.vector_load %arg7[%get3A_53] {strides = array<i32>} : memref<10000xi32, #tpu.memory_space<vmem>>, vector<16xi32>,
    %mul3A_55 = arith.constant 16 : i32
    %mul3A_56 = arith.muli %add3A_50, %mul3A_55 : i32
    %get3A_57 = arith.index_cast %mul3A_56 : i32 to index
    %get3A_58 = tpu.vector_load %arg8[%get3A_57] {strides = array<i32>} : memref<10000xi32, #tpu.memory_space<vmem>>, vector<16xi32>,
    %sub3A_59 = vector.broadcast %mul3A_2 : i32 to vector<16xi32>
    %sub3A_60 = arith.subi %get3A_58, %sub3A_59 : vector<16xi32>
    %ge3A_61 = arith.constant 0 : i32
    %ge3A_62 = vector.broadcast %ge3A_61 : i32 to vector<16xi32>
    %ge3A_63 = arith.cmpi sge, %sub3A_60, %ge3A_62 : vector<16xi32>
    %lt3A_64 = arith.constant 5120 : i32
    %lt3A_65 = vector.broadcast %lt3A_64 : i32 to vector<16xi32>
    %lt3A_66 = arith.cmpi slt, %sub3A_60, %lt3A_65 : vector<16xi32>
    %and3A_67 = arith.andi %ge3A_63, %lt3A_66 : vector<16xi1>
    %shift_left3A_68 = arith.constant 13 : i32
    %shift_left3A_69 = vector.broadcast %shift_left3A_68 : i32 to vector<16xi32>
    %shift_left3A_70 = arith.shli %get3A_54, %shift_left3A_69 : vector<16xi32>
    %and3A_71 = arith.constant 8191 : i32
    %and3A_72 = vector.broadcast %and3A_71 : i32 to vector<16xi32>
    %and3A_73 = arith.andi %sub3A_60, %and3A_72 : vector<16xi32>
    %or3A_74 = arith.ori %shift_left3A_70, %and3A_73 : vector<16xi32>
    %swap3A_75 = arith.index_cast %scan3A_44 : i32 to index
    %swap3A_76 = tpu.vector_load %arg9[%swap3A_75] masked %and3A_67 {strides = array<i32>} : memref<20096xi32, #tpu.memory_space<vmem>>, vector<16xi32>, vector<16xi1>
    tpu.vector_store %arg9[%swap3A_75], %or3A_74 masked %and3A_67 {strides = array<i32>} : memref<20096xi32, #tpu.memory_space<vmem>>, vector<16xi32>, vector<16xi1>
    %all_reduce_population_count3A_77 = tpu.all_reduce %and3A_67 {dim = 0 : i64, kind = #tpu.reduction_kind<sum>} : vector<16xi1> -> vector<16xi32>
    %slice3A_78 = vector.extract_strided_slice %all_reduce_population_count3A_77 {offsets = [0], sizes = [1], strides = [1]} : vector<16xi32> to vector<1xi32>
    %squeeze3A_79 = vector.extract %slice3A_78[0] : i32 from vector<1xi32>
    %add3A_80 = arith.addi %scan3A_44, %squeeze3A_79 : i32
    %scan3A_81 = arith.constant 625 : i32
    %broadcast_in_dim3A = arith.constant 5120 : i32
    %broadcast_in_dim3A_82 = vector.broadcast %broadcast_in_dim3A : i32 to vector<16xi32>
    %add3A_83 = arith.constant 0 : i32
    %add3A_84 = arith.addi %add3A_80, %add3A_83 : i32
    %swap3A_85 = arith.index_cast %add3A_84 : i32 to index
    %swap3A_86 = tpu.vector_load %arg9[%swap3A_85] {strides = array<i32>} : memref<20096xi32, #tpu.memory_space<vmem>>, vector<16xi32>,
    tpu.vector_store %arg9[%swap3A_85], %broadcast_in_dim3A_82 {strides = array<i32>} : memref<20096xi32, #tpu.memory_space<vmem>>, vector<16xi32>,
    %add3A_87 = arith.constant 16 : i32
    %add3A_88 = arith.addi %add3A_80, %add3A_87 : i32
    %swap3A_89 = arith.index_cast %add3A_88 : i32 to index
    %swap3A_90 = tpu.vector_load %arg9[%swap3A_89] {strides = array<i32>} : memref<20096xi32, #tpu.memory_space<vmem>>, vector<16xi32>,
    tpu.vector_store %arg9[%swap3A_89], %broadcast_in_dim3A_82 {strides = array<i32>} : memref<20096xi32, #tpu.memory_space<vmem>>, vector<16xi32>,
    %add3A_91 = arith.constant 32 : i32
    %add3A_92 = arith.addi %add3A_80, %add3A_91 : i32
    %swap3A_93 = arith.index_cast %add3A_92 : i32 to index
    %swap3A_94 = tpu.vector_load %arg9[%swap3A_93] {strides = array<i32>} : memref<20096xi32, #tpu.memory_space<vmem>>, vector<16xi32>,
    tpu.vector_store %arg9[%swap3A_93], %broadcast_in_dim3A_82 {strides = array<i32>} : memref<20096xi32, #tpu.memory_space<vmem>>, vector<16xi32>,
    %add3A_95 = arith.constant 48 : i32
    %add3A_96 = arith.addi %add3A_80, %add3A_95 : i32
    %swap3A_97 = arith.index_cast %add3A_96 : i32 to index
    %swap3A_98 = tpu.vector_load %arg9[%swap3A_97] {strides = array<i32>} : memref<20096xi32, #tpu.memory_space<vmem>>, vector<16xi32>,
    tpu.vector_store %arg9[%swap3A_97], %broadcast_in_dim3A_82 {strides = array<i32>} : memref<20096xi32, #tpu.memory_space<vmem>>, vector<16xi32>,
    %add3A_99 = arith.constant 64 : i32
    %add3A_100 = arith.addi %add3A_80, %add3A_99 : i32
    %swap3A_101 = arith.index_cast %add3A_100 : i32 to index
    %swap3A_102 = tpu.vector_load %arg9[%swap3A_101] {strides = array<i32>} : memref<20096xi32, #tpu.memory_space<vmem>>, vector<16xi32>,
    tpu.vector_store %arg9[%swap3A_101], %broadcast_in_dim3A_82 {strides = array<i32>} : memref<20096xi32, #tpu.memory_space<vmem>>, vector<16xi32>,
    %add3A_103 = arith.constant 80 : i32
    %add3A_104 = arith.addi %add3A_80, %add3A_103 : i32
    %swap3A_105 = arith.index_cast %add3A_104 : i32 to index
    %swap3A_106 = tpu.vector_load %arg9[%swap3A_105] {strides = array<i32>} : memref<20096xi32, #tpu.memory_space<vmem>>, vector<16xi32>,
    tpu.vector_store %arg9[%swap3A_105], %broadcast_in_dim3A_82 {strides = array<i32>} : memref<20096xi32, #tpu.memory_space<vmem>>, vector<16xi32>,
    %add3A_107 = arith.constant 95 : i32
    %add3A_108 = arith.addi %add3A_80, %add3A_107 : i32
    %jit3A = arith.constant 96 : i32
    %div3A = arith.divsi %add3A_108, %jit3A : i32
    %sign3A = arith.constant 0 : i32
    %sign3A_109 = arith.cmpi sgt, %add3A_108, %sign3A : i32
    %sign3A_110 = arith.extui %sign3A_109 : i1 to i32
    %sign3A_111 = arith.constant 0 : i32
    %sign3A_112 = arith.cmpi slt, %add3A_108, %sign3A_111 : i32
    %sign3A_113 = arith.extui %sign3A_112 : i1 to i32
    %sign3A_114 = arith.subi %sign3A_110, %sign3A_113 : i32
    %sign3A_115 = arith.constant 0 : i32
    %sign3A_116 = arith.cmpi sgt, %jit3A, %sign3A_115 : i32
    %sign3A_117 = arith.extui %sign3A_116 : i1 to i32
    %sign3A_118 = arith.constant 0 : i32
    %sign3A_119 = arith.cmpi slt, %jit3A, %sign3A_118 : i32
    %sign3A_120 = arith.extui %sign3A_119 : i1 to i32
    %sign3A_121 = arith.subi %sign3A_117, %sign3A_120 : i32
    %ne3A = arith.cmpi ne, %sign3A_114, %sign3A_121 : i32
    %rem3A = arith.remsi %add3A_108, %jit3A : i32
    %ne3A_122 = arith.constant 0 : i32
    %ne3A_123 = arith.cmpi ne, %rem3A, %ne3A_122 : i32
    %and3A_124 = arith.andi %ne3A, %ne3A_123 : i1
    %sub3A_125 = arith.constant 1 : i32
    %sub3A_126 = arith.subi %div3A, %sub3A_125 : i32
    %select_n3A = arith.select %and3A_124, %sub3A_126, %div3A : i32
    %barrier3A = arith.constant 0 : index
    tpu.barrier barrier_id(%barrier3A)
    %gt3A = arith.constant 0 : i32
    %gt3A_127 = arith.cmpi sgt, %select_n3A, %gt3A : i32
    %convert_element_type3A = arith.extui %gt3A_127 : i1 to i32
    %cond3A = arith.constant 0 : i32
    %cond3A_128 = arith.cmpi ne, %convert_element_type3A, %cond3A : i32
    scf.if %cond3A_128 {
      %get3A_371 = arith.constant 0 : index
      %get3A_372 = tpu.vector_load %arg9[%get3A_371] {strides = array<i32>} : memref<20096xi32, #tpu.memory_space<vmem>>, vector<16xi32>,
      %shift_right_logical3A = arith.constant 13 : i32
      %shift_right_logical3A_373 = vector.broadcast %shift_right_logical3A : i32 to vector<16xi32>
      %shift_right_logical3A_374 = arith.shrui %get3A_372, %shift_right_logical3A_373 : vector<16xi32>
      %swap3A_375 = arith.constant 0 : i32
      %swap3A_376 = arith.index_cast %swap3A_375 : i32 to index
      %swap3A_377 = arith.constant 0 : index
      %swap3A_378 = tpu.vector_load %arg10[%swap3A_376, %swap3A_377] {strides = array<i32>} : memref<3x96xi32, #tpu.memory_space<vmem>>, vector<16xi32>,
      tpu.vector_store %arg10[%swap3A_376, %swap3A_377], %shift_right_logical3A_374 {strides = array<i32>} : memref<3x96xi32, #tpu.memory_space<vmem>>, vector<16xi32>,
      %and3A_379 = arith.constant 8191 : i32
      %and3A_380 = vector.broadcast %and3A_379 : i32 to vector<16xi32>
      %and3A_381 = arith.andi %get3A_372, %and3A_380 : vector<16xi32>
      %swap3A_382 = arith.constant 0 : i32
      %swap3A_383 = arith.index_cast %swap3A_382 : i32 to index
      %swap3A_384 = arith.constant 0 : index
      %swap3A_385 = tpu.vector_load %arg11[%swap3A_383, %swap3A_384] {strides = array<i32>} : memref<3x96xi32, #tpu.memory_space<vmem>>, vector<16xi32>,
      tpu.vector_store %arg11[%swap3A_383, %swap3A_384], %and3A_381 {strides = array<i32>} : memref<3x96xi32, #tpu.memory_space<vmem>>, vector<16xi32>,
      %get3A_386 = arith.constant 16 : index
      %get3A_387 = tpu.vector_load %arg9[%get3A_386] {strides = array<i32>} : memref<20096xi32, #tpu.memory_space<vmem>>, vector<16xi32>,
      %shift_right_logical3A_388 = arith.constant 13 : i32
      %shift_right_logical3A_389 = vector.broadcast %shift_right_logical3A_388 : i32 to vector<16xi32>
      %shift_right_logical3A_390 = arith.shrui %get3A_387, %shift_right_logical3A_389 : vector<16xi32>
      %swap3A_391 = arith.constant 0 : i32
      %swap3A_392 = arith.index_cast %swap3A_391 : i32 to index
      %swap3A_393 = arith.constant 16 : index
      %swap3A_394 = tpu.vector_load %arg10[%swap3A_392, %swap3A_393] {strides = array<i32>} : memref<3x96xi32, #tpu.memory_space<vmem>>, vector<16xi32>,
      tpu.vector_store %arg10[%swap3A_392, %swap3A_393], %shift_right_logical3A_390 {strides = array<i32>} : memref<3x96xi32, #tpu.memory_space<vmem>>, vector<16xi32>,
      %and3A_395 = arith.constant 8191 : i32
      %and3A_396 = vector.broadcast %and3A_395 : i32 to vector<16xi32>
      %and3A_397 = arith.andi %get3A_387, %and3A_396 : vector<16xi32>
      %swap3A_398 = arith.constant 0 : i32
      %swap3A_399 = arith.index_cast %swap3A_398 : i32 to index
      %swap3A_400 = arith.constant 16 : index
      %swap3A_401 = tpu.vector_load %arg11[%swap3A_399, %swap3A_400] {strides = array<i32>} : memref<3x96xi32, #tpu.memory_space<vmem>>, vector<16xi32>,
      tpu.vector_store %arg11[%swap3A_399, %swap3A_400], %and3A_397 {strides = array<i32>} : memref<3x96xi32, #tpu.memory_space<vmem>>, vector<16xi32>,
      %get3A_402 = arith.constant 32 : index
      %get3A_403 = tpu.vector_load %arg9[%get3A_402] {strides = array<i32>} : memref<20096xi32, #tpu.memory_space<vmem>>, vector<16xi32>,
      %shift_right_logical3A_404 = arith.constant 13 : i32
      %shift_right_logical3A_405 = vector.broadcast %shift_right_logical3A_404 : i32 to vector<16xi32>
      %shift_right_logical3A_406 = arith.shrui %get3A_403, %shift_right_logical3A_405 : vector<16xi32>
      %swap3A_407 = arith.constant 0 : i32
      %swap3A_408 = arith.index_cast %swap3A_407 : i32 to index
      %swap3A_409 = arith.constant 32 : index
      %swap3A_410 = tpu.vector_load %arg10[%swap3A_408, %swap3A_409] {strides = array<i32>} : memref<3x96xi32, #tpu.memory_space<vmem>>, vector<16xi32>,
      tpu.vector_store %arg10[%swap3A_408, %swap3A_409], %shift_right_logical3A_406 {strides = array<i32>} : memref<3x96xi32, #tpu.memory_space<vmem>>, vector<16xi32>,
      %and3A_411 = arith.constant 8191 : i32
      %and3A_412 = vector.broadcast %and3A_411 : i32 to vector<16xi32>
      %and3A_413 = arith.andi %get3A_403, %and3A_412 : vector<16xi32>
      %swap3A_414 = arith.constant 0 : i32
      %swap3A_415 = arith.index_cast %swap3A_414 : i32 to index
      %swap3A_416 = arith.constant 32 : index
      %swap3A_417 = tpu.vector_load %arg11[%swap3A_415, %swap3A_416] {strides = array<i32>} : memref<3x96xi32, #tpu.memory_space<vmem>>, vector<16xi32>,
      tpu.vector_store %arg11[%swap3A_415, %swap3A_416], %and3A_413 {strides = array<i32>} : memref<3x96xi32, #tpu.memory_space<vmem>>, vector<16xi32>,
      %get3A_418 = arith.constant 48 : index
      %get3A_419 = tpu.vector_load %arg9[%get3A_418] {strides = array<i32>} : memref<20096xi32, #tpu.memory_space<vmem>>, vector<16xi32>,
      %shift_right_logical3A_420 = arith.constant 13 : i32
      %shift_right_logical3A_421 = vector.broadcast %shift_right_logical3A_420 : i32 to vector<16xi32>
      %shift_right_logical3A_422 = arith.shrui %get3A_419, %shift_right_logical3A_421 : vector<16xi32>
      %swap3A_423 = arith.constant 0 : i32
      %swap3A_424 = arith.index_cast %swap3A_423 : i32 to index
      %swap3A_425 = arith.constant 48 : index
      %swap3A_426 = tpu.vector_load %arg10[%swap3A_424, %swap3A_425] {strides = array<i32>} : memref<3x96xi32, #tpu.memory_space<vmem>>, vector<16xi32>,
      tpu.vector_store %arg10[%swap3A_424, %swap3A_425], %shift_right_logical3A_422 {strides = array<i32>} : memref<3x96xi32, #tpu.memory_space<vmem>>, vector<16xi32>,
      %and3A_427 = arith.constant 8191 : i32
      %and3A_428 = vector.broadcast %and3A_427 : i32 to vector<16xi32>
      %and3A_429 = arith.andi %get3A_419, %and3A_428 : vector<16xi32>
      %swap3A_430 = arith.constant 0 : i32
      %swap3A_431 = arith.index_cast %swap3A_430 : i32 to index
      %swap3A_432 = arith.constant 48 : index
      %swap3A_433 = tpu.vector_load %arg11[%swap3A_431, %swap3A_432] {strides = array<i32>} : memref<3x96xi32, #tpu.memory_space<vmem>>, vector<16xi32>,
      tpu.vector_store %arg11[%swap3A_431, %swap3A_432], %and3A_429 {strides = array<i32>} : memref<3x96xi32, #tpu.memory_space<vmem>>, vector<16xi32>,
      %get3A_434 = arith.constant 64 : index
      %get3A_435 = tpu.vector_load %arg9[%get3A_434] {strides = array<i32>} : memref<20096xi32, #tpu.memory_space<vmem>>, vector<16xi32>,
      %shift_right_logical3A_436 = arith.constant 13 : i32
      %shift_right_logical3A_437 = vector.broadcast %shift_right_logical3A_436 : i32 to vector<16xi32>
      %shift_right_logical3A_438 = arith.shrui %get3A_435, %shift_right_logical3A_437 : vector<16xi32>
      %swap3A_439 = arith.constant 0 : i32
      %swap3A_440 = arith.index_cast %swap3A_439 : i32 to index
      %swap3A_441 = arith.constant 64 : index
      %swap3A_442 = tpu.vector_load %arg10[%swap3A_440, %swap3A_441] {strides = array<i32>} : memref<3x96xi32, #tpu.memory_space<vmem>>, vector<16xi32>,
      tpu.vector_store %arg10[%swap3A_440, %swap3A_441], %shift_right_logical3A_438 {strides = array<i32>} : memref<3x96xi32, #tpu.memory_space<vmem>>, vector<16xi32>,
      %and3A_443 = arith.constant 8191 : i32
      %and3A_444 = vector.broadcast %and3A_443 : i32 to vector<16xi32>
      %and3A_445 = arith.andi %get3A_435, %and3A_444 : vector<16xi32>
      %swap3A_446 = arith.constant 0 : i32
      %swap3A_447 = arith.index_cast %swap3A_446 : i32 to index
      %swap3A_448 = arith.constant 64 : index
      %swap3A_449 = tpu.vector_load %arg11[%swap3A_447, %swap3A_448] {strides = array<i32>} : memref<3x96xi32, #tpu.memory_space<vmem>>, vector<16xi32>,
      tpu.vector_store %arg11[%swap3A_447, %swap3A_448], %and3A_445 {strides = array<i32>} : memref<3x96xi32, #tpu.memory_space<vmem>>, vector<16xi32>,
      %get3A_450 = arith.constant 80 : index
      %get3A_451 = tpu.vector_load %arg9[%get3A_450] {strides = array<i32>} : memref<20096xi32, #tpu.memory_space<vmem>>, vector<16xi32>,
      %shift_right_logical3A_452 = arith.constant 13 : i32
      %shift_right_logical3A_453 = vector.broadcast %shift_right_logical3A_452 : i32 to vector<16xi32>
      %shift_right_logical3A_454 = arith.shrui %get3A_451, %shift_right_logical3A_453 : vector<16xi32>
      %swap3A_455 = arith.constant 0 : i32
      %swap3A_456 = arith.index_cast %swap3A_455 : i32 to index
      %swap3A_457 = arith.constant 80 : index
      %swap3A_458 = tpu.vector_load %arg10[%swap3A_456, %swap3A_457] {strides = array<i32>} : memref<3x96xi32, #tpu.memory_space<vmem>>, vector<16xi32>,
      tpu.vector_store %arg10[%swap3A_456, %swap3A_457], %shift_right_logical3A_454 {strides = array<i32>} : memref<3x96xi32, #tpu.memory_space<vmem>>, vector<16xi32>,
      %and3A_459 = arith.constant 8191 : i32
      %and3A_460 = vector.broadcast %and3A_459 : i32 to vector<16xi32>
      %and3A_461 = arith.andi %get3A_451, %and3A_460 : vector<16xi32>
      %swap3A_462 = arith.constant 0 : i32
      %swap3A_463 = arith.index_cast %swap3A_462 : i32 to index
      %swap3A_464 = arith.constant 80 : index
      %swap3A_465 = tpu.vector_load %arg11[%swap3A_463, %swap3A_464] {strides = array<i32>} : memref<3x96xi32, #tpu.memory_space<vmem>>, vector<16xi32>,
      tpu.vector_store %arg11[%swap3A_463, %swap3A_464], %and3A_461 {strides = array<i32>} : memref<3x96xi32, #tpu.memory_space<vmem>>, vector<16xi32>,
      %dma_start3A = arith.constant 0 : i32
      %dma_start3A_466 = arith.constant 0 : i32
      %dma_start3A_467 = arith.constant 0 : i32
      %dma_start3A_468 = arith.constant 0 : i32
      %dma_start3A_469 = tpu.memref_slice %arg12[%dma_start3A_466, %dma_start3A_467, %dma_start3A_468] : memref<3x96x128xf32, #tpu.memory_space<vmem>> -> memref<1x96x128xf32, #tpu.memory_space<vmem>>
      %dma_start3A_470 = tpu.memref_squeeze %dma_start3A_469 : memref<1x96x128xf32, #tpu.memory_space<vmem>> -> memref<96x128xf32, #tpu.memory_space<vmem>>
      %dma_start3A_471 = arith.constant 0 : i32
      %dma_start3A_472 = tpu.memref_slice %arg10[%dma_start3A, %dma_start3A_471] : memref<3x96xi32, #tpu.memory_space<vmem>> -> memref<1x96xi32, #tpu.memory_space<vmem>>
      %dma_start3A_473 = tpu.memref_squeeze %dma_start3A_472 : memref<1x96xi32, #tpu.memory_space<vmem>> -> memref<96xi32, #tpu.memory_space<vmem>>
      %dma_start3A_474 = arith.constant 0 : i32
      %dma_start3A_475 = arith.constant 0 : i32
      %dma_start3A_476 = tpu.memref_slice %arg2[%dma_start3A_474, %dma_start3A_475] : memref<10000x128xf32, #tpu.memory_space<hbm>> -> memref<10000x128xf32, #tpu.memory_space<hbm>>
      tpu.enqueue_indirect_dma source(%dma_start3A_476 : memref<10000x128xf32, #tpu.memory_space<hbm>>) target(%dma_start3A_470 : memref<96x128xf32, #tpu.memory_space<vmem>>) offsets(%dma_start3A_473 : memref<96xi32, #tpu.memory_space<vmem>>) semaphore(%arg14 : memref<!tpu.dma_semaphore, #tpu.memory_space<semaphore_mem>>)
    } else {
    }
    %gt3A_129 = arith.constant 1 : i32
    %gt3A_130 = arith.cmpi sgt, %select_n3A, %gt3A_129 : i32
    %convert_element_type3A_131 = arith.extui %gt3A_130 : i1 to i32
    %cond3A_132 = arith.constant 0 : i32
    %cond3A_133 = arith.cmpi ne, %convert_element_type3A_131, %cond3A_132 : i32
    scf.if %cond3A_133 {
      %get3A_371 = arith.constant 96 : index
      %get3A_372 = tpu.vector_load %arg9[%get3A_371] {strides = array<i32>} : memref<20096xi32, #tpu.memory_space<vmem>>, vector<16xi32>,
      %shift_right_logical3A = arith.constant 13 : i32
      %shift_right_logical3A_373 = vector.broadcast %shift_right_logical3A : i32 to vector<16xi32>
      %shift_right_logical3A_374 = arith.shrui %get3A_372, %shift_right_logical3A_373 : vector<16xi32>
      %swap3A_375 = arith.constant 1 : i32
      %swap3A_376 = arith.index_cast %swap3A_375 : i32 to index
      %swap3A_377 = arith.constant 0 : index
      %swap3A_378 = tpu.vector_load %arg10[%swap3A_376, %swap3A_377] {strides = array<i32>} : memref<3x96xi32, #tpu.memory_space<vmem>>, vector<16xi32>,
      tpu.vector_store %arg10[%swap3A_376, %swap3A_377], %shift_right_logical3A_374 {strides = array<i32>} : memref<3x96xi32, #tpu.memory_space<vmem>>, vector<16xi32>,
      %and3A_379 = arith.constant 8191 : i32
      %and3A_380 = vector.broadcast %and3A_379 : i32 to vector<16xi32>
      %and3A_381 = arith.andi %get3A_372, %and3A_380 : vector<16xi32>
      %swap3A_382 = arith.constant 1 : i32
      %swap3A_383 = arith.index_cast %swap3A_382 : i32 to index
      %swap3A_384 = arith.constant 0 : index
      %swap3A_385 = tpu.vector_load %arg11[%swap3A_383, %swap3A_384] {strides = array<i32>} : memref<3x96xi32, #tpu.memory_space<vmem>>, vector<16xi32>,
      tpu.vector_store %arg11[%swap3A_383, %swap3A_384], %and3A_381 {strides = array<i32>} : memref<3x96xi32, #tpu.memory_space<vmem>>, vector<16xi32>,
      %get3A_386 = arith.constant 112 : index
      %get3A_387 = tpu.vector_load %arg9[%get3A_386] {strides = array<i32>} : memref<20096xi32, #tpu.memory_space<vmem>>, vector<16xi32>,
      %shift_right_logical3A_388 = arith.constant 13 : i32
      %shift_right_logical3A_389 = vector.broadcast %shift_right_logical3A_388 : i32 to vector<16xi32>
      %shift_right_logical3A_390 = arith.shrui %get3A_387, %shift_right_logical3A_389 : vector<16xi32>
      %swap3A_391 = arith.constant 1 : i32
      %swap3A_392 = arith.index_cast %swap3A_391 : i32 to index
      %swap3A_393 = arith.constant 16 : index
      %swap3A_394 = tpu.vector_load %arg10[%swap3A_392, %swap3A_393] {strides = array<i32>} : memref<3x96xi32, #tpu.memory_space<vmem>>, vector<16xi32>,
      tpu.vector_store %arg10[%swap3A_392, %swap3A_393], %shift_right_logical3A_390 {strides = array<i32>} : memref<3x96xi32, #tpu.memory_space<vmem>>, vector<16xi32>,
      %and3A_395 = arith.constant 8191 : i32
      %and3A_396 = vector.broadcast %and3A_395 : i32 to vector<16xi32>
      %and3A_397 = arith.andi %get3A_387, %and3A_396 : vector<16xi32>
      %swap3A_398 = arith.constant 1 : i32
      %swap3A_399 = arith.index_cast %swap3A_398 : i32 to index
      %swap3A_400 = arith.constant 16 : index
      %swap3A_401 = tpu.vector_load %arg11[%swap3A_399, %swap3A_400] {strides = array<i32>} : memref<3x96xi32, #tpu.memory_space<vmem>>, vector<16xi32>,
      tpu.vector_store %arg11[%swap3A_399, %swap3A_400], %and3A_397 {strides = array<i32>} : memref<3x96xi32, #tpu.memory_space<vmem>>, vector<16xi32>,
      %get3A_402 = arith.constant 128 : index
      %get3A_403 = tpu.vector_load %arg9[%get3A_402] {strides = array<i32>} : memref<20096xi32, #tpu.memory_space<vmem>>, vector<16xi32>,
      %shift_right_logical3A_404 = arith.constant 13 : i32
      %shift_right_logical3A_405 = vector.broadcast %shift_right_logical3A_404 : i32 to vector<16xi32>
      %shift_right_logical3A_406 = arith.shrui %get3A_403, %shift_right_logical3A_405 : vector<16xi32>
      %swap3A_407 = arith.constant 1 : i32
      %swap3A_408 = arith.index_cast %swap3A_407 : i32 to index
      %swap3A_409 = arith.constant 32 : index
      %swap3A_410 = tpu.vector_load %arg10[%swap3A_408, %swap3A_409] {strides = array<i32>} : memref<3x96xi32, #tpu.memory_space<vmem>>, vector<16xi32>,
      tpu.vector_store %arg10[%swap3A_408, %swap3A_409], %shift_right_logical3A_406 {strides = array<i32>} : memref<3x96xi32, #tpu.memory_space<vmem>>, vector<16xi32>,
      %and3A_411 = arith.constant 8191 : i32
      %and3A_412 = vector.broadcast %and3A_411 : i32 to vector<16xi32>
      %and3A_413 = arith.andi %get3A_403, %and3A_412 : vector<16xi32>
      %swap3A_414 = arith.constant 1 : i32
      %swap3A_415 = arith.index_cast %swap3A_414 : i32 to index
      %swap3A_416 = arith.constant 32 : index
      %swap3A_417 = tpu.vector_load %arg11[%swap3A_415, %swap3A_416] {strides = array<i32>} : memref<3x96xi32, #tpu.memory_space<vmem>>, vector<16xi32>,
      tpu.vector_store %arg11[%swap3A_415, %swap3A_416], %and3A_413 {strides = array<i32>} : memref<3x96xi32, #tpu.memory_space<vmem>>, vector<16xi32>,
      %get3A_418 = arith.constant 144 : index
      %get3A_419 = tpu.vector_load %arg9[%get3A_418] {strides = array<i32>} : memref<20096xi32, #tpu.memory_space<vmem>>, vector<16xi32>,
      %shift_right_logical3A_420 = arith.constant 13 : i32
      %shift_right_logical3A_421 = vector.broadcast %shift_right_logical3A_420 : i32 to vector<16xi32>
      %shift_right_logical3A_422 = arith.shrui %get3A_419, %shift_right_logical3A_421 : vector<16xi32>
      %swap3A_423 = arith.constant 1 : i32
      %swap3A_424 = arith.index_cast %swap3A_423 : i32 to index
      %swap3A_425 = arith.constant 48 : index
      %swap3A_426 = tpu.vector_load %arg10[%swap3A_424, %swap3A_425] {strides = array<i32>} : memref<3x96xi32, #tpu.memory_space<vmem>>, vector<16xi32>,
      tpu.vector_store %arg10[%swap3A_424, %swap3A_425], %shift_right_logical3A_422 {strides = array<i32>} : memref<3x96xi32, #tpu.memory_space<vmem>>, vector<16xi32>,
      %and3A_427 = arith.constant 8191 : i32
      %and3A_428 = vector.broadcast %and3A_427 : i32 to vector<16xi32>
      %and3A_429 = arith.andi %get3A_419, %and3A_428 : vector<16xi32>
      %swap3A_430 = arith.constant 1 : i32
      %swap3A_431 = arith.index_cast %swap3A_430 : i32 to index
      %swap3A_432 = arith.constant 48 : index
      %swap3A_433 = tpu.vector_load %arg11[%swap3A_431, %swap3A_432] {strides = array<i32>} : memref<3x96xi32, #tpu.memory_space<vmem>>, vector<16xi32>,
      tpu.vector_store %arg11[%swap3A_431, %swap3A_432], %and3A_429 {strides = array<i32>} : memref<3x96xi32, #tpu.memory_space<vmem>>, vector<16xi32>,
      %get3A_434 = arith.constant 160 : index
      %get3A_435 = tpu.vector_load %arg9[%get3A_434] {strides = array<i32>} : memref<20096xi32, #tpu.memory_space<vmem>>, vector<16xi32>,
      %shift_right_logical3A_436 = arith.constant 13 : i32
      %shift_right_logical3A_437 = vector.broadcast %shift_right_logical3A_436 : i32 to vector<16xi32>
      %shift_right_logical3A_438 = arith.shrui %get3A_435, %shift_right_logical3A_437 : vector<16xi32>
      %swap3A_439 = arith.constant 1 : i32
      %swap3A_440 = arith.index_cast %swap3A_439 : i32 to index
      %swap3A_441 = arith.constant 64 : index
      %swap3A_442 = tpu.vector_load %arg10[%swap3A_440, %swap3A_441] {strides = array<i32>} : memref<3x96xi32, #tpu.memory_space<vmem>>, vector<16xi32>,
      tpu.vector_store %arg10[%swap3A_440, %swap3A_441], %shift_right_logical3A_438 {strides = array<i32>} : memref<3x96xi32, #tpu.memory_space<vmem>>, vector<16xi32>,
      %and3A_443 = arith.constant 8191 : i32
      %and3A_444 = vector.broadcast %and3A_443 : i32 to vector<16xi32>
      %and3A_445 = arith.andi %get3A_435, %and3A_444 : vector<16xi32>
      %swap3A_446 = arith.constant 1 : i32
      %swap3A_447 = arith.index_cast %swap3A_446 : i32 to index
      %swap3A_448 = arith.constant 64 : index
      %swap3A_449 = tpu.vector_load %arg11[%swap3A_447, %swap3A_448] {strides = array<i32>} : memref<3x96xi32, #tpu.memory_space<vmem>>, vector<16xi32>,
      tpu.vector_store %arg11[%swap3A_447, %swap3A_448], %and3A_445 {strides = array<i32>} : memref<3x96xi32, #tpu.memory_space<vmem>>, vector<16xi32>,
      %get3A_450 = arith.constant 176 : index
      %get3A_451 = tpu.vector_load %arg9[%get3A_450] {strides = array<i32>} : memref<20096xi32, #tpu.memory_space<vmem>>, vector<16xi32>,
      %shift_right_logical3A_452 = arith.constant 13 : i32
      %shift_right_logical3A_453 = vector.broadcast %shift_right_logical3A_452 : i32 to vector<16xi32>
      %shift_right_logical3A_454 = arith.shrui %get3A_451, %shift_right_logical3A_453 : vector<16xi32>
      %swap3A_455 = arith.constant 1 : i32
      %swap3A_456 = arith.index_cast %swap3A_455 : i32 to index
      %swap3A_457 = arith.constant 80 : index
      %swap3A_458 = tpu.vector_load %arg10[%swap3A_456, %swap3A_457] {strides = array<i32>} : memref<3x96xi32, #tpu.memory_space<vmem>>, vector<16xi32>,
      tpu.vector_store %arg10[%swap3A_456, %swap3A_457], %shift_right_logical3A_454 {strides = array<i32>} : memref<3x96xi32, #tpu.memory_space<vmem>>, vector<16xi32>,
      %and3A_459 = arith.constant 8191 : i32
      %and3A_460 = vector.broadcast %and3A_459 : i32 to vector<16xi32>
      %and3A_461 = arith.andi %get3A_451, %and3A_460 : vector<16xi32>
      %swap3A_462 = arith.constant 1 : i32
      %swap3A_463 = arith.index_cast %swap3A_462 : i32 to index
      %swap3A_464 = arith.constant 80 : index
      %swap3A_465 = tpu.vector_load %arg11[%swap3A_463, %swap3A_464] {strides = array<i32>} : memref<3x96xi32, #tpu.memory_space<vmem>>, vector<16xi32>,
      tpu.vector_store %arg11[%swap3A_463, %swap3A_464], %and3A_461 {strides = array<i32>} : memref<3x96xi32, #tpu.memory_space<vmem>>, vector<16xi32>,
      %dma_start3A = arith.constant 1 : i32
      %dma_start3A_466 = arith.constant 1 : i32
      %dma_start3A_467 = arith.constant 0 : i32
      %dma_start3A_468 = arith.constant 0 : i32
      %dma_start3A_469 = tpu.memref_slice %arg12[%dma_start3A_466, %dma_start3A_467, %dma_start3A_468] : memref<3x96x128xf32, #tpu.memory_space<vmem>> -> memref<1x96x128xf32, #tpu.memory_space<vmem>>
      %dma_start3A_470 = tpu.memref_squeeze %dma_start3A_469 : memref<1x96x128xf32, #tpu.memory_space<vmem>> -> memref<96x128xf32, #tpu.memory_space<vmem>>
      %dma_start3A_471 = arith.constant 0 : i32
      %dma_start3A_472 = tpu.memref_slice %arg10[%dma_start3A, %dma_start3A_471] : memref<3x96xi32, #tpu.memory_space<vmem>> -> memref<1x96xi32, #tpu.memory_space<vmem>>
      %dma_start3A_473 = tpu.memref_squeeze %dma_start3A_472 : memref<1x96xi32, #tpu.memory_space<vmem>> -> memref<96xi32, #tpu.memory_space<vmem>>
      %dma_start3A_474 = arith.constant 0 : i32
      %dma_start3A_475 = arith.constant 0 : i32
      %dma_start3A_476 = tpu.memref_slice %arg2[%dma_start3A_474, %dma_start3A_475] : memref<10000x128xf32, #tpu.memory_space<hbm>> -> memref<10000x128xf32, #tpu.memory_space<hbm>>
      tpu.enqueue_indirect_dma source(%dma_start3A_476 : memref<10000x128xf32, #tpu.memory_space<hbm>>) target(%dma_start3A_470 : memref<96x128xf32, #tpu.memory_space<vmem>>) offsets(%dma_start3A_473 : memref<96xi32, #tpu.memory_space<vmem>>) semaphore(%arg14 : memref<!tpu.dma_semaphore, #tpu.memory_space<semaphore_mem>>)
    } else {
    }
    %scan3A_134 = arith.constant 0 : i32
    %scan3A_135 = arith.constant 70 : i32
    %scan3A_136 = arith.addi %scan3A_134, %scan3A_135 : i32
    %scan3A_137 = arith.constant 1 : i32
    scf.for %scan3A_371 = %scan3A_134 to %scan3A_136 step %scan3A_137  : i32 {
      %mul3A_372 = arith.constant 3 : i32
      %mul3A_373 = arith.muli %scan3A_371, %mul3A_372 : i32
      %add3A_374 = arith.constant 0 : i32
      %add3A_375 = arith.addi %add3A_374, %mul3A_373 : i32
      %add3A_376 = arith.constant 0 : i32
      %add3A_377 = arith.addi %add3A_375, %add3A_376 : i32
      %lt3A_378 = arith.cmpi slt, %add3A_377, %select_n3A : i32
      %convert_element_type3A_379 = arith.extui %lt3A_378 : i1 to i32
      %cond3A_380 = arith.constant 0 : i32
      %cond3A_381 = arith.cmpi ne, %convert_element_type3A_379, %cond3A_380 : i32
      scf.if %cond3A_381 {
        %dma_wait3A = arith.constant 0 : i32
        %dma_wait3A_412 = arith.constant 0 : i32
        %dma_wait3A_413 = arith.constant 0 : i32
        %dma_wait3A_414 = arith.constant 0 : i32
        %dma_wait3A_415 = tpu.memref_slice %arg12[%dma_wait3A_412, %dma_wait3A_413, %dma_wait3A_414] : memref<3x96x128xf32, #tpu.memory_space<vmem>> -> memref<1x96x128xf32, #tpu.memory_space<vmem>>
        %dma_wait3A_416 = tpu.memref_squeeze %dma_wait3A_415 : memref<1x96x128xf32, #tpu.memory_space<vmem>> -> memref<96x128xf32, #tpu.memory_space<vmem>>
        %dma_wait3A_417 = arith.constant 0 : i32
        %dma_wait3A_418 = tpu.memref_slice %arg10[%dma_wait3A, %dma_wait3A_417] : memref<3x96xi32, #tpu.memory_space<vmem>> -> memref<1x96xi32, #tpu.memory_space<vmem>>
        %dma_wait3A_419 = tpu.memref_squeeze %dma_wait3A_418 : memref<1x96xi32, #tpu.memory_space<vmem>> -> memref<96xi32, #tpu.memory_space<vmem>>
        %dma_wait3A_420 = arith.constant 0 : i32
        %dma_wait3A_421 = arith.constant 0 : i32
        %dma_wait3A_422 = tpu.memref_slice %arg2[%dma_wait3A_420, %dma_wait3A_421] : memref<10000x128xf32, #tpu.memory_space<hbm>> -> memref<10000x128xf32, #tpu.memory_space<hbm>>
        tpu.wait_indirect_dma semaphore(%arg14 : memref<!tpu.dma_semaphore, #tpu.memory_space<semaphore_mem>>) src(%dma_wait3A_422 : memref<10000x128xf32, #tpu.memory_space<hbm>>) dst(%dma_wait3A_416 : memref<96x128xf32, #tpu.memory_space<vmem>>)
        %dma_start3A = arith.constant 0 : i32
        %dma_start3A_423 = arith.constant 0 : i32
        %dma_start3A_424 = arith.constant 0 : i32
        %dma_start3A_425 = arith.constant 0 : i32
        %dma_start3A_426 = tpu.memref_slice %arg12[%dma_start3A, %dma_start3A_424, %dma_start3A_425] : memref<3x96x128xf32, #tpu.memory_space<vmem>> -> memref<1x96x128xf32, #tpu.memory_space<vmem>>
        %dma_start3A_427 = tpu.memref_squeeze %dma_start3A_426 : memref<1x96x128xf32, #tpu.memory_space<vmem>> -> memref<96x128xf32, #tpu.memory_space<vmem>>
        %dma_start3A_428 = arith.constant 0 : i32
        %dma_start3A_429 = tpu.memref_slice %arg11[%dma_start3A_423, %dma_start3A_428] : memref<3x96xi32, #tpu.memory_space<vmem>> -> memref<1x96xi32, #tpu.memory_space<vmem>>
        %dma_start3A_430 = tpu.memref_squeeze %dma_start3A_429 : memref<1x96xi32, #tpu.memory_space<vmem>> -> memref<96xi32, #tpu.memory_space<vmem>>
        %dma_start3A_431 = arith.constant 0 : i32
        %dma_start3A_432 = arith.constant 0 : i32
        %dma_start3A_433 = tpu.memref_slice %arg13[%dma_start3A_431, %dma_start3A_432] : memref<5128x128xf32, #tpu.memory_space<vmem_shared>> -> memref<5128x128xf32, #tpu.memory_space<vmem_shared>>
        tpu.enqueue_indirect_dma source(%dma_start3A_427 : memref<96x128xf32, #tpu.memory_space<vmem>>) target(%dma_start3A_433 : memref<5128x128xf32, #tpu.memory_space<vmem_shared>>) offsets(%dma_start3A_430 : memref<96xi32, #tpu.memory_space<vmem>>) semaphore(%arg15 : memref<!tpu.dma_semaphore, #tpu.memory_space<semaphore_mem>>) {add = true}
      } else {
      }
      %add3A_382 = arith.constant 2 : i32
      %add3A_383 = arith.addi %add3A_377, %add3A_382 : i32
      %lt3A_384 = arith.cmpi slt, %add3A_383, %select_n3A : i32
      %convert_element_type3A_385 = arith.extui %lt3A_384 : i1 to i32
      %cond3A_386 = arith.constant 0 : i32
      %cond3A_387 = arith.cmpi ne, %convert_element_type3A_385, %cond3A_386 : i32
      scf.if %cond3A_387 {
        %add3A_412 = arith.constant 2 : i32
        %add3A_413 = arith.addi %add3A_377, %add3A_412 : i32
        %ge3A_414 = arith.constant 3 : i32
        %ge3A_415 = arith.cmpi sge, %add3A_413, %ge3A_414 : i32
        %convert_element_type3A_416 = arith.extui %ge3A_415 : i1 to i32
        %cond3A_417 = arith.constant 0 : i32
        %cond3A_418 = arith.cmpi ne, %convert_element_type3A_416, %cond3A_417 : i32
        scf.if %cond3A_418 {
          %dma_wait3A = arith.constant 2 : i32
          %dma_wait3A_541 = arith.constant 2 : i32
          %dma_wait3A_542 = arith.constant 0 : i32
          %dma_wait3A_543 = arith.constant 0 : i32
          %dma_wait3A_544 = tpu.memref_slice %arg12[%dma_wait3A, %dma_wait3A_542, %dma_wait3A_543] : memref<3x96x128xf32, #tpu.memory_space<vmem>> -> memref<1x96x128xf32, #tpu.memory_space<vmem>>
          %dma_wait3A_545 = tpu.memref_squeeze %dma_wait3A_544 : memref<1x96x128xf32, #tpu.memory_space<vmem>> -> memref<96x128xf32, #tpu.memory_space<vmem>>
          %dma_wait3A_546 = arith.constant 0 : i32
          %dma_wait3A_547 = tpu.memref_slice %arg11[%dma_wait3A_541, %dma_wait3A_546] : memref<3x96xi32, #tpu.memory_space<vmem>> -> memref<1x96xi32, #tpu.memory_space<vmem>>
          %dma_wait3A_548 = tpu.memref_squeeze %dma_wait3A_547 : memref<1x96xi32, #tpu.memory_space<vmem>> -> memref<96xi32, #tpu.memory_space<vmem>>
          %dma_wait3A_549 = arith.constant 0 : i32
          %dma_wait3A_550 = arith.constant 0 : i32
          %dma_wait3A_551 = tpu.memref_slice %arg13[%dma_wait3A_549, %dma_wait3A_550] : memref<5128x128xf32, #tpu.memory_space<vmem_shared>> -> memref<5128x128xf32, #tpu.memory_space<vmem_shared>>
          tpu.wait_indirect_dma semaphore(%arg15 : memref<!tpu.dma_semaphore, #tpu.memory_space<semaphore_mem>>) src(%dma_wait3A_545 : memref<96x128xf32, #tpu.memory_space<vmem>>) dst(%dma_wait3A_551 : memref<5128x128xf32, #tpu.memory_space<vmem_shared>>)
        } else {
        }
        %add3A_419 = arith.constant 2 : i32
        %add3A_420 = arith.addi %add3A_377, %add3A_419 : i32
        %mul3A_421 = arith.constant 96 : i32
        %mul3A_422 = arith.muli %add3A_420, %mul3A_421 : i32
        %add3A_423 = arith.constant 0 : i32
        %add3A_424 = arith.addi %mul3A_422, %add3A_423 : i32
        %get3A_425 = arith.index_cast %add3A_424 : i32 to index
        %get3A_426 = tpu.vector_load %arg9[%get3A_425] {strides = array<i32>} : memref<20096xi32, #tpu.memory_space<vmem>>, vector<16xi32>,
        %shift_right_logical3A = arith.constant 13 : i32
        %shift_right_logical3A_427 = vector.broadcast %shift_right_logical3A : i32 to vector<16xi32>
        %shift_right_logical3A_428 = arith.shrui %get3A_426, %shift_right_logical3A_427 : vector<16xi32>
        %swap3A_429 = arith.constant 2 : i32
        %swap3A_430 = arith.index_cast %swap3A_429 : i32 to index
        %swap3A_431 = arith.constant 0 : index
        %swap3A_432 = tpu.vector_load %arg10[%swap3A_430, %swap3A_431] {strides = array<i32>} : memref<3x96xi32, #tpu.memory_space<vmem>>, vector<16xi32>,
        tpu.vector_store %arg10[%swap3A_430, %swap3A_431], %shift_right_logical3A_428 {strides = array<i32>} : memref<3x96xi32, #tpu.memory_space<vmem>>, vector<16xi32>,
        %and3A_433 = arith.constant 8191 : i32
        %and3A_434 = vector.broadcast %and3A_433 : i32 to vector<16xi32>
        %and3A_435 = arith.andi %get3A_426, %and3A_434 : vector<16xi32>
        %swap3A_436 = arith.constant 2 : i32
        %swap3A_437 = arith.index_cast %swap3A_436 : i32 to index
        %swap3A_438 = arith.constant 0 : index
        %swap3A_439 = tpu.vector_load %arg11[%swap3A_437, %swap3A_438] {strides = array<i32>} : memref<3x96xi32, #tpu.memory_space<vmem>>, vector<16xi32>,
        tpu.vector_store %arg11[%swap3A_437, %swap3A_438], %and3A_435 {strides = array<i32>} : memref<3x96xi32, #tpu.memory_space<vmem>>, vector<16xi32>,
        %add3A_440 = arith.constant 16 : i32
        %add3A_441 = arith.addi %mul3A_422, %add3A_440 : i32
        %get3A_442 = arith.index_cast %add3A_441 : i32 to index
        %get3A_443 = tpu.vector_load %arg9[%get3A_442] {strides = array<i32>} : memref<20096xi32, #tpu.memory_space<vmem>>, vector<16xi32>,
        %shift_right_logical3A_444 = arith.constant 13 : i32
        %shift_right_logical3A_445 = vector.broadcast %shift_right_logical3A_444 : i32 to vector<16xi32>
        %shift_right_logical3A_446 = arith.shrui %get3A_443, %shift_right_logical3A_445 : vector<16xi32>
        %swap3A_447 = arith.constant 2 : i32
        %swap3A_448 = arith.index_cast %swap3A_447 : i32 to index
        %swap3A_449 = arith.constant 16 : index
        %swap3A_450 = tpu.vector_load %arg10[%swap3A_448, %swap3A_449] {strides = array<i32>} : memref<3x96xi32, #tpu.memory_space<vmem>>, vector<16xi32>,
        tpu.vector_store %arg10[%swap3A_448, %swap3A_449], %shift_right_logical3A_446 {strides = array<i32>} : memref<3x96xi32, #tpu.memory_space<vmem>>, vector<16xi32>,
        %and3A_451 = arith.constant 8191 : i32
        %and3A_452 = vector.broadcast %and3A_451 : i32 to vector<16xi32>
        %and3A_453 = arith.andi %get3A_443, %and3A_452 : vector<16xi32>
        %swap3A_454 = arith.constant 2 : i32
        %swap3A_455 = arith.index_cast %swap3A_454 : i32 to index
        %swap3A_456 = arith.constant 16 : index
        %swap3A_457 = tpu.vector_load %arg11[%swap3A_455, %swap3A_456] {strides = array<i32>} : memref<3x96xi32, #tpu.memory_space<vmem>>, vector<16xi32>,
        tpu.vector_store %arg11[%swap3A_455, %swap3A_456], %and3A_453 {strides = array<i32>} : memref<3x96xi32, #tpu.memory_space<vmem>>, vector<16xi32>,
        %add3A_458 = arith.constant 32 : i32
        %add3A_459 = arith.addi %mul3A_422, %add3A_458 : i32
        %get3A_460 = arith.index_cast %add3A_459 : i32 to index
        %get3A_461 = tpu.vector_load %arg9[%get3A_460] {strides = array<i32>} : memref<20096xi32, #tpu.memory_space<vmem>>, vector<16xi32>,
        %shift_right_logical3A_462 = arith.constant 13 : i32
        %shift_right_logical3A_463 = vector.broadcast %shift_right_logical3A_462 : i32 to vector<16xi32>
        %shift_right_logical3A_464 = arith.shrui %get3A_461, %shift_right_logical3A_463 : vector<16xi32>
        %swap3A_465 = arith.constant 2 : i32
        %swap3A_466 = arith.index_cast %swap3A_465 : i32 to index
        %swap3A_467 = arith.constant 32 : index
        %swap3A_468 = tpu.vector_load %arg10[%swap3A_466, %swap3A_467] {strides = array<i32>} : memref<3x96xi32, #tpu.memory_space<vmem>>, vector<16xi32>,
        tpu.vector_store %arg10[%swap3A_466, %swap3A_467], %shift_right_logical3A_464 {strides = array<i32>} : memref<3x96xi32, #tpu.memory_space<vmem>>, vector<16xi32>,
        %and3A_469 = arith.constant 8191 : i32
        %and3A_470 = vector.broadcast %and3A_469 : i32 to vector<16xi32>
        %and3A_471 = arith.andi %get3A_461, %and3A_470 : vector<16xi32>
        %swap3A_472 = arith.constant 2 : i32
        %swap3A_473 = arith.index_cast %swap3A_472 : i32 to index
        %swap3A_474 = arith.constant 32 : index
        %swap3A_475 = tpu.vector_load %arg11[%swap3A_473, %swap3A_474] {strides = array<i32>} : memref<3x96xi32, #tpu.memory_space<vmem>>, vector<16xi32>,
        tpu.vector_store %arg11[%swap3A_473, %swap3A_474], %and3A_471 {strides = array<i32>} : memref<3x96xi32, #tpu.memory_space<vmem>>, vector<16xi32>,
        %add3A_476 = arith.constant 48 : i32
        %add3A_477 = arith.addi %mul3A_422, %add3A_476 : i32
        %get3A_478 = arith.index_cast %add3A_477 : i32 to index
        %get3A_479 = tpu.vector_load %arg9[%get3A_478] {strides = array<i32>} : memref<20096xi32, #tpu.memory_space<vmem>>, vector<16xi32>,
        %shift_right_logical3A_480 = arith.constant 13 : i32
        %shift_right_logical3A_481 = vector.broadcast %shift_right_logical3A_480 : i32 to vector<16xi32>
        %shift_right_logical3A_482 = arith.shrui %get3A_479, %shift_right_logical3A_481 : vector<16xi32>
        %swap3A_483 = arith.constant 2 : i32
        %swap3A_484 = arith.index_cast %swap3A_483 : i32 to index
        %swap3A_485 = arith.constant 48 : index
        %swap3A_486 = tpu.vector_load %arg10[%swap3A_484, %swap3A_485] {strides = array<i32>} : memref<3x96xi32, #tpu.memory_space<vmem>>, vector<16xi32>,
        tpu.vector_store %arg10[%swap3A_484, %swap3A_485], %shift_right_logical3A_482 {strides = array<i32>} : memref<3x96xi32, #tpu.memory_space<vmem>>, vector<16xi32>,
        %and3A_487 = arith.constant 8191 : i32
        %and3A_488 = vector.broadcast %and3A_487 : i32 to vector<16xi32>
        %and3A_489 = arith.andi %get3A_479, %and3A_488 : vector<16xi32>
        %swap3A_490 = arith.constant 2 : i32
        %swap3A_491 = arith.index_cast %swap3A_490 : i32 to index
        %swap3A_492 = arith.constant 48 : index
        %swap3A_493 = tpu.vector_load %arg11[%swap3A_491, %swap3A_492] {strides = array<i32>} : memref<3x96xi32, #tpu.memory_space<vmem>>, vector<16xi32>,
        tpu.vector_store %arg11[%swap3A_491, %swap3A_492], %and3A_489 {strides = array<i32>} : memref<3x96xi32, #tpu.memory_space<vmem>>, vector<16xi32>,
        %add3A_494 = arith.constant 64 : i32
        %add3A_495 = arith.addi %mul3A_422, %add3A_494 : i32
        %get3A_496 = arith.index_cast %add3A_495 : i32 to index
        %get3A_497 = tpu.vector_load %arg9[%get3A_496] {strides = array<i32>} : memref<20096xi32, #tpu.memory_space<vmem>>, vector<16xi32>,
        %shift_right_logical3A_498 = arith.constant 13 : i32
        %shift_right_logical3A_499 = vector.broadcast %shift_right_logical3A_498 : i32 to vector<16xi32>
        %shift_right_logical3A_500 = arith.shrui %get3A_497, %shift_right_logical3A_499 : vector<16xi32>
        %swap3A_501 = arith.constant 2 : i32
        %swap3A_502 = arith.index_cast %swap3A_501 : i32 to index
        %swap3A_503 = arith.constant 64 : index
        %swap3A_504 = tpu.vector_load %arg10[%swap3A_502, %swap3A_503] {strides = array<i32>} : memref<3x96xi32, #tpu.memory_space<vmem>>, vector<16xi32>,
        tpu.vector_store %arg10[%swap3A_502, %swap3A_503], %shift_right_logical3A_500 {strides = array<i32>} : memref<3x96xi32, #tpu.memory_space<vmem>>, vector<16xi32>,
        %and3A_505 = arith.constant 8191 : i32
        %and3A_506 = vector.broadcast %and3A_505 : i32 to vector<16xi32>
        %and3A_507 = arith.andi %get3A_497, %and3A_506 : vector<16xi32>
        %swap3A_508 = arith.constant 2 : i32
        %swap3A_509 = arith.index_cast %swap3A_508 : i32 to index
        %swap3A_510 = arith.constant 64 : index
        %swap3A_511 = tpu.vector_load %arg11[%swap3A_509, %swap3A_510] {strides = array<i32>} : memref<3x96xi32, #tpu.memory_space<vmem>>, vector<16xi32>,
        tpu.vector_store %arg11[%swap3A_509, %swap3A_510], %and3A_507 {strides = array<i32>} : memref<3x96xi32, #tpu.memory_space<vmem>>, vector<16xi32>,
        %add3A_512 = arith.constant 80 : i32
        %add3A_513 = arith.addi %mul3A_422, %add3A_512 : i32
        %get3A_514 = arith.index_cast %add3A_513 : i32 to index
        %get3A_515 = tpu.vector_load %arg9[%get3A_514] {strides = array<i32>} : memref<20096xi32, #tpu.memory_space<vmem>>, vector<16xi32>,
        %shift_right_logical3A_516 = arith.constant 13 : i32
        %shift_right_logical3A_517 = vector.broadcast %shift_right_logical3A_516 : i32 to vector<16xi32>
        %shift_right_logical3A_518 = arith.shrui %get3A_515, %shift_right_logical3A_517 : vector<16xi32>
        %swap3A_519 = arith.constant 2 : i32
        %swap3A_520 = arith.index_cast %swap3A_519 : i32 to index
        %swap3A_521 = arith.constant 80 : index
        %swap3A_522 = tpu.vector_load %arg10[%swap3A_520, %swap3A_521] {strides = array<i32>} : memref<3x96xi32, #tpu.memory_space<vmem>>, vector<16xi32>,
        tpu.vector_store %arg10[%swap3A_520, %swap3A_521], %shift_right_logical3A_518 {strides = array<i32>} : memref<3x96xi32, #tpu.memory_space<vmem>>, vector<16xi32>,
        %and3A_523 = arith.constant 8191 : i32
        %and3A_524 = vector.broadcast %and3A_523 : i32 to vector<16xi32>
        %and3A_525 = arith.andi %get3A_515, %and3A_524 : vector<16xi32>
        %swap3A_526 = arith.constant 2 : i32
        %swap3A_527 = arith.index_cast %swap3A_526 : i32 to index
        %swap3A_528 = arith.constant 80 : index
        %swap3A_529 = tpu.vector_load %arg11[%swap3A_527, %swap3A_528] {strides = array<i32>} : memref<3x96xi32, #tpu.memory_space<vmem>>, vector<16xi32>,
        tpu.vector_store %arg11[%swap3A_527, %swap3A_528], %and3A_525 {strides = array<i32>} : memref<3x96xi32, #tpu.memory_space<vmem>>, vector<16xi32>,
        %dma_start3A = arith.constant 2 : i32
        %dma_start3A_530 = arith.constant 2 : i32
        %dma_start3A_531 = arith.constant 0 : i32
        %dma_start3A_532 = arith.constant 0 : i32
        %dma_start3A_533 = tpu.memref_slice %arg12[%dma_start3A_530, %dma_start3A_531, %dma_start3A_532] : memref<3x96x128xf32, #tpu.memory_space<vmem>> -> memref<1x96x128xf32, #tpu.memory_space<vmem>>
        %dma_start3A_534 = tpu.memref_squeeze %dma_start3A_533 : memref<1x96x128xf32, #tpu.memory_space<vmem>> -> memref<96x128xf32, #tpu.memory_space<vmem>>
        %dma_start3A_535 = arith.constant 0 : i32
        %dma_start3A_536 = tpu.memref_slice %arg10[%dma_start3A, %dma_start3A_535] : memref<3x96xi32, #tpu.memory_space<vmem>> -> memref<1x96xi32, #tpu.memory_space<vmem>>
        %dma_start3A_537 = tpu.memref_squeeze %dma_start3A_536 : memref<1x96xi32, #tpu.memory_space<vmem>> -> memref<96xi32, #tpu.memory_space<vmem>>
        %dma_start3A_538 = arith.constant 0 : i32
        %dma_start3A_539 = arith.constant 0 : i32
        %dma_start3A_540 = tpu.memref_slice %arg2[%dma_start3A_538, %dma_start3A_539] : memref<10000x128xf32, #tpu.memory_space<hbm>> -> memref<10000x128xf32, #tpu.memory_space<hbm>>
        tpu.enqueue_indirect_dma source(%dma_start3A_540 : memref<10000x128xf32, #tpu.memory_space<hbm>>) target(%dma_start3A_534 : memref<96x128xf32, #tpu.memory_space<vmem>>) offsets(%dma_start3A_537 : memref<96xi32, #tpu.memory_space<vmem>>) semaphore(%arg14 : memref<!tpu.dma_semaphore, #tpu.memory_space<semaphore_mem>>)
      } else {
      }
      %add3A_388 = arith.constant 1 : i32
      %add3A_389 = arith.addi %add3A_375, %add3A_388 : i32
      %lt3A_390 = arith.cmpi slt, %add3A_389, %select_n3A : i32
      %convert_element_type3A_391 = arith.extui %lt3A_390 : i1 to i32
      %cond3A_392 = arith.constant 0 : i32
      %cond3A_393 = arith.cmpi ne, %convert_element_type3A_391, %cond3A_392 : i32
      scf.if %cond3A_393 {
        %dma_wait3A = arith.constant 1 : i32
        %dma_wait3A_412 = arith.constant 1 : i32
        %dma_wait3A_413 = arith.constant 0 : i32
        %dma_wait3A_414 = arith.constant 0 : i32
        %dma_wait3A_415 = tpu.memref_slice %arg12[%dma_wait3A_412, %dma_wait3A_413, %dma_wait3A_414] : memref<3x96x128xf32, #tpu.memory_space<vmem>> -> memref<1x96x128xf32, #tpu.memory_space<vmem>>
        %dma_wait3A_416 = tpu.memref_squeeze %dma_wait3A_415 : memref<1x96x128xf32, #tpu.memory_space<vmem>> -> memref<96x128xf32, #tpu.memory_space<vmem>>
        %dma_wait3A_417 = arith.constant 0 : i32
        %dma_wait3A_418 = tpu.memref_slice %arg10[%dma_wait3A, %dma_wait3A_417] : memref<3x96xi32, #tpu.memory_space<vmem>> -> memref<1x96xi32, #tpu.memory_space<vmem>>
        %dma_wait3A_419 = tpu.memref_squeeze %dma_wait3A_418 : memref<1x96xi32, #tpu.memory_space<vmem>> -> memref<96xi32, #tpu.memory_space<vmem>>
        %dma_wait3A_420 = arith.constant 0 : i32
        %dma_wait3A_421 = arith.constant 0 : i32
        %dma_wait3A_422 = tpu.memref_slice %arg2[%dma_wait3A_420, %dma_wait3A_421] : memref<10000x128xf32, #tpu.memory_space<hbm>> -> memref<10000x128xf32, #tpu.memory_space<hbm>>
        tpu.wait_indirect_dma semaphore(%arg14 : memref<!tpu.dma_semaphore, #tpu.memory_space<semaphore_mem>>) src(%dma_wait3A_422 : memref<10000x128xf32, #tpu.memory_space<hbm>>) dst(%dma_wait3A_416 : memref<96x128xf32, #tpu.memory_space<vmem>>)
        %dma_start3A = arith.constant 1 : i32
        %dma_start3A_423 = arith.constant 1 : i32
        %dma_start3A_424 = arith.constant 0 : i32
        %dma_start3A_425 = arith.constant 0 : i32
        %dma_start3A_426 = tpu.memref_slice %arg12[%dma_start3A, %dma_start3A_424, %dma_start3A_425] : memref<3x96x128xf32, #tpu.memory_space<vmem>> -> memref<1x96x128xf32, #tpu.memory_space<vmem>>
        %dma_start3A_427 = tpu.memref_squeeze %dma_start3A_426 : memref<1x96x128xf32, #tpu.memory_space<vmem>> -> memref<96x128xf32, #tpu.memory_space<vmem>>
        %dma_start3A_428 = arith.constant 0 : i32
        %dma_start3A_429 = tpu.memref_slice %arg11[%dma_start3A_423, %dma_start3A_428] : memref<3x96xi32, #tpu.memory_space<vmem>> -> memref<1x96xi32, #tpu.memory_space<vmem>>
        %dma_start3A_430 = tpu.memref_squeeze %dma_start3A_429 : memref<1x96xi32, #tpu.memory_space<vmem>> -> memref<96xi32, #tpu.memory_space<vmem>>
        %dma_start3A_431 = arith.constant 0 : i32
        %dma_start3A_432 = arith.constant 0 : i32
        %dma_start3A_433 = tpu.memref_slice %arg13[%dma_start3A_431, %dma_start3A_432] : memref<5128x128xf32, #tpu.memory_space<vmem_shared>> -> memref<5128x128xf32, #tpu.memory_space<vmem_shared>>
        tpu.enqueue_indirect_dma source(%dma_start3A_427 : memref<96x128xf32, #tpu.memory_space<vmem>>) target(%dma_start3A_433 : memref<5128x128xf32, #tpu.memory_space<vmem_shared>>) offsets(%dma_start3A_430 : memref<96xi32, #tpu.memory_space<vmem>>) semaphore(%arg15 : memref<!tpu.dma_semaphore, #tpu.memory_space<semaphore_mem>>) {add = true}
      } else {
      }
      %add3A_394 = arith.constant 2 : i32
      %add3A_395 = arith.addi %add3A_389, %add3A_394 : i32
      %lt3A_396 = arith.cmpi slt, %add3A_395, %select_n3A : i32
      %convert_element_type3A_397 = arith.extui %lt3A_396 : i1 to i32
      %cond3A_398 = arith.constant 0 : i32
      %cond3A_399 = arith.cmpi ne, %convert_element_type3A_397, %cond3A_398 : i32
      scf.if %cond3A_399 {
        %add3A_412 = arith.constant 2 : i32
        %add3A_413 = arith.addi %add3A_389, %add3A_412 : i32
        %ge3A_414 = arith.constant 3 : i32
        %ge3A_415 = arith.cmpi sge, %add3A_413, %ge3A_414 : i32
        %convert_element_type3A_416 = arith.extui %ge3A_415 : i1 to i32
        %cond3A_417 = arith.constant 0 : i32
        %cond3A_418 = arith.cmpi ne, %convert_element_type3A_416, %cond3A_417 : i32
        scf.if %cond3A_418 {
          %dma_wait3A = arith.constant 0 : i32
          %dma_wait3A_541 = arith.constant 0 : i32
          %dma_wait3A_542 = arith.constant 0 : i32
          %dma_wait3A_543 = arith.constant 0 : i32
          %dma_wait3A_544 = tpu.memref_slice %arg12[%dma_wait3A, %dma_wait3A_542, %dma_wait3A_543] : memref<3x96x128xf32, #tpu.memory_space<vmem>> -> memref<1x96x128xf32, #tpu.memory_space<vmem>>
          %dma_wait3A_545 = tpu.memref_squeeze %dma_wait3A_544 : memref<1x96x128xf32, #tpu.memory_space<vmem>> -> memref<96x128xf32, #tpu.memory_space<vmem>>
          %dma_wait3A_546 = arith.constant 0 : i32
          %dma_wait3A_547 = tpu.memref_slice %arg11[%dma_wait3A_541, %dma_wait3A_546] : memref<3x96xi32, #tpu.memory_space<vmem>> -> memref<1x96xi32, #tpu.memory_space<vmem>>
          %dma_wait3A_548 = tpu.memref_squeeze %dma_wait3A_547 : memref<1x96xi32, #tpu.memory_space<vmem>> -> memref<96xi32, #tpu.memory_space<vmem>>
          %dma_wait3A_549 = arith.constant 0 : i32
          %dma_wait3A_550 = arith.constant 0 : i32
          %dma_wait3A_551 = tpu.memref_slice %arg13[%dma_wait3A_549, %dma_wait3A_550] : memref<5128x128xf32, #tpu.memory_space<vmem_shared>> -> memref<5128x128xf32, #tpu.memory_space<vmem_shared>>
          tpu.wait_indirect_dma semaphore(%arg15 : memref<!tpu.dma_semaphore, #tpu.memory_space<semaphore_mem>>) src(%dma_wait3A_545 : memref<96x128xf32, #tpu.memory_space<vmem>>) dst(%dma_wait3A_551 : memref<5128x128xf32, #tpu.memory_space<vmem_shared>>)
        } else {
        }
        %add3A_419 = arith.constant 2 : i32
        %add3A_420 = arith.addi %add3A_389, %add3A_419 : i32
        %mul3A_421 = arith.constant 96 : i32
        %mul3A_422 = arith.muli %add3A_420, %mul3A_421 : i32
        %add3A_423 = arith.constant 0 : i32
        %add3A_424 = arith.addi %mul3A_422, %add3A_423 : i32
        %get3A_425 = arith.index_cast %add3A_424 : i32 to index
        %get3A_426 = tpu.vector_load %arg9[%get3A_425] {strides = array<i32>} : memref<20096xi32, #tpu.memory_space<vmem>>, vector<16xi32>,
        %shift_right_logical3A = arith.constant 13 : i32
        %shift_right_logical3A_427 = vector.broadcast %shift_right_logical3A : i32 to vector<16xi32>
        %shift_right_logical3A_428 = arith.shrui %get3A_426, %shift_right_logical3A_427 : vector<16xi32>
        %swap3A_429 = arith.constant 0 : i32
        %swap3A_430 = arith.index_cast %swap3A_429 : i32 to index
        %swap3A_431 = arith.constant 0 : index
        %swap3A_432 = tpu.vector_load %arg10[%swap3A_430, %swap3A_431] {strides = array<i32>} : memref<3x96xi32, #tpu.memory_space<vmem>>, vector<16xi32>,
        tpu.vector_store %arg10[%swap3A_430, %swap3A_431], %shift_right_logical3A_428 {strides = array<i32>} : memref<3x96xi32, #tpu.memory_space<vmem>>, vector<16xi32>,
        %and3A_433 = arith.constant 8191 : i32
        %and3A_434 = vector.broadcast %and3A_433 : i32 to vector<16xi32>
        %and3A_435 = arith.andi %get3A_426, %and3A_434 : vector<16xi32>
        %swap3A_436 = arith.constant 0 : i32
        %swap3A_437 = arith.index_cast %swap3A_436 : i32 to index
        %swap3A_438 = arith.constant 0 : index
        %swap3A_439 = tpu.vector_load %arg11[%swap3A_437, %swap3A_438] {strides = array<i32>} : memref<3x96xi32, #tpu.memory_space<vmem>>, vector<16xi32>,
        tpu.vector_store %arg11[%swap3A_437, %swap3A_438], %and3A_435 {strides = array<i32>} : memref<3x96xi32, #tpu.memory_space<vmem>>, vector<16xi32>,
        %add3A_440 = arith.constant 16 : i32
        %add3A_441 = arith.addi %mul3A_422, %add3A_440 : i32
        %get3A_442 = arith.index_cast %add3A_441 : i32 to index
        %get3A_443 = tpu.vector_load %arg9[%get3A_442] {strides = array<i32>} : memref<20096xi32, #tpu.memory_space<vmem>>, vector<16xi32>,
        %shift_right_logical3A_444 = arith.constant 13 : i32
        %shift_right_logical3A_445 = vector.broadcast %shift_right_logical3A_444 : i32 to vector<16xi32>
        %shift_right_logical3A_446 = arith.shrui %get3A_443, %shift_right_logical3A_445 : vector<16xi32>
        %swap3A_447 = arith.constant 0 : i32
        %swap3A_448 = arith.index_cast %swap3A_447 : i32 to index
        %swap3A_449 = arith.constant 16 : index
        %swap3A_450 = tpu.vector_load %arg10[%swap3A_448, %swap3A_449] {strides = array<i32>} : memref<3x96xi32, #tpu.memory_space<vmem>>, vector<16xi32>,
        tpu.vector_store %arg10[%swap3A_448, %swap3A_449], %shift_right_logical3A_446 {strides = array<i32>} : memref<3x96xi32, #tpu.memory_space<vmem>>, vector<16xi32>,
        %and3A_451 = arith.constant 8191 : i32
        %and3A_452 = vector.broadcast %and3A_451 : i32 to vector<16xi32>
        %and3A_453 = arith.andi %get3A_443, %and3A_452 : vector<16xi32>
        %swap3A_454 = arith.constant 0 : i32
        %swap3A_455 = arith.index_cast %swap3A_454 : i32 to index
        %swap3A_456 = arith.constant 16 : index
        %swap3A_457 = tpu.vector_load %arg11[%swap3A_455, %swap3A_456] {strides = array<i32>} : memref<3x96xi32, #tpu.memory_space<vmem>>, vector<16xi32>,
        tpu.vector_store %arg11[%swap3A_455, %swap3A_456], %and3A_453 {strides = array<i32>} : memref<3x96xi32, #tpu.memory_space<vmem>>, vector<16xi32>,
        %add3A_458 = arith.constant 32 : i32
        %add3A_459 = arith.addi %mul3A_422, %add3A_458 : i32
        %get3A_460 = arith.index_cast %add3A_459 : i32 to index
        %get3A_461 = tpu.vector_load %arg9[%get3A_460] {strides = array<i32>} : memref<20096xi32, #tpu.memory_space<vmem>>, vector<16xi32>,
        %shift_right_logical3A_462 = arith.constant 13 : i32
        %shift_right_logical3A_463 = vector.broadcast %shift_right_logical3A_462 : i32 to vector<16xi32>
        %shift_right_logical3A_464 = arith.shrui %get3A_461, %shift_right_logical3A_463 : vector<16xi32>
        %swap3A_465 = arith.constant 0 : i32
        %swap3A_466 = arith.index_cast %swap3A_465 : i32 to index
        %swap3A_467 = arith.constant 32 : index
        %swap3A_468 = tpu.vector_load %arg10[%swap3A_466, %swap3A_467] {strides = array<i32>} : memref<3x96xi32, #tpu.memory_space<vmem>>, vector<16xi32>,
        tpu.vector_store %arg10[%swap3A_466, %swap3A_467], %shift_right_logical3A_464 {strides = array<i32>} : memref<3x96xi32, #tpu.memory_space<vmem>>, vector<16xi32>,
        %and3A_469 = arith.constant 8191 : i32
        %and3A_470 = vector.broadcast %and3A_469 : i32 to vector<16xi32>
        %and3A_471 = arith.andi %get3A_461, %and3A_470 : vector<16xi32>
        %swap3A_472 = arith.constant 0 : i32
        %swap3A_473 = arith.index_cast %swap3A_472 : i32 to index
        %swap3A_474 = arith.constant 32 : index
        %swap3A_475 = tpu.vector_load %arg11[%swap3A_473, %swap3A_474] {strides = array<i32>} : memref<3x96xi32, #tpu.memory_space<vmem>>, vector<16xi32>,
        tpu.vector_store %arg11[%swap3A_473, %swap3A_474], %and3A_471 {strides = array<i32>} : memref<3x96xi32, #tpu.memory_space<vmem>>, vector<16xi32>,
        %add3A_476 = arith.constant 48 : i32
        %add3A_477 = arith.addi %mul3A_422, %add3A_476 : i32
        %get3A_478 = arith.index_cast %add3A_477 : i32 to index
        %get3A_479 = tpu.vector_load %arg9[%get3A_478] {strides = array<i32>} : memref<20096xi32, #tpu.memory_space<vmem>>, vector<16xi32>,
        %shift_right_logical3A_480 = arith.constant 13 : i32
        %shift_right_logical3A_481 = vector.broadcast %shift_right_logical3A_480 : i32 to vector<16xi32>
        %shift_right_logical3A_482 = arith.shrui %get3A_479, %shift_right_logical3A_481 : vector<16xi32>
        %swap3A_483 = arith.constant 0 : i32
        %swap3A_484 = arith.index_cast %swap3A_483 : i32 to index
        %swap3A_485 = arith.constant 48 : index
        %swap3A_486 = tpu.vector_load %arg10[%swap3A_484, %swap3A_485] {strides = array<i32>} : memref<3x96xi32, #tpu.memory_space<vmem>>, vector<16xi32>,
        tpu.vector_store %arg10[%swap3A_484, %swap3A_485], %shift_right_logical3A_482 {strides = array<i32>} : memref<3x96xi32, #tpu.memory_space<vmem>>, vector<16xi32>,
        %and3A_487 = arith.constant 8191 : i32
        %and3A_488 = vector.broadcast %and3A_487 : i32 to vector<16xi32>
        %and3A_489 = arith.andi %get3A_479, %and3A_488 : vector<16xi32>
        %swap3A_490 = arith.constant 0 : i32
        %swap3A_491 = arith.index_cast %swap3A_490 : i32 to index
        %swap3A_492 = arith.constant 48 : index
        %swap3A_493 = tpu.vector_load %arg11[%swap3A_491, %swap3A_492] {strides = array<i32>} : memref<3x96xi32, #tpu.memory_space<vmem>>, vector<16xi32>,
        tpu.vector_store %arg11[%swap3A_491, %swap3A_492], %and3A_489 {strides = array<i32>} : memref<3x96xi32, #tpu.memory_space<vmem>>, vector<16xi32>,
        %add3A_494 = arith.constant 64 : i32
        %add3A_495 = arith.addi %mul3A_422, %add3A_494 : i32
        %get3A_496 = arith.index_cast %add3A_495 : i32 to index
        %get3A_497 = tpu.vector_load %arg9[%get3A_496] {strides = array<i32>} : memref<20096xi32, #tpu.memory_space<vmem>>, vector<16xi32>,
        %shift_right_logical3A_498 = arith.constant 13 : i32
        %shift_right_logical3A_499 = vector.broadcast %shift_right_logical3A_498 : i32 to vector<16xi32>
        %shift_right_logical3A_500 = arith.shrui %get3A_497, %shift_right_logical3A_499 : vector<16xi32>
        %swap3A_501 = arith.constant 0 : i32
        %swap3A_502 = arith.index_cast %swap3A_501 : i32 to index
        %swap3A_503 = arith.constant 64 : index
        %swap3A_504 = tpu.vector_load %arg10[%swap3A_502, %swap3A_503] {strides = array<i32>} : memref<3x96xi32, #tpu.memory_space<vmem>>, vector<16xi32>,
        tpu.vector_store %arg10[%swap3A_502, %swap3A_503], %shift_right_logical3A_500 {strides = array<i32>} : memref<3x96xi32, #tpu.memory_space<vmem>>, vector<16xi32>,
        %and3A_505 = arith.constant 8191 : i32
        %and3A_506 = vector.broadcast %and3A_505 : i32 to vector<16xi32>
        %and3A_507 = arith.andi %get3A_497, %and3A_506 : vector<16xi32>
        %swap3A_508 = arith.constant 0 : i32
        %swap3A_509 = arith.index_cast %swap3A_508 : i32 to index
        %swap3A_510 = arith.constant 64 : index
        %swap3A_511 = tpu.vector_load %arg11[%swap3A_509, %swap3A_510] {strides = array<i32>} : memref<3x96xi32, #tpu.memory_space<vmem>>, vector<16xi32>,
        tpu.vector_store %arg11[%swap3A_509, %swap3A_510], %and3A_507 {strides = array<i32>} : memref<3x96xi32, #tpu.memory_space<vmem>>, vector<16xi32>,
        %add3A_512 = arith.constant 80 : i32
        %add3A_513 = arith.addi %mul3A_422, %add3A_512 : i32
        %get3A_514 = arith.index_cast %add3A_513 : i32 to index
        %get3A_515 = tpu.vector_load %arg9[%get3A_514] {strides = array<i32>} : memref<20096xi32, #tpu.memory_space<vmem>>, vector<16xi32>,
        %shift_right_logical3A_516 = arith.constant 13 : i32
        %shift_right_logical3A_517 = vector.broadcast %shift_right_logical3A_516 : i32 to vector<16xi32>
        %shift_right_logical3A_518 = arith.shrui %get3A_515, %shift_right_logical3A_517 : vector<16xi32>
        %swap3A_519 = arith.constant 0 : i32
        %swap3A_520 = arith.index_cast %swap3A_519 : i32 to index
        %swap3A_521 = arith.constant 80 : index
        %swap3A_522 = tpu.vector_load %arg10[%swap3A_520, %swap3A_521] {strides = array<i32>} : memref<3x96xi32, #tpu.memory_space<vmem>>, vector<16xi32>,
        tpu.vector_store %arg10[%swap3A_520, %swap3A_521], %shift_right_logical3A_518 {strides = array<i32>} : memref<3x96xi32, #tpu.memory_space<vmem>>, vector<16xi32>,
        %and3A_523 = arith.constant 8191 : i32
        %and3A_524 = vector.broadcast %and3A_523 : i32 to vector<16xi32>
        %and3A_525 = arith.andi %get3A_515, %and3A_524 : vector<16xi32>
        %swap3A_526 = arith.constant 0 : i32
        %swap3A_527 = arith.index_cast %swap3A_526 : i32 to index
        %swap3A_528 = arith.constant 80 : index
        %swap3A_529 = tpu.vector_load %arg11[%swap3A_527, %swap3A_528] {strides = array<i32>} : memref<3x96xi32, #tpu.memory_space<vmem>>, vector<16xi32>,
        tpu.vector_store %arg11[%swap3A_527, %swap3A_528], %and3A_525 {strides = array<i32>} : memref<3x96xi32, #tpu.memory_space<vmem>>, vector<16xi32>,
        %dma_start3A = arith.constant 0 : i32
        %dma_start3A_530 = arith.constant 0 : i32
        %dma_start3A_531 = arith.constant 0 : i32
        %dma_start3A_532 = arith.constant 0 : i32
        %dma_start3A_533 = tpu.memref_slice %arg12[%dma_start3A_530, %dma_start3A_531, %dma_start3A_532] : memref<3x96x128xf32, #tpu.memory_space<vmem>> -> memref<1x96x128xf32, #tpu.memory_space<vmem>>
        %dma_start3A_534 = tpu.memref_squeeze %dma_start3A_533 : memref<1x96x128xf32, #tpu.memory_space<vmem>> -> memref<96x128xf32, #tpu.memory_space<vmem>>
        %dma_start3A_535 = arith.constant 0 : i32
        %dma_start3A_536 = tpu.memref_slice %arg10[%dma_start3A, %dma_start3A_535] : memref<3x96xi32, #tpu.memory_space<vmem>> -> memref<1x96xi32, #tpu.memory_space<vmem>>
        %dma_start3A_537 = tpu.memref_squeeze %dma_start3A_536 : memref<1x96xi32, #tpu.memory_space<vmem>> -> memref<96xi32, #tpu.memory_space<vmem>>
        %dma_start3A_538 = arith.constant 0 : i32
        %dma_start3A_539 = arith.constant 0 : i32
        %dma_start3A_540 = tpu.memref_slice %arg2[%dma_start3A_538, %dma_start3A_539] : memref<10000x128xf32, #tpu.memory_space<hbm>> -> memref<10000x128xf32, #tpu.memory_space<hbm>>
        tpu.enqueue_indirect_dma source(%dma_start3A_540 : memref<10000x128xf32, #tpu.memory_space<hbm>>) target(%dma_start3A_534 : memref<96x128xf32, #tpu.memory_space<vmem>>) offsets(%dma_start3A_537 : memref<96xi32, #tpu.memory_space<vmem>>) semaphore(%arg14 : memref<!tpu.dma_semaphore, #tpu.memory_space<semaphore_mem>>)
      } else {
      }
      %add3A_400 = arith.constant 2 : i32
      %add3A_401 = arith.addi %add3A_375, %add3A_400 : i32
      %lt3A_402 = arith.cmpi slt, %add3A_401, %select_n3A : i32
      %convert_element_type3A_403 = arith.extui %lt3A_402 : i1 to i32
      %cond3A_404 = arith.constant 0 : i32
      %cond3A_405 = arith.cmpi ne, %convert_element_type3A_403, %cond3A_404 : i32
      scf.if %cond3A_405 {
        %dma_wait3A = arith.constant 2 : i32
        %dma_wait3A_412 = arith.constant 2 : i32
        %dma_wait3A_413 = arith.constant 0 : i32
        %dma_wait3A_414 = arith.constant 0 : i32
        %dma_wait3A_415 = tpu.memref_slice %arg12[%dma_wait3A_412, %dma_wait3A_413, %dma_wait3A_414] : memref<3x96x128xf32, #tpu.memory_space<vmem>> -> memref<1x96x128xf32, #tpu.memory_space<vmem>>
        %dma_wait3A_416 = tpu.memref_squeeze %dma_wait3A_415 : memref<1x96x128xf32, #tpu.memory_space<vmem>> -> memref<96x128xf32, #tpu.memory_space<vmem>>
        %dma_wait3A_417 = arith.constant 0 : i32
        %dma_wait3A_418 = tpu.memref_slice %arg10[%dma_wait3A, %dma_wait3A_417] : memref<3x96xi32, #tpu.memory_space<vmem>> -> memref<1x96xi32, #tpu.memory_space<vmem>>
        %dma_wait3A_419 = tpu.memref_squeeze %dma_wait3A_418 : memref<1x96xi32, #tpu.memory_space<vmem>> -> memref<96xi32, #tpu.memory_space<vmem>>
        %dma_wait3A_420 = arith.constant 0 : i32
        %dma_wait3A_421 = arith.constant 0 : i32
        %dma_wait3A_422 = tpu.memref_slice %arg2[%dma_wait3A_420, %dma_wait3A_421] : memref<10000x128xf32, #tpu.memory_space<hbm>> -> memref<10000x128xf32, #tpu.memory_space<hbm>>
        tpu.wait_indirect_dma semaphore(%arg14 : memref<!tpu.dma_semaphore, #tpu.memory_space<semaphore_mem>>) src(%dma_wait3A_422 : memref<10000x128xf32, #tpu.memory_space<hbm>>) dst(%dma_wait3A_416 : memref<96x128xf32, #tpu.memory_space<vmem>>)
        %dma_start3A = arith.constant 2 : i32
        %dma_start3A_423 = arith.constant 2 : i32
        %dma_start3A_424 = arith.constant 0 : i32
        %dma_start3A_425 = arith.constant 0 : i32
        %dma_start3A_426 = tpu.memref_slice %arg12[%dma_start3A, %dma_start3A_424, %dma_start3A_425] : memref<3x96x128xf32, #tpu.memory_space<vmem>> -> memref<1x96x128xf32, #tpu.memory_space<vmem>>
        %dma_start3A_427 = tpu.memref_squeeze %dma_start3A_426 : memref<1x96x128xf32, #tpu.memory_space<vmem>> -> memref<96x128xf32, #tpu.memory_space<vmem>>
        %dma_start3A_428 = arith.constant 0 : i32
        %dma_start3A_429 = tpu.memref_slice %arg11[%dma_start3A_423, %dma_start3A_428] : memref<3x96xi32, #tpu.memory_space<vmem>> -> memref<1x96xi32, #tpu.memory_space<vmem>>
        %dma_start3A_430 = tpu.memref_squeeze %dma_start3A_429 : memref<1x96xi32, #tpu.memory_space<vmem>> -> memref<96xi32, #tpu.memory_space<vmem>>
        %dma_start3A_431 = arith.constant 0 : i32
        %dma_start3A_432 = arith.constant 0 : i32
        %dma_start3A_433 = tpu.memref_slice %arg13[%dma_start3A_431, %dma_start3A_432] : memref<5128x128xf32, #tpu.memory_space<vmem_shared>> -> memref<5128x128xf32, #tpu.memory_space<vmem_shared>>
        tpu.enqueue_indirect_dma source(%dma_start3A_427 : memref<96x128xf32, #tpu.memory_space<vmem>>) target(%dma_start3A_433 : memref<5128x128xf32, #tpu.memory_space<vmem_shared>>) offsets(%dma_start3A_430 : memref<96xi32, #tpu.memory_space<vmem>>) semaphore(%arg15 : memref<!tpu.dma_semaphore, #tpu.memory_space<semaphore_mem>>) {add = true}
      } else {
      }
      %add3A_406 = arith.constant 2 : i32
      %add3A_407 = arith.addi %add3A_401, %add3A_406 : i32
      %lt3A_408 = arith.cmpi slt, %add3A_407, %select_n3A : i32
      %convert_element_type3A_409 = arith.extui %lt3A_408 : i1 to i32
      %cond3A_410 = arith.constant 0 : i32
      %cond3A_411 = arith.cmpi ne, %convert_element_type3A_409, %cond3A_410 : i32
      scf.if %cond3A_411 {
        %add3A_412 = arith.constant 2 : i32
        %add3A_413 = arith.addi %add3A_401, %add3A_412 : i32
        %ge3A_414 = arith.constant 3 : i32
        %ge3A_415 = arith.cmpi sge, %add3A_413, %ge3A_414 : i32
        %convert_element_type3A_416 = arith.extui %ge3A_415 : i1 to i32
        %cond3A_417 = arith.constant 0 : i32
        %cond3A_418 = arith.cmpi ne, %convert_element_type3A_416, %cond3A_417 : i32
        scf.if %cond3A_418 {
          %dma_wait3A = arith.constant 1 : i32
          %dma_wait3A_541 = arith.constant 1 : i32
          %dma_wait3A_542 = arith.constant 0 : i32
          %dma_wait3A_543 = arith.constant 0 : i32
          %dma_wait3A_544 = tpu.memref_slice %arg12[%dma_wait3A, %dma_wait3A_542, %dma_wait3A_543] : memref<3x96x128xf32, #tpu.memory_space<vmem>> -> memref<1x96x128xf32, #tpu.memory_space<vmem>>
          %dma_wait3A_545 = tpu.memref_squeeze %dma_wait3A_544 : memref<1x96x128xf32, #tpu.memory_space<vmem>> -> memref<96x128xf32, #tpu.memory_space<vmem>>
          %dma_wait3A_546 = arith.constant 0 : i32
          %dma_wait3A_547 = tpu.memref_slice %arg11[%dma_wait3A_541, %dma_wait3A_546] : memref<3x96xi32, #tpu.memory_space<vmem>> -> memref<1x96xi32, #tpu.memory_space<vmem>>
          %dma_wait3A_548 = tpu.memref_squeeze %dma_wait3A_547 : memref<1x96xi32, #tpu.memory_space<vmem>> -> memref<96xi32, #tpu.memory_space<vmem>>
          %dma_wait3A_549 = arith.constant 0 : i32
          %dma_wait3A_550 = arith.constant 0 : i32
          %dma_wait3A_551 = tpu.memref_slice %arg13[%dma_wait3A_549, %dma_wait3A_550] : memref<5128x128xf32, #tpu.memory_space<vmem_shared>> -> memref<5128x128xf32, #tpu.memory_space<vmem_shared>>
          tpu.wait_indirect_dma semaphore(%arg15 : memref<!tpu.dma_semaphore, #tpu.memory_space<semaphore_mem>>) src(%dma_wait3A_545 : memref<96x128xf32, #tpu.memory_space<vmem>>) dst(%dma_wait3A_551 : memref<5128x128xf32, #tpu.memory_space<vmem_shared>>)
        } else {
        }
        %add3A_419 = arith.constant 2 : i32
        %add3A_420 = arith.addi %add3A_401, %add3A_419 : i32
        %mul3A_421 = arith.constant 96 : i32
        %mul3A_422 = arith.muli %add3A_420, %mul3A_421 : i32
        %add3A_423 = arith.constant 0 : i32
        %add3A_424 = arith.addi %mul3A_422, %add3A_423 : i32
        %get3A_425 = arith.index_cast %add3A_424 : i32 to index
        %get3A_426 = tpu.vector_load %arg9[%get3A_425] {strides = array<i32>} : memref<20096xi32, #tpu.memory_space<vmem>>, vector<16xi32>,
        %shift_right_logical3A = arith.constant 13 : i32
        %shift_right_logical3A_427 = vector.broadcast %shift_right_logical3A : i32 to vector<16xi32>
        %shift_right_logical3A_428 = arith.shrui %get3A_426, %shift_right_logical3A_427 : vector<16xi32>
        %swap3A_429 = arith.constant 1 : i32
        %swap3A_430 = arith.index_cast %swap3A_429 : i32 to index
        %swap3A_431 = arith.constant 0 : index
        %swap3A_432 = tpu.vector_load %arg10[%swap3A_430, %swap3A_431] {strides = array<i32>} : memref<3x96xi32, #tpu.memory_space<vmem>>, vector<16xi32>,
        tpu.vector_store %arg10[%swap3A_430, %swap3A_431], %shift_right_logical3A_428 {strides = array<i32>} : memref<3x96xi32, #tpu.memory_space<vmem>>, vector<16xi32>,
        %and3A_433 = arith.constant 8191 : i32
        %and3A_434 = vector.broadcast %and3A_433 : i32 to vector<16xi32>
        %and3A_435 = arith.andi %get3A_426, %and3A_434 : vector<16xi32>
        %swap3A_436 = arith.constant 1 : i32
        %swap3A_437 = arith.index_cast %swap3A_436 : i32 to index
        %swap3A_438 = arith.constant 0 : index
        %swap3A_439 = tpu.vector_load %arg11[%swap3A_437, %swap3A_438] {strides = array<i32>} : memref<3x96xi32, #tpu.memory_space<vmem>>, vector<16xi32>,
        tpu.vector_store %arg11[%swap3A_437, %swap3A_438], %and3A_435 {strides = array<i32>} : memref<3x96xi32, #tpu.memory_space<vmem>>, vector<16xi32>,
        %add3A_440 = arith.constant 16 : i32
        %add3A_441 = arith.addi %mul3A_422, %add3A_440 : i32
        %get3A_442 = arith.index_cast %add3A_441 : i32 to index
        %get3A_443 = tpu.vector_load %arg9[%get3A_442] {strides = array<i32>} : memref<20096xi32, #tpu.memory_space<vmem>>, vector<16xi32>,
        %shift_right_logical3A_444 = arith.constant 13 : i32
        %shift_right_logical3A_445 = vector.broadcast %shift_right_logical3A_444 : i32 to vector<16xi32>
        %shift_right_logical3A_446 = arith.shrui %get3A_443, %shift_right_logical3A_445 : vector<16xi32>
        %swap3A_447 = arith.constant 1 : i32
        %swap3A_448 = arith.index_cast %swap3A_447 : i32 to index
        %swap3A_449 = arith.constant 16 : index
        %swap3A_450 = tpu.vector_load %arg10[%swap3A_448, %swap3A_449] {strides = array<i32>} : memref<3x96xi32, #tpu.memory_space<vmem>>, vector<16xi32>,
        tpu.vector_store %arg10[%swap3A_448, %swap3A_449], %shift_right_logical3A_446 {strides = array<i32>} : memref<3x96xi32, #tpu.memory_space<vmem>>, vector<16xi32>,
        %and3A_451 = arith.constant 8191 : i32
        %and3A_452 = vector.broadcast %and3A_451 : i32 to vector<16xi32>
        %and3A_453 = arith.andi %get3A_443, %and3A_452 : vector<16xi32>
        %swap3A_454 = arith.constant 1 : i32
        %swap3A_455 = arith.index_cast %swap3A_454 : i32 to index
        %swap3A_456 = arith.constant 16 : index
        %swap3A_457 = tpu.vector_load %arg11[%swap3A_455, %swap3A_456] {strides = array<i32>} : memref<3x96xi32, #tpu.memory_space<vmem>>, vector<16xi32>,
        tpu.vector_store %arg11[%swap3A_455, %swap3A_456], %and3A_453 {strides = array<i32>} : memref<3x96xi32, #tpu.memory_space<vmem>>, vector<16xi32>,
        %add3A_458 = arith.constant 32 : i32
        %add3A_459 = arith.addi %mul3A_422, %add3A_458 : i32
        %get3A_460 = arith.index_cast %add3A_459 : i32 to index
        %get3A_461 = tpu.vector_load %arg9[%get3A_460] {strides = array<i32>} : memref<20096xi32, #tpu.memory_space<vmem>>, vector<16xi32>,
        %shift_right_logical3A_462 = arith.constant 13 : i32
        %shift_right_logical3A_463 = vector.broadcast %shift_right_logical3A_462 : i32 to vector<16xi32>
        %shift_right_logical3A_464 = arith.shrui %get3A_461, %shift_right_logical3A_463 : vector<16xi32>
        %swap3A_465 = arith.constant 1 : i32
        %swap3A_466 = arith.index_cast %swap3A_465 : i32 to index
        %swap3A_467 = arith.constant 32 : index
        %swap3A_468 = tpu.vector_load %arg10[%swap3A_466, %swap3A_467] {strides = array<i32>} : memref<3x96xi32, #tpu.memory_space<vmem>>, vector<16xi32>,
        tpu.vector_store %arg10[%swap3A_466, %swap3A_467], %shift_right_logical3A_464 {strides = array<i32>} : memref<3x96xi32, #tpu.memory_space<vmem>>, vector<16xi32>,
        %and3A_469 = arith.constant 8191 : i32
        %and3A_470 = vector.broadcast %and3A_469 : i32 to vector<16xi32>
        %and3A_471 = arith.andi %get3A_461, %and3A_470 : vector<16xi32>
        %swap3A_472 = arith.constant 1 : i32
        %swap3A_473 = arith.index_cast %swap3A_472 : i32 to index
        %swap3A_474 = arith.constant 32 : index
        %swap3A_475 = tpu.vector_load %arg11[%swap3A_473, %swap3A_474] {strides = array<i32>} : memref<3x96xi32, #tpu.memory_space<vmem>>, vector<16xi32>,
        tpu.vector_store %arg11[%swap3A_473, %swap3A_474], %and3A_471 {strides = array<i32>} : memref<3x96xi32, #tpu.memory_space<vmem>>, vector<16xi32>,
        %add3A_476 = arith.constant 48 : i32
        %add3A_477 = arith.addi %mul3A_422, %add3A_476 : i32
        %get3A_478 = arith.index_cast %add3A_477 : i32 to index
        %get3A_479 = tpu.vector_load %arg9[%get3A_478] {strides = array<i32>} : memref<20096xi32, #tpu.memory_space<vmem>>, vector<16xi32>,
        %shift_right_logical3A_480 = arith.constant 13 : i32
        %shift_right_logical3A_481 = vector.broadcast %shift_right_logical3A_480 : i32 to vector<16xi32>
        %shift_right_logical3A_482 = arith.shrui %get3A_479, %shift_right_logical3A_481 : vector<16xi32>
        %swap3A_483 = arith.constant 1 : i32
        %swap3A_484 = arith.index_cast %swap3A_483 : i32 to index
        %swap3A_485 = arith.constant 48 : index
        %swap3A_486 = tpu.vector_load %arg10[%swap3A_484, %swap3A_485] {strides = array<i32>} : memref<3x96xi32, #tpu.memory_space<vmem>>, vector<16xi32>,
        tpu.vector_store %arg10[%swap3A_484, %swap3A_485], %shift_right_logical3A_482 {strides = array<i32>} : memref<3x96xi32, #tpu.memory_space<vmem>>, vector<16xi32>,
        %and3A_487 = arith.constant 8191 : i32
        %and3A_488 = vector.broadcast %and3A_487 : i32 to vector<16xi32>
        %and3A_489 = arith.andi %get3A_479, %and3A_488 : vector<16xi32>
        %swap3A_490 = arith.constant 1 : i32
        %swap3A_491 = arith.index_cast %swap3A_490 : i32 to index
        %swap3A_492 = arith.constant 48 : index
        %swap3A_493 = tpu.vector_load %arg11[%swap3A_491, %swap3A_492] {strides = array<i32>} : memref<3x96xi32, #tpu.memory_space<vmem>>, vector<16xi32>,
        tpu.vector_store %arg11[%swap3A_491, %swap3A_492], %and3A_489 {strides = array<i32>} : memref<3x96xi32, #tpu.memory_space<vmem>>, vector<16xi32>,
        %add3A_494 = arith.constant 64 : i32
        %add3A_495 = arith.addi %mul3A_422, %add3A_494 : i32
        %get3A_496 = arith.index_cast %add3A_495 : i32 to index
        %get3A_497 = tpu.vector_load %arg9[%get3A_496] {strides = array<i32>} : memref<20096xi32, #tpu.memory_space<vmem>>, vector<16xi32>,
        %shift_right_logical3A_498 = arith.constant 13 : i32
        %shift_right_logical3A_499 = vector.broadcast %shift_right_logical3A_498 : i32 to vector<16xi32>
        %shift_right_logical3A_500 = arith.shrui %get3A_497, %shift_right_logical3A_499 : vector<16xi32>
        %swap3A_501 = arith.constant 1 : i32
        %swap3A_502 = arith.index_cast %swap3A_501 : i32 to index
        %swap3A_503 = arith.constant 64 : index
        %swap3A_504 = tpu.vector_load %arg10[%swap3A_502, %swap3A_503] {strides = array<i32>} : memref<3x96xi32, #tpu.memory_space<vmem>>, vector<16xi32>,
        tpu.vector_store %arg10[%swap3A_502, %swap3A_503], %shift_right_logical3A_500 {strides = array<i32>} : memref<3x96xi32, #tpu.memory_space<vmem>>, vector<16xi32>,
        %and3A_505 = arith.constant 8191 : i32
        %and3A_506 = vector.broadcast %and3A_505 : i32 to vector<16xi32>
        %and3A_507 = arith.andi %get3A_497, %and3A_506 : vector<16xi32>
        %swap3A_508 = arith.constant 1 : i32
        %swap3A_509 = arith.index_cast %swap3A_508 : i32 to index
        %swap3A_510 = arith.constant 64 : index
        %swap3A_511 = tpu.vector_load %arg11[%swap3A_509, %swap3A_510] {strides = array<i32>} : memref<3x96xi32, #tpu.memory_space<vmem>>, vector<16xi32>,
        tpu.vector_store %arg11[%swap3A_509, %swap3A_510], %and3A_507 {strides = array<i32>} : memref<3x96xi32, #tpu.memory_space<vmem>>, vector<16xi32>,
        %add3A_512 = arith.constant 80 : i32
        %add3A_513 = arith.addi %mul3A_422, %add3A_512 : i32
        %get3A_514 = arith.index_cast %add3A_513 : i32 to index
        %get3A_515 = tpu.vector_load %arg9[%get3A_514] {strides = array<i32>} : memref<20096xi32, #tpu.memory_space<vmem>>, vector<16xi32>,
        %shift_right_logical3A_516 = arith.constant 13 : i32
        %shift_right_logical3A_517 = vector.broadcast %shift_right_logical3A_516 : i32 to vector<16xi32>
        %shift_right_logical3A_518 = arith.shrui %get3A_515, %shift_right_logical3A_517 : vector<16xi32>
        %swap3A_519 = arith.constant 1 : i32
        %swap3A_520 = arith.index_cast %swap3A_519 : i32 to index
        %swap3A_521 = arith.constant 80 : index
        %swap3A_522 = tpu.vector_load %arg10[%swap3A_520, %swap3A_521] {strides = array<i32>} : memref<3x96xi32, #tpu.memory_space<vmem>>, vector<16xi32>,
        tpu.vector_store %arg10[%swap3A_520, %swap3A_521], %shift_right_logical3A_518 {strides = array<i32>} : memref<3x96xi32, #tpu.memory_space<vmem>>, vector<16xi32>,
        %and3A_523 = arith.constant 8191 : i32
        %and3A_524 = vector.broadcast %and3A_523 : i32 to vector<16xi32>
        %and3A_525 = arith.andi %get3A_515, %and3A_524 : vector<16xi32>
        %swap3A_526 = arith.constant 1 : i32
        %swap3A_527 = arith.index_cast %swap3A_526 : i32 to index
        %swap3A_528 = arith.constant 80 : index
        %swap3A_529 = tpu.vector_load %arg11[%swap3A_527, %swap3A_528] {strides = array<i32>} : memref<3x96xi32, #tpu.memory_space<vmem>>, vector<16xi32>,
        tpu.vector_store %arg11[%swap3A_527, %swap3A_528], %and3A_525 {strides = array<i32>} : memref<3x96xi32, #tpu.memory_space<vmem>>, vector<16xi32>,
        %dma_start3A = arith.constant 1 : i32
        %dma_start3A_530 = arith.constant 1 : i32
        %dma_start3A_531 = arith.constant 0 : i32
        %dma_start3A_532 = arith.constant 0 : i32
        %dma_start3A_533 = tpu.memref_slice %arg12[%dma_start3A_530, %dma_start3A_531, %dma_start3A_532] : memref<3x96x128xf32, #tpu.memory_space<vmem>> -> memref<1x96x128xf32, #tpu.memory_space<vmem>>
        %dma_start3A_534 = tpu.memref_squeeze %dma_start3A_533 : memref<1x96x128xf32, #tpu.memory_space<vmem>> -> memref<96x128xf32, #tpu.memory_space<vmem>>
        %dma_start3A_535 = arith.constant 0 : i32
        %dma_start3A_536 = tpu.memref_slice %arg10[%dma_start3A, %dma_start3A_535] : memref<3x96xi32, #tpu.memory_space<vmem>> -> memref<1x96xi32, #tpu.memory_space<vmem>>
        %dma_start3A_537 = tpu.memref_squeeze %dma_start3A_536 : memref<1x96xi32, #tpu.memory_space<vmem>> -> memref<96xi32, #tpu.memory_space<vmem>>
        %dma_start3A_538 = arith.constant 0 : i32
        %dma_start3A_539 = arith.constant 0 : i32
        %dma_start3A_540 = tpu.memref_slice %arg2[%dma_start3A_538, %dma_start3A_539] : memref<10000x128xf32, #tpu.memory_space<hbm>> -> memref<10000x128xf32, #tpu.memory_space<hbm>>
        tpu.enqueue_indirect_dma source(%dma_start3A_540 : memref<10000x128xf32, #tpu.memory_space<hbm>>) target(%dma_start3A_534 : memref<96x128xf32, #tpu.memory_space<vmem>>) offsets(%dma_start3A_537 : memref<96xi32, #tpu.memory_space<vmem>>) semaphore(%arg14 : memref<!tpu.dma_semaphore, #tpu.memory_space<semaphore_mem>>)
      } else {
      }
    }
    %scan3A_138 = arith.constant 70 : i32
    %ge3A_139 = arith.constant 1 : i32
    %ge3A_140 = arith.cmpi sge, %select_n3A, %ge3A_139 : i32
    %sub3A_141 = arith.constant 1 : i32
    %sub3A_142 = arith.subi %select_n3A, %sub3A_141 : i32
    %jit3A_143 = arith.constant 3 : i32
    %eq3A = arith.constant 0 : i32
    %eq3A_144 = arith.cmpi eq, %jit3A_143, %eq3A : i32
    %jit3A_145 = arith.constant 1 : i32
    %select_n3A_146 = arith.select %eq3A_144, %jit3A_145, %jit3A_143 : i32
    %rem3A_147 = arith.remsi %sub3A_142, %select_n3A_146 : i32
    %ne3A_148 = arith.constant 0 : i32
    %ne3A_149 = arith.cmpi ne, %rem3A_147, %ne3A_148 : i32
    %lt3A_150 = arith.constant 0 : i32
    %lt3A_151 = arith.cmpi slt, %rem3A_147, %lt3A_150 : i32
    %lt3A_152 = arith.constant 0 : i32
    %lt3A_153 = arith.cmpi slt, %select_n3A_146, %lt3A_152 : i32
    %ne3A_154 = arith.xori %lt3A_151, %lt3A_153 : i1
    %and3A_155 = arith.andi %ne3A_154, %ne3A_149 : i1
    %add3A_156 = arith.addi %rem3A_147, %select_n3A_146 : i32
    %select_n3A_157 = arith.select %and3A_155, %add3A_156, %rem3A_147 : i32
    %eq3A_158 = arith.constant 0 : i32
    %eq3A_159 = arith.cmpi eq, %select_n3A_157, %eq3A_158 : i32
    %and3A_160 = arith.andi %ge3A_140, %eq3A_159 : i1
    %or3A_161 = arith.constant false
    %or3A_162 = arith.ori %or3A_161, %and3A_160 : i1
    %ge3A_163 = arith.constant 2 : i32
    %ge3A_164 = arith.cmpi sge, %select_n3A, %ge3A_163 : i32
    %sub3A_165 = arith.constant 2 : i32
    %sub3A_166 = arith.subi %select_n3A, %sub3A_165 : i32
    %jit3A_167 = arith.constant 3 : i32
    %eq3A_168 = arith.constant 0 : i32
    %eq3A_169 = arith.cmpi eq, %jit3A_167, %eq3A_168 : i32
    %jit3A_170 = arith.constant 1 : i32
    %select_n3A_171 = arith.select %eq3A_169, %jit3A_170, %jit3A_167 : i32
    %rem3A_172 = arith.remsi %sub3A_166, %select_n3A_171 : i32
    %ne3A_173 = arith.constant 0 : i32
    %ne3A_174 = arith.cmpi ne, %rem3A_172, %ne3A_173 : i32
    %lt3A_175 = arith.constant 0 : i32
    %lt3A_176 = arith.cmpi slt, %rem3A_172, %lt3A_175 : i32
    %lt3A_177 = arith.constant 0 : i32
    %lt3A_178 = arith.cmpi slt, %select_n3A_171, %lt3A_177 : i32
    %ne3A_179 = arith.xori %lt3A_176, %lt3A_178 : i1
    %and3A_180 = arith.andi %ne3A_179, %ne3A_174 : i1
    %add3A_181 = arith.addi %rem3A_172, %select_n3A_171 : i32
    %select_n3A_182 = arith.select %and3A_180, %add3A_181, %rem3A_172 : i32
    %eq3A_183 = arith.constant 0 : i32
    %eq3A_184 = arith.cmpi eq, %select_n3A_182, %eq3A_183 : i32
    %and3A_185 = arith.andi %ge3A_164, %eq3A_184 : i1
    %or3A_186 = arith.ori %or3A_162, %and3A_185 : i1
    %ge3A_187 = arith.constant 3 : i32
    %ge3A_188 = arith.cmpi sge, %select_n3A, %ge3A_187 : i32
    %sub3A_189 = arith.constant 3 : i32
    %sub3A_190 = arith.subi %select_n3A, %sub3A_189 : i32
    %jit3A_191 = arith.constant 3 : i32
    %eq3A_192 = arith.constant 0 : i32
    %eq3A_193 = arith.cmpi eq, %jit3A_191, %eq3A_192 : i32
    %jit3A_194 = arith.constant 1 : i32
    %select_n3A_195 = arith.select %eq3A_193, %jit3A_194, %jit3A_191 : i32
    %rem3A_196 = arith.remsi %sub3A_190, %select_n3A_195 : i32
    %ne3A_197 = arith.constant 0 : i32
    %ne3A_198 = arith.cmpi ne, %rem3A_196, %ne3A_197 : i32
    %lt3A_199 = arith.constant 0 : i32
    %lt3A_200 = arith.cmpi slt, %rem3A_196, %lt3A_199 : i32
    %lt3A_201 = arith.constant 0 : i32
    %lt3A_202 = arith.cmpi slt, %select_n3A_195, %lt3A_201 : i32
    %ne3A_203 = arith.xori %lt3A_200, %lt3A_202 : i1
    %and3A_204 = arith.andi %ne3A_203, %ne3A_198 : i1
    %add3A_205 = arith.addi %rem3A_196, %select_n3A_195 : i32
    %select_n3A_206 = arith.select %and3A_204, %add3A_205, %rem3A_196 : i32
    %eq3A_207 = arith.constant 0 : i32
    %eq3A_208 = arith.cmpi eq, %select_n3A_206, %eq3A_207 : i32
    %and3A_209 = arith.andi %ge3A_188, %eq3A_208 : i1
    %or3A_210 = arith.ori %or3A_186, %and3A_209 : i1
    %convert_element_type3A_211 = arith.extui %or3A_210 : i1 to i32
    %cond3A_212 = arith.constant 0 : i32
    %cond3A_213 = arith.cmpi ne, %convert_element_type3A_211, %cond3A_212 : i32
    scf.if %cond3A_213 {
      %dma_wait3A = arith.constant 0 : i32
      %dma_wait3A_371 = arith.constant 0 : i32
      %dma_wait3A_372 = arith.constant 0 : i32
      %dma_wait3A_373 = arith.constant 0 : i32
      %dma_wait3A_374 = tpu.memref_slice %arg12[%dma_wait3A, %dma_wait3A_372, %dma_wait3A_373] : memref<3x96x128xf32, #tpu.memory_space<vmem>> -> memref<1x96x128xf32, #tpu.memory_space<vmem>>
      %dma_wait3A_375 = tpu.memref_squeeze %dma_wait3A_374 : memref<1x96x128xf32, #tpu.memory_space<vmem>> -> memref<96x128xf32, #tpu.memory_space<vmem>>
      %dma_wait3A_376 = arith.constant 0 : i32
      %dma_wait3A_377 = tpu.memref_slice %arg11[%dma_wait3A_371, %dma_wait3A_376] : memref<3x96xi32, #tpu.memory_space<vmem>> -> memref<1x96xi32, #tpu.memory_space<vmem>>
      %dma_wait3A_378 = tpu.memref_squeeze %dma_wait3A_377 : memref<1x96xi32, #tpu.memory_space<vmem>> -> memref<96xi32, #tpu.memory_space<vmem>>
      %dma_wait3A_379 = arith.constant 0 : i32
      %dma_wait3A_380 = arith.constant 0 : i32
      %dma_wait3A_381 = tpu.memref_slice %arg13[%dma_wait3A_379, %dma_wait3A_380] : memref<5128x128xf32, #tpu.memory_space<vmem_shared>> -> memref<5128x128xf32, #tpu.memory_space<vmem_shared>>
      tpu.wait_indirect_dma semaphore(%arg15 : memref<!tpu.dma_semaphore, #tpu.memory_space<semaphore_mem>>) src(%dma_wait3A_375 : memref<96x128xf32, #tpu.memory_space<vmem>>) dst(%dma_wait3A_381 : memref<5128x128xf32, #tpu.memory_space<vmem_shared>>)
    } else {
    }
    %ge3A_214 = arith.constant 1 : i32
    %ge3A_215 = arith.cmpi sge, %select_n3A, %ge3A_214 : i32
    %sub3A_216 = arith.constant 1 : i32
    %sub3A_217 = arith.subi %select_n3A, %sub3A_216 : i32
    %jit3A_218 = arith.constant 3 : i32
    %eq3A_219 = arith.constant 0 : i32
    %eq3A_220 = arith.cmpi eq, %jit3A_218, %eq3A_219 : i32
    %jit3A_221 = arith.constant 1 : i32
    %select_n3A_222 = arith.select %eq3A_220, %jit3A_221, %jit3A_218 : i32
    %rem3A_223 = arith.remsi %sub3A_217, %select_n3A_222 : i32
    %ne3A_224 = arith.constant 0 : i32
    %ne3A_225 = arith.cmpi ne, %rem3A_223, %ne3A_224 : i32
    %lt3A_226 = arith.constant 0 : i32
    %lt3A_227 = arith.cmpi slt, %rem3A_223, %lt3A_226 : i32
    %lt3A_228 = arith.constant 0 : i32
    %lt3A_229 = arith.cmpi slt, %select_n3A_222, %lt3A_228 : i32
    %ne3A_230 = arith.xori %lt3A_227, %lt3A_229 : i1
    %and3A_231 = arith.andi %ne3A_230, %ne3A_225 : i1
    %add3A_232 = arith.addi %rem3A_223, %select_n3A_222 : i32
    %select_n3A_233 = arith.select %and3A_231, %add3A_232, %rem3A_223 : i32
    %eq3A_234 = arith.constant 1 : i32
    %eq3A_235 = arith.cmpi eq, %select_n3A_233, %eq3A_234 : i32
    %and3A_236 = arith.andi %ge3A_215, %eq3A_235 : i1
    %or3A_237 = arith.constant false
    %or3A_238 = arith.ori %or3A_237, %and3A_236 : i1
    %ge3A_239 = arith.constant 2 : i32
    %ge3A_240 = arith.cmpi sge, %select_n3A, %ge3A_239 : i32
    %sub3A_241 = arith.constant 2 : i32
    %sub3A_242 = arith.subi %select_n3A, %sub3A_241 : i32
    %jit3A_243 = arith.constant 3 : i32
    %eq3A_244 = arith.constant 0 : i32
    %eq3A_245 = arith.cmpi eq, %jit3A_243, %eq3A_244 : i32
    %jit3A_246 = arith.constant 1 : i32
    %select_n3A_247 = arith.select %eq3A_245, %jit3A_246, %jit3A_243 : i32
    %rem3A_248 = arith.remsi %sub3A_242, %select_n3A_247 : i32
    %ne3A_249 = arith.constant 0 : i32
    %ne3A_250 = arith.cmpi ne, %rem3A_248, %ne3A_249 : i32
    %lt3A_251 = arith.constant 0 : i32
    %lt3A_252 = arith.cmpi slt, %rem3A_248, %lt3A_251 : i32
    %lt3A_253 = arith.constant 0 : i32
    %lt3A_254 = arith.cmpi slt, %select_n3A_247, %lt3A_253 : i32
    %ne3A_255 = arith.xori %lt3A_252, %lt3A_254 : i1
    %and3A_256 = arith.andi %ne3A_255, %ne3A_250 : i1
    %add3A_257 = arith.addi %rem3A_248, %select_n3A_247 : i32
    %select_n3A_258 = arith.select %and3A_256, %add3A_257, %rem3A_248 : i32
    %eq3A_259 = arith.constant 1 : i32
    %eq3A_260 = arith.cmpi eq, %select_n3A_258, %eq3A_259 : i32
    %and3A_261 = arith.andi %ge3A_240, %eq3A_260 : i1
    %or3A_262 = arith.ori %or3A_238, %and3A_261 : i1
    %ge3A_263 = arith.constant 3 : i32
    %ge3A_264 = arith.cmpi sge, %select_n3A, %ge3A_263 : i32
    %sub3A_265 = arith.constant 3 : i32
    %sub3A_266 = arith.subi %select_n3A, %sub3A_265 : i32
    %jit3A_267 = arith.constant 3 : i32
    %eq3A_268 = arith.constant 0 : i32
    %eq3A_269 = arith.cmpi eq, %jit3A_267, %eq3A_268 : i32
    %jit3A_270 = arith.constant 1 : i32
    %select_n3A_271 = arith.select %eq3A_269, %jit3A_270, %jit3A_267 : i32
    %rem3A_272 = arith.remsi %sub3A_266, %select_n3A_271 : i32
    %ne3A_273 = arith.constant 0 : i32
    %ne3A_274 = arith.cmpi ne, %rem3A_272, %ne3A_273 : i32
    %lt3A_275 = arith.constant 0 : i32
    %lt3A_276 = arith.cmpi slt, %rem3A_272, %lt3A_275 : i32
    %lt3A_277 = arith.constant 0 : i32
    %lt3A_278 = arith.cmpi slt, %select_n3A_271, %lt3A_277 : i32
    %ne3A_279 = arith.xori %lt3A_276, %lt3A_278 : i1
    %and3A_280 = arith.andi %ne3A_279, %ne3A_274 : i1
    %add3A_281 = arith.addi %rem3A_272, %select_n3A_271 : i32
    %select_n3A_282 = arith.select %and3A_280, %add3A_281, %rem3A_272 : i32
    %eq3A_283 = arith.constant 1 : i32
    %eq3A_284 = arith.cmpi eq, %select_n3A_282, %eq3A_283 : i32
    %and3A_285 = arith.andi %ge3A_264, %eq3A_284 : i1
    %or3A_286 = arith.ori %or3A_262, %and3A_285 : i1
    %convert_element_type3A_287 = arith.extui %or3A_286 : i1 to i32
    %cond3A_288 = arith.constant 0 : i32
    %cond3A_289 = arith.cmpi ne, %convert_element_type3A_287, %cond3A_288 : i32
    scf.if %cond3A_289 {
      %dma_wait3A = arith.constant 1 : i32
      %dma_wait3A_371 = arith.constant 1 : i32
      %dma_wait3A_372 = arith.constant 0 : i32
      %dma_wait3A_373 = arith.constant 0 : i32
      %dma_wait3A_374 = tpu.memref_slice %arg12[%dma_wait3A, %dma_wait3A_372, %dma_wait3A_373] : memref<3x96x128xf32, #tpu.memory_space<vmem>> -> memref<1x96x128xf32, #tpu.memory_space<vmem>>
      %dma_wait3A_375 = tpu.memref_squeeze %dma_wait3A_374 : memref<1x96x128xf32, #tpu.memory_space<vmem>> -> memref<96x128xf32, #tpu.memory_space<vmem>>
      %dma_wait3A_376 = arith.constant 0 : i32
      %dma_wait3A_377 = tpu.memref_slice %arg11[%dma_wait3A_371, %dma_wait3A_376] : memref<3x96xi32, #tpu.memory_space<vmem>> -> memref<1x96xi32, #tpu.memory_space<vmem>>
      %dma_wait3A_378 = tpu.memref_squeeze %dma_wait3A_377 : memref<1x96xi32, #tpu.memory_space<vmem>> -> memref<96xi32, #tpu.memory_space<vmem>>
      %dma_wait3A_379 = arith.constant 0 : i32
      %dma_wait3A_380 = arith.constant 0 : i32
      %dma_wait3A_381 = tpu.memref_slice %arg13[%dma_wait3A_379, %dma_wait3A_380] : memref<5128x128xf32, #tpu.memory_space<vmem_shared>> -> memref<5128x128xf32, #tpu.memory_space<vmem_shared>>
      tpu.wait_indirect_dma semaphore(%arg15 : memref<!tpu.dma_semaphore, #tpu.memory_space<semaphore_mem>>) src(%dma_wait3A_375 : memref<96x128xf32, #tpu.memory_space<vmem>>) dst(%dma_wait3A_381 : memref<5128x128xf32, #tpu.memory_space<vmem_shared>>)
    } else {
    }
    %ge3A_290 = arith.constant 1 : i32
    %ge3A_291 = arith.cmpi sge, %select_n3A, %ge3A_290 : i32
    %sub3A_292 = arith.constant 1 : i32
    %sub3A_293 = arith.subi %select_n3A, %sub3A_292 : i32
    %jit3A_294 = arith.constant 3 : i32
    %eq3A_295 = arith.constant 0 : i32
    %eq3A_296 = arith.cmpi eq, %jit3A_294, %eq3A_295 : i32
    %jit3A_297 = arith.constant 1 : i32
    %select_n3A_298 = arith.select %eq3A_296, %jit3A_297, %jit3A_294 : i32
    %rem3A_299 = arith.remsi %sub3A_293, %select_n3A_298 : i32
    %ne3A_300 = arith.constant 0 : i32
    %ne3A_301 = arith.cmpi ne, %rem3A_299, %ne3A_300 : i32
    %lt3A_302 = arith.constant 0 : i32
    %lt3A_303 = arith.cmpi slt, %rem3A_299, %lt3A_302 : i32
    %lt3A_304 = arith.constant 0 : i32
    %lt3A_305 = arith.cmpi slt, %select_n3A_298, %lt3A_304 : i32
    %ne3A_306 = arith.xori %lt3A_303, %lt3A_305 : i1
    %and3A_307 = arith.andi %ne3A_306, %ne3A_301 : i1
    %add3A_308 = arith.addi %rem3A_299, %select_n3A_298 : i32
    %select_n3A_309 = arith.select %and3A_307, %add3A_308, %rem3A_299 : i32
    %eq3A_310 = arith.constant 2 : i32
    %eq3A_311 = arith.cmpi eq, %select_n3A_309, %eq3A_310 : i32
    %and3A_312 = arith.andi %ge3A_291, %eq3A_311 : i1
    %or3A_313 = arith.constant false
    %or3A_314 = arith.ori %or3A_313, %and3A_312 : i1
    %ge3A_315 = arith.constant 2 : i32
    %ge3A_316 = arith.cmpi sge, %select_n3A, %ge3A_315 : i32
    %sub3A_317 = arith.constant 2 : i32
    %sub3A_318 = arith.subi %select_n3A, %sub3A_317 : i32
    %jit3A_319 = arith.constant 3 : i32
    %eq3A_320 = arith.constant 0 : i32
    %eq3A_321 = arith.cmpi eq, %jit3A_319, %eq3A_320 : i32
    %jit3A_322 = arith.constant 1 : i32
    %select_n3A_323 = arith.select %eq3A_321, %jit3A_322, %jit3A_319 : i32
    %rem3A_324 = arith.remsi %sub3A_318, %select_n3A_323 : i32
    %ne3A_325 = arith.constant 0 : i32
    %ne3A_326 = arith.cmpi ne, %rem3A_324, %ne3A_325 : i32
    %lt3A_327 = arith.constant 0 : i32
    %lt3A_328 = arith.cmpi slt, %rem3A_324, %lt3A_327 : i32
    %lt3A_329 = arith.constant 0 : i32
    %lt3A_330 = arith.cmpi slt, %select_n3A_323, %lt3A_329 : i32
    %ne3A_331 = arith.xori %lt3A_328, %lt3A_330 : i1
    %and3A_332 = arith.andi %ne3A_331, %ne3A_326 : i1
    %add3A_333 = arith.addi %rem3A_324, %select_n3A_323 : i32
    %select_n3A_334 = arith.select %and3A_332, %add3A_333, %rem3A_324 : i32
    %eq3A_335 = arith.constant 2 : i32
    %eq3A_336 = arith.cmpi eq, %select_n3A_334, %eq3A_335 : i32
    %and3A_337 = arith.andi %ge3A_316, %eq3A_336 : i1
    %or3A_338 = arith.ori %or3A_314, %and3A_337 : i1
    %ge3A_339 = arith.constant 3 : i32
    %ge3A_340 = arith.cmpi sge, %select_n3A, %ge3A_339 : i32
    %sub3A_341 = arith.constant 3 : i32
    %sub3A_342 = arith.subi %select_n3A, %sub3A_341 : i32
    %jit3A_343 = arith.constant 3 : i32
    %eq3A_344 = arith.constant 0 : i32
    %eq3A_345 = arith.cmpi eq, %jit3A_343, %eq3A_344 : i32
    %jit3A_346 = arith.constant 1 : i32
    %select_n3A_347 = arith.select %eq3A_345, %jit3A_346, %jit3A_343 : i32
    %rem3A_348 = arith.remsi %sub3A_342, %select_n3A_347 : i32
    %ne3A_349 = arith.constant 0 : i32
    %ne3A_350 = arith.cmpi ne, %rem3A_348, %ne3A_349 : i32
    %lt3A_351 = arith.constant 0 : i32
    %lt3A_352 = arith.cmpi slt, %rem3A_348, %lt3A_351 : i32
    %lt3A_353 = arith.constant 0 : i32
    %lt3A_354 = arith.cmpi slt, %select_n3A_347, %lt3A_353 : i32
    %ne3A_355 = arith.xori %lt3A_352, %lt3A_354 : i1
    %and3A_356 = arith.andi %ne3A_355, %ne3A_350 : i1
    %add3A_357 = arith.addi %rem3A_348, %select_n3A_347 : i32
    %select_n3A_358 = arith.select %and3A_356, %add3A_357, %rem3A_348 : i32
    %eq3A_359 = arith.constant 2 : i32
    %eq3A_360 = arith.cmpi eq, %select_n3A_358, %eq3A_359 : i32
    %and3A_361 = arith.andi %ge3A_340, %eq3A_360 : i1
    %or3A_362 = arith.ori %or3A_338, %and3A_361 : i1
    %convert_element_type3A_363 = arith.extui %or3A_362 : i1 to i32
    %cond3A_364 = arith.constant 0 : i32
    %cond3A_365 = arith.cmpi ne, %convert_element_type3A_363, %cond3A_364 : i32
    scf.if %cond3A_365 {
      %dma_wait3A = arith.constant 2 : i32
      %dma_wait3A_371 = arith.constant 2 : i32
      %dma_wait3A_372 = arith.constant 0 : i32
      %dma_wait3A_373 = arith.constant 0 : i32
      %dma_wait3A_374 = tpu.memref_slice %arg12[%dma_wait3A, %dma_wait3A_372, %dma_wait3A_373] : memref<3x96x128xf32, #tpu.memory_space<vmem>> -> memref<1x96x128xf32, #tpu.memory_space<vmem>>
      %dma_wait3A_375 = tpu.memref_squeeze %dma_wait3A_374 : memref<1x96x128xf32, #tpu.memory_space<vmem>> -> memref<96x128xf32, #tpu.memory_space<vmem>>
      %dma_wait3A_376 = arith.constant 0 : i32
      %dma_wait3A_377 = tpu.memref_slice %arg11[%dma_wait3A_371, %dma_wait3A_376] : memref<3x96xi32, #tpu.memory_space<vmem>> -> memref<1x96xi32, #tpu.memory_space<vmem>>
      %dma_wait3A_378 = tpu.memref_squeeze %dma_wait3A_377 : memref<1x96xi32, #tpu.memory_space<vmem>> -> memref<96xi32, #tpu.memory_space<vmem>>
      %dma_wait3A_379 = arith.constant 0 : i32
      %dma_wait3A_380 = arith.constant 0 : i32
      %dma_wait3A_381 = tpu.memref_slice %arg13[%dma_wait3A_379, %dma_wait3A_380] : memref<5128x128xf32, #tpu.memory_space<vmem_shared>> -> memref<5128x128xf32, #tpu.memory_space<vmem_shared>>
      tpu.wait_indirect_dma semaphore(%arg15 : memref<!tpu.dma_semaphore, #tpu.memory_space<semaphore_mem>>) src(%dma_wait3A_375 : memref<96x128xf32, #tpu.memory_space<vmem>>) dst(%dma_wait3A_381 : memref<5128x128xf32, #tpu.memory_space<vmem_shared>>)
    } else {
    }
    %barrier3A_366 = arith.constant 0 : index
    tpu.barrier barrier_id(%barrier3A_366)
    %mul3A_367 = arith.constant 320 : i32
    %mul3A_368 = arith.muli %arg1, %mul3A_367 : i32
    %mul3A_369 = arith.constant 320 : i32
    %mul3A_370 = arith.muli %arg1, %mul3A_369 : i32
    "tpu.region"() ({
      %run_scoped3A_371 = tpu.sem_alloc : memref<!tpu.dma_semaphore, #tpu.memory_space<semaphore_mem>>
      %dma_start3A = arith.constant 0 : i32
      %dma_start3A_372 = tpu.memref_slice %arg6[%arg0, %mul3A_370, %dma_start3A] : memref<2x5120x128xf32, #tpu.memory_space<hbm>> -> memref<1x320x128xf32, #tpu.memory_space<hbm>>
      %dma_start3A_373 = tpu.memref_squeeze %dma_start3A_372 : memref<1x320x128xf32, #tpu.memory_space<hbm>> -> memref<320x128xf32, #tpu.memory_space<hbm>>
      %dma_start3A_374 = arith.constant 0 : i32
      %dma_start3A_375 = tpu.memref_slice %arg13[%mul3A_368, %dma_start3A_374] : memref<5128x128xf32, #tpu.memory_space<vmem_shared>> -> memref<320x128xf32, #tpu.memory_space<vmem_shared>>
      tpu.enqueue_dma source(%dma_start3A_375 : memref<320x128xf32, #tpu.memory_space<vmem_shared>>) target(%dma_start3A_373 : memref<320x128xf32, #tpu.memory_space<hbm>>) target_semaphore(%run_scoped3A_371 : memref<!tpu.dma_semaphore, #tpu.memory_space<semaphore_mem>>)
      %dma_wait3A = arith.constant 0 : i32
      %dma_wait3A_376 = tpu.memref_slice %arg6[%arg0, %mul3A_370, %dma_wait3A] : memref<2x5120x128xf32, #tpu.memory_space<hbm>> -> memref<1x320x128xf32, #tpu.memory_space<hbm>>
      %dma_wait3A_377 = tpu.memref_squeeze %dma_wait3A_376 : memref<1x320x128xf32, #tpu.memory_space<hbm>> -> memref<320x128xf32, #tpu.memory_space<hbm>>
      %dma_wait3A_378 = arith.constant 0 : i32
      %dma_wait3A_379 = tpu.memref_slice %arg13[%mul3A_368, %dma_wait3A_378] : memref<5128x128xf32, #tpu.memory_space<vmem_shared>> -> memref<320x128xf32, #tpu.memory_space<vmem_shared>>
      tpu.wait_dma2 semaphore(%run_scoped3A_371 : memref<!tpu.dma_semaphore, #tpu.memory_space<semaphore_mem>>) src(%dma_wait3A_379 : memref<320x128xf32, #tpu.memory_space<vmem_shared>>) dst(%dma_wait3A_377 : memref<320x128xf32, #tpu.memory_space<hbm>>)
      tpu.yield
    }) : () -> ()
    return
  }
}

module attributes {stable_mosaic.version = 14 : i64} {
  func.func @_dense1_body(%arg0: i32, %arg1: memref<1000x128xf32, #tpu.memory_space<vmem>>, %arg2: memref<1000x1xf32, #tpu.memory_space<vmem>>, %arg3: memref<1000x128xf32, #tpu.memory_space<vmem>>, %arg4: memref<128x128xf32, #tpu.memory_space<vmem>>, %arg5: memref<128x128xf32, #tpu.memory_space<vmem>>, %arg6: memref<1x128xf32, #tpu.memory_space<vmem>>, %arg7: memref<1000x128xf32, #tpu.memory_space<vmem>>, %arg8: memref<1000x8xf32, #tpu.memory_space<vmem>>) attributes {dimension_semantics = [#tpu.dimension_semantics<arbitrary>], iteration_bounds = array<i64: 10>, scalar_prefetch = 0 : i64, scratch_operands = 0 : i64, tpu.core_type = #tpu.core_type<tc>, window_params = [{transform_indices = @transform_0, window_bounds = array<i64: 1000, 128>}, {transform_indices = @transform_1, window_bounds = array<i64: 1000, 1>}, {transform_indices = @transform_2, window_bounds = array<i64: 1000, 128>}, {pipeline_mode = #tpu.pipeline_mode<synchronous>, transform_indices = @transform_3, window_bounds = array<i64: 128, 128>}, {pipeline_mode = #tpu.pipeline_mode<synchronous>, transform_indices = @transform_4, window_bounds = array<i64: 128, 128>}, {pipeline_mode = #tpu.pipeline_mode<synchronous>, transform_indices = @transform_5, window_bounds = array<i64: 1, 128>}, {transform_indices = @transform_6, window_bounds = array<i64: 1000, 128>}, {transform_indices = @transform_7, window_bounds = array<i64: 1000, 8>}]} {
    %get3A = arith.constant 0 : index
    %get3A_0 = arith.constant 0 : index
    %get3A_1 = vector.load %arg2[%get3A, %get3A_0] : memref<1000x1xf32, #tpu.memory_space<vmem>>, vector<1000x1xf32>
    %max3A = arith.constant 1.000000e+00 : f32
    %max3A_2 = vector.broadcast %max3A : f32 to vector<1000x1xf32>
    %max3A_3 = arith.maximumf %get3A_1, %max3A_2 : vector<1000x1xf32>
    %div3A = arith.constant 1.000000e+00 : f32
    %div3A_4 = vector.broadcast %div3A : f32 to vector<1000x1xf32>
    %div3A_5 = arith.divf %div3A_4, %max3A_3 : vector<1000x1xf32>
    %get3A_6 = arith.constant 0 : index
    %get3A_7 = arith.constant 0 : index
    %get3A_8 = vector.load %arg1[%get3A_6, %get3A_7] : memref<1000x128xf32, #tpu.memory_space<vmem>>, vector<1000x128xf32>
    %mul3A = vector.broadcast %div3A_5 : vector<1000x1xf32> to vector<1000x128xf32>
    %mul3A_9 = arith.mulf %get3A_8, %mul3A : vector<1000x128xf32>
    %get3A_10 = arith.constant 0 : index
    %get3A_11 = arith.constant 0 : index
    %get3A_12 = vector.load %arg4[%get3A_10, %get3A_11] : memref<128x128xf32, #tpu.memory_space<vmem>>, vector<128x128xf32>
    %dot_general3A = arith.constant dense<0.000000e+00> : vector<1000x128xf32>
    %dot_general3A_13 = tpu.matmul %mul3A_9, %get3A_12, %dot_general3A {dimension_numbers = #tpu.dot_dimension_numbers<[1], [1], [0], [0], [0, 0, 1, 0], [], []>, transpose_lhs_hint = false} : vector<1000x128xf32>, vector<128x128xf32>, vector<1000x128xf32> -> vector<1000x128xf32>
    %get3A_14 = arith.constant 0 : index
    %get3A_15 = arith.constant 0 : index
    %get3A_16 = vector.load %arg3[%get3A_14, %get3A_15] : memref<1000x128xf32, #tpu.memory_space<vmem>>, vector<1000x128xf32>
    %get3A_17 = arith.constant 0 : index
    %get3A_18 = arith.constant 0 : index
    %get3A_19 = vector.load %arg5[%get3A_17, %get3A_18] : memref<128x128xf32, #tpu.memory_space<vmem>>, vector<128x128xf32>
    %dot_general3A_20 = arith.constant dense<0.000000e+00> : vector<1000x128xf32>
    %dot_general3A_21 = tpu.matmul %get3A_16, %get3A_19, %dot_general3A_20 {dimension_numbers = #tpu.dot_dimension_numbers<[1], [1], [0], [0], [0, 0, 1, 0], [], []>, transpose_lhs_hint = false} : vector<1000x128xf32>, vector<128x128xf32>, vector<1000x128xf32> -> vector<1000x128xf32>
    %add3A = arith.addf %dot_general3A_13, %dot_general3A_21 : vector<1000x128xf32>
    %get3A_22 = arith.constant 0 : index
    %get3A_23 = arith.constant 0 : index
    %get3A_24 = vector.load %arg6[%get3A_22, %get3A_23] : memref<1x128xf32, #tpu.memory_space<vmem>>, vector<1x128xf32>
    %add3A_25 = vector.broadcast %get3A_24 : vector<1x128xf32> to vector<1000x128xf32>
    %add3A_26 = arith.addf %add3A, %add3A_25 : vector<1000x128xf32>
    %max3A_27 = arith.constant 0.000000e+00 : f32
    %max3A_28 = vector.broadcast %max3A_27 : f32 to vector<1000x128xf32>
    %max3A_29 = arith.maximumf %add3A_26, %max3A_28 : vector<1000x128xf32>
    %swap3A = arith.constant 0 : index
    %swap3A_30 = arith.constant 0 : index
    %swap3A_31 = vector.load %arg7[%swap3A, %swap3A_30] : memref<1000x128xf32, #tpu.memory_space<vmem>>, vector<1000x128xf32>
    tpu.vector_store %arg7[%swap3A, %swap3A_30], %max3A_29 {strides = array<i32>} : memref<1000x128xf32, #tpu.memory_space<vmem>>, vector<1000x128xf32>,
    %broadcast_in_dim3A = vector.shape_cast %div3A_5 : vector<1000x1xf32> to vector<1000x1xf32>
    %broadcast_in_dim3A_32 = vector.broadcast %broadcast_in_dim3A : vector<1000x1xf32> to vector<1000x8xf32>
    %swap3A_33 = arith.constant 0 : index
    %swap3A_34 = arith.constant 0 : index
    %swap3A_35 = vector.load %arg8[%swap3A_33, %swap3A_34] : memref<1000x8xf32, #tpu.memory_space<vmem>>, vector<1000x8xf32>
    tpu.vector_store %arg8[%swap3A_33, %swap3A_34], %broadcast_in_dim3A_32 {strides = array<i32>} : memref<1000x8xf32, #tpu.memory_space<vmem>>, vector<1000x8xf32>,
    return
  }
  func.func @transform_0(%arg0: i32) -> (i32, i32) {
    %c0_i32 = arith.constant 0 : i32
    %c0_i32_0 = arith.constant 0 : i32
    return %arg0, %c0_i32 : i32, i32
  }
  func.func @transform_1(%arg0: i32) -> (i32, i32) {
    %c0_i32 = arith.constant 0 : i32
    %c0_i32_0 = arith.constant 0 : i32
    return %arg0, %c0_i32 : i32, i32
  }
  func.func @transform_2(%arg0: i32) -> (i32, i32) {
    %c0_i32 = arith.constant 0 : i32
    %c0_i32_0 = arith.constant 0 : i32
    return %arg0, %c0_i32 : i32, i32
  }
  func.func @transform_3(%arg0: i32) -> (i32, i32) {
    %c0_i32 = arith.constant 0 : i32
    %c0_i32_0 = arith.constant 0 : i32
    %c0_i32_1 = arith.constant 0 : i32
    return %c0_i32, %c0_i32_0 : i32, i32
  }
  func.func @transform_4(%arg0: i32) -> (i32, i32) {
    %c0_i32 = arith.constant 0 : i32
    %c0_i32_0 = arith.constant 0 : i32
    %c0_i32_1 = arith.constant 0 : i32
    return %c0_i32, %c0_i32_0 : i32, i32
  }
  func.func @transform_5(%arg0: i32) -> (i32, i32) {
    %c0_i32 = arith.constant 0 : i32
    %c0_i32_0 = arith.constant 0 : i32
    %c0_i32_1 = arith.constant 0 : i32
    return %c0_i32, %c0_i32_0 : i32, i32
  }
  func.func @transform_6(%arg0: i32) -> (i32, i32) {
    %c0_i32 = arith.constant 0 : i32
    %c0_i32_0 = arith.constant 0 : i32
    return %arg0, %c0_i32 : i32, i32
  }
  func.func @transform_7(%arg0: i32) -> (i32, i32) {
    %c0_i32 = arith.constant 0 : i32
    %c0_i32_0 = arith.constant 0 : i32
    return %arg0, %c0_i32 : i32, i32
  }
}

module attributes {stable_mosaic.version = 14 : i64} {
  func.func @_dense2_body(%arg0: i32, %arg1: memref<1000x128xf32, #tpu.memory_space<vmem>>, %arg2: memref<1000x128xf32, #tpu.memory_space<vmem>>, %arg3: memref<1000x8xf32, #tpu.memory_space<vmem>>, %arg4: memref<128x128xf32, #tpu.memory_space<vmem>>, %arg5: memref<128x128xf32, #tpu.memory_space<vmem>>, %arg6: memref<1x128xf32, #tpu.memory_space<vmem>>, %arg7: memref<1000x128xf32, #tpu.memory_space<vmem>>) attributes {dimension_semantics = [#tpu.dimension_semantics<arbitrary>], iteration_bounds = array<i64: 10>, scalar_prefetch = 0 : i64, scratch_operands = 0 : i64, tpu.core_type = #tpu.core_type<tc>, window_params = [{transform_indices = @transform_0, window_bounds = array<i64: 1000, 128>}, {transform_indices = @transform_1, window_bounds = array<i64: 1000, 128>}, {transform_indices = @transform_2, window_bounds = array<i64: 1000, 8>}, {pipeline_mode = #tpu.pipeline_mode<synchronous>, transform_indices = @transform_3, window_bounds = array<i64: 128, 128>}, {pipeline_mode = #tpu.pipeline_mode<synchronous>, transform_indices = @transform_4, window_bounds = array<i64: 128, 128>}, {pipeline_mode = #tpu.pipeline_mode<synchronous>, transform_indices = @transform_5, window_bounds = array<i64: 1, 128>}, {transform_indices = @transform_6, window_bounds = array<i64: 1000, 128>}]} {
    %get3A = arith.constant 0 : index
    %get3A_0 = arith.constant 0 : index
    %get3A_1 = vector.load %arg1[%get3A, %get3A_0] : memref<1000x128xf32, #tpu.memory_space<vmem>>, vector<1000x128xf32>
    %get3A_2 = arith.constant 0 : index
    %get3A_3 = arith.constant 0 : index
    %get3A_4 = vector.load %arg3[%get3A_2, %get3A_3] : memref<1000x8xf32, #tpu.memory_space<vmem>>, vector<1000x1xf32>
    %mul3A = vector.broadcast %get3A_4 : vector<1000x1xf32> to vector<1000x128xf32>
    %mul3A_5 = arith.mulf %get3A_1, %mul3A : vector<1000x128xf32>
    %get3A_6 = arith.constant 0 : index
    %get3A_7 = arith.constant 0 : index
    %get3A_8 = vector.load %arg4[%get3A_6, %get3A_7] : memref<128x128xf32, #tpu.memory_space<vmem>>, vector<128x128xf32>
    %dot_general3A = arith.constant dense<0.000000e+00> : vector<1000x128xf32>
    %dot_general3A_9 = tpu.matmul %mul3A_5, %get3A_8, %dot_general3A {dimension_numbers = #tpu.dot_dimension_numbers<[1], [1], [0], [0], [0, 0, 1, 0], [], []>, transpose_lhs_hint = false} : vector<1000x128xf32>, vector<128x128xf32>, vector<1000x128xf32> -> vector<1000x128xf32>
    %get3A_10 = arith.constant 0 : index
    %get3A_11 = arith.constant 0 : index
    %get3A_12 = vector.load %arg2[%get3A_10, %get3A_11] : memref<1000x128xf32, #tpu.memory_space<vmem>>, vector<1000x128xf32>
    %get3A_13 = arith.constant 0 : index
    %get3A_14 = arith.constant 0 : index
    %get3A_15 = vector.load %arg5[%get3A_13, %get3A_14] : memref<128x128xf32, #tpu.memory_space<vmem>>, vector<128x128xf32>
    %dot_general3A_16 = arith.constant dense<0.000000e+00> : vector<1000x128xf32>
    %dot_general3A_17 = tpu.matmul %get3A_12, %get3A_15, %dot_general3A_16 {dimension_numbers = #tpu.dot_dimension_numbers<[1], [1], [0], [0], [0, 0, 1, 0], [], []>, transpose_lhs_hint = false} : vector<1000x128xf32>, vector<128x128xf32>, vector<1000x128xf32> -> vector<1000x128xf32>
    %add3A = arith.addf %dot_general3A_9, %dot_general3A_17 : vector<1000x128xf32>
    %get3A_18 = arith.constant 0 : index
    %get3A_19 = arith.constant 0 : index
    %get3A_20 = vector.load %arg6[%get3A_18, %get3A_19] : memref<1x128xf32, #tpu.memory_space<vmem>>, vector<1x128xf32>
    %add3A_21 = vector.broadcast %get3A_20 : vector<1x128xf32> to vector<1000x128xf32>
    %add3A_22 = arith.addf %add3A, %add3A_21 : vector<1000x128xf32>
    %swap3A = arith.constant 0 : index
    %swap3A_23 = arith.constant 0 : index
    %swap3A_24 = vector.load %arg7[%swap3A, %swap3A_23] : memref<1000x128xf32, #tpu.memory_space<vmem>>, vector<1000x128xf32>
    tpu.vector_store %arg7[%swap3A, %swap3A_23], %add3A_22 {strides = array<i32>} : memref<1000x128xf32, #tpu.memory_space<vmem>>, vector<1000x128xf32>,
    return
  }
  func.func @transform_0(%arg0: i32) -> (i32, i32) {
    %c0_i32 = arith.constant 0 : i32
    %c0_i32_0 = arith.constant 0 : i32
    return %arg0, %c0_i32 : i32, i32
  }
  func.func @transform_1(%arg0: i32) -> (i32, i32) {
    %c0_i32 = arith.constant 0 : i32
    %c0_i32_0 = arith.constant 0 : i32
    return %arg0, %c0_i32 : i32, i32
  }
  func.func @transform_2(%arg0: i32) -> (i32, i32) {
    %c0_i32 = arith.constant 0 : i32
    %c0_i32_0 = arith.constant 0 : i32
    return %arg0, %c0_i32 : i32, i32
  }
  func.func @transform_3(%arg0: i32) -> (i32, i32) {
    %c0_i32 = arith.constant 0 : i32
    %c0_i32_0 = arith.constant 0 : i32
    %c0_i32_1 = arith.constant 0 : i32
    return %c0_i32, %c0_i32_0 : i32, i32
  }
  func.func @transform_4(%arg0: i32) -> (i32, i32) {
    %c0_i32 = arith.constant 0 : i32
    %c0_i32_0 = arith.constant 0 : i32
    %c0_i32_1 = arith.constant 0 : i32
    return %c0_i32, %c0_i32_0 : i32, i32
  }
  func.func @transform_5(%arg0: i32) -> (i32, i32) {
    %c0_i32 = arith.constant 0 : i32
    %c0_i32_0 = arith.constant 0 : i32
    %c0_i32_1 = arith.constant 0 : i32
    return %c0_i32, %c0_i32_0 : i32, i32
  }
  func.func @transform_6(%arg0: i32) -> (i32, i32) {
    %c0_i32 = arith.constant 0 : i32
    %c0_i32_0 = arith.constant 0 : i32
    return %arg0, %c0_i32 : i32, i32
  }
}

</mosaic_0001>

<sc_bundles>
// kernel: kernel.6.cloned.1.call-start
scs
__scs_entry_jumppad:
0x0: {  	(pc) =	sbr.rel $0x88, $3  }
0x1: {  	(tag) =	ssettag $0x0;
	lr =	simm.s32 $0x1  }
0x2: {  	[smem:$0x3F97] =	sst lr;
	_ =	strace $0xD0000000  }
0x3: {  	_ = 	snop  }
0x4: {  	_ = 	snop  }
0x5: {  	_ = 	snop  }
0x6: {  	_ = 	snop  }
0x7: {  	_ = 	snop  }
__scs_overlays_trampoline_lowered:
0x8: {  	[smem:$0x3FA6] =	sst s0  }
0x9: {  	[smem:$0x3FA7] =	sst s1  }
0xa: {  	[smem:$0x3FA8] =	sst s2  }
0xb: {  	[smem:$0x3FA9] =	sst s3  }
0xc: {  	[smem:$0x3FAA] =	sst s4  }
0xd: {  	[smem:$0x3FAB] =	sst s5  }
0xe: {  	[smem:$0x3FAC] =	sst s6  }
0xf: {  	[smem:$0x3FAD] =	sst s7  }
0x10: {  	[smem:$0x3FAE] =	sst s8  }
0x11: {  	[smem:$0x3FAF] =	sst s9;
	s0 =	simm.s32 @!p0 $0x0  }
0x12: {  	s1 =	sld [smem:$0x3F95];
	s0 =	simm.s32 @p0 $0x1  }
0x13: {  	[smem:$0x3FB0] =	sst s0;
	s0 =	simm.s32 @!p1 $0x0  }
0x14: {  	s2 =	sld [smem:$0x3F94];
	s0 =	simm.s32 @p1 $0x1  }
0x15: {  	[smem:$0x3FB1] =	sst s0;
	s0 =	simm.s32 @!p2 $0x0  }
0x16: {  	s3 =	sld [smem:$0x3FDB];
	s0 =	simm.s32 @p2 $0x1  }
0x17: {  	s4 =	simm.s32 $0x1BF5;
	[smem:$0x3FB3] =	sst s0  }
0x18: {  	s0 =	sld [smem:$0x3F96];
	_ =	swait.ge [sflag:s4], $0x0  }
0x19: {  	s7 =	sld [smem:$0x3F97]  }
0x1a: {  	s8 =	sadd.s32 $0xFFFFE003, lr  }
0x1b: {  	s9 =	sadd.s32 $0xFFFFFEF7, lr;
	s5 =	simm.s32 $0xFFFFFFFF;
	p2 =	slt.u32 s8, $0xFFFFF086  }
0x1c: {  	p1 =	slt.u32 s9, $0xF7A;
	s5 =	simm.s32 @!p2 $0x0  }
0x1d: {  	s5 =	simm.s32 @p1 $0x1;
	p0 =	seq.s32 s7, s2  }
0x1e: {  	s7 =	smul.u32 @!p0 $0xF7A, s2;
	p2 =	seq.s32 @!p0 s5, $0x0  }
0x1f: {  	s9 =	smul.u32 $0xF7A, s1;
	s8 =	simm.s32 @!p0 $0x1BF5;
	p2 =	por !p2, p0  }
0x20: {  	[sflag:s8] =	ssyncset.s32 @!p0 $0xFFFFF086;
	s6 =	sadd.s32 @!p0 s3, s7;
	s7 =	simm.s32 @!p0 $0x108  }
0x21: {  	s3 =	sadd.s32 s3, s9;
	s6 =	sadd.s32 @!p0 $0x88, s6;
	s7 =	simm.s32 @p2 $0x1082  }
0x22: {  	[simem:s7], [sflag:s8] =	dma.local @!p0 [hbm:s6], $0xF7A  }
0x23: {  	s9 =	sor.u32 $0xD0000000, s2;
	s6 =	simm.s32 $0x108;
	_ =	swait.ge @!p0 [sflag:s8], $0x0  }
0x24: {  	s3 =	sadd.s32 $0x88, s3;
	s6 =	simm.s32 @!p1 $0x1082;
	[sflag:s4] =	ssyncset.s32 $0xFFFFF086  }
0x25: {  	[simem:s6], [sflag:s4] =	dma.local [hbm:s3], $0xF7A  }
0x26: {  	[smem:$0x3F97] =	sst s1;
	(tag) =	ssettag s2;
	_ =	strace s9  }
0x27: {  	s1 =	sld [smem:$0x3FA7]  }
0x28: {  	s2 =	sld [smem:$0x3FA8]  }
0x29: {  	s4 =	sld [smem:$0x3FAA]  }
0x2a: {  	p0 =	seq.s32 s5, $0x0;
	s5 =	sld [smem:$0x3FAB]  }
0x2b: {  	s6 =	sld [smem:$0x3FAC]  }
0x2c: {  	s7 =	sld [smem:$0x3FAD]  }
0x2d: {  	s3 =	simm.s32 $0x108;
	s8 =	sld [smem:$0x3FAE]  }
0x2e: {  	s3 =	simm.s32 @!p0 $0x1082;
	s9 =	sld [smem:$0x3FAF]  }
0x2f: {  	lr =	sadd.s32 s0, s3;
	s0 =	sld [smem:$0x3FA6]  }
0x30: {  	s3 =	sld [smem:$0x3FA9]  }
0x31: {  	[smem:$0x3FB2] =	sst s10  }
0x32: {  	s10 =	sld [smem:$0x3FB0];
	_ =	sdelay $0x3  }
0x33: {  	p0 =	seq.s32 s10, $0x1;
	s10 =	sld [smem:$0x3FB2];
	_ =	sdelay $0x3  }
0x34: {  	[smem:$0x3FB2] =	sst s10  }
0x35: {  	s10 =	sld [smem:$0x3FB1];
	_ =	sdelay $0x3  }
0x36: {  	p1 =	seq.s32 s10, $0x1;
	s10 =	sld [smem:$0x3FB2];
	_ =	sdelay $0x3  }
0x37: {  	[smem:$0x3FB2] =	sst s10  }
0x38: {  	s10 =	sld [smem:$0x3FB3]  }
0x39: {  	_ = 	snop;
	(pc) =	sbr.ind lr, $3  }
0x3a: {  	_ = 	snop  }
0x3b: {  	_ = 	snop  }
0x3c: {  	p2 =	seq.s32 s10, $0x1;
	s10 =	sld [smem:$0x3FB2]  }
0x3d: {  	_ =	shalt  }
0x3e: {  	_ =	shalt  }
0x3f: {  	_ =	shalt  }
0x40: {  	_ =	shalt  }
0x41: {  	_ =	shalt  }
0x42: {  	_ =	shalt  }
0x43: {  	_ =	shalt  }
0x44: {  	_ =	shalt  }
0x45: {  	_ =	shalt  }
0x46: {  	_ =	shalt  }
0x47: {  	_ =	shalt  }
0x48: {  	_ =	shalt  }
0x49: {  	_ =	shalt  }
0x4a: {  	_ =	shalt  }
0x4b: {  	_ =	shalt  }
0x4c: {  	_ =	shalt  }
0x4d: {  	_ =	shalt  }
0x4e: {  	_ =	shalt  }
0x4f: {  	_ =	shalt  }
0x50: {  	_ =	shalt  }
0x51: {  	_ =	shalt  }
0x52: {  	_ =	shalt  }
0x53: {  	_ =	shalt  }
0x54: {  	_ =	shalt  }
0x55: {  	_ =	shalt  }
0x56: {  	_ =	shalt  }
0x57: {  	_ =	shalt  }
0x58: {  	_ =	shalt  }
0x59: {  	_ =	shalt  }
0x5a: {  	_ =	shalt  }
0x5b: {  	_ =	shalt  }
0x5c: {  	_ =	shalt  }
0x5d: {  	_ =	shalt  }
0x5e: {  	_ =	shalt  }
0x5f: {  	_ =	shalt  }
0x60: {  	_ =	shalt  }
0x61: {  	_ =	shalt  }
0x62: {  	_ =	shalt  }
0x63: {  	_ =	shalt  }
0x64: {  	_ =	shalt  }
0x65: {  	_ =	shalt  }
0x66: {  	_ =	shalt  }
0x67: {  	_ =	shalt  }
0x68: {  	_ =	shalt  }
0x69: {  	_ =	shalt  }
0x6a: {  	_ =	shalt  }
0x6b: {  	_ =	shalt  }
0x6c: {  	_ =	shalt  }
0x6d: {  	_ =	shalt  }
0x6e: {  	_ =	shalt  }
0x6f: {  	_ =	shalt  }
0x70: {  	_ =	shalt  }
0x71: {  	_ =	shalt  }
0x72: {  	_ =	shalt  }
0x73: {  	_ =	shalt  }
0x74: {  	_ =	shalt  }
0x75: {  	_ =	shalt  }
0x76: {  	_ =	shalt  }
0x77: {  	_ =	shalt  }
0x78: {  	_ =	shalt  }
0x79: {  	_ =	shalt  }
0x7a: {  	_ =	shalt  }
0x7b: {  	_ =	shalt  }
0x7c: {  	_ =	shalt  }
0x7d: {  	_ =	shalt  }
0x7e: {  	_ =	shalt  }
0x7f: {  	_ =	shalt  }
0x80: {  	_ =	shalt  }
0x81: {  	_ =	shalt  }
0x82: {  	_ =	shalt  }
0x83: {  	_ =	shalt  }
0x84: {  	_ =	shalt  }
0x85: {  	_ =	shalt  }
0x86: {  	_ =	shalt  }
0x87: {  	_ =	shalt  }
.Lfunc_end0:
.L_simem_size_0:
called_computation_lowered:
.L_overlay_start_0:
0x88: {  	s2 =	sld [smem:$0x3FD9]  }
0x89: {  	s3 =	sld [smem:$0x3FFE];
	_ =	sdelay $0x1  }
0x8a: {  	s1 =	srdreg.scid  }
0x8b: {  	s0 =	sand.u32 $0x1, s1  }
0x8c: {  	s17 =	sshll.u32 s0, $0xA;
	s2 =	sadd.s32 s3, s2  }
0x8d: {  	s2 =	sadd.s32 s2, s17  }
0x8e: {  	[smem:$0x3FBE] =	sst s2  }
0x8f: {  	_ = 	snop  }
0x90: {  	s2 =	sld [smem:$0x3FC9]  }
0x91: {  	s18 =	sld [smem:$0x3FD0];
	(tm) =	ssettm $0x1  }
0x92: {  	s4 =	sld [smem:$0x3FFB];
	_ =	sdelay $0x3  }
0x93: {  	_ =	strace s4  }
0x94: {  	s4 =	sld [smem:$0x3FFC];
	_ =	sdelay $0x3  }
0x95: {  	_ =	strace s4  }
0x96: {  	s4 =	sld [smem:$0x3FFD];
	_ =	sdelay $0x3  }
0x97: {  	_ =	strace s4  }
0x98: {  	_ =	strace $0x8FFFFFFF  }
0x99: {  	s19 =	sld [smem:$0x3FDB];
	_ =	sdelay $0x1  }
0x9a: {  	s5 =	simm.s32 $_scs_section_size  }
0x9b: {  	s6 =	simm.s32 $_size__tile_overlayer_lowered;
	s7 =	simm.s32 $_tile_overlayer_lowered  }
0x9c: {  	s22 =	simm.s32 $0x1BFF;
	s21 =	sshll.u32 s7, $0x1;
	s4 =	sadd.s32 s5, s19  }
0x9d: {  	s8 =	simm.s32 $0x0;
	s20 =	sshll.u32 s6, $0x1;
	s6 =	sadd.s32 s21, s4  }
0x9e: {  	[timem:s8], [sflag:s22] =	dma.local [hbm:s6], s20  }
0x9f: {  	_ =	swait.ge [sflag:s22], s20  }
0xa0: {  	s5 =	ssub.s32 $0x0, s20;
	[sflag:s22] =	ssyncset.done $0x0  }
0xa1: {  	[sflag:s22] =	ssyncadd.s32 s5;
	_ =	sdelay $0x1  }
0xa2: {  	s23 =	simm.s32 $0x1B8B  }
0xa3: {  	_ =	swait.ge [sflag:s23], $0x1  }
0xa4: {  	[sflag:s23] =	ssyncset.done $0x0  }
0xa5: {  	s25 =	simm.s32 $0x1B8E;
	s24 =	sld [smem:$0x3FFE];
	[sflag:s23] =	ssyncadd.s32 $0xFFFFFFFF  }
0xa6: {  	s26 =	simm.s32 $execute0_lowered;
	[smem:$0x3FD2] =	sst s25  }
0xa7: {  	s6 =	sshll.u32 s26, $0x1;
	_ =	strace $0x80000046;
	[dreg:$0x1] =	wrdreg $0xFFFFFFFF  }
0xa8: {  	s28 =	simm.s32 $_size_execute0_lowered;
	s4 =	sadd.s32 s4, s6;
	[dreg:$0x0] =	wrdreg $0x0  }
0xa9: {  	s6 =	sshll.u32 s28, $0x1;
	[dreg:$0x2] =	wrdreg s4  }
0xaa: {  	[dreg:$0x3] =	wrdreg s6  }
0xab: {  	[dreg:$0x4] =	wrdreg $0xC0  }
0xac: {  	_ =	task [dreg:s8], $0x5FFFF  }
0xad: {  	[dreg:$0x1] =	wrdreg $0xFFFFFFFF  }
0xae: {  	[dreg:$0x0] =	wrdreg $0x60  }
0xaf: {  	[dreg:$0x2] =	wrdreg s2  }
0xb0: {  	[dreg:$0x3] =	wrdreg s24  }
0xb1: {  	[dreg:$0x4] =	wrdreg s18  }
0xb2: {  	[dreg:$0x5] =	wrdreg $0x131800  }
0xb3: {  	[dreg:$0x6] =	wrdreg $0x1D2400  }
0xb4: {  	[dreg:$0x7] =	wrdreg $0x9  }
0xb5: {  	_ =	task.clear_ibuf [dreg:s8], $0x8FFFF;
	_ =	strace $0x90000046  }
0xb6: {  	s29 =	simm.s32 $0x9;
	_ =	strace $0x80000048  }
0xb7: {  	_ =	swait.ge [sflag:s29], $0x1  }
0xb8: {  	[sflag:s29] =	ssyncadd.s32 $0xFFFFFFFF  }
0xb9: {  	_ =	strace $0x90000048  }
0xba: {  	_ =	sfence  }
0xbb: {  	s30 =	sld [smem:$0x0];
	_ =	sdelay $0x2  }
0xbc: {  	s31 =	sshll.u32 s1, $0xD;
	s1 =	sshrl.u32 s1, $0x2  }
0xbd: {  	s3 =	sand.u32 $0x4000, s31;
	s1 =	sadd.s32 s1, s30  }
0xbe: {  	s0 =	sor.u32 s3, s0;
	s1 =	sshll.u32 s1, $0x11  }
0xbf: {  	s0 =	sor.u32 s1, s0  }
0xc0: {  	s0 =	sadd.s32 $0x8F2B, s0  }
0xc1: {  	[sflag:s0] =	ssyncadd.remote.s32 $0x1  }
0xc2: {  	_ =	sfence.sel $0xFFFF  }
0xc3: {  	[dreg:$0x0] =	wrdreg $0xFFFFFFFF;
	(pc) =	sbr.abs _section_cstart, $3  }
0xc4: {  	[dreg:$0x1] =	wrdreg $0xFFFFFFFF  }
0xc5: {  	_ =	task.clear_ibuf [dreg:s8], $0x2FFFF;
	_ =	strace $0x9FFFFFFF  }
0xc6: {  	(tm) =	ssettm $0x7FFFFFFF  }
0xc7: {  	_ =	shalt  }
tec
execute0_lowered:
.L_overlay_start_1:
0x0: {  	(tag) =	ssettag $0x1  }
0x1: {  	s1 =	rddreg [dreg:$0x0]  }
0x2: {  	s0 =	rddreg [dreg:$0x1]  }
0x3: {  	s13 =	rddreg [dreg:$0x2]  }
0x4: {  	s2 =	rddreg [dreg:$0x3]  }
0x5: {  	s3 =	rddreg [dreg:$0x4];
	s4 =	simm.s32 $0x0;
	s5 =	srdreg.scid  }
0x6: {  	s15 =	stileid.u32;
	s18 =	simm.s32 $0x2780;
	s23 =	simm.s32 $0x0  }
0x7: {  	[smem:$0x7FF] =	sst s4;
	s8 =	sand.u32 $0x1, s5;
	s9 =	smul.u32 $0xA000, s15  }
0x8: {  	s10 =	sadd.s32 $0x2C00, s0;
	s11 =	sadd.s32 $0xCA00, s0;
	s12 =	smul.u32 $0x28000, s15  }
0x9: {  	s5 =	sadd.s32 $0x16800, s0;
	s6 =	sadd.s32 $0x17C00, s0;
	s16 =	smul.u32 $0x4F00, s15  }
0xa: {  	s28 =	sshll.u32 s15, $0x6;
	p0 =	sne.s32 s15, $0x0;
	s7 =	smul.u32 $0xA0000, s8  }
0xb: {  	_ =	strace $0x80000047;
	s25 =	ssub.s32 $0x2, s8;
	s21 =	smul.u32 $0x1400, s8  }
0xc: {  	s14 =	sshrl.u32 s25, $0x1;
	s26 =	sshrl.u32 s12, $0x2;
	s29 =	sshrl.u32 s16, $0x3  }
0xd: {  	s16 =	simm.s32 $0x3;
	s7 =	sadd.s32 s9, s7;
	s14 =	ssub.s32 s25, s14  }
0xe: {  	s17 =	sadd.s32 s26, s2;
	s30 =	sadd.s32 $0x4F0, s29;
	s8 =	sadd.s32 s10, s29  }
0xf: {  	s9 =	sadd.s32 s11, s29;
	s31 =	sshrl.u32 s21, $0x3;
	s7 =	sshrl.u32 s7, $0x3  }
0x10: {  	s10 =	sadd.s32 s10, s30;
	s11 =	sadd.s32 s11, s30;
	s13 =	sadd.s32 s13, s31  }
0x11: {  	s14 =	smax.u32 s14, $0x1;
	s15 =	sshrl.u32 s17, $0x3;
	s0 =	sadd.s32 s7, s0  }
0x12: {  	v1 =	vimm.f32 $1.000000000e+00;
	v2 =	vimm.s32 $0x1400;
	v0 =	vmov s21;
	s17 =	sshrl.u32 @!p0 s3, $0x3;
	s7 =	sor.u32 $0x1C03, s28;
	s12 =	sadd.s32 $0x18000, s0  }
.LBB2_1:
0x13: {  	[spmem:s15], [sflag:s7] =	dma.local [hbm:s5], $0x1400  }
0x14: {  	_ =	swait.ge [sflag:s16], $0x1400  }
0x15: {  	[sflag:s16] =	ssyncset.done $0x0  }
0x16: {  	s0 =	simm.s32 @!p0 $0x3;
	[sflag:s16] =	ssyncadd.s32 $0xFFFFEC00  }
0x17: {  	[spmem:s17], [sflag:s7] =	dma.local @!p0 [hbm:s6], $0x280  }
0x18: {  	_ =	swait.ge @!p0 [sflag:s0], $0x280  }
0x19: {  	[sflag:s0] =	ssyncset.done @!p0 $0x0  }
0x1a: {  	[sflag:s0] =	ssyncadd.s32 @!p0 $0xFFFFFD80  }
0x1b: {  	[tilespmem:$0x1D1C0] =	vst v1  }
0x1c: {  	[tilespmem:$0x1D1D0] =	vst v1  }
0x1d: {  	[tilespmem:$0x1D1E0] =	vst v1  }
0x1e: {  	[tilespmem:$0x1D1F0] =	vst v1  }
0x1f: {  	[tilespmem:$0x1D200] =	vst v1  }
0x20: {  	[tilespmem:$0x1D210] =	vst v1  }
0x21: {  	[tilespmem:s4], [sflag:$0x3] =	stream.linear.gather [hbm4b:s8+s4], $0x2780, $0x38;
	[tilespmem:$0x1D388] =	vst v63  }
0x22: {  	_ =	swait.ge [sflag:s16], $0x2780  }
0x23: {  	[sflag:s16] =	ssyncset.done $0x0  }
0x24: {  	[sflag:s16] =	ssyncadd.s32 $0xFFFFD880  }
0x25: {  	[tilespmem:s18], [sflag:$0x3] =	stream.linear.gather [hbm4b:s9+s4], $0x2780, $0x38;
	[tilespmem:$0x1D388] =	vst v63  }
0x26: {  	_ =	swait.ge [sflag:s16], $0x2780  }
0x27: {  	[sflag:s16] =	ssyncset.done $0x0  }
0x28: {  	s30 =	simm.s32 $0x27A0;
	[sflag:s16] =	ssyncadd.s32 $0xFFFFD880  }
0x29: {  	s24 =	simm.s32 $0x20;
	v3 =	vld [tilespmem:s30+$0xFFFFFFE0]  }
0x2a: {  	v4 =	vld [tilespmem:s24+$0xFFFFFFE0];
	_ =	sdelay $0x3  }
0x2b: {  	v3 =	vsub.s32 v3, v0  }
0x2c: {  	v4 =	vshll.u32 v4, $0xD;
	vm0 =	vlt.u32 v3, $0x1400;
	v3 =	vand.u32 $0x1FFF, v3  }
0x2d: {  	v3 =	vor.u32 v4, v3;
	v4 =	vmpcnt.ones.xlane vm0  }
0x2e: {  	[tilespmem:s4+$0x4F00] =	vst.msk vm0, v3  }
0x2f: {  	v3 =	vld [tilespmem:s30+$0xFFFFFFF0];
	(v2sf) =	vpush v4, $0x0;
	_ =	sdelay $0x4  }
0x30: {  	v3 =	vsub.s32 v3, v0  }
0x31: {  	vm0 =	vlt.u32 v3, $0x1400  }
0x32: {  	v4 =	vmpcnt.ones.xlane vm0;
	_ =	sdelay $0x1  }
0x33: {  	(v2sf) =	vpush v4, $0x0  }
0x34: {  	v4 =	vld [tilespmem:s24+$0xFFFFFFF0];
	_ =	sdelay $0x4  }
0x35: {  	v3 =	vand.u32 $0x1FFF, v3;
	v4 =	vshll.u32 v4, $0xD;
	s25 =	spop (v2sf)  }
0x36: {  	v3 =	vor.u32 v4, v3;
	s25 =	sadd.s32 $0x0, s25  }
0x37: {  	[tilespmem:s25+$0x4F00] =	vst.msk vm0, v3  }
0x38: {  	v3 =	vld [tilespmem:s30+$0x0]  }
0x39: {  	v4 =	vld [tilespmem:s24+$0x0];
	_ =	sdelay $0x3  }
0x3a: {  	v3 =	vsub.s32 v3, v0  }
0x3b: {  	v4 =	vshll.u32 v4, $0xD;
	vm0 =	vlt.u32 v3, $0x1400;
	v3 =	vand.u32 $0x1FFF, v3;
	s26 =	spop (v2sf)  }
0x3c: {  	s25 =	sadd.s32 s25, s26;
	v3 =	vor.u32 v4, v3;
	v4 =	vmpcnt.ones.xlane vm0  }
0x3d: {  	[tilespmem:s25+$0x4F00] =	vst.msk vm0, v3  }
0x3e: {  	v3 =	vld [tilespmem:s30+$0x10];
	(v2sf) =	vpush v4, $0x0;
	_ =	sdelay $0x4  }
0x3f: {  	v3 =	vsub.s32 v3, v0  }
0x40: {  	vm0 =	vlt.u32 v3, $0x1400  }
0x41: {  	v4 =	vmpcnt.ones.xlane vm0;
	_ =	sdelay $0x1  }
0x42: {  	(v2sf) =	vpush v4, $0x0  }
0x43: {  	v4 =	vld [tilespmem:s24+$0x10];
	_ =	sdelay $0x4  }
0x44: {  	v3 =	vand.u32 $0x1FFF, v3;
	v4 =	vshll.u32 v4, $0xD;
	s31 =	spop (v2sf)  }
0x45: {  	v3 =	vor.u32 v4, v3;
	s26 =	sadd.s32 s25, s31  }
0x46: {  	s24 =	simm.s32 $0x27E0;
	[tilespmem:s26+$0x4F00] =	vst.msk vm0, v3  }
0x47: {  	s25 =	simm.s32 $0x60;
	v3 =	vld [tilespmem:s24+$0xFFFFFFE0]  }
0x48: {  	v4 =	vld [tilespmem:s25+$0xFFFFFFE0];
	_ =	sdelay $0x3  }
0x49: {  	v5 =	vsub.s32 v3, v0  }
0x4a: {  	s0 =	simm.s32 $0x4;
	v3 =	vshll.u32 v4, $0xD;
	vm0 =	vlt.u32 v5, $0x1400;
	v4 =	vand.u32 $0x1FFF, v5;
	s28 =	spop (v2sf)  }
.LBB2_2:
0x4b: {  	s0 =	sadd.s32 $0x4, s0;
	v3 =	vor.u32 v3, v4;
	v4 =	vmpcnt.ones.xlane vm0;
	s26 =	sadd.s32 s26, s28  }
0x4c: {  	p1 =	slt.u32 s0, $0x26C;
	[tilespmem:s26+$0x4F00] =	vst.msk vm0, v3  }
0x4d: {  	v3 =	vld [tilespmem:s24+$0xFFFFFFF0];
	(v2sf) =	vpush v4, $0x0;
	_ =	sdelay $0x4  }
0x4e: {  	v3 =	vsub.s32 v3, v0  }
0x4f: {  	vm0 =	vlt.u32 v3, $0x1400;
	v3 =	vand.u32 $0x1FFF, v3  }
0x50: {  	v4 =	vmpcnt.ones.xlane vm0;
	_ =	sdelay $0x1  }
0x51: {  	(v2sf) =	vpush v4, $0x0  }
0x52: {  	v4 =	vld [tilespmem:s25+$0xFFFFFFF0];
	_ =	sdelay $0x4  }
0x53: {  	v4 =	vshll.u32 v4, $0xD;
	s28 =	spop (v2sf)  }
0x54: {  	s26 =	sadd.s32 s26, s28;
	v3 =	vor.u32 v4, v3  }
0x55: {  	[tilespmem:s26+$0x4F00] =	vst.msk vm0, v3  }
0x56: {  	v3 =	vld [tilespmem:s24+$0x0]  }
0x57: {  	v4 =	vld [tilespmem:s25+$0x0];
	_ =	sdelay $0x3  }
0x58: {  	v3 =	vsub.s32 v3, v0  }
0x59: {  	vm0 =	vlt.u32 v3, $0x1400;
	v4 =	vshll.u32 v4, $0xD;
	v3 =	vand.u32 $0x1FFF, v3;
	s28 =	spop (v2sf)  }
0x5a: {  	s26 =	sadd.s32 s26, s28;
	v3 =	vor.u32 v4, v3;
	v4 =	vmpcnt.ones.xlane vm0  }
0x5b: {  	[tilespmem:s26+$0x4F00] =	vst.msk vm0, v3  }
0x5c: {  	v3 =	vld [tilespmem:s24+$0x10];
	(v2sf) =	vpush v4, $0x0  }
0x5d: {  	v4 =	vld [tilespmem:s25+$0x10];
	_ =	sdelay $0x3  }
0x5e: {  	v3 =	vsub.s32 v3, v0  }
0x5f: {  	vm0 =	vlt.u32 v3, $0x1400;
	v3 =	vand.u32 $0x1FFF, v3  }
0x60: {  	v5 =	vmpcnt.ones.xlane vm0;
	_ =	sdelay $0x1  }
0x61: {  	(v2sf) =	vpush v5, $0x0;
	_ =	sdelay $0x5  }
0x62: {  	v4 =	vshll.u32 v4, $0xD;
	s28 =	spop (v2sf)  }
0x63: {  	v3 =	vor.u32 v4, v3;
	s26 =	sadd.s32 s26, s28  }
0x64: {  	s24 =	sadd.s32 $0x40, s24;
	[tilespmem:s26+$0x4F00] =	vst.msk vm0, v3  }
0x65: {  	s25 =	sadd.s32 $0x40, s25;
	v3 =	vld [tilespmem:s24+$0xFFFFFFE0]  }
0x66: {  	v4 =	vld [tilespmem:s25+$0xFFFFFFE0]  }
.Ltmp0:
0x67: {  	(pc) =	sbr.rel @p1 .LBB2_2-.Ltmp0, $3  }
0x68: {  	_ =	sdelay $0x1  }
0x69: {  	v5 =	vsub.s32 v3, v0  }
0x6a: {  	vm0 =	vlt.u32 v5, $0x1400;
	v3 =	vshll.u32 v4, $0xD;
	v4 =	vand.u32 $0x1FFF, v5;
	s28 =	spop (v2sf)  }
0x6b: {  	v5 =	vmpcnt.ones.xlane vm0;
	_ =	sdelay $0x1  }
0x6c: {  	(v2sf) =	vpush v5, $0x0;
	_ =	sdelay $0x6  }
0x6d: {  	v3 =	vor.u32 v3, v4;
	s0 =	sadd.s32 s26, s28  }
0x6e: {  	[tilespmem:s0+$0x4F00] =	vst.msk vm0, v3  }
0x6f: {  	v3 =	vld [tilespmem:s24+$0xFFFFFFF0]  }
0x70: {  	v4 =	vld [tilespmem:s25+$0xFFFFFFF0];
	_ =	sdelay $0x3  }
0x71: {  	v3 =	vsub.s32 v3, v0  }
0x72: {  	v4 =	vshll.u32 v4, $0xD;
	vm0 =	vlt.u32 v3, $0x1400;
	v3 =	vand.u32 $0x1FFF, v3;
	s29 =	spop (v2sf)  }
0x73: {  	v5 =	vmpcnt.ones.xlane vm0;
	v3 =	vor.u32 v4, v3;
	s0 =	sadd.s32 s0, s29  }
0x74: {  	[tilespmem:s0+$0x4F00] =	vst.msk vm0, v3  }
0x75: {  	(v2sf) =	vpush v5, $0x0;
	v3 =	vld [tilespmem:s24+$0x0];
	_ =	sdelay $0x4  }
0x76: {  	v3 =	vsub.s32 v3, v0  }
0x77: {  	vm0 =	vlt.u32 v3, $0x1400  }
0x78: {  	v4 =	vmpcnt.ones.xlane vm0;
	_ =	sdelay $0x1  }
0x79: {  	(v2sf) =	vpush v4, $0x0  }
0x7a: {  	v4 =	vld [tilespmem:s25+$0x0];
	_ =	sdelay $0x4  }
0x7b: {  	v3 =	vand.u32 $0x1FFF, v3;
	s30 =	spop (v2sf);
	v4 =	vshll.u32 v4, $0xD  }
0x7c: {  	s0 =	sadd.s32 s0, s30;
	v3 =	vor.u32 v4, v3  }
0x7d: {  	[tilespmem:s0+$0x4F00] =	vst.msk vm0, v3  }
0x7e: {  	v3 =	vld [tilespmem:s24+$0x10]  }
0x7f: {  	v4 =	vld [tilespmem:s25+$0x10];
	_ =	sdelay $0x3  }
0x80: {  	v3 =	vsub.s32 v3, v0  }
0x81: {  	v4 =	vshll.u32 v4, $0xD;
	v5 =	vand.u32 $0x1FFF, v3;
	s31 =	spop (v2sf)  }
0x82: {  	vm0 =	vlt.u32 v3, $0x1400;
	v3 =	vor.u32 v4, v5;
	s0 =	sadd.s32 s0, s31  }
0x83: {  	[tilespmem:s0+$0x4F00] =	vst.msk vm0, v3  }
0x84: {  	v3 =	vld [tilespmem:$0x4E80];
	_ =	sdelay $0x2  }
0x85: {  	v4 =	vmpcnt.ones.xlane vm0;
	_ =	sdelay $0x1  }
0x86: {  	(v2sf) =	vpush v4, $0x0;
	v3 =	vsub.s32 v3, v0  }
0x87: {  	vm0 =	vlt.u32 v3, $0x1400  }
0x88: {  	v4 =	vmpcnt.ones.xlane vm0;
	_ =	sdelay $0x1  }
0x89: {  	(v2sf) =	vpush v4, $0x0;
	_ =	sdelay $0x5  }
0x8a: {  	v4 =	vld [tilespmem:$0x2700];
	_ =	sdelay $0x4  }
0x8b: {  	v3 =	vand.u32 $0x1FFF, v3;
	s19 =	spop (v2sf);
	v4 =	vshll.u32 v4, $0xD  }
0x8c: {  	s0 =	sadd.s32 s0, s19;
	v3 =	vor.u32 v4, v3  }
0x8d: {  	[tilespmem:s0+$0x4F00] =	vst.msk vm0, v3  }
0x8e: {  	[tilespmem:s4], [sflag:$0x3] =	stream.linear.gather [hbm4b:s10+s4], $0x2780, $0x38;
	[tilespmem:$0x1D388] =	vst v63  }
0x8f: {  	s20 =	spop (v2sf)  }
0x90: {  	_ =	swait.ge [sflag:s16], $0x2780  }
0x91: {  	[sflag:s16] =	ssyncset.done $0x0  }
0x92: {  	[sflag:s16] =	ssyncadd.s32 $0xFFFFD880  }
0x93: {  	[tilespmem:s18], [sflag:$0x3] =	stream.linear.gather [hbm4b:s11+s4], $0x2780, $0x38;
	[tilespmem:$0x1D388] =	vst v63  }
0x94: {  	_ =	swait.ge [sflag:s16], $0x2780  }
0x95: {  	[sflag:s16] =	ssyncset.done $0x0  }
0x96: {  	s21 =	simm.s32 $0x27A0;
	[sflag:s16] =	ssyncadd.s32 $0xFFFFD880  }
0x97: {  	s22 =	simm.s32 $0x20;
	v3 =	vld [tilespmem:s21+$0xFFFFFFE0]  }
0x98: {  	v4 =	vld [tilespmem:s22+$0xFFFFFFE0];
	_ =	sdelay $0x3  }
0x99: {  	v3 =	vsub.s32 v3, v0  }
0x9a: {  	v4 =	vshll.u32 v4, $0xD;
	vm0 =	vlt.u32 v3, $0x1400;
	v3 =	vand.u32 $0x1FFF, v3  }
0x9b: {  	s0 =	sadd.s32 s0, s20;
	v3 =	vor.u32 v4, v3;
	v4 =	vmpcnt.ones.xlane vm0  }
0x9c: {  	[tilespmem:s0+$0x4F00] =	vst.msk vm0, v3  }
0x9d: {  	v3 =	vld [tilespmem:s21+$0xFFFFFFF0];
	(v2sf) =	vpush v4, $0x0;
	_ =	sdelay $0x4  }
0x9e: {  	v3 =	vsub.s32 v3, v0  }
0x9f: {  	vm0 =	vlt.u32 v3, $0x1400  }
0xa0: {  	v4 =	vmpcnt.ones.xlane vm0;
	_ =	sdelay $0x1  }
0xa1: {  	(v2sf) =	vpush v4, $0x0  }
0xa2: {  	v4 =	vld [tilespmem:s22+$0xFFFFFFF0];
	_ =	sdelay $0x4  }
0xa3: {  	v3 =	vand.u32 $0x1FFF, v3;
	v4 =	vshll.u32 v4, $0xD;
	s29 =	spop (v2sf)  }
0xa4: {  	v3 =	vor.u32 v4, v3;
	s0 =	sadd.s32 s0, s29  }
0xa5: {  	[tilespmem:s0+$0x4F00] =	vst.msk vm0, v3  }
0xa6: {  	v3 =	vld [tilespmem:s21+$0x0]  }
0xa7: {  	v4 =	vld [tilespmem:s22+$0x0];
	_ =	sdelay $0x3  }
0xa8: {  	v3 =	vsub.s32 v3, v0  }
0xa9: {  	v4 =	vshll.u32 v4, $0xD;
	vm0 =	vlt.u32 v3, $0x1400;
	v3 =	vand.u32 $0x1FFF, v3;
	s30 =	spop (v2sf)  }
0xaa: {  	s0 =	sadd.s32 s0, s30;
	v3 =	vor.u32 v4, v3;
	v4 =	vmpcnt.ones.xlane vm0  }
0xab: {  	[tilespmem:s0+$0x4F00] =	vst.msk vm0, v3  }
0xac: {  	v3 =	vld [tilespmem:s21+$0x10];
	(v2sf) =	vpush v4, $0x0;
	_ =	sdelay $0x4  }
0xad: {  	v3 =	vsub.s32 v3, v0  }
0xae: {  	vm0 =	vlt.u32 v3, $0x1400  }
0xaf: {  	v4 =	vmpcnt.ones.xlane vm0;
	_ =	sdelay $0x1  }
0xb0: {  	(v2sf) =	vpush v4, $0x0  }
0xb1: {  	v4 =	vld [tilespmem:s22+$0x10];
	_ =	sdelay $0x4  }
0xb2: {  	v3 =	vand.u32 $0x1FFF, v3;
	v4 =	vshll.u32 v4, $0xD;
	s31 =	spop (v2sf)  }
0xb3: {  	v3 =	vor.u32 v4, v3;
	s26 =	sadd.s32 s0, s31  }
0xb4: {  	s24 =	simm.s32 $0x27E0;
	[tilespmem:s26+$0x4F00] =	vst.msk vm0, v3  }
0xb5: {  	s25 =	simm.s32 $0x60;
	v3 =	vld [tilespmem:s24+$0xFFFFFFE0]  }
0xb6: {  	v4 =	vld [tilespmem:s25+$0xFFFFFFE0];
	_ =	sdelay $0x3  }
0xb7: {  	v5 =	vsub.s32 v3, v0  }
0xb8: {  	s0 =	simm.s32 $0x4;
	v3 =	vshll.u32 v4, $0xD;
	vm0 =	vlt.u32 v5, $0x1400;
	v4 =	vand.u32 $0x1FFF, v5;
	s28 =	spop (v2sf)  }
.LBB2_4:
0xb9: {  	s0 =	sadd.s32 $0x4, s0;
	v3 =	vor.u32 v3, v4;
	v4 =	vmpcnt.ones.xlane vm0;
	s26 =	sadd.s32 s26, s28  }
0xba: {  	p1 =	slt.u32 s0, $0x26C;
	[tilespmem:s26+$0x4F00] =	vst.msk vm0, v3  }
0xbb: {  	v3 =	vld [tilespmem:s24+$0xFFFFFFF0];
	(v2sf) =	vpush v4, $0x0;
	_ =	sdelay $0x4  }
0xbc: {  	v3 =	vsub.s32 v3, v0  }
0xbd: {  	vm0 =	vlt.u32 v3, $0x1400;
	v3 =	vand.u32 $0x1FFF, v3  }
0xbe: {  	v4 =	vmpcnt.ones.xlane vm0;
	_ =	sdelay $0x1  }
0xbf: {  	(v2sf) =	vpush v4, $0x0  }
0xc0: {  	v4 =	vld [tilespmem:s25+$0xFFFFFFF0];
	_ =	sdelay $0x4  }
0xc1: {  	v4 =	vshll.u32 v4, $0xD;
	s28 =	spop (v2sf)  }
0xc2: {  	s26 =	sadd.s32 s26, s28;
	v3 =	vor.u32 v4, v3  }
0xc3: {  	[tilespmem:s26+$0x4F00] =	vst.msk vm0, v3  }
0xc4: {  	v3 =	vld [tilespmem:s24+$0x0]  }
0xc5: {  	v4 =	vld [tilespmem:s25+$0x0];
	_ =	sdelay $0x3  }
0xc6: {  	v3 =	vsub.s32 v3, v0  }
0xc7: {  	vm0 =	vlt.u32 v3, $0x1400;
	v4 =	vshll.u32 v4, $0xD;
	v3 =	vand.u32 $0x1FFF, v3;
	s28 =	spop (v2sf)  }
0xc8: {  	s26 =	sadd.s32 s26, s28;
	v3 =	vor.u32 v4, v3;
	v4 =	vmpcnt.ones.xlane vm0  }
0xc9: {  	[tilespmem:s26+$0x4F00] =	vst.msk vm0, v3  }
0xca: {  	v3 =	vld [tilespmem:s24+$0x10];
	(v2sf) =	vpush v4, $0x0  }
0xcb: {  	v4 =	vld [tilespmem:s25+$0x10];
	_ =	sdelay $0x3  }
0xcc: {  	v3 =	vsub.s32 v3, v0  }
0xcd: {  	vm0 =	vlt.u32 v3, $0x1400;
	v3 =	vand.u32 $0x1FFF, v3  }
0xce: {  	v5 =	vmpcnt.ones.xlane vm0;
	_ =	sdelay $0x1  }
0xcf: {  	(v2sf) =	vpush v5, $0x0;
	_ =	sdelay $0x5  }
0xd0: {  	v4 =	vshll.u32 v4, $0xD;
	s28 =	spop (v2sf)  }
0xd1: {  	v3 =	vor.u32 v4, v3;
	s26 =	sadd.s32 s26, s28  }
0xd2: {  	s24 =	sadd.s32 $0x40, s24;
	[tilespmem:s26+$0x4F00] =	vst.msk vm0, v3  }
0xd3: {  	s25 =	sadd.s32 $0x40, s25;
	v3 =	vld [tilespmem:s24+$0xFFFFFFE0]  }
0xd4: {  	v4 =	vld [tilespmem:s25+$0xFFFFFFE0]  }
.Ltmp1:
0xd5: {  	(pc) =	sbr.rel @p1 .LBB2_4-.Ltmp1, $3  }
0xd6: {  	_ =	sdelay $0x1  }
0xd7: {  	v5 =	vsub.s32 v3, v0  }
0xd8: {  	vm0 =	vlt.u32 v5, $0x1400;
	v3 =	vshll.u32 v4, $0xD;
	v4 =	vand.u32 $0x1FFF, v5;
	s28 =	spop (v2sf)  }
0xd9: {  	v5 =	vmpcnt.ones.xlane vm0;
	_ =	sdelay $0x1  }
0xda: {  	(v2sf) =	vpush v5, $0x0;
	_ =	sdelay $0x6  }
0xdb: {  	v3 =	vor.u32 v3, v4;
	s0 =	sadd.s32 s26, s28  }
0xdc: {  	[tilespmem:s0+$0x4F00] =	vst.msk vm0, v3  }
0xdd: {  	v3 =	vld [tilespmem:s24+$0xFFFFFFF0]  }
0xde: {  	v55 =	vld [tilespmem:s25+$0xFFFFFFF0];
	_ =	sdelay $0x3  }
0xdf: {  	v3 =	vsub.s32 v3, v0  }
0xe0: {  	v4 =	vshll.u32 v55, $0xD;
	vm12 =	vlt.u32 v3, $0x1400;
	v3 =	vand.u32 $0x1FFF, v3;
	s30 =	spop (v2sf)  }
0xe1: {  	v56 =	vmpcnt.ones.xlane vm12;
	v3 =	vor.u32 v4, v3;
	s0 =	sadd.s32 s0, s30  }
0xe2: {  	[tilespmem:s0+$0x4F00] =	vst.msk vm12, v3  }
0xe3: {  	(v2sf) =	vpush v56, $0x0;
	v3 =	vld [tilespmem:s24+$0x0];
	_ =	sdelay $0x4  }
0xe4: {  	v3 =	vsub.s32 v3, v0  }
0xe5: {  	vm13 =	vlt.u32 v3, $0x1400  }
0xe6: {  	v57 =	vmpcnt.ones.xlane vm13;
	_ =	sdelay $0x1  }
0xe7: {  	(v2sf) =	vpush v57, $0x0  }
0xe8: {  	v58 =	vld [tilespmem:s25+$0x0];
	_ =	sdelay $0x4  }
0xe9: {  	v4 =	vshll.u32 v58, $0xD;
	v3 =	vand.u32 $0x1FFF, v3;
	s31 =	spop (v2sf)  }
0xea: {  	v3 =	vor.u32 v4, v3;
	s0 =	sadd.s32 s0, s31  }
0xeb: {  	[tilespmem:s0+$0x4F00] =	vst.msk vm13, v3  }
0xec: {  	v3 =	vld [tilespmem:s24+$0x10]  }
0xed: {  	v59 =	vld [tilespmem:s25+$0x10];
	_ =	sdelay $0x3  }
0xee: {  	v3 =	vsub.s32 v3, v0  }
0xef: {  	v4 =	vshll.u32 v59, $0xD;
	v60 =	vand.u32 $0x1FFF, v3;
	s19 =	spop (v2sf)  }
0xf0: {  	vm14 =	vlt.u32 v3, $0x1400;
	v3 =	vor.u32 v4, v60;
	s0 =	sadd.s32 s0, s19  }
0xf1: {  	[tilespmem:s0+$0x4F00] =	vst.msk vm14, v3  }
0xf2: {  	v3 =	vld [tilespmem:$0x4E80];
	_ =	sdelay $0x4  }
0xf3: {  	v3 =	vsub.s32 v3, v0  }
0xf4: {  	v61 =	vmpcnt.ones.xlane vm14;
	vm15 =	vlt.u32 v3, $0x1400  }
0xf5: {  	v62 =	vmpcnt.ones.xlane vm15  }
0xf6: {  	(v2sf) =	vpush v61, $0x0  }
0xf7: {  	(v2sf) =	vpush v62, $0x0;
	_ =	sdelay $0xd  }
0xf8: {  	s20 =	spop (v2sf)  }
0xf9: {  	s0 =	sadd.s32 s0, s20;
	s21 =	spop (v2sf)  }
0xfa: {  	s22 =	sadd.s32 s0, s21  }
0xfb: {  	s24 =	sadd.s32 $0x5F, s22  }
0xfc: {  	s29 =	smulhi.u32 $0x2AAAAAAB, s24;
	s30 =	sshra.s32 s24, $0x1F  }
0xfd: {  	s28 =	smul.u32 $0x2AAAAAAB, s30;
	_ =	sdelay $0x1  }
0xfe: {  	v63 =	vld [tilespmem:$0x2700];
	s26 =	sadd.s32 s28, s29  }
0xff: {  	s28 =	sshrl.u32 s26, $0x1F;
	s26 =	sshra.s32 s26, $0x4  }
0x100: {  	s26 =	sadd.s32 s28, s26  }
0x101: {  	s28 =	smul.u32 $0xFFFFFFA0, s26  }
0x102: {  	s31 =	ssub.s32 $0xFFFFFFA1, s22  }
0x103: {  	v4 =	vshll.u32 v63, $0xD;
	v3 =	vand.u32 $0x1FFF, v3;
	p1 =	slt.s32 s24, $0x1;
	p2 =	sne.s32 s28, s31  }
0x104: {  	v3 =	vor.u32 v4, v3;
	p1 =	por !p1, !p2  }
0x105: {  	[tilespmem:s0+$0x4F00] =	vst.msk vm15, v3;
	s0 =	simm.s32 $0x1;
	p1 =	por !p1, !p1  }
0x106: {  	[tilespmem:s22+$0x4F00] =	vst v2;
	s0 =	simm.s32 @!p1 $0x0  }
0x107: {  	[tilespmem:s22+$0x4F10] =	vst v2;
	s24 =	ssub.s32 s26, s0  }
0x108: {  	[tilespmem:s22+$0x4F20] =	vst v2;
	p1 =	slt.s32 s24, $0x1  }
.Ltmp2:
0x109: {  	[tilespmem:s22+$0x4F30] =	vst v2;
	(pc) =	sbr.rel @p1 .LBB2_6-.Ltmp2, $3  }
0x10a: {  	[tilespmem:s22+$0x4F40] =	vst v2  }
0x10b: {  	[tilespmem:s22+$0x4F50] =	vst v2  }
0x10c: {  	[bflag:$0x0] =	sbarrier.arrive $0xFFFF;
	_ =	sdelay $0x1  }
0x10d: {  	v3 =	vld [tilespmem:$0x4F00];
	_ =	sdelay $0x1  }
0x10e: {  	v4 =	vld [tilespmem:$0x4F10];
	_ =	sdelay $0x1  }
0x10f: {  	v5 =	vld [tilespmem:$0x4F20]  }
0x110: {  	v6 =	vshrl.u32 v3, $0xD  }
0x111: {  	v61 =	vld [tilespmem:$0x4F30];
	v3 =	vand.u32 $0x1FFF, v3;
	[tilespmem:$0x9D80] =	vst v6  }
0x112: {  	[tilespmem:$0x9F80] =	vst v3;
	v3 =	vshrl.u32 v4, $0xD  }
0x113: {  	v62 =	vld [tilespmem:$0x4F40];
	[tilespmem:$0x9D90] =	vst v3;
	v3 =	vand.u32 $0x1FFF, v4  }
0x114: {  	[tilespmem:$0x9F90] =	vst v3;
	v3 =	vshrl.u32 v5, $0xD  }
0x115: {  	v63 =	vld [tilespmem:$0x4F50];
	[tilespmem:$0x9DA0] =	vst v3;
	v3 =	vand.u32 $0x1FFF, v5  }
0x116: {  	[tilespmem:$0x9FA0] =	vst v3;
	v3 =	vshrl.u32 v61, $0xD  }
0x117: {  	[tilespmem:$0x9DB0] =	vst v3;
	v3 =	vand.u32 $0x1FFF, v61  }
0x118: {  	[tilespmem:$0x9FB0] =	vst v3;
	v3 =	vshrl.u32 v62, $0xD  }
0x119: {  	[tilespmem:$0x9DC0] =	vst v3;
	v3 =	vand.u32 $0x1FFF, v62  }
0x11a: {  	[tilespmem:$0x9FC0] =	vst v3;
	v3 =	vshrl.u32 v63, $0xD  }
0x11b: {  	s0 =	simm.s32 $0x60;
	[tilespmem:$0x9DD0] =	vst v3;
	v3 =	vand.u32 $0x1FFF, v63  }
0x11c: {  	s19 =	simm.s32 $0x9D80;
	s20 =	simm.s32 $0xA180;
	p2 =	seq.s32 s24, $0x1;
	[tilespmem:$0x9FD0] =	vst v3  }
0x11d: {  	[tilespmem:s20], [sflag:$0x1] =	stream.indirect.gather [hbm4b:s1+s0], $0x80, s19, s0, $0xb8;
	[tilespmem:$0x1D388] =	vst v63  }
0x11e: {  	v3 =	vld @!p2 [tilespmem:$0x4F60];
	_ =	sdelay $0x1  }
0x11f: {  	v4 =	vld @!p2 [tilespmem:$0x4F70];
	_ =	sdelay $0x1  }
0x120: {  	v5 =	vld @!p2 [tilespmem:$0x4F80]  }
0x121: {  	v6 =	vshrl.u32 @!p2 v3, $0xD  }
0x122: {  	v3 =	vand.u32 @!p2 $0x1FFF, v3;
	[tilespmem:$0x9E00] =	vst @!p2 v6;
	v6 =	vld @!p2 [tilespmem:$0x4F90]  }
0x123: {  	[tilespmem:$0xA000] =	vst @!p2 v3;
	v3 =	vshrl.u32 @!p2 v4, $0xD  }
0x124: {  	[tilespmem:$0x9E10] =	vst @!p2 v3;
	v3 =	vand.u32 @!p2 $0x1FFF, v4;
	v4 =	vld @!p2 [tilespmem:$0x4FA0]  }
0x125: {  	[tilespmem:$0xA010] =	vst @!p2 v3;
	v3 =	vshrl.u32 @!p2 v5, $0xD  }
0x126: {  	[tilespmem:$0x9E20] =	vst @!p2 v3;
	v3 =	vand.u32 @!p2 $0x1FFF, v5;
	v5 =	vld @!p2 [tilespmem:$0x4FB0]  }
0x127: {  	[tilespmem:$0xA020] =	vst @!p2 v3;
	v3 =	vshrl.u32 @!p2 v6, $0xD  }
0x128: {  	[tilespmem:$0x9E30] =	vst @!p2 v3;
	v3 =	vand.u32 @!p2 $0x1FFF, v6  }
0x129: {  	[tilespmem:$0xA030] =	vst @!p2 v3;
	v3 =	vshrl.u32 @!p2 v4, $0xD  }
.Ltmp3:
0x12a: {  	[tilespmem:$0x9E40] =	vst @!p2 v3;
	v3 =	vand.u32 @!p2 $0x1FFF, v4;
	(pc) =	sbr.rel .LBB2_8-.Ltmp3, $4  }
0x12b: {  	[tilespmem:$0xA040] =	vst @!p2 v3;
	v3 =	vshrl.u32 @!p2 v5, $0xD  }
0x12c: {  	p1 =	por $0x0, $0x0;
	s25 =	simm.s32 @!p2 $0x9E00;
	p3 =	por @!p2 $0x1, $0x1;
	[tilespmem:$0x9E50] =	vst @!p2 v3;
	v3 =	vand.u32 @!p2 $0x1FFF, v5  }
0x12d: {  	s26 =	simm.s32 @!p2 $0xD180;
	p1 =	por @!p2 p3, p3;
	s0 =	simm.s32 @!p2 $0x60;
	[tilespmem:$0xA050] =	vst @!p2 v3  }
0x12e: {  	[tilespmem:s26], [sflag:$0x1] =	stream.indirect.gather @!p2 [hbm4b:s1+s0], $0x80, s25, s0, $0xb8;
	[tilespmem:$0x1D388] =	vst v63  }
.LBB2_6:
0x12f: {  	p1 =	por $0x0, $0x0  }
.LBB2_8:
0x130: {  	p3 =	sle.s32 s24, $0x0  }
0x131: {  	s0 =	simm.s32 @!p3 $0x1  }
0x132: {  	_ =	swait.ge @!p3 [sflag:s0], $0x3000  }
0x133: {  	s25 =	simm.s32 @!p3 $0xA180;
	[sflag:s0] =	ssyncset.done @!p3 $0x0  }
0x134: {  	s26 =	simm.s32 @!p3 $0x9F80;
	[sflag:s0] =	ssyncadd.s32 @!p3 $0xFFFFD000;
	s0 =	simm.s32 @!p3 $0x60  }
0x135: {  	[spmem:s2] =	stream.indirect.scatter.add.f32 @!p3 [tilespmem:s25], [sflag:$0x2], $0x80, s26, s0, $0xb8;
	[tilespmem:$0x1D388] =	vst v63  }
0x136: {  	p2 =	sle.s32 s24, $0x2;
	s28 =	simm.s32 @!p3 $0x3;
	s25 =	simm.s32 @!p3 $0x1D1C0  }
0x137: {  	[spmem:s3] =	stream.indirect.scatter.add.f32 @!p3 [tilespmem:s25], [sflag:$0x3], $0x1, s26, s0, $0xb8;
	[tilespmem:$0x1D388] =	vst v63  }
0x138: {  	p4 =	por @!p2 $0x1, $0x1;
	_ =	swait.ge @!p3 [sflag:s28], $0x60  }
0x139: {  	p4 =	por p4, p2;
	[sflag:s28] =	ssyncset.done @!p3 $0x0  }
0x13a: {  	s0 =	simm.s32 @!p4 $0x2;
	[sflag:s28] =	ssyncadd.s32 @!p3 $0xFFFFFFA0  }
0x13b: {  	_ =	swait.ge @!p4 [sflag:s0], $0x3000  }
0x13c: {  	[sflag:s0] =	ssyncset.done @!p4 $0x0  }
0x13d: {  	s26 =	simm.s32 $0x4FF0;
	[sflag:s0] =	ssyncadd.s32 @!p4 $0xFFFFD000  }
0x13e: {  	v3 =	vld @!p2 [tilespmem:s26+$0xFFFFFFD0];
	_ =	sdelay $0x4  }
0x13f: {  	v4 =	vshrl.u32 @!p2 v3, $0xD  }
0x140: {  	v3 =	vand.u32 @!p2 $0x1FFF, v3;
	[tilespmem:$0x9E80] =	vst @!p2 v4  }
0x141: {  	[tilespmem:$0xA080] =	vst @!p2 v3  }
0x142: {  	v3 =	vld @!p2 [tilespmem:s26+$0xFFFFFFE0];
	_ =	sdelay $0x4  }
0x143: {  	v4 =	vshrl.u32 @!p2 v3, $0xD  }
0x144: {  	v3 =	vand.u32 @!p2 $0x1FFF, v3;
	[tilespmem:$0x9E90] =	vst @!p2 v4  }
0x145: {  	[tilespmem:$0xA090] =	vst @!p2 v3  }
0x146: {  	v3 =	vld @!p2 [tilespmem:s26+$0xFFFFFFF0];
	_ =	sdelay $0x4  }
0x147: {  	v4 =	vshrl.u32 @!p2 v3, $0xD  }
0x148: {  	v3 =	vand.u32 @!p2 $0x1FFF, v3;
	[tilespmem:$0x9EA0] =	vst @!p2 v4  }
0x149: {  	[tilespmem:$0xA0A0] =	vst @!p2 v3  }
0x14a: {  	v3 =	vld @!p2 [tilespmem:s26+$0x0];
	_ =	sdelay $0x4  }
0x14b: {  	v4 =	vshrl.u32 @!p2 v3, $0xD  }
0x14c: {  	v3 =	vand.u32 @!p2 $0x1FFF, v3;
	[tilespmem:$0x9EB0] =	vst @!p2 v4  }
0x14d: {  	[tilespmem:$0xA0B0] =	vst @!p2 v3  }
0x14e: {  	v3 =	vld @!p2 [tilespmem:s26+$0x10];
	_ =	sdelay $0x4  }
0x14f: {  	v4 =	vshrl.u32 @!p2 v3, $0xD  }
0x150: {  	v3 =	vand.u32 @!p2 $0x1FFF, v3;
	[tilespmem:$0x9EC0] =	vst @!p2 v4  }
0x151: {  	[tilespmem:$0xA0C0] =	vst @!p2 v3  }
0x152: {  	v3 =	vld @!p2 [tilespmem:s26+$0x20];
	_ =	sdelay $0x4  }
0x153: {  	s25 =	sadd.s32 $0xFFFFFFFF, s24;
	v4 =	vshrl.u32 @!p2 v3, $0xD  }
0x154: {  	s29 =	simm.s32 @!p2 $0x9E80;
	p4 =	sle.s32 s25, $0x0;
	v3 =	vand.u32 @!p2 $0x1FFF, v3;
	[tilespmem:$0x9ED0] =	vst @!p2 v4  }
0x155: {  	s28 =	simm.s32 @!p2 $0x60;
	s0 =	simm.s32 @!p2 $0x10180;
	s30 =	simm.s32 @!p4 $0x1;
	[tilespmem:$0xA0D0] =	vst @!p2 v3  }
0x156: {  	[tilespmem:s0], [sflag:$0x1] =	stream.indirect.gather @!p2 [hbm4b:s1+s28], $0x80, s29, s28, $0xb8;
	[tilespmem:$0x1D388] =	vst v63  }
0x157: {  	_ =	swait.ge @!p4 [sflag:s30], $0x3000  }
0x158: {  	s31 =	simm.s32 @!p4 $0xA000;
	[sflag:s30] =	ssyncset.done @!p4 $0x0  }
0x159: {  	s29 =	simm.s32 @!p4 $0xD180;
	[sflag:s30] =	ssyncadd.s32 @!p4 $0xFFFFD000;
	s30 =	simm.s32 @!p4 $0x60  }
0x15a: {  	[spmem:s2] =	stream.indirect.scatter.add.f32 @!p4 [tilespmem:s29], [sflag:$0x2], $0x80, s31, s30, $0xb8;
	[tilespmem:$0x1D388] =	vst v63  }
0x15b: {  	s19 =	simm.s32 @!p4 $0x3;
	s29 =	simm.s32 @!p4 $0x1D1C0  }
0x15c: {  	[spmem:s3] =	stream.indirect.scatter.add.f32 @!p4 [tilespmem:s29], [sflag:$0x3], $0x1, s31, s30, $0xb8;
	[tilespmem:$0x1D388] =	vst v63  }
0x15d: {  	_ =	swait.ge @!p4 [sflag:s19], $0x60  }
0x15e: {  	p3 =	sle.s32 s24, $0x3;
	[sflag:s19] =	ssyncset.done @!p4 $0x0  }
0x15f: {  	[sflag:s19] =	ssyncadd.s32 @!p4 $0xFFFFFFA0;
	s19 =	simm.s32 @!p3 $0x2  }
0x160: {  	_ =	swait.ge @!p3 [sflag:s19], $0x3000  }
0x161: {  	[sflag:s19] =	ssyncset.done @!p3 $0x0  }
0x162: {  	[sflag:s19] =	ssyncadd.s32 @!p3 $0xFFFFD000  }
0x163: {  	v3 =	vld @!p3 [tilespmem:s26+$0x30];
	_ =	sdelay $0x4  }
0x164: {  	v4 =	vshrl.u32 @!p3 v3, $0xD  }
0x165: {  	v3 =	vand.u32 @!p3 $0x1FFF, v3;
	[tilespmem:$0x9D80] =	vst @!p3 v4  }
0x166: {  	[tilespmem:$0x9F80] =	vst @!p3 v3  }
0x167: {  	v3 =	vld @!p3 [tilespmem:s26+$0x40];
	_ =	sdelay $0x4  }
0x168: {  	v4 =	vshrl.u32 @!p3 v3, $0xD  }
0x169: {  	v3 =	vand.u32 @!p3 $0x1FFF, v3;
	[tilespmem:$0x9D90] =	vst @!p3 v4  }
0x16a: {  	[tilespmem:$0x9F90] =	vst @!p3 v3  }
0x16b: {  	v3 =	vld @!p3 [tilespmem:s26+$0x50];
	_ =	sdelay $0x4  }
0x16c: {  	v4 =	vshrl.u32 @!p3 v3, $0xD  }
0x16d: {  	v3 =	vand.u32 @!p3 $0x1FFF, v3;
	[tilespmem:$0x9DA0] =	vst @!p3 v4  }
0x16e: {  	[tilespmem:$0x9FA0] =	vst @!p3 v3  }
0x16f: {  	v3 =	vld @!p3 [tilespmem:s26+$0x60];
	_ =	sdelay $0x4  }
0x170: {  	v4 =	vshrl.u32 @!p3 v3, $0xD  }
0x171: {  	v3 =	vand.u32 @!p3 $0x1FFF, v3;
	[tilespmem:$0x9DB0] =	vst @!p3 v4  }
0x172: {  	[tilespmem:$0x9FB0] =	vst @!p3 v3  }
0x173: {  	v3 =	vld @!p3 [tilespmem:s26+$0x70];
	_ =	sdelay $0x4  }
0x174: {  	v4 =	vshrl.u32 @!p3 v3, $0xD  }
0x175: {  	v3 =	vand.u32 @!p3 $0x1FFF, v3;
	[tilespmem:$0x9DC0] =	vst @!p3 v4  }
0x176: {  	[tilespmem:$0x9FC0] =	vst @!p3 v3  }
0x177: {  	v3 =	vld @!p3 [tilespmem:s26+$0x80];
	_ =	sdelay $0x4  }
0x178: {  	v4 =	vshrl.u32 @!p3 v3, $0xD  }
0x179: {  	s29 =	simm.s32 @!p3 $0x60;
	v3 =	vand.u32 @!p3 $0x1FFF, v3;
	[tilespmem:$0x9DD0] =	vst @!p3 v4  }
0x17a: {  	s30 =	simm.s32 @!p3 $0x9D80;
	s31 =	simm.s32 @!p2 $0x1;
	s19 =	simm.s32 @!p3 $0xA180;
	[tilespmem:$0x9FD0] =	vst @!p3 v3  }
0x17b: {  	[tilespmem:s19], [sflag:$0x1] =	stream.indirect.gather @!p3 [hbm4b:s1+s29], $0x80, s30, s29, $0xb8;
	[tilespmem:$0x1D388] =	vst v63  }
0x17c: {  	_ =	swait.ge @!p2 [sflag:s31], $0x3000  }
0x17d: {  	[sflag:s31] =	ssyncset.done @!p2 $0x0  }
0x17e: {  	s19 =	simm.s32 @!p2 $0xA080;
	[sflag:s31] =	ssyncadd.s32 @!p2 $0xFFFFD000  }
0x17f: {  	[spmem:s2] =	stream.indirect.scatter.add.f32 @!p2 [tilespmem:s0], [sflag:$0x2], $0x80, s19, s28, $0xb8;
	[tilespmem:$0x1D388] =	vst v63  }
0x180: {  	s29 =	simm.s32 @!p2 $0x3;
	s0 =	simm.s32 @!p2 $0x1D1C0  }
0x181: {  	[spmem:s3] =	stream.indirect.scatter.add.f32 @!p2 [tilespmem:s0], [sflag:$0x3], $0x1, s19, s28, $0xb8;
	[tilespmem:$0x1D388] =	vst v63  }
0x182: {  	_ =	swait.ge @!p2 [sflag:s29], $0x60  }
0x183: {  	p4 =	sle.s32 s24, $0x4;
	[sflag:s29] =	ssyncset.done @!p2 $0x0  }
0x184: {  	s0 =	simm.s32 @!p4 $0x2;
	[sflag:s29] =	ssyncadd.s32 @!p2 $0xFFFFFFA0  }
0x185: {  	_ =	swait.ge @!p4 [sflag:s0], $0x3000  }
0x186: {  	[sflag:s0] =	ssyncset.done @!p4 $0x0  }
0x187: {  	[sflag:s0] =	ssyncadd.s32 @!p4 $0xFFFFD000  }
0x188: {  	v3 =	vld @!p4 [tilespmem:s26+$0x90];
	_ =	sdelay $0x4  }
0x189: {  	v4 =	vshrl.u32 @!p4 v3, $0xD  }
0x18a: {  	v3 =	vand.u32 @!p4 $0x1FFF, v3;
	[tilespmem:$0x9E00] =	vst @!p4 v4  }
0x18b: {  	[tilespmem:$0xA000] =	vst @!p4 v3  }
0x18c: {  	v3 =	vld @!p4 [tilespmem:s26+$0xA0];
	_ =	sdelay $0x4  }
0x18d: {  	v4 =	vshrl.u32 @!p4 v3, $0xD  }
0x18e: {  	v3 =	vand.u32 @!p4 $0x1FFF, v3;
	[tilespmem:$0x9E10] =	vst @!p4 v4  }
0x18f: {  	[tilespmem:$0xA010] =	vst @!p4 v3  }
0x190: {  	s28 =	simm.s32 $0x4FF0;
	s29 =	simm.s32 $0x3;
	v3 =	vld @!p4 [tilespmem:s26+$0xB0]  }
.LBB2_9:
0x191: {  	_ =	sdelay $0x2  }
0x192: {  	s26 =	sadd.s32 $0x120, s26;
	s30 =	smov.u32 s29;
	s29 =	sadd.s32 $0x3, s29  }
0x193: {  	p2 =	sne.s32 s29, $0xD2;
	v4 =	vshrl.u32 @!p4 v3, $0xD;
	v3 =	vand.u32 @!p4 $0x1FFF, v3  }
0x194: {  	[tilespmem:$0x9E20] =	vst @!p4 v4  }
0x195: {  	[tilespmem:$0xA020] =	vst @!p4 v3  }
0x196: {  	v3 =	vld @!p4 [tilespmem:s28+$0xC0];
	_ =	sdelay $0x4  }
0x197: {  	v4 =	vshrl.u32 @!p4 v3, $0xD;
	v3 =	vand.u32 @!p4 $0x1FFF, v3  }
0x198: {  	[tilespmem:$0x9E30] =	vst @!p4 v4  }
0x199: {  	[tilespmem:$0xA030] =	vst @!p4 v3  }
0x19a: {  	v3 =	vld @!p4 [tilespmem:s28+$0xD0];
	_ =	sdelay $0x4  }
0x19b: {  	p5 =	sge.s32 s30, s24;
	v4 =	vshrl.u32 @!p4 v3, $0xD;
	v3 =	vand.u32 @!p4 $0x1FFF, v3  }
0x19c: {  	s0 =	simm.s32 @!p5 $0x1;
	[tilespmem:$0x9E40] =	vst @!p4 v4  }
0x19d: {  	[tilespmem:$0xA040] =	vst @!p4 v3  }
0x19e: {  	v3 =	vld @!p4 [tilespmem:s28+$0xE0];
	s28 =	smov.u32 s26;
	_ =	sdelay $0x2  }
0x19f: {  	s19 =	simm.s32 @!p4 $0xD180  }
0x1a0: {  	s20 =	simm.s32 @!p4 $0x60;
	s21 =	simm.s32 @!p4 $0x9E00;
	s31 =	simm.s32 @!p5 $0xA180  }
0x1a1: {  	v4 =	vshrl.u32 @!p4 v3, $0xD;
	v3 =	vand.u32 @!p4 $0x1FFF, v3  }
0x1a2: {  	[tilespmem:$0x9E50] =	vst @!p4 v4  }
0x1a3: {  	s22 =	sadd.s32 $0x2, s30;
	[tilespmem:$0xA050] =	vst @!p4 v3  }
0x1a4: {  	[tilespmem:s19], [sflag:$0x1] =	stream.indirect.gather @!p4 [hbm4b:s1+s20], $0x80, s21, s20, $0xb8;
	[tilespmem:$0x1D388] =	vst v63  }
0x1a5: {  	p3 =	sge.s32 s22, s24;
	s19 =	simm.s32 @!p5 $0x9F80;
	_ =	swait.ge @!p5 [sflag:s0], $0x3000  }
0x1a6: {  	s20 =	simm.s32 @!p5 $0x1D1C0;
	s21 =	simm.s32 @!p5 $0x3;
	[sflag:s0] =	ssyncset.done @!p5 $0x0  }
0x1a7: {  	p4 =	seq.s32 @!p3 s30, $0x0;
	[sflag:s0] =	ssyncadd.s32 @!p5 $0xFFFFD000;
	s0 =	simm.s32 @!p5 $0x60  }
0x1a8: {  	[spmem:s2] =	stream.indirect.scatter.add.f32 @!p5 [tilespmem:s31], [sflag:$0x2], $0x80, s19, s0, $0xb8;
	[tilespmem:$0x1D388] =	vst v63  }
0x1a9: {  	p4 =	por p4, p3  }
0x1aa: {  	[spmem:s3] =	stream.indirect.scatter.add.f32 @!p5 [tilespmem:s20], [sflag:$0x3], $0x1, s19, s0, $0xb8;
	[tilespmem:$0x1D388] =	vst v63  }
0x1ab: {  	_ =	swait.ge @!p5 [sflag:s21], $0x60  }
0x1ac: {  	[sflag:s21] =	ssyncset.done @!p5 $0x0  }
0x1ad: {  	s0 =	simm.s32 @!p4 $0x2;
	[sflag:s21] =	ssyncadd.s32 @!p5 $0xFFFFFFA0  }
0x1ae: {  	_ =	swait.ge @!p4 [sflag:s0], $0x3000  }
0x1af: {  	[sflag:s0] =	ssyncset.done @!p4 $0x0  }
0x1b0: {  	[sflag:s0] =	ssyncadd.s32 @!p4 $0xFFFFD000  }
0x1b1: {  	v3 =	vld @!p3 [tilespmem:s26+$0xFFFFFFD0];
	_ =	sdelay $0x4  }
0x1b2: {  	v4 =	vshrl.u32 @!p3 v3, $0xD;
	v3 =	vand.u32 @!p3 $0x1FFF, v3  }
0x1b3: {  	[tilespmem:$0x9E80] =	vst @!p3 v4  }
0x1b4: {  	[tilespmem:$0xA080] =	vst @!p3 v3  }
0x1b5: {  	v3 =	vld @!p3 [tilespmem:s26+$0xFFFFFFE0];
	_ =	sdelay $0x4  }
0x1b6: {  	v4 =	vshrl.u32 @!p3 v3, $0xD;
	v3 =	vand.u32 @!p3 $0x1FFF, v3  }
0x1b7: {  	[tilespmem:$0x9E90] =	vst @!p3 v4  }
0x1b8: {  	[tilespmem:$0xA090] =	vst @!p3 v3  }
0x1b9: {  	v3 =	vld @!p3 [tilespmem:s26+$0xFFFFFFF0];
	_ =	sdelay $0x4  }
0x1ba: {  	v4 =	vshrl.u32 @!p3 v3, $0xD;
	v3 =	vand.u32 @!p3 $0x1FFF, v3  }
0x1bb: {  	[tilespmem:$0x9EA0] =	vst @!p3 v4  }
0x1bc: {  	[tilespmem:$0xA0A0] =	vst @!p3 v3  }
0x1bd: {  	v3 =	vld @!p3 [tilespmem:s26+$0x0];
	_ =	sdelay $0x4  }
0x1be: {  	v4 =	vshrl.u32 @!p3 v3, $0xD;
	v3 =	vand.u32 @!p3 $0x1FFF, v3  }
0x1bf: {  	[tilespmem:$0x9EB0] =	vst @!p3 v4  }
0x1c0: {  	[tilespmem:$0xA0B0] =	vst @!p3 v3  }
0x1c1: {  	v3 =	vld @!p3 [tilespmem:s26+$0x10];
	_ =	sdelay $0x4  }
0x1c2: {  	v4 =	vshrl.u32 @!p3 v3, $0xD;
	v3 =	vand.u32 @!p3 $0x1FFF, v3  }
0x1c3: {  	[tilespmem:$0x9EC0] =	vst @!p3 v4  }
0x1c4: {  	[tilespmem:$0xA0C0] =	vst @!p3 v3  }
0x1c5: {  	v3 =	vld @!p3 [tilespmem:s26+$0x20];
	_ =	sdelay $0x4  }
0x1c6: {  	v4 =	vshrl.u32 @!p3 v3, $0xD;
	v3 =	vand.u32 @!p3 $0x1FFF, v3  }
0x1c7: {  	p5 =	sge.s32 s30, s25;
	s0 =	simm.s32 @!p3 $0x10180;
	[tilespmem:$0x9ED0] =	vst @!p3 v4  }
0x1c8: {  	s31 =	simm.s32 @!p3 $0x60;
	s19 =	simm.s32 @!p3 $0x9E80;
	s20 =	simm.s32 @!p5 $0x1;
	[tilespmem:$0xA0D0] =	vst @!p3 v3  }
0x1c9: {  	[tilespmem:s0], [sflag:$0x1] =	stream.indirect.gather @!p3 [hbm4b:s1+s31], $0x80, s19, s31, $0xb8;
	[tilespmem:$0x1D388] =	vst v63  }
0x1ca: {  	_ =	swait.ge @!p5 [sflag:s20], $0x3000  }
0x1cb: {  	s19 =	simm.s32 @!p5 $0xD180;
	[sflag:s20] =	ssyncset.done @!p5 $0x0  }
0x1cc: {  	s21 =	simm.s32 @!p5 $0xA000;
	[sflag:s20] =	ssyncadd.s32 @!p5 $0xFFFFD000;
	s20 =	simm.s32 @!p5 $0x60  }
0x1cd: {  	[spmem:s2] =	stream.indirect.scatter.add.f32 @!p5 [tilespmem:s19], [sflag:$0x2], $0x80, s21, s20, $0xb8;
	[tilespmem:$0x1D388] =	vst v63  }
0x1ce: {  	s22 =	simm.s32 @!p5 $0x3;
	s19 =	simm.s32 @!p5 $0x1D1C0  }
0x1cf: {  	[spmem:s3] =	stream.indirect.scatter.add.f32 @!p5 [tilespmem:s19], [sflag:$0x3], $0x1, s21, s20, $0xb8;
	[tilespmem:$0x1D388] =	vst v63  }
0x1d0: {  	_ =	swait.ge @!p5 [sflag:s22], $0x60  }
0x1d1: {  	p4 =	sge.s32 s29, s24;
	[sflag:s22] =	ssyncset.done @!p5 $0x0  }
0x1d2: {  	s19 =	simm.s32 @!p4 $0x2;
	[sflag:s22] =	ssyncadd.s32 @!p5 $0xFFFFFFA0  }
0x1d3: {  	_ =	swait.ge @!p4 [sflag:s19], $0x3000  }
0x1d4: {  	[sflag:s19] =	ssyncset.done @!p4 $0x0  }
0x1d5: {  	[sflag:s19] =	ssyncadd.s32 @!p4 $0xFFFFD000  }
0x1d6: {  	v3 =	vld @!p4 [tilespmem:s26+$0x30];
	_ =	sdelay $0x4  }
0x1d7: {  	v4 =	vshrl.u32 @!p4 v3, $0xD;
	v3 =	vand.u32 @!p4 $0x1FFF, v3  }
0x1d8: {  	[tilespmem:$0x9D80] =	vst @!p4 v4  }
0x1d9: {  	[tilespmem:$0x9F80] =	vst @!p4 v3  }
0x1da: {  	v3 =	vld @!p4 [tilespmem:s26+$0x40];
	_ =	sdelay $0x4  }
0x1db: {  	v4 =	vshrl.u32 @!p4 v3, $0xD;
	v3 =	vand.u32 @!p4 $0x1FFF, v3  }
0x1dc: {  	[tilespmem:$0x9D90] =	vst @!p4 v4  }
0x1dd: {  	[tilespmem:$0x9F90] =	vst @!p4 v3  }
0x1de: {  	v3 =	vld @!p4 [tilespmem:s26+$0x50];
	_ =	sdelay $0x4  }
0x1df: {  	v4 =	vshrl.u32 @!p4 v3, $0xD;
	v3 =	vand.u32 @!p4 $0x1FFF, v3  }
0x1e0: {  	[tilespmem:$0x9DA0] =	vst @!p4 v4  }
0x1e1: {  	[tilespmem:$0x9FA0] =	vst @!p4 v3  }
0x1e2: {  	v3 =	vld @!p4 [tilespmem:s26+$0x60];
	_ =	sdelay $0x4  }
0x1e3: {  	v4 =	vshrl.u32 @!p4 v3, $0xD;
	v3 =	vand.u32 @!p4 $0x1FFF, v3  }
0x1e4: {  	[tilespmem:$0x9DB0] =	vst @!p4 v4  }
0x1e5: {  	[tilespmem:$0x9FB0] =	vst @!p4 v3  }
0x1e6: {  	v3 =	vld @!p4 [tilespmem:s26+$0x70];
	_ =	sdelay $0x4  }
0x1e7: {  	v4 =	vshrl.u32 @!p4 v3, $0xD;
	v3 =	vand.u32 @!p4 $0x1FFF, v3  }
0x1e8: {  	[tilespmem:$0x9DC0] =	vst @!p4 v4  }
0x1e9: {  	[tilespmem:$0x9FC0] =	vst @!p4 v3  }
0x1ea: {  	v3 =	vld @!p4 [tilespmem:s26+$0x80];
	_ =	sdelay $0x4  }
0x1eb: {  	v4 =	vshrl.u32 @!p4 v3, $0xD;
	v3 =	vand.u32 @!p4 $0x1FFF, v3  }
0x1ec: {  	s19 =	simm.s32 @!p4 $0xA180;
	[tilespmem:$0x9DD0] =	vst @!p4 v4  }
0x1ed: {  	s20 =	simm.s32 @!p4 $0x60;
	s21 =	simm.s32 @!p4 $0x9D80;
	s22 =	simm.s32 @!p3 $0x1;
	[tilespmem:$0x9FD0] =	vst @!p4 v3  }
0x1ee: {  	[tilespmem:s19], [sflag:$0x1] =	stream.indirect.gather @!p4 [hbm4b:s1+s20], $0x80, s21, s20, $0xb8;
	[tilespmem:$0x1D388] =	vst v63  }
0x1ef: {  	_ =	swait.ge @!p3 [sflag:s22], $0x3000  }
0x1f0: {  	[sflag:s22] =	ssyncset.done @!p3 $0x0  }
0x1f1: {  	s19 =	simm.s32 @!p3 $0xA080;
	[sflag:s22] =	ssyncadd.s32 @!p3 $0xFFFFD000  }
0x1f2: {  	[spmem:s2] =	stream.indirect.scatter.add.f32 @!p3 [tilespmem:s0], [sflag:$0x2], $0x80, s19, s31, $0xb8;
	[tilespmem:$0x1D388] =	vst v63  }
0x1f3: {  	s20 =	simm.s32 @!p3 $0x3;
	s0 =	simm.s32 @!p3 $0x1D1C0  }
0x1f4: {  	[spmem:s3] =	stream.indirect.scatter.add.f32 @!p3 [tilespmem:s0], [sflag:$0x3], $0x1, s19, s31, $0xb8;
	[tilespmem:$0x1D388] =	vst v63  }
0x1f5: {  	s0 =	sadd.s32 $0x4, s30;
	_ =	swait.ge @!p3 [sflag:s20], $0x60  }
0x1f6: {  	p4 =	sge.s32 s0, s24;
	[sflag:s20] =	ssyncset.done @!p3 $0x0  }
0x1f7: {  	s0 =	simm.s32 @!p4 $0x2;
	[sflag:s20] =	ssyncadd.s32 @!p3 $0xFFFFFFA0  }
0x1f8: {  	_ =	swait.ge @!p4 [sflag:s0], $0x3000  }
0x1f9: {  	[sflag:s0] =	ssyncset.done @!p4 $0x0  }
0x1fa: {  	[sflag:s0] =	ssyncadd.s32 @!p4 $0xFFFFD000  }
0x1fb: {  	v3 =	vld @!p4 [tilespmem:s26+$0x90];
	_ =	sdelay $0x4  }
0x1fc: {  	v4 =	vshrl.u32 @!p4 v3, $0xD;
	v3 =	vand.u32 @!p4 $0x1FFF, v3  }
0x1fd: {  	[tilespmem:$0x9E00] =	vst @!p4 v4  }
0x1fe: {  	[tilespmem:$0xA000] =	vst @!p4 v3  }
0x1ff: {  	v3 =	vld @!p4 [tilespmem:s26+$0xA0];
	_ =	sdelay $0x3  }
.Ltmp4:
0x200: {  	(pc) =	sbr.rel @p2 .LBB2_9-.Ltmp4, $4  }
0x201: {  	v4 =	vshrl.u32 @!p4 v3, $0xD;
	v3 =	vand.u32 @!p4 $0x1FFF, v3  }
0x202: {  	[tilespmem:$0x9E10] =	vst @!p4 v4  }
0x203: {  	[tilespmem:$0xA010] =	vst @!p4 v3  }
0x204: {  	v3 =	vld @!p4 [tilespmem:s26+$0xB0]  }
0x205: {  	_ =	sdelay $0x3  }
0x206: {  	v4 =	vshrl.u32 @!p4 v3, $0xD  }
0x207: {  	v3 =	vand.u32 @!p4 $0x1FFF, v3;
	[tilespmem:$0x9E20] =	vst @!p4 v4  }
0x208: {  	[tilespmem:$0xA020] =	vst @!p4 v3  }
0x209: {  	v3 =	vld @!p4 [tilespmem:s28+$0xC0];
	_ =	sdelay $0x4  }
0x20a: {  	v4 =	vshrl.u32 @!p4 v3, $0xD  }
0x20b: {  	v3 =	vand.u32 @!p4 $0x1FFF, v3;
	[tilespmem:$0x9E30] =	vst @!p4 v4  }
0x20c: {  	[tilespmem:$0xA030] =	vst @!p4 v3  }
0x20d: {  	v3 =	vld @!p4 [tilespmem:s28+$0xD0];
	_ =	sdelay $0x4  }
0x20e: {  	v4 =	vshrl.u32 @!p4 v3, $0xD  }
0x20f: {  	v3 =	vand.u32 @!p4 $0x1FFF, v3;
	[tilespmem:$0x9E40] =	vst @!p4 v4  }
0x210: {  	[tilespmem:$0xA040] =	vst @!p4 v3  }
0x211: {  	v3 =	vld @!p4 [tilespmem:s28+$0xE0];
	_ =	sdelay $0x2  }
0x212: {  	s19 =	smulhi.u32 $0x55555556, s25;
	s20 =	sshra.s32 s25, $0x1F  }
0x213: {  	s20 =	smul.u32 $0x55555556, s20  }
0x214: {  	v4 =	vshrl.u32 @!p4 v3, $0xD  }
0x215: {  	s0 =	simm.s32 @!p4 $0xD180;
	s29 =	sadd.s32 s20, s19;
	v3 =	vand.u32 @!p4 $0x1FFF, v3;
	[tilespmem:$0x9E50] =	vst @!p4 v4  }
0x216: {  	s21 =	simm.s32 @!p4 $0x60;
	s22 =	simm.s32 @!p4 $0x9E00;
	s19 =	sshrl.u32 s29, $0x1F;
	[tilespmem:$0xA050] =	vst @!p4 v3  }
0x217: {  	[tilespmem:s0], [sflag:$0x1] =	stream.indirect.gather @!p4 [hbm4b:s1+s21], $0x80, s22, s21, $0xb8;
	[tilespmem:$0x1D388] =	vst v63  }
0x218: {  	s0 =	sadd.s32 s19, s29  }
0x219: {  	s19 =	sadd.s32 $0xFFFFFFFE, s24;
	s0 =	smul.u32 $0x3, s0  }
0x21a: {  	s21 =	sadd.s32 $0xFFFFFFFD, s24;
	s30 =	smulhi.u32 $0x55555556, s19  }
0x21b: {  	s31 =	smulhi.u32 $0x55555556, s21;
	s26 =	sshra.s32 s21, $0x1F  }
0x21c: {  	s29 =	sshra.s32 s19, $0x1F;
	s26 =	smul.u32 $0x55555556, s26  }
0x21d: {  	s28 =	smul.u32 $0x55555556, s29  }
0x21e: {  	s22 =	sadd.s32 s26, s31  }
0x21f: {  	s0 =	ssub.s32 s25, s0;
	s20 =	sadd.s32 s28, s30;
	s30 =	sshrl.u32 s22, $0x1F  }
0x220: {  	p2 =	slt.s32 s0, $0x0;
	s31 =	sshrl.u32 s20, $0x1F;
	s22 =	sadd.s32 s30, s22  }
0x221: {  	s25 =	sadd.s32 $0x3, s0;
	s20 =	sadd.s32 s31, s20;
	s22 =	smul.u32 $0x3, s22  }
0x222: {  	s0 =	smov.u32 @p2 s25;
	s20 =	smul.u32 $0x3, s20  }
0x223: {  	p2 =	sgt.s32 s24, $0x0;
	p6 =	seq.s32 s0, $0x0;
	s25 =	ssub.s32 s21, s22  }
0x224: {  	s26 =	ssub.s32 s19, s20;
	p3 =	slt.s32 s25, $0x0;
	s19 =	sadd.s32 $0x3, s25  }
0x225: {  	p5 =	slt.s32 s26, $0x0;
	s25 =	smov.u32 @p3 s19;
	s19 =	sadd.s32 $0x3, s26  }
0x226: {  	p3 =	sgt.s32 s24, $0x2;
	s26 =	smov.u32 @p5 s19;
	p5 =	seq.s32 s25, $0x0  }
0x227: {  	p4 =	por !p2, !p6;
	p6 =	seq.s32 s26, $0x0;
	p5 =	por !p3, !p5  }
0x228: {  	p4 =	por !p4, !p4;
	p6 =	por !p6, !p1;
	p5 =	por !p5, !p5  }
0x229: {  	p6 =	por !p6, !p6;
	p4 =	por p5, p4  }
0x22a: {  	p4 =	por p4, p6  }
0x22b: {  	s19 =	simm.s32 @p4 $0x2  }
0x22c: {  	p5 =	seq.s32 s25, $0x1;
	_ =	swait.ge @p4 [sflag:s19], $0x3000  }
0x22d: {  	p6 =	seq.s32 s0, $0x1;
	p5 =	por !p3, !p5;
	[sflag:s19] =	ssyncset.done @p4 $0x0  }
0x22e: {  	[sflag:s19] =	ssyncadd.s32 @p4 $0xFFFFD000;
	p4 =	por !p2, !p6;
	p6 =	seq.s32 s26, $0x1  }
0x22f: {  	p5 =	por !p5, !p5;
	p4 =	por !p4, !p4;
	p6 =	por !p6, !p1  }
0x230: {  	p6 =	por !p6, !p6;
	p4 =	por p5, p4;
	p5 =	seq.s32 s25, $0x2  }
0x231: {  	p4 =	por p4, p6;
	p6 =	seq.s32 s0, $0x2;
	p3 =	por !p3, !p5  }
0x232: {  	s19 =	simm.s32 @p4 $0x2;
	p2 =	por !p2, !p6;
	p6 =	seq.s32 s26, $0x2  }
0x233: {  	p3 =	por !p3, !p3;
	p2 =	por !p2, !p2;
	p6 =	por !p6, !p1  }
0x234: {  	_ =	swait.ge @p4 [sflag:s19], $0x3000;
	p1 =	por !p6, !p6;
	p2 =	por p3, p2  }
0x235: {  	[sflag:s19] =	ssyncset.done @p4 $0x0;
	p1 =	por p2, p1  }
0x236: {  	[sflag:s19] =	ssyncadd.s32 @p4 $0xFFFFD000;
	s0 =	simm.s32 @p1 $0x2  }
0x237: {  	_ =	swait.ge @p1 [sflag:s0], $0x3000  }
0x238: {  	[sflag:s0] =	ssyncset.done @p1 $0x0  }
0x239: {  	[sflag:s0] =	ssyncadd.s32 @p1 $0xFFFFD000  }
0x23a: {  	[bflag:$0x0] =	sbarrier.arrive $0xFFFF  }
0x23b: {  	[hbm:s12], [sflag:s7] =	dma.local [spmem:s15], $0x1400  }
0x23c: {  	s23 =	sadd.s32 $0x1, s23;
	_ =	swait.ge [sflag:s16], $0x1400  }
0x23d: {  	p1 =	sne.s32 s23, s14;
	[sflag:s16] =	ssyncset.done $0x0  }
.Ltmp5:
0x23e: {  	s0 =	simm.s32 @!p0 $0x3;
	[sflag:s16] =	ssyncadd.s32 $0xFFFFEC00;
	(pc) =	sbr.rel @p1 .LBB2_1-.Ltmp5, $4  }
0x23f: {  	[hbm:s13], [sflag:s7] =	dma.local @!p0 [spmem:s17], $0x280  }
0x240: {  	_ =	swait.ge @!p0 [sflag:s0], $0x280  }
0x241: {  	[sflag:s0] =	ssyncset.done @!p0 $0x0  }
0x242: {  	[sflag:s0] =	ssyncadd.s32 @!p0 $0xFFFFFD80  }
0x243: {  	_ =	sfence.sel $0x180000  }
0x244: {  	[bflag:$0x0] =	sbarrier.arrive $0xFFFF  }
0x245: {  	_ =	strace $0x90000047  }
0x246: {  	[bflag:$0x2] =	sbarrier.arrive $0xFFFF  }
0x247: {  	s0 =	rddreg [dreg:$0x5]  }
0x248: {  	s0 =	sadd.s32 @!p0 $0x100000, s0  }
0x249: {  	[sflag:s0] =	ssyncadd.tile.s32 @!p0 $0x1;
	_ =	shalt  }
.Lfunc_end2:
_tile_overlayer_lowered:
.L_overlay_start_2:
0x24a: {  	(tag) =	ssettag $0x2  }
0x24b: {  	s0 =	rddreg [dreg:$0x0];
	s2 =	stileid.u32  }
0x24c: {  	s1 =	rddreg [dreg:$0x1];
	p0 =	sne.s32 s2, $0x0  }
0x24d: {  	s3 =	rddreg [dreg:$0x2];
	[bflag:$0x3] =	sbarrier.arrive $0xFFFF;
	s2 =	simm.s32 @!p0 $0x1C03  }
0x24e: {  	[timem:s3], [sflag:s2] =	dma.local @!p0 [hbm:s0], s1  }
0x24f: {  	s0 =	simm.s32 @!p0 $0x3  }
0x250: {  	_ =	swait.ge @!p0 [sflag:s0], s1  }
0x251: {  	s1 =	ssub.s32 @!p0 $0x0, s1;
	[sflag:s0] =	ssyncset.done @!p0 $0x0  }
0x252: {  	[sflag:s0] =	ssyncadd.s32 @!p0 s1  }
0x253: {  	[bflag:$0x3] =	sbarrier.arrive $0xFFFF  }
0x254: {  	_ =	shalt  }

// kernel: kernel.9.cloned.1.call-start
scs
__scs_entry_jumppad:
0x0: {  	(pc) =	sbr.rel $0x88, $3  }
0x1: {  	(tag) =	ssettag $0x0;
	lr =	simm.s32 $0x1  }
0x2: {  	[smem:$0x3F97] =	sst lr;
	_ =	strace $0xD0000000  }
0x3: {  	_ = 	snop  }
0x4: {  	_ = 	snop  }
0x5: {  	_ = 	snop  }
0x6: {  	_ = 	snop  }
0x7: {  	_ = 	snop  }
__scs_overlays_trampoline_lowered:
0x8: {  	[smem:$0x3FA6] =	sst s0  }
0x9: {  	[smem:$0x3FA7] =	sst s1  }
0xa: {  	[smem:$0x3FA8] =	sst s2  }
0xb: {  	[smem:$0x3FA9] =	sst s3  }
0xc: {  	[smem:$0x3FAA] =	sst s4  }
0xd: {  	[smem:$0x3FAB] =	sst s5  }
0xe: {  	[smem:$0x3FAC] =	sst s6  }
0xf: {  	[smem:$0x3FAD] =	sst s7  }
0x10: {  	[smem:$0x3FAE] =	sst s8  }
0x11: {  	[smem:$0x3FAF] =	sst s9;
	s0 =	simm.s32 @!p0 $0x0  }
0x12: {  	s1 =	sld [smem:$0x3F95];
	s0 =	simm.s32 @p0 $0x1  }
0x13: {  	[smem:$0x3FB0] =	sst s0;
	s0 =	simm.s32 @!p1 $0x0  }
0x14: {  	s2 =	sld [smem:$0x3F94];
	s0 =	simm.s32 @p1 $0x1  }
0x15: {  	[smem:$0x3FB1] =	sst s0;
	s0 =	simm.s32 @!p2 $0x0  }
0x16: {  	s3 =	sld [smem:$0x3FDB];
	s0 =	simm.s32 @p2 $0x1  }
0x17: {  	s4 =	simm.s32 $0x1BF5;
	[smem:$0x3FB3] =	sst s0  }
0x18: {  	s0 =	sld [smem:$0x3F96];
	_ =	swait.ge [sflag:s4], $0x0  }
0x19: {  	s7 =	sld [smem:$0x3F97]  }
0x1a: {  	s8 =	sadd.s32 $0xFFFFE003, lr  }
0x1b: {  	s9 =	sadd.s32 $0xFFFFFEF7, lr;
	s5 =	simm.s32 $0xFFFFFFFF;
	p2 =	slt.u32 s8, $0xFFFFF086  }
0x1c: {  	p1 =	slt.u32 s9, $0xF7A;
	s5 =	simm.s32 @!p2 $0x0  }
0x1d: {  	s5 =	simm.s32 @p1 $0x1;
	p0 =	seq.s32 s7, s2  }
0x1e: {  	s7 =	smul.u32 @!p0 $0xF7A, s2;
	p2 =	seq.s32 @!p0 s5, $0x0  }
0x1f: {  	s9 =	smul.u32 $0xF7A, s1;
	s8 =	simm.s32 @!p0 $0x1BF5;
	p2 =	por !p2, p0  }
0x20: {  	[sflag:s8] =	ssyncset.s32 @!p0 $0xFFFFF086;
	s6 =	sadd.s32 @!p0 s3, s7;
	s7 =	simm.s32 @!p0 $0x108  }
0x21: {  	s3 =	sadd.s32 s3, s9;
	s6 =	sadd.s32 @!p0 $0x88, s6;
	s7 =	simm.s32 @p2 $0x1082  }
0x22: {  	[simem:s7], [sflag:s8] =	dma.local @!p0 [hbm:s6], $0xF7A  }
0x23: {  	s9 =	sor.u32 $0xD0000000, s2;
	s6 =	simm.s32 $0x108;
	_ =	swait.ge @!p0 [sflag:s8], $0x0  }
0x24: {  	s3 =	sadd.s32 $0x88, s3;
	s6 =	simm.s32 @!p1 $0x1082;
	[sflag:s4] =	ssyncset.s32 $0xFFFFF086  }
0x25: {  	[simem:s6], [sflag:s4] =	dma.local [hbm:s3], $0xF7A  }
0x26: {  	[smem:$0x3F97] =	sst s1;
	(tag) =	ssettag s2;
	_ =	strace s9  }
0x27: {  	s1 =	sld [smem:$0x3FA7]  }
0x28: {  	s2 =	sld [smem:$0x3FA8]  }
0x29: {  	s4 =	sld [smem:$0x3FAA]  }
0x2a: {  	p0 =	seq.s32 s5, $0x0;
	s5 =	sld [smem:$0x3FAB]  }
0x2b: {  	s6 =	sld [smem:$0x3FAC]  }
0x2c: {  	s7 =	sld [smem:$0x3FAD]  }
0x2d: {  	s3 =	simm.s32 $0x108;
	s8 =	sld [smem:$0x3FAE]  }
0x2e: {  	s3 =	simm.s32 @!p0 $0x1082;
	s9 =	sld [smem:$0x3FAF]  }
0x2f: {  	lr =	sadd.s32 s0, s3;
	s0 =	sld [smem:$0x3FA6]  }
0x30: {  	s3 =	sld [smem:$0x3FA9]  }
0x31: {  	[smem:$0x3FB2] =	sst s10  }
0x32: {  	s10 =	sld [smem:$0x3FB0];
	_ =	sdelay $0x3  }
0x33: {  	p0 =	seq.s32 s10, $0x1;
	s10 =	sld [smem:$0x3FB2];
	_ =	sdelay $0x3  }
0x34: {  	[smem:$0x3FB2] =	sst s10  }
0x35: {  	s10 =	sld [smem:$0x3FB1];
	_ =	sdelay $0x3  }
0x36: {  	p1 =	seq.s32 s10, $0x1;
	s10 =	sld [smem:$0x3FB2];
	_ =	sdelay $0x3  }
0x37: {  	[smem:$0x3FB2] =	sst s10  }
0x38: {  	s10 =	sld [smem:$0x3FB3]  }
0x39: {  	_ = 	snop;
	(pc) =	sbr.ind lr, $3  }
0x3a: {  	_ = 	snop  }
0x3b: {  	_ = 	snop  }
0x3c: {  	p2 =	seq.s32 s10, $0x1;
	s10 =	sld [smem:$0x3FB2]  }
0x3d: {  	_ =	shalt  }
0x3e: {  	_ =	shalt  }
0x3f: {  	_ =	shalt  }
0x40: {  	_ =	shalt  }
0x41: {  	_ =	shalt  }
0x42: {  	_ =	shalt  }
0x43: {  	_ =	shalt  }
0x44: {  	_ =	shalt  }
0x45: {  	_ =	shalt  }
0x46: {  	_ =	shalt  }
0x47: {  	_ =	shalt  }
0x48: {  	_ =	shalt  }
0x49: {  	_ =	shalt  }
0x4a: {  	_ =	shalt  }
0x4b: {  	_ =	shalt  }
0x4c: {  	_ =	shalt  }
0x4d: {  	_ =	shalt  }
0x4e: {  	_ =	shalt  }
0x4f: {  	_ =	shalt  }
0x50: {  	_ =	shalt  }
0x51: {  	_ =	shalt  }
0x52: {  	_ =	shalt  }
0x53: {  	_ =	shalt  }
0x54: {  	_ =	shalt  }
0x55: {  	_ =	shalt  }
0x56: {  	_ =	shalt  }
0x57: {  	_ =	shalt  }
0x58: {  	_ =	shalt  }
0x59: {  	_ =	shalt  }
0x5a: {  	_ =	shalt  }
0x5b: {  	_ =	shalt  }
0x5c: {  	_ =	shalt  }
0x5d: {  	_ =	shalt  }
0x5e: {  	_ =	shalt  }
0x5f: {  	_ =	shalt  }
0x60: {  	_ =	shalt  }
0x61: {  	_ =	shalt  }
0x62: {  	_ =	shalt  }
0x63: {  	_ =	shalt  }
0x64: {  	_ =	shalt  }
0x65: {  	_ =	shalt  }
0x66: {  	_ =	shalt  }
0x67: {  	_ =	shalt  }
0x68: {  	_ =	shalt  }
0x69: {  	_ =	shalt  }
0x6a: {  	_ =	shalt  }
0x6b: {  	_ =	shalt  }
0x6c: {  	_ =	shalt  }
0x6d: {  	_ =	shalt  }
0x6e: {  	_ =	shalt  }
0x6f: {  	_ =	shalt  }
0x70: {  	_ =	shalt  }
0x71: {  	_ =	shalt  }
0x72: {  	_ =	shalt  }
0x73: {  	_ =	shalt  }
0x74: {  	_ =	shalt  }
0x75: {  	_ =	shalt  }
0x76: {  	_ =	shalt  }
0x77: {  	_ =	shalt  }
0x78: {  	_ =	shalt  }
0x79: {  	_ =	shalt  }
0x7a: {  	_ =	shalt  }
0x7b: {  	_ =	shalt  }
0x7c: {  	_ =	shalt  }
0x7d: {  	_ =	shalt  }
0x7e: {  	_ =	shalt  }
0x7f: {  	_ =	shalt  }
0x80: {  	_ =	shalt  }
0x81: {  	_ =	shalt  }
0x82: {  	_ =	shalt  }
0x83: {  	_ =	shalt  }
0x84: {  	_ =	shalt  }
0x85: {  	_ =	shalt  }
0x86: {  	_ =	shalt  }
0x87: {  	_ =	shalt  }
.Lfunc_end0:
.L_simem_size_0:
called_computation.1_lowered:
.L_overlay_start_0:
0x88: {  	s2 =	sld [smem:$0x3FD9]  }
0x89: {  	s3 =	sld [smem:$0x3FFE];
	_ =	sdelay $0x1  }
0x8a: {  	s1 =	srdreg.scid  }
0x8b: {  	s0 =	sand.u32 $0x1, s1  }
0x8c: {  	s17 =	sshll.u32 s0, $0xA;
	s2 =	sadd.s32 s3, s2  }
0x8d: {  	s2 =	sadd.s32 s2, s17  }
0x8e: {  	[smem:$0x3FBE] =	sst s2  }
0x8f: {  	_ = 	snop  }
0x90: {  	s2 =	sld [smem:$0x3FD0];
	(tm) =	ssettm $0x1  }
0x91: {  	s18 =	sld [smem:$0x3FFB];
	_ =	sdelay $0x3  }
0x92: {  	_ =	strace s18  }
0x93: {  	s3 =	sld [smem:$0x3FFC];
	_ =	sdelay $0x3  }
0x94: {  	_ =	strace s3  }
0x95: {  	s3 =	sld [smem:$0x3FFD];
	_ =	sdelay $0x3  }
0x96: {  	_ =	strace s3  }
0x97: {  	_ =	strace $0x8FFFFFFF  }
0x98: {  	s19 =	sld [smem:$0x3FDB];
	_ =	sdelay $0x1  }
0x99: {  	s4 =	simm.s32 $_scs_section_size  }
0x9a: {  	s5 =	simm.s32 $_size__tile_overlayer_lowered;
	s6 =	simm.s32 $_tile_overlayer_lowered  }
0x9b: {  	s22 =	simm.s32 $0x1BFF;
	s21 =	sshll.u32 s6, $0x1;
	s3 =	sadd.s32 s4, s19  }
0x9c: {  	s7 =	simm.s32 $0x0;
	s20 =	sshll.u32 s5, $0x1;
	s5 =	sadd.s32 s21, s3  }
0x9d: {  	[timem:s7], [sflag:s22] =	dma.local [hbm:s5], s20  }
0x9e: {  	_ =	swait.ge [sflag:s22], s20  }
0x9f: {  	s4 =	ssub.s32 $0x0, s20;
	[sflag:s22] =	ssyncset.done $0x0  }
0xa0: {  	[sflag:s22] =	ssyncadd.s32 s4;
	_ =	sdelay $0x1  }
0xa1: {  	s23 =	simm.s32 $0x1B8B  }
0xa2: {  	_ =	swait.ge [sflag:s23], $0x1  }
0xa3: {  	[sflag:s23] =	ssyncset.done $0x0  }
0xa4: {  	s25 =	simm.s32 $0x1B8E;
	s24 =	sld [smem:$0x3FFE];
	[sflag:s23] =	ssyncadd.s32 $0xFFFFFFFF  }
0xa5: {  	s26 =	simm.s32 $execute0_lowered;
	[smem:$0x3FD2] =	sst s25  }
0xa6: {  	s5 =	sshll.u32 s26, $0x1;
	_ =	strace $0x80000049;
	[dreg:$0x1] =	wrdreg $0xFFFFFFFF  }
0xa7: {  	s28 =	simm.s32 $_size_execute0_lowered;
	s3 =	sadd.s32 s3, s5;
	[dreg:$0x0] =	wrdreg $0x0  }
0xa8: {  	s5 =	sshll.u32 s28, $0x1;
	[dreg:$0x2] =	wrdreg s3  }
0xa9: {  	[dreg:$0x3] =	wrdreg s5  }
0xaa: {  	[dreg:$0x4] =	wrdreg $0xC0  }
0xab: {  	_ =	task [dreg:s7], $0x5FFFF  }
0xac: {  	[dreg:$0x1] =	wrdreg $0xFFFFFFFF  }
0xad: {  	[dreg:$0x0] =	wrdreg $0x60  }
0xae: {  	[dreg:$0x2] =	wrdreg s2  }
0xaf: {  	[dreg:$0x3] =	wrdreg s24  }
0xb0: {  	[dreg:$0x4] =	wrdreg $0x131800  }
0xb1: {  	[dreg:$0x5] =	wrdreg $0x9  }
0xb2: {  	_ =	task.clear_ibuf [dreg:s7], $0x6FFFF;
	_ =	strace $0x90000049  }
0xb3: {  	s29 =	simm.s32 $0x9;
	_ =	strace $0x8000004B  }
0xb4: {  	_ =	swait.ge [sflag:s29], $0x1  }
0xb5: {  	[sflag:s29] =	ssyncadd.s32 $0xFFFFFFFF  }
0xb6: {  	_ =	strace $0x9000004B  }
0xb7: {  	_ =	sfence  }
0xb8: {  	s30 =	sld [smem:$0x0];
	_ =	sdelay $0x2  }
0xb9: {  	s31 =	sshll.u32 s1, $0xD;
	s1 =	sshrl.u32 s1, $0x2  }
0xba: {  	s3 =	sand.u32 $0x4000, s31;
	s1 =	sadd.s32 s1, s30  }
0xbb: {  	s0 =	sor.u32 s3, s0;
	s1 =	sshll.u32 s1, $0x11  }
0xbc: {  	s0 =	sor.u32 s1, s0  }
0xbd: {  	s0 =	sadd.s32 $0x8F2B, s0  }
0xbe: {  	[sflag:s0] =	ssyncadd.remote.s32 $0x1  }
0xbf: {  	_ =	sfence.sel $0xFFFF  }
0xc0: {  	[dreg:$0x0] =	wrdreg $0xFFFFFFFF;
	(pc) =	sbr.abs _section_cstart, $3  }
0xc1: {  	[dreg:$0x1] =	wrdreg $0xFFFFFFFF  }
0xc2: {  	_ =	task.clear_ibuf [dreg:s7], $0x2FFFF;
	_ =	strace $0x9FFFFFFF  }
0xc3: {  	(tm) =	ssettm $0x7FFFFFFF  }
tec
execute0_lowered:
.L_overlay_start_1:
0x0: {  	(tag) =	ssettag $0x1  }
0x1: {  	s0 =	rddreg [dreg:$0x0]  }
0x2: {  	s6 =	rddreg [dreg:$0x1];
	s1 =	srdreg.scid  }
0x3: {  	s3 =	rddreg [dreg:$0x2];
	s26 =	stileid.u32  }
0x4: {  	s4 =	simm.s32 $0x0;
	s19 =	simm.s32 $0x2;
	s8 =	smul.u32 $0xA000, s26  }
0x5: {  	s20 =	simm.s32 $0x0;
	s7 =	sand.u32 $0x1, s1;
	s11 =	smul.u32 $0x28000, s26  }
0x6: {  	[smem:$0x7FF] =	sst s4;
	s9 =	sadd.s32 $0x2C00, s6;
	s13 =	smul.u32 $0x4F00, s26  }
0x7: {  	s10 =	sadd.s32 $0xCA00, s6;
	s30 =	sshll.u32 s26, $0x6;
	s5 =	smul.u32 $0xA0000, s7  }
0x8: {  	_ =	strace $0x8000004A;
	s28 =	ssub.s32 $0x2, s7;
	s18 =	smul.u32 $0x1400, s7  }
0x9: {  	s29 =	sshrl.u32 s28, $0x1;
	s11 =	sshrl.u32 s11, $0x2;
	s31 =	sshrl.u32 s13, $0x3  }
0xa: {  	s5 =	sadd.s32 s8, s5;
	s14 =	ssub.s32 s28, s29;
	s15 =	sadd.s32 s11, s3  }
0xb: {  	s7 =	sadd.s32 s9, s31;
	s11 =	sadd.s32 $0x4F0, s31;
	v0 =	vmov s18;
	s18 =	simm.s32 $0xA180  }
0xc: {  	s8 =	sshrl.u32 s5, $0x3;
	s5 =	sadd.s32 $0x16800, s6;
	s9 =	sadd.s32 s9, s11  }
0xd: {  	s13 =	sshrl.u32 s15, $0x3;
	s15 =	simm.s32 $0x2780;
	s12 =	sadd.s32 s8, s6  }
0xe: {  	s6 =	sor.u32 $0x1C03, s30;
	s8 =	sadd.s32 s10, s31;
	s10 =	sadd.s32 s10, s11  }
0xf: {  	v1 =	vimm.s32 $0x1400;
	s11 =	sadd.s32 $0x17C00, s12;
	s12 =	smax.u32 s14, $0x1;
	s14 =	simm.s32 $0x3  }
.LBB2_1:
0x10: {  	[spmem:s13], [sflag:s6] =	dma.local [hbm:s5], $0x1400  }
0x11: {  	_ =	swait.ge [sflag:s14], $0x1400  }
0x12: {  	[sflag:s14] =	ssyncset.done $0x0  }
0x13: {  	[sflag:s14] =	ssyncadd.s32 $0xFFFFEC00  }
0x14: {  	[tilespmem:s4], [sflag:$0x3] =	stream.linear.gather [hbm4b:s7+s4], $0x2780, $0x38;
	[tilespmem:$0x1D1C0] =	vst v63  }
0x15: {  	_ =	swait.ge [sflag:s14], $0x2780  }
0x16: {  	[sflag:s14] =	ssyncset.done $0x0  }
0x17: {  	[sflag:s14] =	ssyncadd.s32 $0xFFFFD880  }
0x18: {  	[tilespmem:s15], [sflag:$0x3] =	stream.linear.gather [hbm4b:s8+s4], $0x2780, $0x38;
	[tilespmem:$0x1D1C0] =	vst v63  }
0x19: {  	_ =	swait.ge [sflag:s14], $0x2780  }
0x1a: {  	[sflag:s14] =	ssyncset.done $0x0  }
0x1b: {  	s21 =	simm.s32 $0x27A0;
	[sflag:s14] =	ssyncadd.s32 $0xFFFFD880  }
0x1c: {  	s22 =	simm.s32 $0x20;
	v2 =	vld [tilespmem:s21+$0xFFFFFFE0]  }
0x1d: {  	v3 =	vld [tilespmem:s22+$0xFFFFFFE0];
	_ =	sdelay $0x3  }
0x1e: {  	v2 =	vsub.s32 v2, v0  }
0x1f: {  	v3 =	vshll.u32 v3, $0xD;
	vm0 =	vlt.u32 v2, $0x1400;
	v2 =	vand.u32 $0x1FFF, v2  }
0x20: {  	v2 =	vor.u32 v3, v2;
	v3 =	vmpcnt.ones.xlane vm0  }
0x21: {  	[tilespmem:s4+$0x4F00] =	vst.msk vm0, v2  }
0x22: {  	v2 =	vld [tilespmem:s21+$0xFFFFFFF0];
	(v2sf) =	vpush v3, $0x0;
	_ =	sdelay $0x4  }
0x23: {  	v2 =	vsub.s32 v2, v0  }
0x24: {  	vm0 =	vlt.u32 v2, $0x1400  }
0x25: {  	v3 =	vmpcnt.ones.xlane vm0;
	_ =	sdelay $0x1  }
0x26: {  	(v2sf) =	vpush v3, $0x0  }
0x27: {  	v3 =	vld [tilespmem:s22+$0xFFFFFFF0];
	_ =	sdelay $0x4  }
0x28: {  	v2 =	vand.u32 $0x1FFF, v2;
	v3 =	vshll.u32 v3, $0xD;
	s23 =	spop (v2sf)  }
0x29: {  	v2 =	vor.u32 v3, v2;
	s23 =	sadd.s32 $0x0, s23  }
0x2a: {  	[tilespmem:s23+$0x4F00] =	vst.msk vm0, v2  }
0x2b: {  	v2 =	vld [tilespmem:s21+$0x0]  }
0x2c: {  	v3 =	vld [tilespmem:s22+$0x0];
	_ =	sdelay $0x3  }
0x2d: {  	v2 =	vsub.s32 v2, v0  }
0x2e: {  	v3 =	vshll.u32 v3, $0xD;
	vm0 =	vlt.u32 v2, $0x1400;
	v2 =	vand.u32 $0x1FFF, v2;
	s24 =	spop (v2sf)  }
0x2f: {  	s23 =	sadd.s32 s23, s24;
	v2 =	vor.u32 v3, v2;
	v3 =	vmpcnt.ones.xlane vm0  }
0x30: {  	[tilespmem:s23+$0x4F00] =	vst.msk vm0, v2  }
0x31: {  	v2 =	vld [tilespmem:s21+$0x10];
	(v2sf) =	vpush v3, $0x0;
	_ =	sdelay $0x4  }
0x32: {  	v2 =	vsub.s32 v2, v0  }
0x33: {  	vm0 =	vlt.u32 v2, $0x1400  }
0x34: {  	v3 =	vmpcnt.ones.xlane vm0;
	_ =	sdelay $0x1  }
0x35: {  	(v2sf) =	vpush v3, $0x0  }
0x36: {  	v3 =	vld [tilespmem:s22+$0x10];
	_ =	sdelay $0x4  }
0x37: {  	v2 =	vand.u32 $0x1FFF, v2;
	v3 =	vshll.u32 v3, $0xD;
	s31 =	spop (v2sf)  }
0x38: {  	v2 =	vor.u32 v3, v2;
	s24 =	sadd.s32 s23, s31  }
0x39: {  	s21 =	simm.s32 $0x27E0;
	[tilespmem:s24+$0x4F00] =	vst.msk vm0, v2  }
0x3a: {  	s22 =	simm.s32 $0x60;
	v2 =	vld [tilespmem:s21+$0xFFFFFFE0]  }
0x3b: {  	v3 =	vld [tilespmem:s22+$0xFFFFFFE0];
	_ =	sdelay $0x3  }
0x3c: {  	v4 =	vsub.s32 v2, v0  }
0x3d: {  	s23 =	simm.s32 $0x4;
	v2 =	vshll.u32 v3, $0xD;
	vm0 =	vlt.u32 v4, $0x1400;
	v3 =	vand.u32 $0x1FFF, v4;
	s25 =	spop (v2sf)  }
.LBB2_2:
0x3e: {  	s23 =	sadd.s32 $0x4, s23;
	v2 =	vor.u32 v2, v3;
	v3 =	vmpcnt.ones.xlane vm0;
	s24 =	sadd.s32 s24, s25  }
0x3f: {  	p0 =	slt.u32 s23, $0x26C;
	[tilespmem:s24+$0x4F00] =	vst.msk vm0, v2  }
0x40: {  	v2 =	vld [tilespmem:s21+$0xFFFFFFF0];
	(v2sf) =	vpush v3, $0x0;
	_ =	sdelay $0x4  }
0x41: {  	v2 =	vsub.s32 v2, v0  }
0x42: {  	vm0 =	vlt.u32 v2, $0x1400;
	v2 =	vand.u32 $0x1FFF, v2  }
0x43: {  	v3 =	vmpcnt.ones.xlane vm0;
	_ =	sdelay $0x1  }
0x44: {  	(v2sf) =	vpush v3, $0x0  }
0x45: {  	v3 =	vld [tilespmem:s22+$0xFFFFFFF0];
	_ =	sdelay $0x4  }
0x46: {  	v3 =	vshll.u32 v3, $0xD;
	s25 =	spop (v2sf)  }
0x47: {  	s24 =	sadd.s32 s24, s25;
	v2 =	vor.u32 v3, v2  }
0x48: {  	[tilespmem:s24+$0x4F00] =	vst.msk vm0, v2  }
0x49: {  	v2 =	vld [tilespmem:s21+$0x0]  }
0x4a: {  	v3 =	vld [tilespmem:s22+$0x0];
	_ =	sdelay $0x3  }
0x4b: {  	v2 =	vsub.s32 v2, v0  }
0x4c: {  	vm0 =	vlt.u32 v2, $0x1400;
	v3 =	vshll.u32 v3, $0xD;
	v2 =	vand.u32 $0x1FFF, v2;
	s25 =	spop (v2sf)  }
0x4d: {  	s24 =	sadd.s32 s24, s25;
	v2 =	vor.u32 v3, v2;
	v3 =	vmpcnt.ones.xlane vm0  }
0x4e: {  	[tilespmem:s24+$0x4F00] =	vst.msk vm0, v2  }
0x4f: {  	v2 =	vld [tilespmem:s21+$0x10];
	(v2sf) =	vpush v3, $0x0  }
0x50: {  	v3 =	vld [tilespmem:s22+$0x10];
	_ =	sdelay $0x3  }
0x51: {  	v2 =	vsub.s32 v2, v0  }
0x52: {  	vm0 =	vlt.u32 v2, $0x1400;
	v2 =	vand.u32 $0x1FFF, v2  }
0x53: {  	v4 =	vmpcnt.ones.xlane vm0;
	_ =	sdelay $0x1  }
0x54: {  	(v2sf) =	vpush v4, $0x0;
	_ =	sdelay $0x5  }
0x55: {  	v3 =	vshll.u32 v3, $0xD;
	s25 =	spop (v2sf)  }
0x56: {  	v2 =	vor.u32 v3, v2;
	s24 =	sadd.s32 s24, s25  }
0x57: {  	s21 =	sadd.s32 $0x40, s21;
	[tilespmem:s24+$0x4F00] =	vst.msk vm0, v2  }
0x58: {  	s22 =	sadd.s32 $0x40, s22;
	v2 =	vld [tilespmem:s21+$0xFFFFFFE0]  }
0x59: {  	v3 =	vld [tilespmem:s22+$0xFFFFFFE0]  }
.Ltmp0:
0x5a: {  	(pc) =	sbr.rel @p0 .LBB2_2-.Ltmp0, $3  }
0x5b: {  	_ =	sdelay $0x1  }
0x5c: {  	v4 =	vsub.s32 v2, v0  }
0x5d: {  	vm0 =	vlt.u32 v4, $0x1400;
	v2 =	vshll.u32 v3, $0xD;
	v3 =	vand.u32 $0x1FFF, v4;
	s25 =	spop (v2sf)  }
0x5e: {  	v4 =	vmpcnt.ones.xlane vm0;
	_ =	sdelay $0x1  }
0x5f: {  	(v2sf) =	vpush v4, $0x0;
	_ =	sdelay $0x6  }
0x60: {  	v2 =	vor.u32 v2, v3;
	s23 =	sadd.s32 s24, s25  }
0x61: {  	[tilespmem:s23+$0x4F00] =	vst.msk vm0, v2  }
0x62: {  	v2 =	vld [tilespmem:s21+$0xFFFFFFF0]  }
0x63: {  	v3 =	vld [tilespmem:s22+$0xFFFFFFF0];
	_ =	sdelay $0x3  }
0x64: {  	v2 =	vsub.s32 v2, v0  }
0x65: {  	v3 =	vshll.u32 v3, $0xD;
	vm0 =	vlt.u32 v2, $0x1400;
	v2 =	vand.u32 $0x1FFF, v2;
	s16 =	spop (v2sf)  }
0x66: {  	v4 =	vmpcnt.ones.xlane vm0;
	v2 =	vor.u32 v3, v2;
	s23 =	sadd.s32 s23, s16  }
0x67: {  	[tilespmem:s23+$0x4F00] =	vst.msk vm0, v2  }
0x68: {  	(v2sf) =	vpush v4, $0x0;
	v2 =	vld [tilespmem:s21+$0x0];
	_ =	sdelay $0x4  }
0x69: {  	v2 =	vsub.s32 v2, v0  }
0x6a: {  	vm0 =	vlt.u32 v2, $0x1400  }
0x6b: {  	v3 =	vmpcnt.ones.xlane vm0;
	_ =	sdelay $0x1  }
0x6c: {  	(v2sf) =	vpush v3, $0x0  }
0x6d: {  	v3 =	vld [tilespmem:s22+$0x0];
	_ =	sdelay $0x4  }
0x6e: {  	v2 =	vand.u32 $0x1FFF, v2;
	s17 =	spop (v2sf);
	v3 =	vshll.u32 v3, $0xD  }
0x6f: {  	s23 =	sadd.s32 s23, s17;
	v2 =	vor.u32 v3, v2  }
0x70: {  	[tilespmem:s23+$0x4F00] =	vst.msk vm0, v2  }
0x71: {  	v2 =	vld [tilespmem:s21+$0x10]  }
0x72: {  	v3 =	vld [tilespmem:s22+$0x10];
	_ =	sdelay $0x3  }
0x73: {  	v2 =	vsub.s32 v2, v0  }
0x74: {  	v3 =	vshll.u32 v3, $0xD;
	v4 =	vand.u32 $0x1FFF, v2;
	s22 =	spop (v2sf)  }
0x75: {  	vm0 =	vlt.u32 v2, $0x1400;
	v2 =	vor.u32 v3, v4;
	s21 =	sadd.s32 s23, s22  }
0x76: {  	[tilespmem:s21+$0x4F00] =	vst.msk vm0, v2  }
0x77: {  	v2 =	vld [tilespmem:$0x4E80];
	_ =	sdelay $0x2  }
0x78: {  	v3 =	vmpcnt.ones.xlane vm0;
	_ =	sdelay $0x1  }
0x79: {  	(v2sf) =	vpush v3, $0x0;
	v2 =	vsub.s32 v2, v0  }
0x7a: {  	vm0 =	vlt.u32 v2, $0x1400  }
0x7b: {  	v3 =	vmpcnt.ones.xlane vm0;
	_ =	sdelay $0x1  }
0x7c: {  	(v2sf) =	vpush v3, $0x0;
	_ =	sdelay $0x5  }
0x7d: {  	v3 =	vld [tilespmem:$0x2700];
	_ =	sdelay $0x4  }
0x7e: {  	v2 =	vand.u32 $0x1FFF, v2;
	s24 =	spop (v2sf);
	v3 =	vshll.u32 v3, $0xD  }
0x7f: {  	s21 =	sadd.s32 s21, s24;
	v2 =	vor.u32 v3, v2  }
0x80: {  	[tilespmem:s21+$0x4F00] =	vst.msk vm0, v2  }
0x81: {  	[tilespmem:s4], [sflag:$0x3] =	stream.linear.gather [hbm4b:s9+s4], $0x2780, $0x38;
	[tilespmem:$0x1D1C0] =	vst v63  }
0x82: {  	s25 =	spop (v2sf)  }
0x83: {  	_ =	swait.ge [sflag:s14], $0x2780  }
0x84: {  	[sflag:s14] =	ssyncset.done $0x0  }
0x85: {  	[sflag:s14] =	ssyncadd.s32 $0xFFFFD880  }
0x86: {  	[tilespmem:s15], [sflag:$0x3] =	stream.linear.gather [hbm4b:s10+s4], $0x2780, $0x38;
	[tilespmem:$0x1D1C0] =	vst v63  }
0x87: {  	_ =	swait.ge [sflag:s14], $0x2780  }
0x88: {  	[sflag:s14] =	ssyncset.done $0x0  }
0x89: {  	s26 =	simm.s32 $0x27A0;
	[sflag:s14] =	ssyncadd.s32 $0xFFFFD880  }
0x8a: {  	s28 =	simm.s32 $0x20;
	v2 =	vld [tilespmem:s26+$0xFFFFFFE0]  }
0x8b: {  	v3 =	vld [tilespmem:s28+$0xFFFFFFE0];
	_ =	sdelay $0x3  }
0x8c: {  	v2 =	vsub.s32 v2, v0  }
0x8d: {  	v3 =	vshll.u32 v3, $0xD;
	vm0 =	vlt.u32 v2, $0x1400;
	v2 =	vand.u32 $0x1FFF, v2  }
0x8e: {  	s21 =	sadd.s32 s21, s25;
	v2 =	vor.u32 v3, v2;
	v3 =	vmpcnt.ones.xlane vm0  }
0x8f: {  	[tilespmem:s21+$0x4F00] =	vst.msk vm0, v2  }
0x90: {  	v2 =	vld [tilespmem:s26+$0xFFFFFFF0];
	(v2sf) =	vpush v3, $0x0;
	_ =	sdelay $0x4  }
0x91: {  	v2 =	vsub.s32 v2, v0  }
0x92: {  	vm0 =	vlt.u32 v2, $0x1400  }
0x93: {  	v3 =	vmpcnt.ones.xlane vm0;
	_ =	sdelay $0x1  }
0x94: {  	(v2sf) =	vpush v3, $0x0  }
0x95: {  	v3 =	vld [tilespmem:s28+$0xFFFFFFF0];
	_ =	sdelay $0x4  }
0x96: {  	v2 =	vand.u32 $0x1FFF, v2;
	v3 =	vshll.u32 v3, $0xD;
	s29 =	spop (v2sf)  }
0x97: {  	v2 =	vor.u32 v3, v2;
	s21 =	sadd.s32 s21, s29  }
0x98: {  	[tilespmem:s21+$0x4F00] =	vst.msk vm0, v2  }
0x99: {  	v2 =	vld [tilespmem:s26+$0x0]  }
0x9a: {  	v3 =	vld [tilespmem:s28+$0x0];
	_ =	sdelay $0x3  }
0x9b: {  	v2 =	vsub.s32 v2, v0  }
0x9c: {  	v3 =	vshll.u32 v3, $0xD;
	vm0 =	vlt.u32 v2, $0x1400;
	v2 =	vand.u32 $0x1FFF, v2;
	s30 =	spop (v2sf)  }
0x9d: {  	s21 =	sadd.s32 s21, s30;
	v2 =	vor.u32 v3, v2;
	v3 =	vmpcnt.ones.xlane vm0  }
0x9e: {  	[tilespmem:s21+$0x4F00] =	vst.msk vm0, v2  }
0x9f: {  	v2 =	vld [tilespmem:s26+$0x10];
	(v2sf) =	vpush v3, $0x0;
	_ =	sdelay $0x4  }
0xa0: {  	v2 =	vsub.s32 v2, v0  }
0xa1: {  	vm0 =	vlt.u32 v2, $0x1400  }
0xa2: {  	v3 =	vmpcnt.ones.xlane vm0;
	_ =	sdelay $0x1  }
0xa3: {  	(v2sf) =	vpush v3, $0x0  }
0xa4: {  	v3 =	vld [tilespmem:s28+$0x10];
	_ =	sdelay $0x4  }
0xa5: {  	v2 =	vand.u32 $0x1FFF, v2;
	v3 =	vshll.u32 v3, $0xD;
	s31 =	spop (v2sf)  }
0xa6: {  	v2 =	vor.u32 v3, v2;
	s24 =	sadd.s32 s21, s31  }
0xa7: {  	s21 =	simm.s32 $0x27E0;
	[tilespmem:s24+$0x4F00] =	vst.msk vm0, v2  }
0xa8: {  	s22 =	simm.s32 $0x60;
	v2 =	vld [tilespmem:s21+$0xFFFFFFE0]  }
0xa9: {  	v3 =	vld [tilespmem:s22+$0xFFFFFFE0];
	_ =	sdelay $0x3  }
0xaa: {  	v4 =	vsub.s32 v2, v0  }
0xab: {  	s23 =	simm.s32 $0x4;
	v2 =	vshll.u32 v3, $0xD;
	vm0 =	vlt.u32 v4, $0x1400;
	v3 =	vand.u32 $0x1FFF, v4;
	s25 =	spop (v2sf)  }
.LBB2_4:
0xac: {  	s23 =	sadd.s32 $0x4, s23;
	v2 =	vor.u32 v2, v3;
	v3 =	vmpcnt.ones.xlane vm0;
	s24 =	sadd.s32 s24, s25  }
0xad: {  	p0 =	slt.u32 s23, $0x26C;
	[tilespmem:s24+$0x4F00] =	vst.msk vm0, v2  }
0xae: {  	v2 =	vld [tilespmem:s21+$0xFFFFFFF0];
	(v2sf) =	vpush v3, $0x0;
	_ =	sdelay $0x4  }
0xaf: {  	v2 =	vsub.s32 v2, v0  }
0xb0: {  	vm0 =	vlt.u32 v2, $0x1400;
	v2 =	vand.u32 $0x1FFF, v2  }
0xb1: {  	v3 =	vmpcnt.ones.xlane vm0;
	_ =	sdelay $0x1  }
0xb2: {  	(v2sf) =	vpush v3, $0x0  }
0xb3: {  	v3 =	vld [tilespmem:s22+$0xFFFFFFF0];
	_ =	sdelay $0x4  }
0xb4: {  	v3 =	vshll.u32 v3, $0xD;
	s25 =	spop (v2sf)  }
0xb5: {  	s24 =	sadd.s32 s24, s25;
	v2 =	vor.u32 v3, v2  }
0xb6: {  	[tilespmem:s24+$0x4F00] =	vst.msk vm0, v2  }
0xb7: {  	v2 =	vld [tilespmem:s21+$0x0]  }
0xb8: {  	v3 =	vld [tilespmem:s22+$0x0];
	_ =	sdelay $0x3  }
0xb9: {  	v2 =	vsub.s32 v2, v0  }
0xba: {  	vm0 =	vlt.u32 v2, $0x1400;
	v3 =	vshll.u32 v3, $0xD;
	v2 =	vand.u32 $0x1FFF, v2;
	s25 =	spop (v2sf)  }
0xbb: {  	s24 =	sadd.s32 s24, s25;
	v2 =	vor.u32 v3, v2;
	v3 =	vmpcnt.ones.xlane vm0  }
0xbc: {  	[tilespmem:s24+$0x4F00] =	vst.msk vm0, v2  }
0xbd: {  	v2 =	vld [tilespmem:s21+$0x10];
	(v2sf) =	vpush v3, $0x0  }
0xbe: {  	v3 =	vld [tilespmem:s22+$0x10];
	_ =	sdelay $0x3  }
0xbf: {  	v2 =	vsub.s32 v2, v0  }
0xc0: {  	vm0 =	vlt.u32 v2, $0x1400;
	v2 =	vand.u32 $0x1FFF, v2  }
0xc1: {  	v4 =	vmpcnt.ones.xlane vm0;
	_ =	sdelay $0x1  }
0xc2: {  	(v2sf) =	vpush v4, $0x0;
	_ =	sdelay $0x5  }
0xc3: {  	v3 =	vshll.u32 v3, $0xD;
	s25 =	spop (v2sf)  }
0xc4: {  	v2 =	vor.u32 v3, v2;
	s24 =	sadd.s32 s24, s25  }
0xc5: {  	s21 =	sadd.s32 $0x40, s21;
	[tilespmem:s24+$0x4F00] =	vst.msk vm0, v2  }
0xc6: {  	s22 =	sadd.s32 $0x40, s22;
	v2 =	vld [tilespmem:s21+$0xFFFFFFE0]  }
0xc7: {  	v3 =	vld [tilespmem:s22+$0xFFFFFFE0]  }
.Ltmp1:
0xc8: {  	(pc) =	sbr.rel @p0 .LBB2_4-.Ltmp1, $3  }
0xc9: {  	_ =	sdelay $0x1  }
0xca: {  	v4 =	vsub.s32 v2, v0  }
0xcb: {  	vm0 =	vlt.u32 v4, $0x1400;
	v2 =	vshll.u32 v3, $0xD;
	v3 =	vand.u32 $0x1FFF, v4;
	s25 =	spop (v2sf)  }
0xcc: {  	v4 =	vmpcnt.ones.xlane vm0;
	_ =	sdelay $0x1  }
0xcd: {  	(v2sf) =	vpush v4, $0x0;
	_ =	sdelay $0x6  }
0xce: {  	v2 =	vor.u32 v2, v3;
	s23 =	sadd.s32 s24, s25  }
0xcf: {  	[tilespmem:s23+$0x4F00] =	vst.msk vm0, v2  }
0xd0: {  	v2 =	vld [tilespmem:s21+$0xFFFFFFF0]  }
0xd1: {  	v3 =	vld [tilespmem:s22+$0xFFFFFFF0];
	_ =	sdelay $0x3  }
0xd2: {  	v2 =	vsub.s32 v2, v0  }
0xd3: {  	v3 =	vshll.u32 v3, $0xD;
	vm12 =	vlt.u32 v2, $0x1400;
	v2 =	vand.u32 $0x1FFF, v2;
	s16 =	spop (v2sf)  }
0xd4: {  	v61 =	vmpcnt.ones.xlane vm12;
	v2 =	vor.u32 v3, v2;
	s23 =	sadd.s32 s23, s16  }
0xd5: {  	[tilespmem:s23+$0x4F00] =	vst.msk vm12, v2  }
0xd6: {  	(v2sf) =	vpush v61, $0x0;
	v2 =	vld [tilespmem:s21+$0x0];
	_ =	sdelay $0x4  }
0xd7: {  	v2 =	vsub.s32 v2, v0  }
0xd8: {  	vm13 =	vlt.u32 v2, $0x1400  }
0xd9: {  	v3 =	vmpcnt.ones.xlane vm13;
	_ =	sdelay $0x1  }
0xda: {  	(v2sf) =	vpush v3, $0x0  }
0xdb: {  	v3 =	vld [tilespmem:s22+$0x0];
	_ =	sdelay $0x4  }
0xdc: {  	v2 =	vand.u32 $0x1FFF, v2;
	s17 =	spop (v2sf);
	v3 =	vshll.u32 v3, $0xD  }
0xdd: {  	s23 =	sadd.s32 s23, s17;
	v2 =	vor.u32 v3, v2  }
0xde: {  	[tilespmem:s23+$0x4F00] =	vst.msk vm13, v2  }
0xdf: {  	v2 =	vld [tilespmem:s21+$0x10]  }
0xe0: {  	v3 =	vld [tilespmem:s22+$0x10];
	_ =	sdelay $0x3  }
0xe1: {  	v2 =	vsub.s32 v2, v0  }
0xe2: {  	v3 =	vshll.u32 v3, $0xD;
	v62 =	vand.u32 $0x1FFF, v2;
	s24 =	spop (v2sf)  }
0xe3: {  	vm14 =	vlt.u32 v2, $0x1400;
	v2 =	vor.u32 v3, v62;
	s21 =	sadd.s32 s23, s24  }
0xe4: {  	[tilespmem:s21+$0x4F00] =	vst.msk vm14, v2  }
0xe5: {  	v2 =	vld [tilespmem:$0x4E80];
	_ =	sdelay $0x4  }
0xe6: {  	v2 =	vsub.s32 v2, v0  }
0xe7: {  	v3 =	vmpcnt.ones.xlane vm14;
	vm15 =	vlt.u32 v2, $0x1400  }
0xe8: {  	v63 =	vmpcnt.ones.xlane vm15  }
0xe9: {  	(v2sf) =	vpush v3, $0x0  }
0xea: {  	(v2sf) =	vpush v63, $0x0;
	_ =	sdelay $0xd  }
0xeb: {  	s25 =	spop (v2sf)  }
0xec: {  	s21 =	sadd.s32 s21, s25;
	s26 =	spop (v2sf)  }
0xed: {  	s22 =	sadd.s32 s21, s26  }
0xee: {  	s28 =	sadd.s32 $0x5F, s22  }
0xef: {  	s29 =	smulhi.u32 $0x2AAAAAAB, s28;
	s30 =	sshra.s32 s28, $0x1F  }
0xf0: {  	s25 =	smul.u32 $0x2AAAAAAB, s30;
	_ =	sdelay $0x1  }
0xf1: {  	v3 =	vld [tilespmem:$0x2700];
	s24 =	sadd.s32 s25, s29  }
0xf2: {  	s25 =	sshrl.u32 s24, $0x1F;
	s24 =	sshra.s32 s24, $0x4  }
0xf3: {  	s24 =	sadd.s32 s25, s24  }
0xf4: {  	s25 =	smul.u32 $0xFFFFFFA0, s24  }
0xf5: {  	s31 =	ssub.s32 $0xFFFFFFA1, s22  }
0xf6: {  	v3 =	vshll.u32 v3, $0xD;
	v2 =	vand.u32 $0x1FFF, v2;
	p0 =	slt.s32 s28, $0x1;
	p1 =	sne.s32 s25, s31  }
0xf7: {  	v2 =	vor.u32 v3, v2;
	p0 =	por !p0, !p1  }
0xf8: {  	[tilespmem:s21+$0x4F00] =	vst.msk vm15, v2;
	s21 =	simm.s32 $0x1;
	p0 =	por !p0, !p0  }
0xf9: {  	[tilespmem:s22+$0x4F00] =	vst v1;
	s21 =	simm.s32 @!p0 $0x0  }
0xfa: {  	[tilespmem:s22+$0x4F10] =	vst v1;
	s21 =	ssub.s32 s24, s21  }
0xfb: {  	[tilespmem:s22+$0x4F20] =	vst v1;
	p0 =	slt.s32 s21, $0x1  }
.Ltmp2:
0xfc: {  	[tilespmem:s22+$0x4F30] =	vst v1;
	(pc) =	sbr.rel @p0 .LBB2_6-.Ltmp2, $3  }
0xfd: {  	[tilespmem:s22+$0x4F40] =	vst v1  }
0xfe: {  	[tilespmem:s22+$0x4F50] =	vst v1  }
0xff: {  	[bflag:$0x0] =	sbarrier.arrive $0xFFFF;
	_ =	sdelay $0x1  }
0x100: {  	v2 =	vld [tilespmem:$0x4F00];
	_ =	sdelay $0x1  }
0x101: {  	v3 =	vld [tilespmem:$0x4F10];
	_ =	sdelay $0x1  }
0x102: {  	v4 =	vld [tilespmem:$0x4F20]  }
0x103: {  	v5 =	vshrl.u32 v2, $0xD  }
0x104: {  	v62 =	vld [tilespmem:$0x4F30];
	v2 =	vand.u32 $0x1FFF, v2;
	[tilespmem:$0x9D80] =	vst v5  }
0x105: {  	[tilespmem:$0x9F80] =	vst v2;
	v2 =	vshrl.u32 v3, $0xD  }
0x106: {  	[tilespmem:$0x9D90] =	vst v2;
	v2 =	vand.u32 $0x1FFF, v3;
	v3 =	vld [tilespmem:$0x4F40]  }
0x107: {  	[tilespmem:$0x9F90] =	vst v2;
	v2 =	vshrl.u32 v4, $0xD  }
0x108: {  	v63 =	vld [tilespmem:$0x4F50];
	[tilespmem:$0x9DA0] =	vst v2;
	v2 =	vand.u32 $0x1FFF, v4  }
0x109: {  	[tilespmem:$0x9FA0] =	vst v2;
	v2 =	vshrl.u32 v62, $0xD  }
0x10a: {  	[tilespmem:$0x9DB0] =	vst v2;
	v2 =	vand.u32 $0x1FFF, v62  }
0x10b: {  	[tilespmem:$0x9FB0] =	vst v2;
	v2 =	vshrl.u32 v3, $0xD  }
0x10c: {  	[tilespmem:$0x9DC0] =	vst v2;
	v2 =	vand.u32 $0x1FFF, v3  }
0x10d: {  	[tilespmem:$0x9FC0] =	vst v2;
	v2 =	vshrl.u32 v63, $0xD  }
0x10e: {  	[tilespmem:$0x9DD0] =	vst v2;
	v2 =	vand.u32 $0x1FFF, v63  }
0x10f: {  	s1 =	simm.s32 $0x60;
	s2 =	simm.s32 $0x9D80;
	p1 =	seq.s32 s21, $0x1;
	[tilespmem:$0x9FD0] =	vst v2  }
0x110: {  	[tilespmem:s18], [sflag:$0x1] =	stream.indirect.gather [hbm4b:s0+s1], $0x80, s2, s1, $0xb8;
	[tilespmem:$0x1D1C0] =	vst v63  }
0x111: {  	v2 =	vld @!p1 [tilespmem:$0x4F60];
	_ =	sdelay $0x1  }
0x112: {  	v3 =	vld @!p1 [tilespmem:$0x4F70];
	_ =	sdelay $0x1  }
0x113: {  	v4 =	vld @!p1 [tilespmem:$0x4F80]  }
0x114: {  	v5 =	vshrl.u32 @!p1 v2, $0xD  }
0x115: {  	v2 =	vand.u32 @!p1 $0x1FFF, v2;
	[tilespmem:$0x9E00] =	vst @!p1 v5;
	v5 =	vld @!p1 [tilespmem:$0x4F90]  }
0x116: {  	[tilespmem:$0xA000] =	vst @!p1 v2;
	v2 =	vshrl.u32 @!p1 v3, $0xD  }
0x117: {  	[tilespmem:$0x9E10] =	vst @!p1 v2;
	v2 =	vand.u32 @!p1 $0x1FFF, v3;
	v3 =	vld @!p1 [tilespmem:$0x4FA0]  }
0x118: {  	[tilespmem:$0xA010] =	vst @!p1 v2;
	v2 =	vshrl.u32 @!p1 v4, $0xD  }
0x119: {  	[tilespmem:$0x9E20] =	vst @!p1 v2;
	v2 =	vand.u32 @!p1 $0x1FFF, v4;
	v4 =	vld @!p1 [tilespmem:$0x4FB0]  }
0x11a: {  	[tilespmem:$0xA020] =	vst @!p1 v2;
	v2 =	vshrl.u32 @!p1 v5, $0xD  }
0x11b: {  	[tilespmem:$0x9E30] =	vst @!p1 v2;
	v2 =	vand.u32 @!p1 $0x1FFF, v5  }
0x11c: {  	[tilespmem:$0xA030] =	vst @!p1 v2;
	v2 =	vshrl.u32 @!p1 v3, $0xD  }
.Ltmp3:
0x11d: {  	[tilespmem:$0x9E40] =	vst @!p1 v2;
	v2 =	vand.u32 @!p1 $0x1FFF, v3;
	(pc) =	sbr.rel .LBB2_8-.Ltmp3, $4  }
0x11e: {  	[tilespmem:$0xA040] =	vst @!p1 v2;
	v2 =	vshrl.u32 @!p1 v4, $0xD  }
0x11f: {  	p0 =	por $0x0, $0x0;
	s22 =	simm.s32 @!p1 $0x60;
	p2 =	por @!p1 $0x1, $0x1;
	[tilespmem:$0x9E50] =	vst @!p1 v2;
	v2 =	vand.u32 @!p1 $0x1FFF, v4  }
0x120: {  	s23 =	simm.s32 @!p1 $0x9E00;
	s24 =	simm.s32 @!p1 $0xD180;
	p0 =	por @!p1 p2, p2;
	[tilespmem:$0xA050] =	vst @!p1 v2  }
0x121: {  	[tilespmem:s24], [sflag:$0x1] =	stream.indirect.gather @!p1 [hbm4b:s0+s22], $0x80, s23, s22, $0xb8;
	[tilespmem:$0x1D1C0] =	vst v63  }
.LBB2_6:
0x122: {  	p0 =	por $0x0, $0x0  }
.LBB2_8:
0x123: {  	p2 =	sle.s32 s21, $0x0  }
0x124: {  	p1 =	sle.s32 s21, $0x2;
	s22 =	simm.s32 @!p2 $0x1  }
0x125: {  	s23 =	simm.s32 @!p2 $0xA180;
	p3 =	por @!p1 $0x1, $0x1;
	_ =	swait.ge @!p2 [sflag:s22], $0x3000  }
0x126: {  	s24 =	simm.s32 @!p2 $0x60;
	p3 =	por p3, p1;
	[sflag:s22] =	ssyncset.done @!p2 $0x0  }
0x127: {  	s25 =	simm.s32 @!p2 $0x9F80;
	s26 =	simm.s32 @!p3 $0x2;
	[sflag:s22] =	ssyncadd.s32 @!p2 $0xFFFFD000  }
0x128: {  	[spmem:s3] =	stream.indirect.scatter.add.f32 @!p2 [tilespmem:s23], [sflag:$0x2], $0x80, s25, s24, $0xb8;
	[tilespmem:$0x1D1C0] =	vst v63  }
0x129: {  	_ =	swait.ge @!p3 [sflag:s26], $0x3000  }
0x12a: {  	[sflag:s26] =	ssyncset.done @!p3 $0x0  }
0x12b: {  	s23 =	simm.s32 $0x4FF0;
	[sflag:s26] =	ssyncadd.s32 @!p3 $0xFFFFD000  }
0x12c: {  	v2 =	vld @!p1 [tilespmem:s23+$0xFFFFFFD0];
	_ =	sdelay $0x4  }
0x12d: {  	v3 =	vand.u32 @!p1 $0x1FFF, v2  }
0x12e: {  	v2 =	vshrl.u32 @!p1 v2, $0xD;
	[tilespmem:$0xA080] =	vst @!p1 v3  }
0x12f: {  	[tilespmem:$0x9E80] =	vst @!p1 v2  }
0x130: {  	v2 =	vld @!p1 [tilespmem:s23+$0xFFFFFFE0];
	_ =	sdelay $0x4  }
0x131: {  	v3 =	vand.u32 @!p1 $0x1FFF, v2  }
0x132: {  	v2 =	vshrl.u32 @!p1 v2, $0xD;
	[tilespmem:$0xA090] =	vst @!p1 v3  }
0x133: {  	[tilespmem:$0x9E90] =	vst @!p1 v2  }
0x134: {  	v2 =	vld @!p1 [tilespmem:s23+$0xFFFFFFF0];
	_ =	sdelay $0x4  }
0x135: {  	v3 =	vshrl.u32 @!p1 v2, $0xD  }
0x136: {  	v2 =	vand.u32 @!p1 $0x1FFF, v2;
	[tilespmem:$0x9EA0] =	vst @!p1 v3  }
0x137: {  	[tilespmem:$0xA0A0] =	vst @!p1 v2  }
0x138: {  	v2 =	vld @!p1 [tilespmem:s23+$0x0];
	_ =	sdelay $0x4  }
0x139: {  	v3 =	vshrl.u32 @!p1 v2, $0xD  }
0x13a: {  	v2 =	vand.u32 @!p1 $0x1FFF, v2;
	[tilespmem:$0x9EB0] =	vst @!p1 v3  }
0x13b: {  	[tilespmem:$0xA0B0] =	vst @!p1 v2  }
0x13c: {  	v2 =	vld @!p1 [tilespmem:s23+$0x10];
	_ =	sdelay $0x4  }
0x13d: {  	v3 =	vshrl.u32 @!p1 v2, $0xD  }
0x13e: {  	v2 =	vand.u32 @!p1 $0x1FFF, v2;
	[tilespmem:$0x9EC0] =	vst @!p1 v3  }
0x13f: {  	[tilespmem:$0xA0C0] =	vst @!p1 v2  }
0x140: {  	v2 =	vld @!p1 [tilespmem:s23+$0x20];
	_ =	sdelay $0x4  }
0x141: {  	s22 =	sadd.s32 $0xFFFFFFFF, s21;
	v3 =	vshrl.u32 @!p1 v2, $0xD  }
0x142: {  	s24 =	simm.s32 @!p1 $0x10180;
	p3 =	sle.s32 s22, $0x0;
	v2 =	vand.u32 @!p1 $0x1FFF, v2;
	[tilespmem:$0x9ED0] =	vst @!p1 v3  }
0x143: {  	s25 =	simm.s32 @!p1 $0x60;
	s26 =	simm.s32 @!p1 $0x9E80;
	s28 =	simm.s32 @!p3 $0x1;
	[tilespmem:$0xA0D0] =	vst @!p1 v2  }
0x144: {  	[tilespmem:s24], [sflag:$0x1] =	stream.indirect.gather @!p1 [hbm4b:s0+s25], $0x80, s26, s25, $0xb8;
	[tilespmem:$0x1D1C0] =	vst v63  }
0x145: {  	p2 =	sle.s32 s21, $0x3;
	_ =	swait.ge @!p3 [sflag:s28], $0x3000  }
0x146: {  	s30 =	simm.s32 @!p2 $0x2;
	s29 =	simm.s32 @!p3 $0xD180;
	[sflag:s28] =	ssyncset.done @!p3 $0x0  }
0x147: {  	s26 =	simm.s32 @!p3 $0xA000;
	[sflag:s28] =	ssyncadd.s32 @!p3 $0xFFFFD000;
	s28 =	simm.s32 @!p3 $0x60  }
0x148: {  	[spmem:s3] =	stream.indirect.scatter.add.f32 @!p3 [tilespmem:s29], [sflag:$0x2], $0x80, s26, s28, $0xb8;
	[tilespmem:$0x1D1C0] =	vst v63  }
0x149: {  	_ =	swait.ge @!p2 [sflag:s30], $0x3000  }
0x14a: {  	[sflag:s30] =	ssyncset.done @!p2 $0x0  }
0x14b: {  	[sflag:s30] =	ssyncadd.s32 @!p2 $0xFFFFD000  }
0x14c: {  	v2 =	vld @!p2 [tilespmem:s23+$0x30];
	_ =	sdelay $0x4  }
0x14d: {  	v3 =	vshrl.u32 @!p2 v2, $0xD  }
0x14e: {  	v2 =	vand.u32 @!p2 $0x1FFF, v2;
	[tilespmem:$0x9D80] =	vst @!p2 v3  }
0x14f: {  	[tilespmem:$0x9F80] =	vst @!p2 v2  }
0x150: {  	v2 =	vld @!p2 [tilespmem:s23+$0x40];
	_ =	sdelay $0x4  }
0x151: {  	v3 =	vshrl.u32 @!p2 v2, $0xD  }
0x152: {  	v2 =	vand.u32 @!p2 $0x1FFF, v2;
	[tilespmem:$0x9D90] =	vst @!p2 v3  }
0x153: {  	[tilespmem:$0x9F90] =	vst @!p2 v2  }
0x154: {  	v2 =	vld @!p2 [tilespmem:s23+$0x50];
	_ =	sdelay $0x4  }
0x155: {  	v3 =	vshrl.u32 @!p2 v2, $0xD  }
0x156: {  	v2 =	vand.u32 @!p2 $0x1FFF, v2;
	[tilespmem:$0x9DA0] =	vst @!p2 v3  }
0x157: {  	[tilespmem:$0x9FA0] =	vst @!p2 v2  }
0x158: {  	v2 =	vld @!p2 [tilespmem:s23+$0x60];
	_ =	sdelay $0x4  }
0x159: {  	v3 =	vshrl.u32 @!p2 v2, $0xD  }
0x15a: {  	v2 =	vand.u32 @!p2 $0x1FFF, v2;
	[tilespmem:$0x9DB0] =	vst @!p2 v3  }
0x15b: {  	[tilespmem:$0x9FB0] =	vst @!p2 v2  }
0x15c: {  	v2 =	vld @!p2 [tilespmem:s23+$0x70];
	_ =	sdelay $0x4  }
0x15d: {  	v3 =	vshrl.u32 @!p2 v2, $0xD  }
0x15e: {  	v2 =	vand.u32 @!p2 $0x1FFF, v2;
	[tilespmem:$0x9DC0] =	vst @!p2 v3  }
0x15f: {  	[tilespmem:$0x9FC0] =	vst @!p2 v2  }
0x160: {  	v2 =	vld @!p2 [tilespmem:s23+$0x80];
	_ =	sdelay $0x4  }
0x161: {  	v3 =	vshrl.u32 @!p2 v2, $0xD  }
0x162: {  	s26 =	simm.s32 @!p1 $0x1;
	v2 =	vand.u32 @!p2 $0x1FFF, v2;
	[tilespmem:$0x9DD0] =	vst @!p2 v3  }
0x163: {  	s28 =	simm.s32 @!p2 $0x60;
	s29 =	simm.s32 @!p2 $0x9D80;
	s30 =	simm.s32 @!p2 $0xA180;
	[tilespmem:$0x9FD0] =	vst @!p2 v2  }
0x164: {  	[tilespmem:s30], [sflag:$0x1] =	stream.indirect.gather @!p2 [hbm4b:s0+s28], $0x80, s29, s28, $0xb8;
	[tilespmem:$0x1D1C0] =	vst v63  }
0x165: {  	_ =	swait.ge @!p1 [sflag:s26], $0x3000  }
0x166: {  	p3 =	sle.s32 s21, $0x4;
	[sflag:s26] =	ssyncset.done @!p1 $0x0  }
0x167: {  	s28 =	simm.s32 @!p1 $0xA080;
	s29 =	simm.s32 @!p3 $0x2;
	[sflag:s26] =	ssyncadd.s32 @!p1 $0xFFFFD000  }
0x168: {  	[spmem:s3] =	stream.indirect.scatter.add.f32 @!p1 [tilespmem:s24], [sflag:$0x2], $0x80, s28, s25, $0xb8;
	[tilespmem:$0x1D1C0] =	vst v63  }
0x169: {  	_ =	swait.ge @!p3 [sflag:s29], $0x3000  }
0x16a: {  	[sflag:s29] =	ssyncset.done @!p3 $0x0  }
0x16b: {  	[sflag:s29] =	ssyncadd.s32 @!p3 $0xFFFFD000  }
0x16c: {  	v2 =	vld @!p3 [tilespmem:s23+$0x90];
	_ =	sdelay $0x4  }
0x16d: {  	v3 =	vshrl.u32 @!p3 v2, $0xD  }
0x16e: {  	v2 =	vand.u32 @!p3 $0x1FFF, v2;
	[tilespmem:$0x9E00] =	vst @!p3 v3  }
0x16f: {  	[tilespmem:$0xA000] =	vst @!p3 v2  }
0x170: {  	v2 =	vld @!p3 [tilespmem:s23+$0xA0];
	_ =	sdelay $0x4  }
0x171: {  	v3 =	vshrl.u32 @!p3 v2, $0xD  }
0x172: {  	v2 =	vand.u32 @!p3 $0x1FFF, v2;
	[tilespmem:$0x9E10] =	vst @!p3 v3  }
0x173: {  	[tilespmem:$0xA010] =	vst @!p3 v2  }
0x174: {  	s25 =	simm.s32 $0x3;
	s24 =	simm.s32 $0x4FF0;
	v2 =	vld @!p3 [tilespmem:s23+$0xB0]  }
.LBB2_9:
0x175: {  	_ = 	snop  }
0x176: {  	s23 =	sadd.s32 $0x120, s23;
	s26 =	smov.u32 s25;
	s25 =	sadd.s32 $0x3, s25  }
0x177: {  	p1 =	sne.s32 s25, $0xD2;
	_ =	sdelay $0x1  }
0x178: {  	v3 =	vshrl.u32 @!p3 v2, $0xD;
	v2 =	vand.u32 @!p3 $0x1FFF, v2  }
0x179: {  	[tilespmem:$0x9E20] =	vst @!p3 v3  }
0x17a: {  	[tilespmem:$0xA020] =	vst @!p3 v2  }
0x17b: {  	v2 =	vld @!p3 [tilespmem:s24+$0xC0];
	_ =	sdelay $0x4  }
0x17c: {  	v3 =	vshrl.u32 @!p3 v2, $0xD;
	v2 =	vand.u32 @!p3 $0x1FFF, v2  }
0x17d: {  	[tilespmem:$0x9E30] =	vst @!p3 v3  }
0x17e: {  	[tilespmem:$0xA030] =	vst @!p3 v2  }
0x17f: {  	v2 =	vld @!p3 [tilespmem:s24+$0xD0];
	_ =	sdelay $0x2  }
0x180: {  	p4 =	sge.s32 s26, s21  }
0x181: {  	s28 =	simm.s32 @!p4 $0x1  }
0x182: {  	s29 =	sadd.s32 $0x2, s26;
	v3 =	vshrl.u32 @!p3 v2, $0xD;
	v2 =	vand.u32 @!p3 $0x1FFF, v2  }
0x183: {  	s30 =	simm.s32 @!p3 $0xD180;
	[tilespmem:$0x9E40] =	vst @!p3 v3  }
0x184: {  	s31 =	simm.s32 @!p4 $0xA180;
	p2 =	sge.s32 s29, s21;
	s29 =	simm.s32 @!p3 $0x9E00;
	[tilespmem:$0xA040] =	vst @!p3 v2  }
0x185: {  	s16 =	simm.s32 @!p3 $0x60;
	s1 =	simm.s32 @!p4 $0x60;
	s2 =	simm.s32 @!p4 $0x9F80;
	v2 =	vld @!p3 [tilespmem:s24+$0xE0]  }
0x186: {  	s24 =	smov.u32 s23  }
0x187: {  	p5 =	seq.s32 @!p2 s26, $0x0  }
0x188: {  	p5 =	por p5, p2  }
0x189: {  	s17 =	simm.s32 @!p5 $0x2  }
0x18a: {  	v3 =	vshrl.u32 @!p3 v2, $0xD;
	v2 =	vand.u32 @!p3 $0x1FFF, v2  }
0x18b: {  	[tilespmem:$0x9E50] =	vst @!p3 v3  }
0x18c: {  	[tilespmem:$0xA050] =	vst @!p3 v2  }
0x18d: {  	[tilespmem:s30], [sflag:$0x1] =	stream.indirect.gather @!p3 [hbm4b:s0+s16], $0x80, s29, s16, $0xb8;
	[tilespmem:$0x1D1C0] =	vst v63  }
0x18e: {  	_ =	swait.ge @!p4 [sflag:s28], $0x3000  }
0x18f: {  	[sflag:s28] =	ssyncset.done @!p4 $0x0  }
0x190: {  	[sflag:s28] =	ssyncadd.s32 @!p4 $0xFFFFD000  }
0x191: {  	[spmem:s3] =	stream.indirect.scatter.add.f32 @!p4 [tilespmem:s31], [sflag:$0x2], $0x80, s2, s1, $0xb8;
	[tilespmem:$0x1D1C0] =	vst v63  }
0x192: {  	_ =	swait.ge @!p5 [sflag:s17], $0x3000  }
0x193: {  	[sflag:s17] =	ssyncset.done @!p5 $0x0  }
0x194: {  	[sflag:s17] =	ssyncadd.s32 @!p5 $0xFFFFD000  }
0x195: {  	v2 =	vld @!p2 [tilespmem:s23+$0xFFFFFFD0];
	_ =	sdelay $0x4  }
0x196: {  	v3 =	vshrl.u32 @!p2 v2, $0xD;
	v2 =	vand.u32 @!p2 $0x1FFF, v2  }
0x197: {  	[tilespmem:$0xA080] =	vst @!p2 v2  }
0x198: {  	[tilespmem:$0x9E80] =	vst @!p2 v3  }
0x199: {  	v2 =	vld @!p2 [tilespmem:s23+$0xFFFFFFE0];
	_ =	sdelay $0x4  }
0x19a: {  	v3 =	vshrl.u32 @!p2 v2, $0xD;
	v2 =	vand.u32 @!p2 $0x1FFF, v2  }
0x19b: {  	[tilespmem:$0xA090] =	vst @!p2 v2  }
0x19c: {  	[tilespmem:$0x9E90] =	vst @!p2 v3  }
0x19d: {  	v2 =	vld @!p2 [tilespmem:s23+$0xFFFFFFF0];
	_ =	sdelay $0x4  }
0x19e: {  	v3 =	vshrl.u32 @!p2 v2, $0xD;
	v2 =	vand.u32 @!p2 $0x1FFF, v2  }
0x19f: {  	[tilespmem:$0x9EA0] =	vst @!p2 v3  }
0x1a0: {  	[tilespmem:$0xA0A0] =	vst @!p2 v2  }
0x1a1: {  	v2 =	vld @!p2 [tilespmem:s23+$0x0];
	_ =	sdelay $0x4  }
0x1a2: {  	v3 =	vshrl.u32 @!p2 v2, $0xD;
	v2 =	vand.u32 @!p2 $0x1FFF, v2  }
0x1a3: {  	[tilespmem:$0x9EB0] =	vst @!p2 v3  }
0x1a4: {  	[tilespmem:$0xA0B0] =	vst @!p2 v2  }
0x1a5: {  	v2 =	vld @!p2 [tilespmem:s23+$0x10];
	_ =	sdelay $0x4  }
0x1a6: {  	v3 =	vshrl.u32 @!p2 v2, $0xD;
	v2 =	vand.u32 @!p2 $0x1FFF, v2  }
0x1a7: {  	[tilespmem:$0x9EC0] =	vst @!p2 v3  }
0x1a8: {  	p3 =	sge.s32 s26, s22;
	s28 =	simm.s32 @!p2 $0x10180;
	[tilespmem:$0xA0C0] =	vst @!p2 v2  }
0x1a9: {  	s29 =	simm.s32 @!p2 $0x60;
	s1 =	simm.s32 @!p2 $0x9E80;
	s2 =	simm.s32 @!p3 $0x1;
	v2 =	vld @!p2 [tilespmem:s23+$0x20]  }
0x1aa: {  	s16 =	simm.s32 @!p3 $0xA000;
	_ =	sdelay $0x3  }
0x1ab: {  	v3 =	vshrl.u32 @!p2 v2, $0xD;
	v2 =	vand.u32 @!p2 $0x1FFF, v2  }
0x1ac: {  	[tilespmem:$0x9ED0] =	vst @!p2 v3  }
0x1ad: {  	[tilespmem:$0xA0D0] =	vst @!p2 v2  }
0x1ae: {  	[tilespmem:s28], [sflag:$0x1] =	stream.indirect.gather @!p2 [hbm4b:s0+s29], $0x80, s1, s29, $0xb8;
	[tilespmem:$0x1D1C0] =	vst v63  }
0x1af: {  	_ =	swait.ge @!p3 [sflag:s2], $0x3000  }
0x1b0: {  	p4 =	sge.s32 s25, s21;
	s1 =	simm.s32 @!p3 $0xD180;
	[sflag:s2] =	ssyncset.done @!p3 $0x0  }
0x1b1: {  	s17 =	simm.s32 @!p4 $0x2;
	[sflag:s2] =	ssyncadd.s32 @!p3 $0xFFFFD000;
	s2 =	simm.s32 @!p3 $0x60  }
0x1b2: {  	[spmem:s3] =	stream.indirect.scatter.add.f32 @!p3 [tilespmem:s1], [sflag:$0x2], $0x80, s16, s2, $0xb8;
	[tilespmem:$0x1D1C0] =	vst v63  }
0x1b3: {  	_ =	swait.ge @!p4 [sflag:s17], $0x3000  }
0x1b4: {  	[sflag:s17] =	ssyncset.done @!p4 $0x0  }
0x1b5: {  	[sflag:s17] =	ssyncadd.s32 @!p4 $0xFFFFD000  }
0x1b6: {  	v2 =	vld @!p4 [tilespmem:s23+$0x30];
	_ =	sdelay $0x4  }
0x1b7: {  	v3 =	vshrl.u32 @!p4 v2, $0xD;
	v2 =	vand.u32 @!p4 $0x1FFF, v2  }
0x1b8: {  	[tilespmem:$0x9D80] =	vst @!p4 v3  }
0x1b9: {  	[tilespmem:$0x9F80] =	vst @!p4 v2  }
0x1ba: {  	v2 =	vld @!p4 [tilespmem:s23+$0x40];
	_ =	sdelay $0x4  }
0x1bb: {  	v3 =	vshrl.u32 @!p4 v2, $0xD;
	v2 =	vand.u32 @!p4 $0x1FFF, v2  }
0x1bc: {  	[tilespmem:$0x9D90] =	vst @!p4 v3  }
0x1bd: {  	[tilespmem:$0x9F90] =	vst @!p4 v2  }
0x1be: {  	v2 =	vld @!p4 [tilespmem:s23+$0x50];
	_ =	sdelay $0x4  }
0x1bf: {  	v3 =	vshrl.u32 @!p4 v2, $0xD;
	v2 =	vand.u32 @!p4 $0x1FFF, v2  }
0x1c0: {  	[tilespmem:$0x9DA0] =	vst @!p4 v3  }
0x1c1: {  	[tilespmem:$0x9FA0] =	vst @!p4 v2  }
0x1c2: {  	v2 =	vld @!p4 [tilespmem:s23+$0x60];
	_ =	sdelay $0x4  }
0x1c3: {  	v3 =	vshrl.u32 @!p4 v2, $0xD;
	v2 =	vand.u32 @!p4 $0x1FFF, v2  }
0x1c4: {  	[tilespmem:$0x9DB0] =	vst @!p4 v3  }
0x1c5: {  	[tilespmem:$0x9FB0] =	vst @!p4 v2  }
0x1c6: {  	v2 =	vld @!p4 [tilespmem:s23+$0x70];
	_ =	sdelay $0x4  }
0x1c7: {  	v3 =	vshrl.u32 @!p4 v2, $0xD;
	v2 =	vand.u32 @!p4 $0x1FFF, v2  }
0x1c8: {  	[tilespmem:$0x9DC0] =	vst @!p4 v3  }
0x1c9: {  	s1 =	simm.s32 @!p2 $0x1;
	[tilespmem:$0x9FC0] =	vst @!p4 v2  }
0x1ca: {  	s2 =	simm.s32 @!p4 $0x60;
	s16 =	simm.s32 @!p4 $0x9D80;
	s17 =	simm.s32 @!p4 $0xA180;
	v2 =	vld @!p4 [tilespmem:s23+$0x80]  }
0x1cb: {  	_ =	sdelay $0x1  }
0x1cc: {  	s26 =	sadd.s32 $0x4, s26  }
0x1cd: {  	s30 =	simm.s32 @!p2 $0xA080;
	p3 =	sge.s32 s26, s21  }
0x1ce: {  	v3 =	vshrl.u32 @!p4 v2, $0xD;
	v2 =	vand.u32 @!p4 $0x1FFF, v2  }
0x1cf: {  	s26 =	simm.s32 @!p3 $0x2;
	[tilespmem:$0x9DD0] =	vst @!p4 v3  }
0x1d0: {  	[tilespmem:$0x9FD0] =	vst @!p4 v2  }
0x1d1: {  	[tilespmem:s17], [sflag:$0x1] =	stream.indirect.gather @!p4 [hbm4b:s0+s2], $0x80, s16, s2, $0xb8;
	[tilespmem:$0x1D1C0] =	vst v63  }
0x1d2: {  	_ =	swait.ge @!p2 [sflag:s1], $0x3000  }
0x1d3: {  	[sflag:s1] =	ssyncset.done @!p2 $0x0  }
0x1d4: {  	[sflag:s1] =	ssyncadd.s32 @!p2 $0xFFFFD000  }
0x1d5: {  	[spmem:s3] =	stream.indirect.scatter.add.f32 @!p2 [tilespmem:s28], [sflag:$0x2], $0x80, s30, s29, $0xb8;
	[tilespmem:$0x1D1C0] =	vst v63  }
0x1d6: {  	_ =	swait.ge @!p3 [sflag:s26], $0x3000  }
0x1d7: {  	[sflag:s26] =	ssyncset.done @!p3 $0x0  }
0x1d8: {  	[sflag:s26] =	ssyncadd.s32 @!p3 $0xFFFFD000  }
0x1d9: {  	v2 =	vld @!p3 [tilespmem:s23+$0x90];
	_ =	sdelay $0x4  }
0x1da: {  	v3 =	vshrl.u32 @!p3 v2, $0xD;
	v2 =	vand.u32 @!p3 $0x1FFF, v2  }
0x1db: {  	[tilespmem:$0x9E00] =	vst @!p3 v3  }
0x1dc: {  	[tilespmem:$0xA000] =	vst @!p3 v2  }
0x1dd: {  	v2 =	vld @!p3 [tilespmem:s23+$0xA0];
	_ =	sdelay $0x3  }
.Ltmp4:
0x1de: {  	(pc) =	sbr.rel @p1 .LBB2_9-.Ltmp4, $4  }
0x1df: {  	v3 =	vshrl.u32 @!p3 v2, $0xD;
	v2 =	vand.u32 @!p3 $0x1FFF, v2  }
0x1e0: {  	[tilespmem:$0x9E10] =	vst @!p3 v3  }
0x1e1: {  	[tilespmem:$0xA010] =	vst @!p3 v2  }
0x1e2: {  	v2 =	vld @!p3 [tilespmem:s23+$0xB0]  }
0x1e3: {  	_ =	sdelay $0x3  }
0x1e4: {  	v3 =	vshrl.u32 @!p3 v2, $0xD  }
0x1e5: {  	v2 =	vand.u32 @!p3 $0x1FFF, v2;
	[tilespmem:$0x9E20] =	vst @!p3 v3  }
0x1e6: {  	[tilespmem:$0xA020] =	vst @!p3 v2  }
0x1e7: {  	v2 =	vld @!p3 [tilespmem:s24+$0xC0];
	_ =	sdelay $0x4  }
0x1e8: {  	v3 =	vshrl.u32 @!p3 v2, $0xD  }
0x1e9: {  	v2 =	vand.u32 @!p3 $0x1FFF, v2;
	[tilespmem:$0x9E30] =	vst @!p3 v3  }
0x1ea: {  	[tilespmem:$0xA030] =	vst @!p3 v2  }
0x1eb: {  	v2 =	vld @!p3 [tilespmem:s24+$0xD0];
	_ =	sdelay $0x4  }
0x1ec: {  	v3 =	vshrl.u32 @!p3 v2, $0xD  }
0x1ed: {  	v2 =	vand.u32 @!p3 $0x1FFF, v2;
	[tilespmem:$0x9E40] =	vst @!p3 v3  }
0x1ee: {  	[tilespmem:$0xA040] =	vst @!p3 v2  }
0x1ef: {  	v2 =	vld @!p3 [tilespmem:s24+$0xE0];
	_ =	sdelay $0x2  }
0x1f0: {  	s2 =	smulhi.u32 $0x55555556, s22;
	s16 =	sshra.s32 s22, $0x1F  }
0x1f1: {  	s16 =	smul.u32 $0x55555556, s16  }
0x1f2: {  	v3 =	vshrl.u32 @!p3 v2, $0xD  }
0x1f3: {  	s1 =	simm.s32 @!p3 $0xD180;
	s30 =	sadd.s32 s16, s2;
	v2 =	vand.u32 @!p3 $0x1FFF, v2;
	[tilespmem:$0x9E50] =	vst @!p3 v3  }
0x1f4: {  	s17 =	simm.s32 @!p3 $0x9E00;
	s23 =	simm.s32 @!p3 $0x60;
	s2 =	sshrl.u32 s30, $0x1F;
	[tilespmem:$0xA050] =	vst @!p3 v2  }
0x1f5: {  	[tilespmem:s1], [sflag:$0x1] =	stream.indirect.gather @!p3 [hbm4b:s0+s23], $0x80, s17, s23, $0xb8;
	[tilespmem:$0x1D1C0] =	vst v63  }
0x1f6: {  	s1 =	sadd.s32 s2, s30  }
0x1f7: {  	s2 =	sadd.s32 $0xFFFFFFFE, s21;
	s1 =	smul.u32 $0x3, s1  }
0x1f8: {  	s17 =	sadd.s32 $0xFFFFFFFD, s21;
	s31 =	smulhi.u32 $0x55555556, s2  }
0x1f9: {  	s26 =	smulhi.u32 $0x55555556, s17;
	s28 =	sshra.s32 s17, $0x1F  }
0x1fa: {  	s25 =	sshra.s32 s2, $0x1F;
	s24 =	smul.u32 $0x55555556, s28  }
0x1fb: {  	s25 =	smul.u32 $0x55555556, s25  }
0x1fc: {  	s23 =	sadd.s32 s24, s26  }
0x1fd: {  	s22 =	ssub.s32 s22, s1;
	s29 =	sadd.s32 s25, s31;
	s30 =	sshrl.u32 s23, $0x1F  }
0x1fe: {  	p1 =	slt.s32 s22, $0x0;
	s31 =	sshrl.u32 s29, $0x1F;
	s16 =	sadd.s32 s30, s23  }
0x1ff: {  	s1 =	sadd.s32 s31, s29;
	s23 =	sadd.s32 $0x3, s22;
	s16 =	smul.u32 $0x3, s16  }
0x200: {  	s22 =	smov.u32 @p1 s23;
	s1 =	smul.u32 $0x3, s1  }
0x201: {  	p1 =	sgt.s32 s21, $0x0;
	p5 =	seq.s32 s22, $0x0;
	s23 =	ssub.s32 s17, s16  }
0x202: {  	s24 =	ssub.s32 s2, s1;
	p2 =	slt.s32 s23, $0x0;
	s1 =	sadd.s32 $0x3, s23  }
0x203: {  	p4 =	slt.s32 s24, $0x0;
	s23 =	smov.u32 @p2 s1;
	s1 =	sadd.s32 $0x3, s24  }
0x204: {  	p2 =	sgt.s32 s21, $0x2;
	s24 =	smov.u32 @p4 s1;
	p6 =	seq.s32 s23, $0x0  }
0x205: {  	p3 =	por !p1, !p5;
	p5 =	seq.s32 s24, $0x0;
	p4 =	por !p2, !p6  }
0x206: {  	p3 =	por !p3, !p3;
	p5 =	por !p5, !p0;
	p4 =	por !p4, !p4  }
0x207: {  	p5 =	por !p5, !p5;
	p3 =	por p4, p3  }
0x208: {  	p3 =	por p3, p5  }
0x209: {  	p6 =	seq.s32 s24, $0x1;
	_ =	swait.ge @p3 [sflag:s19], $0x3000  }
0x20a: {  	p4 =	seq.s32 s22, $0x1;
	p5 =	seq.s32 s23, $0x1;
	[sflag:s19] =	ssyncset.done @p3 $0x0  }
0x20b: {  	[sflag:s19] =	ssyncadd.s32 @p3 $0xFFFFD000;
	p3 =	por !p1, !p4;
	p4 =	por !p2, !p5  }
0x20c: {  	p5 =	por !p6, !p0;
	p3 =	por !p3, !p3;
	p4 =	por !p4, !p4  }
0x20d: {  	p6 =	seq.s32 s23, $0x2;
	p5 =	por !p5, !p5;
	p3 =	por p4, p3  }
0x20e: {  	p2 =	por !p2, !p6;
	p3 =	por p3, p5;
	p5 =	seq.s32 s22, $0x2  }
0x20f: {  	p2 =	por !p2, !p2;
	p1 =	por !p1, !p5;
	p5 =	seq.s32 s24, $0x2  }
0x210: {  	_ =	swait.ge @p3 [sflag:s19], $0x3000;
	p1 =	por !p1, !p1;
	p6 =	por !p5, !p0  }
0x211: {  	[sflag:s19] =	ssyncset.done @p3 $0x0;
	p0 =	por !p6, !p6;
	p1 =	por p2, p1  }
0x212: {  	[sflag:s19] =	ssyncadd.s32 @p3 $0xFFFFD000;
	p0 =	por p1, p0  }
0x213: {  	_ =	swait.ge @p0 [sflag:s19], $0x3000  }
0x214: {  	s20 =	sadd.s32 $0x1, s20;
	[sflag:s19] =	ssyncset.done @p0 $0x0  }
0x215: {  	[sflag:s19] =	ssyncadd.s32 @p0 $0xFFFFD000;
	p0 =	sne.s32 s20, s12  }
.Ltmp5:
0x216: {  	[bflag:$0x0] =	sbarrier.arrive $0xFFFF;
	(pc) =	sbr.rel @p0 .LBB2_1-.Ltmp5, $4  }
0x217: {  	[hbm:s11], [sflag:s6] =	dma.local [spmem:s13], $0x1400  }
0x218: {  	_ =	swait.ge [sflag:s14], $0x1400  }
0x219: {  	[sflag:s14] =	ssyncset.done $0x0  }
0x21a: {  	[sflag:s14] =	ssyncadd.s32 $0xFFFFEC00  }
0x21b: {  	_ =	sfence.sel $0x180000  }
0x21c: {  	[bflag:$0x0] =	sbarrier.arrive $0xFFFF  }
0x21d: {  	_ =	strace $0x9000004A  }
0x21e: {  	s0 =	stileid.u32;
	[bflag:$0x2] =	sbarrier.arrive $0xFFFF  }
0x21f: {  	p0 =	sne.s32 s0, $0x0;
	s0 =	rddreg [dreg:$0x3]  }
0x220: {  	s0 =	sadd.s32 @!p0 $0x100000, s0  }
0x221: {  	[sflag:s0] =	ssyncadd.tile.s32 @!p0 $0x1;
	_ =	shalt  }
.Lfunc_end2:
_tile_overlayer_lowered:
.L_overlay_start_2:
0x222: {  	(tag) =	ssettag $0x2  }
0x223: {  	s0 =	rddreg [dreg:$0x0];
	s2 =	stileid.u32  }
0x224: {  	s1 =	rddreg [dreg:$0x1];
	p0 =	sne.s32 s2, $0x0  }
0x225: {  	s3 =	rddreg [dreg:$0x2];
	[bflag:$0x3] =	sbarrier.arrive $0xFFFF;
	s2 =	simm.s32 @!p0 $0x1C03  }
0x226: {  	[timem:s3], [sflag:s2] =	dma.local @!p0 [hbm:s0], s1  }
0x227: {  	s0 =	simm.s32 @!p0 $0x3  }
0x228: {  	_ =	swait.ge @!p0 [sflag:s0], s1  }
0x229: {  	s1 =	ssub.s32 @!p0 $0x0, s1;
	[sflag:s0] =	ssyncset.done @!p0 $0x0  }
0x22a: {  	[sflag:s0] =	ssyncadd.s32 @!p0 s1  }
0x22b: {  	[bflag:$0x3] =	sbarrier.arrive $0xFFFF  }
0x22c: {  	_ =	shalt  }

</sc_bundles>
